<compile_context>
chip_gen: v7x
topology: tpu7x:2x2x1
jax: 0.10.2.dev20260603
libtpu: 0.0.44.dev20260713+nightly
codegen_flags: <defaults>
</compile_context>

<pallas_src>
import functools

import numpy as np
import jax
import jax.numpy as jnp
from jax import lax
from jax.experimental import pallas as pl
from jax.experimental.pallas import tpu as pltpu
from jax.experimental.pallas import tpu_sc as plsc

_NUM_LODS = 44
_MIN_RES = 16
_MAX_RES = 128
_TABLE_MAX = 2 ** 10
_BATCH = 4
_RES_OUT = 178
_N = _RES_OUT * _RES_OUT

_NTILES = 32
_CHUNKS_PER_BATCH = _NTILES // _BATCH
_CHUNK = 3968
_NPAD = _CHUNK * _CHUNKS_PER_BATCH
_SUB = 992
_NSUB = _CHUNK // _SUB
_GROUPS = _SUB // 16
_FDIM = 48

_HASH_K = int(np.int32(np.uint32(2654435761).view(np.int32)))


def _lod_meta():
    growth = (_MAX_RES / _MIN_RES) ** (1.0 / (_NUM_LODS - 1))
    metas, off = [], 0
    for l in range(_NUM_LODS):
        r = int(np.floor(_MIN_RES * (growth ** l)))
        n = int(min((r + 1) ** 2, _TABLE_MAX))
        metas.append((r, n, off, (r + 1) * (r + 1) > _TABLE_MAX))
        off += n
    return metas, off


_LODS, _TOTAL = _lod_meta()
_TOTAL_PAD = ((_TOTAL + 7) // 8) * 8


def _sc_features(x_t, cb):
    mesh = plsc.VectorSubcoreMesh(core_axis_name="c", subcore_axis_name="s")

    @functools.partial(
        pl.kernel,
        out_type=jax.ShapeDtypeStruct((_BATCH, _FDIM, _NPAD), jnp.float32),
        mesh=mesh,
        compiler_params=pltpu.CompilerParams(
            use_tc_tiling_on_sc=False, needs_layout_passes=False
        ),
        scratch_types=[
            pltpu.VMEM((_CHUNK,), jnp.float32),
            pltpu.VMEM((_CHUNK,), jnp.float32),
            pltpu.VMEM((_TOTAL_PAD,), jnp.float32),
            pltpu.VMEM((_FDIM, _SUB), jnp.float32),
        ],
    )
    def sc_kernel(x_hbm, cb_hbm, feats_hbm, xv, yv, cbv, fbuf):
        nc = 2
        wid = lax.axis_index("s") * nc + lax.axis_index("c")
        b = wid // _CHUNKS_PER_BATCH
        c = wid % _CHUNKS_PER_BATCH
        base = c * _CHUNK

        pltpu.sync_copy(x_hbm.at[b, 0, pl.ds(base, _CHUNK)], xv)
        pltpu.sync_copy(x_hbm.at[b, 1, pl.ds(base, _CHUNK)], yv)
        pltpu.sync_copy(cb_hbm.at[b], cbv)

        def zero_pad(i, carry):
            z = jnp.zeros((16,), jnp.float32)
            for lp in range(_NUM_LODS, _FDIM):
                fbuf[lp, pl.ds(i * 16, 16)] = z
            return carry

        lax.fori_loop(0, _GROUPS, zero_pad, 0)

        def sub_body(s, carry):
            sub_off = s * _SUB

            def group_body(gi, c2):
                lb = sub_off + gi * 16
                xq = jnp.clip(xv[pl.ds(lb, 16)], 0.0, 1.0)
                yq = jnp.clip(yv[pl.ds(lb, 16)], 0.0, 1.0)
                feats = []
                for l, (r, size, off, hashed) in enumerate(_LODS):
                    px = xq * float(r)
                    py = yq * float(r)
                    cx0 = jnp.minimum(px.astype(jnp.int32), r - 1)
                    cy0 = jnp.minimum(py.astype(jnp.int32), r - 1)
                    tx = px - cx0.astype(jnp.float32)
                    ty = py - cy0.astype(jnp.float32)
                    cx1 = cx0 + 1
                    if hashed:
                        ha = cy0 * _HASH_K
                        hb = ha + _HASH_K
                        i00 = ((cx0 ^ ha) & (_TABLE_MAX - 1)) + off
                        i01 = ((cx0 ^ hb) & (_TABLE_MAX - 1)) + off
                        i10 = ((cx1 ^ ha) & (_TABLE_MAX - 1)) + off
                        i11 = ((cx1 ^ hb) & (_TABLE_MAX - 1)) + off
                    else:
                        i00 = cx0 * (r + 1) + off + cy0
                        i10 = i00 + (r + 1)
                        i01 = i00 + 1
                        i11 = i10 + 1
                    g00 = plsc.load_gather(cbv, [i00])
                    g01 = plsc.load_gather(cbv, [i01])
                    g10 = plsc.load_gather(cbv, [i10])
                    g11 = plsc.load_gather(cbv, [i11])
                    e0 = g00 + ty * (g01 - g00)
                    e1 = g10 + ty * (g11 - g10)
                    feats.append(e0 + tx * (e1 - e0))
                for l in range(_NUM_LODS):
                    fbuf[l, pl.ds(gi * 16, 16)] = feats[l]
                return c2

            lax.fori_loop(0, _GROUPS, group_body, 0)
            pltpu.sync_copy(
                fbuf, feats_hbm.at[b, :, pl.ds(base + s * _SUB, _SUB)]
            )
            return carry

        lax.fori_loop(0, _NSUB, sub_body, 0)

    return sc_kernel(x_t, cb)


def _tc_mlp(feats, w1p, w2, w3):
    tn = 3968
    grid = (_BATCH, _NPAD // tn)

    def body(f_ref, w1_ref, w2_ref, w3_ref, o_ref):
        f = f_ref[0]
        h = jnp.maximum(
            jnp.dot(w1_ref[0], f, preferred_element_type=jnp.float32), 0.0
        )
        h = jnp.maximum(
            jnp.dot(w2_ref[0], h, preferred_element_type=jnp.float32), 0.0
        )
        o = jax.nn.sigmoid(
            jnp.dot(w3_ref[0], h, preferred_element_type=jnp.float32)
        )
        o_ref[0] = o

    return pl.pallas_call(
        body,
        grid=grid,
        in_specs=[
            pl.BlockSpec((1, _FDIM, tn), lambda b, i: (b, 0, i)),
            pl.BlockSpec((1, 16, _FDIM), lambda b, i: (b, 0, 0)),
            pl.BlockSpec((1, 16, 16), lambda b, i: (b, 0, 0)),
            pl.BlockSpec((1, 3, 16), lambda b, i: (b, 0, 0)),
        ],
        out_specs=pl.BlockSpec((1, 3, tn), lambda b, i: (b, 0, i)),
        out_shape=jax.ShapeDtypeStruct((_BATCH, 3, _NPAD), jnp.float32),
    )(feats, w1p, w2, w3)


def kernel(x, codebook, w1, w2, w3):
    batch = x.shape[0]
    xp = jnp.pad(x, ((0, 0), (0, _NPAD - _N), (0, 0)))
    x_t = xp.transpose(0, 2, 1)
    cb = jnp.pad(codebook[..., 0], ((0, 0), (0, _TOTAL_PAD - _TOTAL)))
    feats = _sc_features(x_t, cb)
    w1p = jnp.pad(w1, ((0, 0), (0, 0), (0, _FDIM - _NUM_LODS)))
    rgb = _tc_mlp(feats, w1p, w2, w3)
    rgb = rgb.transpose(0, 2, 1)[:, :_N, :]
    return rgb.reshape(batch, _RES_OUT, _RES_OUT, 3)

# --- scband reference (transcript-rebuilt; emitter-appended) ---
"""Pipeline reference for scband-hypo-shacira-44762149159575 (READ-ONLY COPY).

The authoritative reference and input builder live on the scoring server;
editing this copy changes nothing except your own understanding.
"""

import jax, jax.numpy as jnp
import numpy as np

NUM_LODS = 44
MIN_RES = 16
MAX_RES = 128
TABLE_MAX = 2 ** 10
B = 4
RES_OUT = 178

def _lod_meta():
    b = (MAX_RES / MIN_RES) ** (1.0 / (NUM_LODS - 1))
    res, sizes, offsets = [], [], []
    off = 0
    for l in range(NUM_LODS):
        r = int(np.floor(MIN_RES * (b ** l)))
        n = int(min((r + 1) ** 2, TABLE_MAX))
        res.append(r)
        sizes.append(n)
        offsets.append(off)
        off += n
    return res, sizes, offsets, off

RES, SIZES, OFFSETS, TOTAL = _lod_meta()

def _interp_lod(coords, codebook, r, size, offset):
    # bilinear interpolation of 1-dim features from a (possibly hashed) 2D grid at one LOD
    pos = jnp.clip(coords, 0.0, 1.0) * r
    c0f = jnp.clip(jnp.floor(pos), 0.0, float(r - 1))
    c0 = c0f.astype(jnp.int32)
    f = pos - c0f
    out = jnp.zeros((coords.shape[0],), dtype=coords.dtype)
    hashed = (r + 1) * (r + 1) > TABLE_MAX
    for dx in (0, 1):
        for dy in (0, 1):
            cx = c0[:, 0] + dx
            cy = c0[:, 1] + dy
            if hashed:
                h = cx.astype(jnp.uint32) ^ (cy.astype(jnp.uint32) * jnp.uint32(2654435761))
                idx = (h % jnp.uint32(size)).astype(jnp.int32)
            else:
                idx = cx * (r + 1) + cy
            g = jnp.take(codebook[:, 0], offset + idx, axis=0)
            wx = f[:, 0] if dx == 1 else 1.0 - f[:, 0]
            wy = f[:, 1] if dy == 1 else 1.0 - f[:, 1]
            out = out + g * wx * wy
    return out

def _nef_forward(coords, codebook, w1, w2, w3):
    # multiscale_type='cat': concatenate the 44 per-LOD interpolated features
    feats = jnp.stack([_interp_lod(coords, codebook, RES[l], SIZES[l], OFFSETS[l]) for l in range(NUM_LODS)], axis=-1)
    h = jax.nn.relu(feats @ w1.T)
    h = jax.nn.relu(h @ w2.T)
    rgb = jax.nn.sigmoid(h @ w3.T)
    return rgb

def setup_inputs(seed: int = 0) -> dict:
    key = jax.random.key(seed)
    ks = jax.random.split(key, 5)
    x = jax.random.uniform(ks[0], (B, RES_OUT * RES_OUT, 2), dtype=jnp.float32)
    # per-sample hyper-predicted parameters (the original sets these via set_params)
    codebook = jax.random.normal(ks[1], (B, TOTAL, 1), dtype=jnp.float32) * 0.1
    w1 = jax.random.normal(ks[2], (B, 16, NUM_LODS), dtype=jnp.float32) * 0.1
    w2 = jax.random.normal(ks[3], (B, 16, 16), dtype=jnp.float32) * 0.1
    w3 = jax.random.normal(ks[4], (B, 3, 16), dtype=jnp.float32) * 0.1
    return {"x": x, "codebook": codebook, "w1": w1, "w2": w2, "w3": w3}

def reference(x, codebook, w1, w2, w3):
    rgb = jax.vmap(_nef_forward)(x, codebook, w1, w2, w3)
    return rgb.reshape(x.shape[0], RES_OUT, RES_OUT, 3)

if __name__ == "__main__":
    import jax
    _d = setup_inputs()
    print(jax.jit(kernel)(*tuple(_d.values())))

</pallas_src>

<mosaic_0001>
#map = affine_map<(d0, d1) -> (0, 0, 0)>
#map1 = affine_map<(d0, d1) -> (0, 0)>
module attributes {stable_mosaic.version = 14 : i64} {
  func.func @sc_kernel(%arg0: i32, %arg1: i32, %arg2: memref<4x2x31744xf32, #tpu.memory_space<hbm>>, %arg3: memref<4x38304xf32, #tpu.memory_space<hbm>>, %arg4: memref<4x48x31744xf32, #tpu.memory_space<hbm>>, %arg5: memref<3968xf32, #tpu.memory_space<vmem>>, %arg6: memref<3968xf32, #tpu.memory_space<vmem>>, %arg7: memref<38304xf32, #tpu.memory_space<vmem>>, %arg8: memref<48x992xf32, #tpu.memory_space<vmem>>) attributes {dimension_semantics = [#tpu.dimension_semantics<core_parallel>, #tpu.dimension_semantics<subcore_parallel>], iteration_bounds = array<i64: 2, 16>, scalar_prefetch = 0 : i64, scratch_operands = 4 : i64, tpu.core_type = #tpu.core_type<sc_vector_subcore>, window_params = [{transform_indices = #map}, {transform_indices = #map1}, {transform_indices = #map}]} {
    %mul3A = arith.constant 2 : i32
    %mul3A_0 = arith.muli %arg1, %mul3A : i32
    %add3A = arith.addi %mul3A_0, %arg0 : i32
    %jit3A = arith.constant 8 : i32
    %div3A = arith.divsi %add3A, %jit3A : i32
    %sign3A = arith.constant 0 : i32
    %sign3A_1 = arith.cmpi sgt, %add3A, %sign3A : i32
    %sign3A_2 = arith.extui %sign3A_1 : i1 to i32
    %sign3A_3 = arith.constant 0 : i32
    %sign3A_4 = arith.cmpi slt, %add3A, %sign3A_3 : i32
    %sign3A_5 = arith.extui %sign3A_4 : i1 to i32
    %sign3A_6 = arith.subi %sign3A_2, %sign3A_5 : i32
    %sign3A_7 = arith.constant 0 : i32
    %sign3A_8 = arith.cmpi sgt, %jit3A, %sign3A_7 : i32
    %sign3A_9 = arith.extui %sign3A_8 : i1 to i32
    %sign3A_10 = arith.constant 0 : i32
    %sign3A_11 = arith.cmpi slt, %jit3A, %sign3A_10 : i32
    %sign3A_12 = arith.extui %sign3A_11 : i1 to i32
    %sign3A_13 = arith.subi %sign3A_9, %sign3A_12 : i32
    %ne3A = arith.cmpi ne, %sign3A_6, %sign3A_13 : i32
    %rem3A = arith.remsi %add3A, %jit3A : i32
    %ne3A_14 = arith.constant 0 : i32
    %ne3A_15 = arith.cmpi ne, %rem3A, %ne3A_14 : i32
    %and3A = arith.andi %ne3A, %ne3A_15 : i1
    %sub3A = arith.constant 1 : i32
    %sub3A_16 = arith.subi %div3A, %sub3A : i32
    %select_n3A = arith.select %and3A, %sub3A_16, %div3A : i32
    %jit3A_17 = arith.constant 8 : i32
    %eq3A = arith.constant 0 : i32
    %eq3A_18 = arith.cmpi eq, %jit3A_17, %eq3A : i32
    %jit3A_19 = arith.constant 1 : i32
    %select_n3A_20 = arith.select %eq3A_18, %jit3A_19, %jit3A_17 : i32
    %rem3A_21 = arith.remsi %add3A, %select_n3A_20 : i32
    %ne3A_22 = arith.constant 0 : i32
    %ne3A_23 = arith.cmpi ne, %rem3A_21, %ne3A_22 : i32
    %lt3A = arith.constant 0 : i32
    %lt3A_24 = arith.cmpi slt, %rem3A_21, %lt3A : i32
    %lt3A_25 = arith.constant 0 : i32
    %lt3A_26 = arith.cmpi slt, %select_n3A_20, %lt3A_25 : i32
    %ne3A_27 = arith.xori %lt3A_24, %lt3A_26 : i1
    %and3A_28 = arith.andi %ne3A_27, %ne3A_23 : i1
    %add3A_29 = arith.addi %rem3A_21, %select_n3A_20 : i32
    %select_n3A_30 = arith.select %and3A_28, %add3A_29, %rem3A_21 : i32
    %mul3A_31 = arith.constant 3968 : i32
    %mul3A_32 = arith.muli %select_n3A_30, %mul3A_31 : i32
    %run_scoped3A = arith.constant 0 : i32
    "tpu.region"() ({
      %run_scoped3A_45 = tpu.sem_alloc : memref<!tpu.dma_semaphore, #tpu.memory_space<semaphore_mem>>
      %dma_start3A = tpu.memref_slice %arg2[%select_n3A, %run_scoped3A, %mul3A_32] : memref<4x2x31744xf32, #tpu.memory_space<hbm>> -> memref<1x1x3968xf32, #tpu.memory_space<hbm>>
      %dma_start3A_46 = tpu.memref_squeeze %dma_start3A : memref<1x1x3968xf32, #tpu.memory_space<hbm>> -> memref<3968xf32, #tpu.memory_space<hbm>>
      %dma_start3A_47 = tpu.memref_slice %arg2[%select_n3A, %run_scoped3A, %mul3A_32] : memref<4x2x31744xf32, #tpu.memory_space<hbm>> -> memref<1x1x3968xf32, #tpu.memory_space<hbm>>
      %dma_start3A_48 = tpu.memref_squeeze %dma_start3A_47 : memref<1x1x3968xf32, #tpu.memory_space<hbm>> -> memref<3968xf32, #tpu.memory_space<hbm>>
      tpu.enqueue_dma source(%dma_start3A_48 : memref<3968xf32, #tpu.memory_space<hbm>>) target(%arg5 : memref<3968xf32, #tpu.memory_space<vmem>>) target_semaphore(%run_scoped3A_45 : memref<!tpu.dma_semaphore, #tpu.memory_space<semaphore_mem>>)
      %dma_wait3A = tpu.memref_slice %arg2[%select_n3A, %run_scoped3A, %mul3A_32] : memref<4x2x31744xf32, #tpu.memory_space<hbm>> -> memref<1x1x3968xf32, #tpu.memory_space<hbm>>
      %dma_wait3A_49 = tpu.memref_squeeze %dma_wait3A : memref<1x1x3968xf32, #tpu.memory_space<hbm>> -> memref<3968xf32, #tpu.memory_space<hbm>>
      %dma_wait3A_50 = tpu.memref_slice %arg2[%select_n3A, %run_scoped3A, %mul3A_32] : memref<4x2x31744xf32, #tpu.memory_space<hbm>> -> memref<1x1x3968xf32, #tpu.memory_space<hbm>>
      %dma_wait3A_51 = tpu.memref_squeeze %dma_wait3A_50 : memref<1x1x3968xf32, #tpu.memory_space<hbm>> -> memref<3968xf32, #tpu.memory_space<hbm>>
      tpu.wait_dma2 semaphore(%run_scoped3A_45 : memref<!tpu.dma_semaphore, #tpu.memory_space<semaphore_mem>>) src(%dma_wait3A_51 : memref<3968xf32, #tpu.memory_space<hbm>>) dst(%arg5 : memref<3968xf32, #tpu.memory_space<vmem>>)
      tpu.yield
    }) : () -> ()
    %run_scoped3A_33 = arith.constant 1 : i32
    "tpu.region"() ({
      %run_scoped3A_45 = tpu.sem_alloc : memref<!tpu.dma_semaphore, #tpu.memory_space<semaphore_mem>>
      %dma_start3A = tpu.memref_slice %arg2[%select_n3A, %run_scoped3A_33, %mul3A_32] : memref<4x2x31744xf32, #tpu.memory_space<hbm>> -> memref<1x1x3968xf32, #tpu.memory_space<hbm>>
      %dma_start3A_46 = tpu.memref_squeeze %dma_start3A : memref<1x1x3968xf32, #tpu.memory_space<hbm>> -> memref<3968xf32, #tpu.memory_space<hbm>>
      %dma_start3A_47 = tpu.memref_slice %arg2[%select_n3A, %run_scoped3A_33, %mul3A_32] : memref<4x2x31744xf32, #tpu.memory_space<hbm>> -> memref<1x1x3968xf32, #tpu.memory_space<hbm>>
      %dma_start3A_48 = tpu.memref_squeeze %dma_start3A_47 : memref<1x1x3968xf32, #tpu.memory_space<hbm>> -> memref<3968xf32, #tpu.memory_space<hbm>>
      tpu.enqueue_dma source(%dma_start3A_48 : memref<3968xf32, #tpu.memory_space<hbm>>) target(%arg6 : memref<3968xf32, #tpu.memory_space<vmem>>) target_semaphore(%run_scoped3A_45 : memref<!tpu.dma_semaphore, #tpu.memory_space<semaphore_mem>>)
      %dma_wait3A = tpu.memref_slice %arg2[%select_n3A, %run_scoped3A_33, %mul3A_32] : memref<4x2x31744xf32, #tpu.memory_space<hbm>> -> memref<1x1x3968xf32, #tpu.memory_space<hbm>>
      %dma_wait3A_49 = tpu.memref_squeeze %dma_wait3A : memref<1x1x3968xf32, #tpu.memory_space<hbm>> -> memref<3968xf32, #tpu.memory_space<hbm>>
      %dma_wait3A_50 = tpu.memref_slice %arg2[%select_n3A, %run_scoped3A_33, %mul3A_32] : memref<4x2x31744xf32, #tpu.memory_space<hbm>> -> memref<1x1x3968xf32, #tpu.memory_space<hbm>>
      %dma_wait3A_51 = tpu.memref_squeeze %dma_wait3A_50 : memref<1x1x3968xf32, #tpu.memory_space<hbm>> -> memref<3968xf32, #tpu.memory_space<hbm>>
      tpu.wait_dma2 semaphore(%run_scoped3A_45 : memref<!tpu.dma_semaphore, #tpu.memory_space<semaphore_mem>>) src(%dma_wait3A_51 : memref<3968xf32, #tpu.memory_space<hbm>>) dst(%arg6 : memref<3968xf32, #tpu.memory_space<vmem>>)
      tpu.yield
    }) : () -> ()
    "tpu.region"() ({
      %run_scoped3A_45 = tpu.sem_alloc : memref<!tpu.dma_semaphore, #tpu.memory_space<semaphore_mem>>
      %dma_start3A = arith.constant 0 : i32
      %dma_start3A_46 = tpu.memref_slice %arg3[%select_n3A, %dma_start3A] : memref<4x38304xf32, #tpu.memory_space<hbm>> -> memref<1x38304xf32, #tpu.memory_space<hbm>>
      %dma_start3A_47 = tpu.memref_squeeze %dma_start3A_46 : memref<1x38304xf32, #tpu.memory_space<hbm>> -> memref<38304xf32, #tpu.memory_space<hbm>>
      %dma_start3A_48 = arith.constant 0 : i32
      %dma_start3A_49 = tpu.memref_slice %arg3[%select_n3A, %dma_start3A_48] : memref<4x38304xf32, #tpu.memory_space<hbm>> -> memref<1x38304xf32, #tpu.memory_space<hbm>>
      %dma_start3A_50 = tpu.memref_squeeze %dma_start3A_49 : memref<1x38304xf32, #tpu.memory_space<hbm>> -> memref<38304xf32, #tpu.memory_space<hbm>>
      tpu.enqueue_dma source(%dma_start3A_50 : memref<38304xf32, #tpu.memory_space<hbm>>) target(%arg7 : memref<38304xf32, #tpu.memory_space<vmem>>) target_semaphore(%run_scoped3A_45 : memref<!tpu.dma_semaphore, #tpu.memory_space<semaphore_mem>>)
      %dma_wait3A = arith.constant 0 : i32
      %dma_wait3A_51 = tpu.memref_slice %arg3[%select_n3A, %dma_wait3A] : memref<4x38304xf32, #tpu.memory_space<hbm>> -> memref<1x38304xf32, #tpu.memory_space<hbm>>
      %dma_wait3A_52 = tpu.memref_squeeze %dma_wait3A_51 : memref<1x38304xf32, #tpu.memory_space<hbm>> -> memref<38304xf32, #tpu.memory_space<hbm>>
      %dma_wait3A_53 = arith.constant 0 : i32
      %dma_wait3A_54 = tpu.memref_slice %arg3[%select_n3A, %dma_wait3A_53] : memref<4x38304xf32, #tpu.memory_space<hbm>> -> memref<1x38304xf32, #tpu.memory_space<hbm>>
      %dma_wait3A_55 = tpu.memref_squeeze %dma_wait3A_54 : memref<1x38304xf32, #tpu.memory_space<hbm>> -> memref<38304xf32, #tpu.memory_space<hbm>>
      tpu.wait_dma2 semaphore(%run_scoped3A_45 : memref<!tpu.dma_semaphore, #tpu.memory_space<semaphore_mem>>) src(%dma_wait3A_55 : memref<38304xf32, #tpu.memory_space<hbm>>) dst(%arg7 : memref<38304xf32, #tpu.memory_space<vmem>>)
      tpu.yield
    }) : () -> ()
    %scan3A = arith.constant 0 : i32
    %scan3A_34 = arith.constant 0 : i32
    %scan3A_35 = arith.constant 62 : i32
    %scan3A_36 = arith.addi %scan3A_34, %scan3A_35 : i32
    %scan3A_37 = arith.constant 1 : i32
    scf.for %scan3A_45 = %scan3A_34 to %scan3A_36 step %scan3A_37  : i32 {
      %broadcast_in_dim3A = arith.constant 0.000000e+00 : f32
      %broadcast_in_dim3A_46 = vector.broadcast %broadcast_in_dim3A : f32 to vector<16xf32>
      %mul3A_47 = arith.constant 16 : i32
      %mul3A_48 = arith.muli %scan3A_45, %mul3A_47 : i32
      %swap3A = arith.constant 44 : i32
      %swap3A_49 = arith.index_cast %swap3A : i32 to index
      %swap3A_50 = arith.index_cast %mul3A_48 : i32 to index
      %swap3A_51 = tpu.vector_load %arg8[%swap3A_49, %swap3A_50] {strides = array<i32>} : memref<48x992xf32, #tpu.memory_space<vmem>>, vector<16xf32>,
      tpu.vector_store %arg8[%swap3A_49, %swap3A_50], %broadcast_in_dim3A_46 {strides = array<i32>} : memref<48x992xf32, #tpu.memory_space<vmem>>, vector<16xf32>,
      %mul3A_52 = arith.constant 16 : i32
      %mul3A_53 = arith.muli %scan3A_45, %mul3A_52 : i32
      %swap3A_54 = arith.constant 45 : i32
      %swap3A_55 = arith.index_cast %swap3A_54 : i32 to index
      %swap3A_56 = arith.index_cast %mul3A_53 : i32 to index
      %swap3A_57 = tpu.vector_load %arg8[%swap3A_55, %swap3A_56] {strides = array<i32>} : memref<48x992xf32, #tpu.memory_space<vmem>>, vector<16xf32>,
      tpu.vector_store %arg8[%swap3A_55, %swap3A_56], %broadcast_in_dim3A_46 {strides = array<i32>} : memref<48x992xf32, #tpu.memory_space<vmem>>, vector<16xf32>,
      %mul3A_58 = arith.constant 16 : i32
      %mul3A_59 = arith.muli %scan3A_45, %mul3A_58 : i32
      %swap3A_60 = arith.constant 46 : i32
      %swap3A_61 = arith.index_cast %swap3A_60 : i32 to index
      %swap3A_62 = arith.index_cast %mul3A_59 : i32 to index
      %swap3A_63 = tpu.vector_load %arg8[%swap3A_61, %swap3A_62] {strides = array<i32>} : memref<48x992xf32, #tpu.memory_space<vmem>>, vector<16xf32>,
      tpu.vector_store %arg8[%swap3A_61, %swap3A_62], %broadcast_in_dim3A_46 {strides = array<i32>} : memref<48x992xf32, #tpu.memory_space<vmem>>, vector<16xf32>,
      %mul3A_64 = arith.constant 16 : i32
      %mul3A_65 = arith.muli %scan3A_45, %mul3A_64 : i32
      %swap3A_66 = arith.constant 47 : i32
      %swap3A_67 = arith.index_cast %swap3A_66 : i32 to index
      %swap3A_68 = arith.index_cast %mul3A_65 : i32 to index
      %swap3A_69 = tpu.vector_load %arg8[%swap3A_67, %swap3A_68] {strides = array<i32>} : memref<48x992xf32, #tpu.memory_space<vmem>>, vector<16xf32>,
      tpu.vector_store %arg8[%swap3A_67, %swap3A_68], %broadcast_in_dim3A_46 {strides = array<i32>} : memref<48x992xf32, #tpu.memory_space<vmem>>, vector<16xf32>,
    }
    %scan3A_38 = arith.constant 62 : i32
    %scan3A_39 = arith.constant 0 : i32
    %scan3A_40 = arith.constant 0 : i32
    %scan3A_41 = arith.constant 4 : i32
    %scan3A_42 = arith.addi %scan3A_40, %scan3A_41 : i32
    %scan3A_43 = arith.constant 1 : i32
    scf.for %scan3A_45 = %scan3A_40 to %scan3A_42 step %scan3A_43  : i32 {
      %mul3A_46 = arith.constant 992 : i32
      %mul3A_47 = arith.muli %scan3A_45, %mul3A_46 : i32
      %scan3A_48 = arith.constant 0 : i32
      %scan3A_49 = arith.constant 0 : i32
      %scan3A_50 = arith.constant 62 : i32
      %scan3A_51 = arith.addi %scan3A_49, %scan3A_50 : i32
      %scan3A_52 = arith.constant 1 : i32
      scf.for %scan3A_57 = %scan3A_49 to %scan3A_51 step %scan3A_52  : i32 {
        %mul3A_58 = arith.constant 16 : i32
        %mul3A_59 = arith.muli %scan3A_57, %mul3A_58 : i32
        %add3A_60 = arith.addi %mul3A_47, %mul3A_59 : i32
        %get3A = arith.index_cast %add3A_60 : i32 to index
        %get3A_61 = tpu.vector_load %arg5[%get3A] {strides = array<i32>} : memref<3968xf32, #tpu.memory_space<vmem>>, vector<16xf32>,
        %jit3A_62 = arith.constant 0.000000e+00 : f32
        %jit3A_63 = arith.constant 1.000000e+00 : f32
        %max3A = vector.broadcast %jit3A_62 : f32 to vector<16xf32>
        %max3A_64 = arith.maximumf %max3A, %get3A_61 : vector<16xf32>
        %min3A = vector.broadcast %jit3A_63 : f32 to vector<16xf32>
        %min3A_65 = arith.minimumf %min3A, %max3A_64 : vector<16xf32>
        %get3A_66 = arith.index_cast %add3A_60 : i32 to index
        %get3A_67 = tpu.vector_load %arg6[%get3A_66] {strides = array<i32>} : memref<3968xf32, #tpu.memory_space<vmem>>, vector<16xf32>,
        %jit3A_68 = arith.constant 0.000000e+00 : f32
        %jit3A_69 = arith.constant 1.000000e+00 : f32
        %max3A_70 = vector.broadcast %jit3A_68 : f32 to vector<16xf32>
        %max3A_71 = arith.maximumf %max3A_70, %get3A_67 : vector<16xf32>
        %min3A_72 = vector.broadcast %jit3A_69 : f32 to vector<16xf32>
        %min3A_73 = arith.minimumf %min3A_72, %max3A_71 : vector<16xf32>
        %mul3A_74 = arith.constant 1.600000e+01 : f32
        %mul3A_75 = vector.broadcast %mul3A_74 : f32 to vector<16xf32>
        %mul3A_76 = arith.mulf %min3A_65, %mul3A_75 : vector<16xf32>
        %mul3A_77 = arith.constant 1.600000e+01 : f32
        %mul3A_78 = vector.broadcast %mul3A_77 : f32 to vector<16xf32>
        %mul3A_79 = arith.mulf %min3A_73, %mul3A_78 : vector<16xf32>
        %convert_element_type3A = arith.fptosi %mul3A_76 : vector<16xf32> to vector<16xi32>
        %min3A_80 = arith.constant 15 : i32
        %min3A_81 = vector.broadcast %min3A_80 : i32 to vector<16xi32>
        %min3A_82 = arith.minsi %convert_element_type3A, %min3A_81 : vector<16xi32>
        %convert_element_type3A_83 = arith.fptosi %mul3A_79 : vector<16xf32> to vector<16xi32>
        %min3A_84 = arith.constant 15 : i32
        %min3A_85 = vector.broadcast %min3A_84 : i32 to vector<16xi32>
        %min3A_86 = arith.minsi %convert_element_type3A_83, %min3A_85 : vector<16xi32>
        %convert_element_type3A_87 = arith.sitofp %min3A_82 : vector<16xi32> to vector<16xf32>
        %sub3A_88 = arith.subf %mul3A_76, %convert_element_type3A_87 : vector<16xf32>
        %convert_element_type3A_89 = arith.sitofp %min3A_86 : vector<16xi32> to vector<16xf32>
        %sub3A_90 = arith.subf %mul3A_79, %convert_element_type3A_89 : vector<16xf32>
        %add3A_91 = arith.constant 1 : i32
        %add3A_92 = vector.broadcast %add3A_91 : i32 to vector<16xi32>
        %add3A_93 = arith.addi %min3A_82, %add3A_92 : vector<16xi32>
        %mul3A_94 = arith.constant 17 : i32
        %mul3A_95 = vector.broadcast %mul3A_94 : i32 to vector<16xi32>
        %mul3A_96 = arith.muli %min3A_82, %mul3A_95 : vector<16xi32>
        %add3A_97 = arith.constant 0 : i32
        %add3A_98 = vector.broadcast %add3A_97 : i32 to vector<16xi32>
        %add3A_99 = arith.addi %mul3A_96, %add3A_98 : vector<16xi32>
        %add3A_100 = arith.addi %add3A_99, %min3A_86 : vector<16xi32>
        %add3A_101 = arith.constant 17 : i32
        %add3A_102 = vector.broadcast %add3A_101 : i32 to vector<16xi32>
        %add3A_103 = arith.addi %add3A_100, %add3A_102 : vector<16xi32>
        %add3A_104 = arith.constant 1 : i32
        %add3A_105 = vector.broadcast %add3A_104 : i32 to vector<16xi32>
        %add3A_106 = arith.addi %add3A_100, %add3A_105 : vector<16xi32>
        %add3A_107 = arith.constant 1 : i32
        %add3A_108 = vector.broadcast %add3A_107 : i32 to vector<16xi32>
        %add3A_109 = arith.addi %add3A_103, %add3A_108 : vector<16xi32>
        %gather3A = tpu.vector_load_idx %arg7[%add3A_100] : memref<38304xf32, #tpu.memory_space<vmem>>[vector<16xi32>], vector<16xf32>,
        %gather3A_110 = tpu.vector_load_idx %arg7[%add3A_106] : memref<38304xf32, #tpu.memory_space<vmem>>[vector<16xi32>], vector<16xf32>,
        %gather3A_111 = tpu.vector_load_idx %arg7[%add3A_103] : memref<38304xf32, #tpu.memory_space<vmem>>[vector<16xi32>], vector<16xf32>,
        %gather3A_112 = tpu.vector_load_idx %arg7[%add3A_109] : memref<38304xf32, #tpu.memory_space<vmem>>[vector<16xi32>], vector<16xf32>,
        %sub3A_113 = arith.subf %gather3A_110, %gather3A : vector<16xf32>
        %mul3A_114 = arith.mulf %sub3A_90, %sub3A_113 : vector<16xf32>
        %add3A_115 = arith.addf %gather3A, %mul3A_114 : vector<16xf32>
        %sub3A_116 = arith.subf %gather3A_112, %gather3A_111 : vector<16xf32>
        %mul3A_117 = arith.mulf %sub3A_90, %sub3A_116 : vector<16xf32>
        %add3A_118 = arith.addf %gather3A_111, %mul3A_117 : vector<16xf32>
        %sub3A_119 = arith.subf %add3A_118, %add3A_115 : vector<16xf32>
        %mul3A_120 = arith.mulf %sub3A_88, %sub3A_119 : vector<16xf32>
        %add3A_121 = arith.addf %add3A_115, %mul3A_120 : vector<16xf32>
        %mul3A_122 = arith.constant 1.600000e+01 : f32
        %mul3A_123 = vector.broadcast %mul3A_122 : f32 to vector<16xf32>
        %mul3A_124 = arith.mulf %min3A_65, %mul3A_123 : vector<16xf32>
        %mul3A_125 = arith.constant 1.600000e+01 : f32
        %mul3A_126 = vector.broadcast %mul3A_125 : f32 to vector<16xf32>
        %mul3A_127 = arith.mulf %min3A_73, %mul3A_126 : vector<16xf32>
        %convert_element_type3A_128 = arith.fptosi %mul3A_124 : vector<16xf32> to vector<16xi32>
        %min3A_129 = arith.constant 15 : i32
        %min3A_130 = vector.broadcast %min3A_129 : i32 to vector<16xi32>
        %min3A_131 = arith.minsi %convert_element_type3A_128, %min3A_130 : vector<16xi32>
        %convert_element_type3A_132 = arith.fptosi %mul3A_127 : vector<16xf32> to vector<16xi32>
        %min3A_133 = arith.constant 15 : i32
        %min3A_134 = vector.broadcast %min3A_133 : i32 to vector<16xi32>
        %min3A_135 = arith.minsi %convert_element_type3A_132, %min3A_134 : vector<16xi32>
        %convert_element_type3A_136 = arith.sitofp %min3A_131 : vector<16xi32> to vector<16xf32>
        %sub3A_137 = arith.subf %mul3A_124, %convert_element_type3A_136 : vector<16xf32>
        %convert_element_type3A_138 = arith.sitofp %min3A_135 : vector<16xi32> to vector<16xf32>
        %sub3A_139 = arith.subf %mul3A_127, %convert_element_type3A_138 : vector<16xf32>
        %add3A_140 = arith.constant 1 : i32
        %add3A_141 = vector.broadcast %add3A_140 : i32 to vector<16xi32>
        %add3A_142 = arith.addi %min3A_131, %add3A_141 : vector<16xi32>
        %mul3A_143 = arith.constant 17 : i32
        %mul3A_144 = vector.broadcast %mul3A_143 : i32 to vector<16xi32>
        %mul3A_145 = arith.muli %min3A_131, %mul3A_144 : vector<16xi32>
        %add3A_146 = arith.constant 289 : i32
        %add3A_147 = vector.broadcast %add3A_146 : i32 to vector<16xi32>
        %add3A_148 = arith.addi %mul3A_145, %add3A_147 : vector<16xi32>
        %add3A_149 = arith.addi %add3A_148, %min3A_135 : vector<16xi32>
        %add3A_150 = arith.constant 17 : i32
        %add3A_151 = vector.broadcast %add3A_150 : i32 to vector<16xi32>
        %add3A_152 = arith.addi %add3A_149, %add3A_151 : vector<16xi32>
        %add3A_153 = arith.constant 1 : i32
        %add3A_154 = vector.broadcast %add3A_153 : i32 to vector<16xi32>
        %add3A_155 = arith.addi %add3A_149, %add3A_154 : vector<16xi32>
        %add3A_156 = arith.constant 1 : i32
        %add3A_157 = vector.broadcast %add3A_156 : i32 to vector<16xi32>
        %add3A_158 = arith.addi %add3A_152, %add3A_157 : vector<16xi32>
        %gather3A_159 = tpu.vector_load_idx %arg7[%add3A_149] : memref<38304xf32, #tpu.memory_space<vmem>>[vector<16xi32>], vector<16xf32>,
        %gather3A_160 = tpu.vector_load_idx %arg7[%add3A_155] : memref<38304xf32, #tpu.memory_space<vmem>>[vector<16xi32>], vector<16xf32>,
        %gather3A_161 = tpu.vector_load_idx %arg7[%add3A_152] : memref<38304xf32, #tpu.memory_space<vmem>>[vector<16xi32>], vector<16xf32>,
        %gather3A_162 = tpu.vector_load_idx %arg7[%add3A_158] : memref<38304xf32, #tpu.memory_space<vmem>>[vector<16xi32>], vector<16xf32>,
        %sub3A_163 = arith.subf %gather3A_160, %gather3A_159 : vector<16xf32>
        %mul3A_164 = arith.mulf %sub3A_139, %sub3A_163 : vector<16xf32>
        %add3A_165 = arith.addf %gather3A_159, %mul3A_164 : vector<16xf32>
        %sub3A_166 = arith.subf %gather3A_162, %gather3A_161 : vector<16xf32>
        %mul3A_167 = arith.mulf %sub3A_139, %sub3A_166 : vector<16xf32>
        %add3A_168 = arith.addf %gather3A_161, %mul3A_167 : vector<16xf32>
        %sub3A_169 = arith.subf %add3A_168, %add3A_165 : vector<16xf32>
        %mul3A_170 = arith.mulf %sub3A_137, %sub3A_169 : vector<16xf32>
        %add3A_171 = arith.addf %add3A_165, %mul3A_170 : vector<16xf32>
        %mul3A_172 = arith.constant 1.700000e+01 : f32
        %mul3A_173 = vector.broadcast %mul3A_172 : f32 to vector<16xf32>
        %mul3A_174 = arith.mulf %min3A_65, %mul3A_173 : vector<16xf32>
        %mul3A_175 = arith.constant 1.700000e+01 : f32
        %mul3A_176 = vector.broadcast %mul3A_175 : f32 to vector<16xf32>
        %mul3A_177 = arith.mulf %min3A_73, %mul3A_176 : vector<16xf32>
        %convert_element_type3A_178 = arith.fptosi %mul3A_174 : vector<16xf32> to vector<16xi32>
        %min3A_179 = arith.constant 16 : i32
        %min3A_180 = vector.broadcast %min3A_179 : i32 to vector<16xi32>
        %min3A_181 = arith.minsi %convert_element_type3A_178, %min3A_180 : vector<16xi32>
        %convert_element_type3A_182 = arith.fptosi %mul3A_177 : vector<16xf32> to vector<16xi32>
        %min3A_183 = arith.constant 16 : i32
        %min3A_184 = vector.broadcast %min3A_183 : i32 to vector<16xi32>
        %min3A_185 = arith.minsi %convert_element_type3A_182, %min3A_184 : vector<16xi32>
        %convert_element_type3A_186 = arith.sitofp %min3A_181 : vector<16xi32> to vector<16xf32>
        %sub3A_187 = arith.subf %mul3A_174, %convert_element_type3A_186 : vector<16xf32>
        %convert_element_type3A_188 = arith.sitofp %min3A_185 : vector<16xi32> to vector<16xf32>
        %sub3A_189 = arith.subf %mul3A_177, %convert_element_type3A_188 : vector<16xf32>
        %add3A_190 = arith.constant 1 : i32
        %add3A_191 = vector.broadcast %add3A_190 : i32 to vector<16xi32>
        %add3A_192 = arith.addi %min3A_181, %add3A_191 : vector<16xi32>
        %mul3A_193 = arith.constant 18 : i32
        %mul3A_194 = vector.broadcast %mul3A_193 : i32 to vector<16xi32>
        %mul3A_195 = arith.muli %min3A_181, %mul3A_194 : vector<16xi32>
        %add3A_196 = arith.constant 578 : i32
        %add3A_197 = vector.broadcast %add3A_196 : i32 to vector<16xi32>
        %add3A_198 = arith.addi %mul3A_195, %add3A_197 : vector<16xi32>
        %add3A_199 = arith.addi %add3A_198, %min3A_185 : vector<16xi32>
        %add3A_200 = arith.constant 18 : i32
        %add3A_201 = vector.broadcast %add3A_200 : i32 to vector<16xi32>
        %add3A_202 = arith.addi %add3A_199, %add3A_201 : vector<16xi32>
        %add3A_203 = arith.constant 1 : i32
        %add3A_204 = vector.broadcast %add3A_203 : i32 to vector<16xi32>
        %add3A_205 = arith.addi %add3A_199, %add3A_204 : vector<16xi32>
        %add3A_206 = arith.constant 1 : i32
        %add3A_207 = vector.broadcast %add3A_206 : i32 to vector<16xi32>
        %add3A_208 = arith.addi %add3A_202, %add3A_207 : vector<16xi32>
        %gather3A_209 = tpu.vector_load_idx %arg7[%add3A_199] : memref<38304xf32, #tpu.memory_space<vmem>>[vector<16xi32>], vector<16xf32>,
        %gather3A_210 = tpu.vector_load_idx %arg7[%add3A_205] : memref<38304xf32, #tpu.memory_space<vmem>>[vector<16xi32>], vector<16xf32>,
        %gather3A_211 = tpu.vector_load_idx %arg7[%add3A_202] : memref<38304xf32, #tpu.memory_space<vmem>>[vector<16xi32>], vector<16xf32>,
        %gather3A_212 = tpu.vector_load_idx %arg7[%add3A_208] : memref<38304xf32, #tpu.memory_space<vmem>>[vector<16xi32>], vector<16xf32>,
        %sub3A_213 = arith.subf %gather3A_210, %gather3A_209 : vector<16xf32>
        %mul3A_214 = arith.mulf %sub3A_189, %sub3A_213 : vector<16xf32>
        %add3A_215 = arith.addf %gather3A_209, %mul3A_214 : vector<16xf32>
        %sub3A_216 = arith.subf %gather3A_212, %gather3A_211 : vector<16xf32>
        %mul3A_217 = arith.mulf %sub3A_189, %sub3A_216 : vector<16xf32>
        %add3A_218 = arith.addf %gather3A_211, %mul3A_217 : vector<16xf32>
        %sub3A_219 = arith.subf %add3A_218, %add3A_215 : vector<16xf32>
        %mul3A_220 = arith.mulf %sub3A_187, %sub3A_219 : vector<16xf32>
        %add3A_221 = arith.addf %add3A_215, %mul3A_220 : vector<16xf32>
        %mul3A_222 = arith.constant 1.800000e+01 : f32
        %mul3A_223 = vector.broadcast %mul3A_222 : f32 to vector<16xf32>
        %mul3A_224 = arith.mulf %min3A_65, %mul3A_223 : vector<16xf32>
        %mul3A_225 = arith.constant 1.800000e+01 : f32
        %mul3A_226 = vector.broadcast %mul3A_225 : f32 to vector<16xf32>
        %mul3A_227 = arith.mulf %min3A_73, %mul3A_226 : vector<16xf32>
        %convert_element_type3A_228 = arith.fptosi %mul3A_224 : vector<16xf32> to vector<16xi32>
        %min3A_229 = arith.constant 17 : i32
        %min3A_230 = vector.broadcast %min3A_229 : i32 to vector<16xi32>
        %min3A_231 = arith.minsi %convert_element_type3A_228, %min3A_230 : vector<16xi32>
        %convert_element_type3A_232 = arith.fptosi %mul3A_227 : vector<16xf32> to vector<16xi32>
        %min3A_233 = arith.constant 17 : i32
        %min3A_234 = vector.broadcast %min3A_233 : i32 to vector<16xi32>
        %min3A_235 = arith.minsi %convert_element_type3A_232, %min3A_234 : vector<16xi32>
        %convert_element_type3A_236 = arith.sitofp %min3A_231 : vector<16xi32> to vector<16xf32>
        %sub3A_237 = arith.subf %mul3A_224, %convert_element_type3A_236 : vector<16xf32>
        %convert_element_type3A_238 = arith.sitofp %min3A_235 : vector<16xi32> to vector<16xf32>
        %sub3A_239 = arith.subf %mul3A_227, %convert_element_type3A_238 : vector<16xf32>
        %add3A_240 = arith.constant 1 : i32
        %add3A_241 = vector.broadcast %add3A_240 : i32 to vector<16xi32>
        %add3A_242 = arith.addi %min3A_231, %add3A_241 : vector<16xi32>
        %mul3A_243 = arith.constant 19 : i32
        %mul3A_244 = vector.broadcast %mul3A_243 : i32 to vector<16xi32>
        %mul3A_245 = arith.muli %min3A_231, %mul3A_244 : vector<16xi32>
        %add3A_246 = arith.constant 902 : i32
        %add3A_247 = vector.broadcast %add3A_246 : i32 to vector<16xi32>
        %add3A_248 = arith.addi %mul3A_245, %add3A_247 : vector<16xi32>
        %add3A_249 = arith.addi %add3A_248, %min3A_235 : vector<16xi32>
        %add3A_250 = arith.constant 19 : i32
        %add3A_251 = vector.broadcast %add3A_250 : i32 to vector<16xi32>
        %add3A_252 = arith.addi %add3A_249, %add3A_251 : vector<16xi32>
        %add3A_253 = arith.constant 1 : i32
        %add3A_254 = vector.broadcast %add3A_253 : i32 to vector<16xi32>
        %add3A_255 = arith.addi %add3A_249, %add3A_254 : vector<16xi32>
        %add3A_256 = arith.constant 1 : i32
        %add3A_257 = vector.broadcast %add3A_256 : i32 to vector<16xi32>
        %add3A_258 = arith.addi %add3A_252, %add3A_257 : vector<16xi32>
        %gather3A_259 = tpu.vector_load_idx %arg7[%add3A_249] : memref<38304xf32, #tpu.memory_space<vmem>>[vector<16xi32>], vector<16xf32>,
        %gather3A_260 = tpu.vector_load_idx %arg7[%add3A_255] : memref<38304xf32, #tpu.memory_space<vmem>>[vector<16xi32>], vector<16xf32>,
        %gather3A_261 = tpu.vector_load_idx %arg7[%add3A_252] : memref<38304xf32, #tpu.memory_space<vmem>>[vector<16xi32>], vector<16xf32>,
        %gather3A_262 = tpu.vector_load_idx %arg7[%add3A_258] : memref<38304xf32, #tpu.memory_space<vmem>>[vector<16xi32>], vector<16xf32>,
        %sub3A_263 = arith.subf %gather3A_260, %gather3A_259 : vector<16xf32>
        %mul3A_264 = arith.mulf %sub3A_239, %sub3A_263 : vector<16xf32>
        %add3A_265 = arith.addf %gather3A_259, %mul3A_264 : vector<16xf32>
        %sub3A_266 = arith.subf %gather3A_262, %gather3A_261 : vector<16xf32>
        %mul3A_267 = arith.mulf %sub3A_239, %sub3A_266 : vector<16xf32>
        %add3A_268 = arith.addf %gather3A_261, %mul3A_267 : vector<16xf32>
        %sub3A_269 = arith.subf %add3A_268, %add3A_265 : vector<16xf32>
        %mul3A_270 = arith.mulf %sub3A_237, %sub3A_269 : vector<16xf32>
        %add3A_271 = arith.addf %add3A_265, %mul3A_270 : vector<16xf32>
        %mul3A_272 = arith.constant 1.900000e+01 : f32
        %mul3A_273 = vector.broadcast %mul3A_272 : f32 to vector<16xf32>
        %mul3A_274 = arith.mulf %min3A_65, %mul3A_273 : vector<16xf32>
        %mul3A_275 = arith.constant 1.900000e+01 : f32
        %mul3A_276 = vector.broadcast %mul3A_275 : f32 to vector<16xf32>
        %mul3A_277 = arith.mulf %min3A_73, %mul3A_276 : vector<16xf32>
        %convert_element_type3A_278 = arith.fptosi %mul3A_274 : vector<16xf32> to vector<16xi32>
        %min3A_279 = arith.constant 18 : i32
        %min3A_280 = vector.broadcast %min3A_279 : i32 to vector<16xi32>
        %min3A_281 = arith.minsi %convert_element_type3A_278, %min3A_280 : vector<16xi32>
        %convert_element_type3A_282 = arith.fptosi %mul3A_277 : vector<16xf32> to vector<16xi32>
        %min3A_283 = arith.constant 18 : i32
        %min3A_284 = vector.broadcast %min3A_283 : i32 to vector<16xi32>
        %min3A_285 = arith.minsi %convert_element_type3A_282, %min3A_284 : vector<16xi32>
        %convert_element_type3A_286 = arith.sitofp %min3A_281 : vector<16xi32> to vector<16xf32>
        %sub3A_287 = arith.subf %mul3A_274, %convert_element_type3A_286 : vector<16xf32>
        %convert_element_type3A_288 = arith.sitofp %min3A_285 : vector<16xi32> to vector<16xf32>
        %sub3A_289 = arith.subf %mul3A_277, %convert_element_type3A_288 : vector<16xf32>
        %add3A_290 = arith.constant 1 : i32
        %add3A_291 = vector.broadcast %add3A_290 : i32 to vector<16xi32>
        %add3A_292 = arith.addi %min3A_281, %add3A_291 : vector<16xi32>
        %mul3A_293 = arith.constant 20 : i32
        %mul3A_294 = vector.broadcast %mul3A_293 : i32 to vector<16xi32>
        %mul3A_295 = arith.muli %min3A_281, %mul3A_294 : vector<16xi32>
        %add3A_296 = arith.constant 1263 : i32
        %add3A_297 = vector.broadcast %add3A_296 : i32 to vector<16xi32>
        %add3A_298 = arith.addi %mul3A_295, %add3A_297 : vector<16xi32>
        %add3A_299 = arith.addi %add3A_298, %min3A_285 : vector<16xi32>
        %add3A_300 = arith.constant 20 : i32
        %add3A_301 = vector.broadcast %add3A_300 : i32 to vector<16xi32>
        %add3A_302 = arith.addi %add3A_299, %add3A_301 : vector<16xi32>
        %add3A_303 = arith.constant 1 : i32
        %add3A_304 = vector.broadcast %add3A_303 : i32 to vector<16xi32>
        %add3A_305 = arith.addi %add3A_299, %add3A_304 : vector<16xi32>
        %add3A_306 = arith.constant 1 : i32
        %add3A_307 = vector.broadcast %add3A_306 : i32 to vector<16xi32>
        %add3A_308 = arith.addi %add3A_302, %add3A_307 : vector<16xi32>
        %gather3A_309 = tpu.vector_load_idx %arg7[%add3A_299] : memref<38304xf32, #tpu.memory_space<vmem>>[vector<16xi32>], vector<16xf32>,
        %gather3A_310 = tpu.vector_load_idx %arg7[%add3A_305] : memref<38304xf32, #tpu.memory_space<vmem>>[vector<16xi32>], vector<16xf32>,
        %gather3A_311 = tpu.vector_load_idx %arg7[%add3A_302] : memref<38304xf32, #tpu.memory_space<vmem>>[vector<16xi32>], vector<16xf32>,
        %gather3A_312 = tpu.vector_load_idx %arg7[%add3A_308] : memref<38304xf32, #tpu.memory_space<vmem>>[vector<16xi32>], vector<16xf32>,
        %sub3A_313 = arith.subf %gather3A_310, %gather3A_309 : vector<16xf32>
        %mul3A_314 = arith.mulf %sub3A_289, %sub3A_313 : vector<16xf32>
        %add3A_315 = arith.addf %gather3A_309, %mul3A_314 : vector<16xf32>
        %sub3A_316 = arith.subf %gather3A_312, %gather3A_311 : vector<16xf32>
        %mul3A_317 = arith.mulf %sub3A_289, %sub3A_316 : vector<16xf32>
        %add3A_318 = arith.addf %gather3A_311, %mul3A_317 : vector<16xf32>
        %sub3A_319 = arith.subf %add3A_318, %add3A_315 : vector<16xf32>
        %mul3A_320 = arith.mulf %sub3A_287, %sub3A_319 : vector<16xf32>
        %add3A_321 = arith.addf %add3A_315, %mul3A_320 : vector<16xf32>
        %mul3A_322 = arith.constant 2.000000e+01 : f32
        %mul3A_323 = vector.broadcast %mul3A_322 : f32 to vector<16xf32>
        %mul3A_324 = arith.mulf %min3A_65, %mul3A_323 : vector<16xf32>
        %mul3A_325 = arith.constant 2.000000e+01 : f32
        %mul3A_326 = vector.broadcast %mul3A_325 : f32 to vector<16xf32>
        %mul3A_327 = arith.mulf %min3A_73, %mul3A_326 : vector<16xf32>
        %convert_element_type3A_328 = arith.fptosi %mul3A_324 : vector<16xf32> to vector<16xi32>
        %min3A_329 = arith.constant 19 : i32
        %min3A_330 = vector.broadcast %min3A_329 : i32 to vector<16xi32>
        %min3A_331 = arith.minsi %convert_element_type3A_328, %min3A_330 : vector<16xi32>
        %convert_element_type3A_332 = arith.fptosi %mul3A_327 : vector<16xf32> to vector<16xi32>
        %min3A_333 = arith.constant 19 : i32
        %min3A_334 = vector.broadcast %min3A_333 : i32 to vector<16xi32>
        %min3A_335 = arith.minsi %convert_element_type3A_332, %min3A_334 : vector<16xi32>
        %convert_element_type3A_336 = arith.sitofp %min3A_331 : vector<16xi32> to vector<16xf32>
        %sub3A_337 = arith.subf %mul3A_324, %convert_element_type3A_336 : vector<16xf32>
        %convert_element_type3A_338 = arith.sitofp %min3A_335 : vector<16xi32> to vector<16xf32>
        %sub3A_339 = arith.subf %mul3A_327, %convert_element_type3A_338 : vector<16xf32>
        %add3A_340 = arith.constant 1 : i32
        %add3A_341 = vector.broadcast %add3A_340 : i32 to vector<16xi32>
        %add3A_342 = arith.addi %min3A_331, %add3A_341 : vector<16xi32>
        %mul3A_343 = arith.constant 21 : i32
        %mul3A_344 = vector.broadcast %mul3A_343 : i32 to vector<16xi32>
        %mul3A_345 = arith.muli %min3A_331, %mul3A_344 : vector<16xi32>
        %add3A_346 = arith.constant 1663 : i32
        %add3A_347 = vector.broadcast %add3A_346 : i32 to vector<16xi32>
        %add3A_348 = arith.addi %mul3A_345, %add3A_347 : vector<16xi32>
        %add3A_349 = arith.addi %add3A_348, %min3A_335 : vector<16xi32>
        %add3A_350 = arith.constant 21 : i32
        %add3A_351 = vector.broadcast %add3A_350 : i32 to vector<16xi32>
        %add3A_352 = arith.addi %add3A_349, %add3A_351 : vector<16xi32>
        %add3A_353 = arith.constant 1 : i32
        %add3A_354 = vector.broadcast %add3A_353 : i32 to vector<16xi32>
        %add3A_355 = arith.addi %add3A_349, %add3A_354 : vector<16xi32>
        %add3A_356 = arith.constant 1 : i32
        %add3A_357 = vector.broadcast %add3A_356 : i32 to vector<16xi32>
        %add3A_358 = arith.addi %add3A_352, %add3A_357 : vector<16xi32>
        %gather3A_359 = tpu.vector_load_idx %arg7[%add3A_349] : memref<38304xf32, #tpu.memory_space<vmem>>[vector<16xi32>], vector<16xf32>,
        %gather3A_360 = tpu.vector_load_idx %arg7[%add3A_355] : memref<38304xf32, #tpu.memory_space<vmem>>[vector<16xi32>], vector<16xf32>,
        %gather3A_361 = tpu.vector_load_idx %arg7[%add3A_352] : memref<38304xf32, #tpu.memory_space<vmem>>[vector<16xi32>], vector<16xf32>,
        %gather3A_362 = tpu.vector_load_idx %arg7[%add3A_358] : memref<38304xf32, #tpu.memory_space<vmem>>[vector<16xi32>], vector<16xf32>,
        %sub3A_363 = arith.subf %gather3A_360, %gather3A_359 : vector<16xf32>
        %mul3A_364 = arith.mulf %sub3A_339, %sub3A_363 : vector<16xf32>
        %add3A_365 = arith.addf %gather3A_359, %mul3A_364 : vector<16xf32>
        %sub3A_366 = arith.subf %gather3A_362, %gather3A_361 : vector<16xf32>
        %mul3A_367 = arith.mulf %sub3A_339, %sub3A_366 : vector<16xf32>
        %add3A_368 = arith.addf %gather3A_361, %mul3A_367 : vector<16xf32>
        %sub3A_369 = arith.subf %add3A_368, %add3A_365 : vector<16xf32>
        %mul3A_370 = arith.mulf %sub3A_337, %sub3A_369 : vector<16xf32>
        %add3A_371 = arith.addf %add3A_365, %mul3A_370 : vector<16xf32>
        %mul3A_372 = arith.constant 2.100000e+01 : f32
        %mul3A_373 = vector.broadcast %mul3A_372 : f32 to vector<16xf32>
        %mul3A_374 = arith.mulf %min3A_65, %mul3A_373 : vector<16xf32>
        %mul3A_375 = arith.constant 2.100000e+01 : f32
        %mul3A_376 = vector.broadcast %mul3A_375 : f32 to vector<16xf32>
        %mul3A_377 = arith.mulf %min3A_73, %mul3A_376 : vector<16xf32>
        %convert_element_type3A_378 = arith.fptosi %mul3A_374 : vector<16xf32> to vector<16xi32>
        %min3A_379 = arith.constant 20 : i32
        %min3A_380 = vector.broadcast %min3A_379 : i32 to vector<16xi32>
        %min3A_381 = arith.minsi %convert_element_type3A_378, %min3A_380 : vector<16xi32>
        %convert_element_type3A_382 = arith.fptosi %mul3A_377 : vector<16xf32> to vector<16xi32>
        %min3A_383 = arith.constant 20 : i32
        %min3A_384 = vector.broadcast %min3A_383 : i32 to vector<16xi32>
        %min3A_385 = arith.minsi %convert_element_type3A_382, %min3A_384 : vector<16xi32>
        %convert_element_type3A_386 = arith.sitofp %min3A_381 : vector<16xi32> to vector<16xf32>
        %sub3A_387 = arith.subf %mul3A_374, %convert_element_type3A_386 : vector<16xf32>
        %convert_element_type3A_388 = arith.sitofp %min3A_385 : vector<16xi32> to vector<16xf32>
        %sub3A_389 = arith.subf %mul3A_377, %convert_element_type3A_388 : vector<16xf32>
        %add3A_390 = arith.constant 1 : i32
        %add3A_391 = vector.broadcast %add3A_390 : i32 to vector<16xi32>
        %add3A_392 = arith.addi %min3A_381, %add3A_391 : vector<16xi32>
        %mul3A_393 = arith.constant 22 : i32
        %mul3A_394 = vector.broadcast %mul3A_393 : i32 to vector<16xi32>
        %mul3A_395 = arith.muli %min3A_381, %mul3A_394 : vector<16xi32>
        %add3A_396 = arith.constant 2104 : i32
        %add3A_397 = vector.broadcast %add3A_396 : i32 to vector<16xi32>
        %add3A_398 = arith.addi %mul3A_395, %add3A_397 : vector<16xi32>
        %add3A_399 = arith.addi %add3A_398, %min3A_385 : vector<16xi32>
        %add3A_400 = arith.constant 22 : i32
        %add3A_401 = vector.broadcast %add3A_400 : i32 to vector<16xi32>
        %add3A_402 = arith.addi %add3A_399, %add3A_401 : vector<16xi32>
        %add3A_403 = arith.constant 1 : i32
        %add3A_404 = vector.broadcast %add3A_403 : i32 to vector<16xi32>
        %add3A_405 = arith.addi %add3A_399, %add3A_404 : vector<16xi32>
        %add3A_406 = arith.constant 1 : i32
        %add3A_407 = vector.broadcast %add3A_406 : i32 to vector<16xi32>
        %add3A_408 = arith.addi %add3A_402, %add3A_407 : vector<16xi32>
        %gather3A_409 = tpu.vector_load_idx %arg7[%add3A_399] : memref<38304xf32, #tpu.memory_space<vmem>>[vector<16xi32>], vector<16xf32>,
        %gather3A_410 = tpu.vector_load_idx %arg7[%add3A_405] : memref<38304xf32, #tpu.memory_space<vmem>>[vector<16xi32>], vector<16xf32>,
        %gather3A_411 = tpu.vector_load_idx %arg7[%add3A_402] : memref<38304xf32, #tpu.memory_space<vmem>>[vector<16xi32>], vector<16xf32>,
        %gather3A_412 = tpu.vector_load_idx %arg7[%add3A_408] : memref<38304xf32, #tpu.memory_space<vmem>>[vector<16xi32>], vector<16xf32>,
        %sub3A_413 = arith.subf %gather3A_410, %gather3A_409 : vector<16xf32>
        %mul3A_414 = arith.mulf %sub3A_389, %sub3A_413 : vector<16xf32>
        %add3A_415 = arith.addf %gather3A_409, %mul3A_414 : vector<16xf32>
        %sub3A_416 = arith.subf %gather3A_412, %gather3A_411 : vector<16xf32>
        %mul3A_417 = arith.mulf %sub3A_389, %sub3A_416 : vector<16xf32>
        %add3A_418 = arith.addf %gather3A_411, %mul3A_417 : vector<16xf32>
        %sub3A_419 = arith.subf %add3A_418, %add3A_415 : vector<16xf32>
        %mul3A_420 = arith.mulf %sub3A_387, %sub3A_419 : vector<16xf32>
        %add3A_421 = arith.addf %add3A_415, %mul3A_420 : vector<16xf32>
        %mul3A_422 = arith.constant 2.200000e+01 : f32
        %mul3A_423 = vector.broadcast %mul3A_422 : f32 to vector<16xf32>
        %mul3A_424 = arith.mulf %min3A_65, %mul3A_423 : vector<16xf32>
        %mul3A_425 = arith.constant 2.200000e+01 : f32
        %mul3A_426 = vector.broadcast %mul3A_425 : f32 to vector<16xf32>
        %mul3A_427 = arith.mulf %min3A_73, %mul3A_426 : vector<16xf32>
        %convert_element_type3A_428 = arith.fptosi %mul3A_424 : vector<16xf32> to vector<16xi32>
        %min3A_429 = arith.constant 21 : i32
        %min3A_430 = vector.broadcast %min3A_429 : i32 to vector<16xi32>
        %min3A_431 = arith.minsi %convert_element_type3A_428, %min3A_430 : vector<16xi32>
        %convert_element_type3A_432 = arith.fptosi %mul3A_427 : vector<16xf32> to vector<16xi32>
        %min3A_433 = arith.constant 21 : i32
        %min3A_434 = vector.broadcast %min3A_433 : i32 to vector<16xi32>
        %min3A_435 = arith.minsi %convert_element_type3A_432, %min3A_434 : vector<16xi32>
        %convert_element_type3A_436 = arith.sitofp %min3A_431 : vector<16xi32> to vector<16xf32>
        %sub3A_437 = arith.subf %mul3A_424, %convert_element_type3A_436 : vector<16xf32>
        %convert_element_type3A_438 = arith.sitofp %min3A_435 : vector<16xi32> to vector<16xf32>
        %sub3A_439 = arith.subf %mul3A_427, %convert_element_type3A_438 : vector<16xf32>
        %add3A_440 = arith.constant 1 : i32
        %add3A_441 = vector.broadcast %add3A_440 : i32 to vector<16xi32>
        %add3A_442 = arith.addi %min3A_431, %add3A_441 : vector<16xi32>
        %mul3A_443 = arith.constant 23 : i32
        %mul3A_444 = vector.broadcast %mul3A_443 : i32 to vector<16xi32>
        %mul3A_445 = arith.muli %min3A_431, %mul3A_444 : vector<16xi32>
        %add3A_446 = arith.constant 2588 : i32
        %add3A_447 = vector.broadcast %add3A_446 : i32 to vector<16xi32>
        %add3A_448 = arith.addi %mul3A_445, %add3A_447 : vector<16xi32>
        %add3A_449 = arith.addi %add3A_448, %min3A_435 : vector<16xi32>
        %add3A_450 = arith.constant 23 : i32
        %add3A_451 = vector.broadcast %add3A_450 : i32 to vector<16xi32>
        %add3A_452 = arith.addi %add3A_449, %add3A_451 : vector<16xi32>
        %add3A_453 = arith.constant 1 : i32
        %add3A_454 = vector.broadcast %add3A_453 : i32 to vector<16xi32>
        %add3A_455 = arith.addi %add3A_449, %add3A_454 : vector<16xi32>
        %add3A_456 = arith.constant 1 : i32
        %add3A_457 = vector.broadcast %add3A_456 : i32 to vector<16xi32>
        %add3A_458 = arith.addi %add3A_452, %add3A_457 : vector<16xi32>
        %gather3A_459 = tpu.vector_load_idx %arg7[%add3A_449] : memref<38304xf32, #tpu.memory_space<vmem>>[vector<16xi32>], vector<16xf32>,
        %gather3A_460 = tpu.vector_load_idx %arg7[%add3A_455] : memref<38304xf32, #tpu.memory_space<vmem>>[vector<16xi32>], vector<16xf32>,
        %gather3A_461 = tpu.vector_load_idx %arg7[%add3A_452] : memref<38304xf32, #tpu.memory_space<vmem>>[vector<16xi32>], vector<16xf32>,
        %gather3A_462 = tpu.vector_load_idx %arg7[%add3A_458] : memref<38304xf32, #tpu.memory_space<vmem>>[vector<16xi32>], vector<16xf32>,
        %sub3A_463 = arith.subf %gather3A_460, %gather3A_459 : vector<16xf32>
        %mul3A_464 = arith.mulf %sub3A_439, %sub3A_463 : vector<16xf32>
        %add3A_465 = arith.addf %gather3A_459, %mul3A_464 : vector<16xf32>
        %sub3A_466 = arith.subf %gather3A_462, %gather3A_461 : vector<16xf32>
        %mul3A_467 = arith.mulf %sub3A_439, %sub3A_466 : vector<16xf32>
        %add3A_468 = arith.addf %gather3A_461, %mul3A_467 : vector<16xf32>
        %sub3A_469 = arith.subf %add3A_468, %add3A_465 : vector<16xf32>
        %mul3A_470 = arith.mulf %sub3A_437, %sub3A_469 : vector<16xf32>
        %add3A_471 = arith.addf %add3A_465, %mul3A_470 : vector<16xf32>
        %mul3A_472 = arith.constant 2.300000e+01 : f32
        %mul3A_473 = vector.broadcast %mul3A_472 : f32 to vector<16xf32>
        %mul3A_474 = arith.mulf %min3A_65, %mul3A_473 : vector<16xf32>
        %mul3A_475 = arith.constant 2.300000e+01 : f32
        %mul3A_476 = vector.broadcast %mul3A_475 : f32 to vector<16xf32>
        %mul3A_477 = arith.mulf %min3A_73, %mul3A_476 : vector<16xf32>
        %convert_element_type3A_478 = arith.fptosi %mul3A_474 : vector<16xf32> to vector<16xi32>
        %min3A_479 = arith.constant 22 : i32
        %min3A_480 = vector.broadcast %min3A_479 : i32 to vector<16xi32>
        %min3A_481 = arith.minsi %convert_element_type3A_478, %min3A_480 : vector<16xi32>
        %convert_element_type3A_482 = arith.fptosi %mul3A_477 : vector<16xf32> to vector<16xi32>
        %min3A_483 = arith.constant 22 : i32
        %min3A_484 = vector.broadcast %min3A_483 : i32 to vector<16xi32>
        %min3A_485 = arith.minsi %convert_element_type3A_482, %min3A_484 : vector<16xi32>
        %convert_element_type3A_486 = arith.sitofp %min3A_481 : vector<16xi32> to vector<16xf32>
        %sub3A_487 = arith.subf %mul3A_474, %convert_element_type3A_486 : vector<16xf32>
        %convert_element_type3A_488 = arith.sitofp %min3A_485 : vector<16xi32> to vector<16xf32>
        %sub3A_489 = arith.subf %mul3A_477, %convert_element_type3A_488 : vector<16xf32>
        %add3A_490 = arith.constant 1 : i32
        %add3A_491 = vector.broadcast %add3A_490 : i32 to vector<16xi32>
        %add3A_492 = arith.addi %min3A_481, %add3A_491 : vector<16xi32>
        %mul3A_493 = arith.constant 24 : i32
        %mul3A_494 = vector.broadcast %mul3A_493 : i32 to vector<16xi32>
        %mul3A_495 = arith.muli %min3A_481, %mul3A_494 : vector<16xi32>
        %add3A_496 = arith.constant 3117 : i32
        %add3A_497 = vector.broadcast %add3A_496 : i32 to vector<16xi32>
        %add3A_498 = arith.addi %mul3A_495, %add3A_497 : vector<16xi32>
        %add3A_499 = arith.addi %add3A_498, %min3A_485 : vector<16xi32>
        %add3A_500 = arith.constant 24 : i32
        %add3A_501 = vector.broadcast %add3A_500 : i32 to vector<16xi32>
        %add3A_502 = arith.addi %add3A_499, %add3A_501 : vector<16xi32>
        %add3A_503 = arith.constant 1 : i32
        %add3A_504 = vector.broadcast %add3A_503 : i32 to vector<16xi32>
        %add3A_505 = arith.addi %add3A_499, %add3A_504 : vector<16xi32>
        %add3A_506 = arith.constant 1 : i32
        %add3A_507 = vector.broadcast %add3A_506 : i32 to vector<16xi32>
        %add3A_508 = arith.addi %add3A_502, %add3A_507 : vector<16xi32>
        %gather3A_509 = tpu.vector_load_idx %arg7[%add3A_499] : memref<38304xf32, #tpu.memory_space<vmem>>[vector<16xi32>], vector<16xf32>,
        %gather3A_510 = tpu.vector_load_idx %arg7[%add3A_505] : memref<38304xf32, #tpu.memory_space<vmem>>[vector<16xi32>], vector<16xf32>,
        %gather3A_511 = tpu.vector_load_idx %arg7[%add3A_502] : memref<38304xf32, #tpu.memory_space<vmem>>[vector<16xi32>], vector<16xf32>,
        %gather3A_512 = tpu.vector_load_idx %arg7[%add3A_508] : memref<38304xf32, #tpu.memory_space<vmem>>[vector<16xi32>], vector<16xf32>,
        %sub3A_513 = arith.subf %gather3A_510, %gather3A_509 : vector<16xf32>
        %mul3A_514 = arith.mulf %sub3A_489, %sub3A_513 : vector<16xf32>
        %add3A_515 = arith.addf %gather3A_509, %mul3A_514 : vector<16xf32>
        %sub3A_516 = arith.subf %gather3A_512, %gather3A_511 : vector<16xf32>
        %mul3A_517 = arith.mulf %sub3A_489, %sub3A_516 : vector<16xf32>
        %add3A_518 = arith.addf %gather3A_511, %mul3A_517 : vector<16xf32>
        %sub3A_519 = arith.subf %add3A_518, %add3A_515 : vector<16xf32>
        %mul3A_520 = arith.mulf %sub3A_487, %sub3A_519 : vector<16xf32>
        %add3A_521 = arith.addf %add3A_515, %mul3A_520 : vector<16xf32>
        %mul3A_522 = arith.constant 2.400000e+01 : f32
        %mul3A_523 = vector.broadcast %mul3A_522 : f32 to vector<16xf32>
        %mul3A_524 = arith.mulf %min3A_65, %mul3A_523 : vector<16xf32>
        %mul3A_525 = arith.constant 2.400000e+01 : f32
        %mul3A_526 = vector.broadcast %mul3A_525 : f32 to vector<16xf32>
        %mul3A_527 = arith.mulf %min3A_73, %mul3A_526 : vector<16xf32>
        %convert_element_type3A_528 = arith.fptosi %mul3A_524 : vector<16xf32> to vector<16xi32>
        %min3A_529 = arith.constant 23 : i32
        %min3A_530 = vector.broadcast %min3A_529 : i32 to vector<16xi32>
        %min3A_531 = arith.minsi %convert_element_type3A_528, %min3A_530 : vector<16xi32>
        %convert_element_type3A_532 = arith.fptosi %mul3A_527 : vector<16xf32> to vector<16xi32>
        %min3A_533 = arith.constant 23 : i32
        %min3A_534 = vector.broadcast %min3A_533 : i32 to vector<16xi32>
        %min3A_535 = arith.minsi %convert_element_type3A_532, %min3A_534 : vector<16xi32>
        %convert_element_type3A_536 = arith.sitofp %min3A_531 : vector<16xi32> to vector<16xf32>
        %sub3A_537 = arith.subf %mul3A_524, %convert_element_type3A_536 : vector<16xf32>
        %convert_element_type3A_538 = arith.sitofp %min3A_535 : vector<16xi32> to vector<16xf32>
        %sub3A_539 = arith.subf %mul3A_527, %convert_element_type3A_538 : vector<16xf32>
        %add3A_540 = arith.constant 1 : i32
        %add3A_541 = vector.broadcast %add3A_540 : i32 to vector<16xi32>
        %add3A_542 = arith.addi %min3A_531, %add3A_541 : vector<16xi32>
        %mul3A_543 = arith.constant 25 : i32
        %mul3A_544 = vector.broadcast %mul3A_543 : i32 to vector<16xi32>
        %mul3A_545 = arith.muli %min3A_531, %mul3A_544 : vector<16xi32>
        %add3A_546 = arith.constant 3693 : i32
        %add3A_547 = vector.broadcast %add3A_546 : i32 to vector<16xi32>
        %add3A_548 = arith.addi %mul3A_545, %add3A_547 : vector<16xi32>
        %add3A_549 = arith.addi %add3A_548, %min3A_535 : vector<16xi32>
        %add3A_550 = arith.constant 25 : i32
        %add3A_551 = vector.broadcast %add3A_550 : i32 to vector<16xi32>
        %add3A_552 = arith.addi %add3A_549, %add3A_551 : vector<16xi32>
        %add3A_553 = arith.constant 1 : i32
        %add3A_554 = vector.broadcast %add3A_553 : i32 to vector<16xi32>
        %add3A_555 = arith.addi %add3A_549, %add3A_554 : vector<16xi32>
        %add3A_556 = arith.constant 1 : i32
        %add3A_557 = vector.broadcast %add3A_556 : i32 to vector<16xi32>
        %add3A_558 = arith.addi %add3A_552, %add3A_557 : vector<16xi32>
        %gather3A_559 = tpu.vector_load_idx %arg7[%add3A_549] : memref<38304xf32, #tpu.memory_space<vmem>>[vector<16xi32>], vector<16xf32>,
        %gather3A_560 = tpu.vector_load_idx %arg7[%add3A_555] : memref<38304xf32, #tpu.memory_space<vmem>>[vector<16xi32>], vector<16xf32>,
        %gather3A_561 = tpu.vector_load_idx %arg7[%add3A_552] : memref<38304xf32, #tpu.memory_space<vmem>>[vector<16xi32>], vector<16xf32>,
        %gather3A_562 = tpu.vector_load_idx %arg7[%add3A_558] : memref<38304xf32, #tpu.memory_space<vmem>>[vector<16xi32>], vector<16xf32>,
        %sub3A_563 = arith.subf %gather3A_560, %gather3A_559 : vector<16xf32>
        %mul3A_564 = arith.mulf %sub3A_539, %sub3A_563 : vector<16xf32>
        %add3A_565 = arith.addf %gather3A_559, %mul3A_564 : vector<16xf32>
        %sub3A_566 = arith.subf %gather3A_562, %gather3A_561 : vector<16xf32>
        %mul3A_567 = arith.mulf %sub3A_539, %sub3A_566 : vector<16xf32>
        %add3A_568 = arith.addf %gather3A_561, %mul3A_567 : vector<16xf32>
        %sub3A_569 = arith.subf %add3A_568, %add3A_565 : vector<16xf32>
        %mul3A_570 = arith.mulf %sub3A_537, %sub3A_569 : vector<16xf32>
        %add3A_571 = arith.addf %add3A_565, %mul3A_570 : vector<16xf32>
        %mul3A_572 = arith.constant 2.500000e+01 : f32
        %mul3A_573 = vector.broadcast %mul3A_572 : f32 to vector<16xf32>
        %mul3A_574 = arith.mulf %min3A_65, %mul3A_573 : vector<16xf32>
        %mul3A_575 = arith.constant 2.500000e+01 : f32
        %mul3A_576 = vector.broadcast %mul3A_575 : f32 to vector<16xf32>
        %mul3A_577 = arith.mulf %min3A_73, %mul3A_576 : vector<16xf32>
        %convert_element_type3A_578 = arith.fptosi %mul3A_574 : vector<16xf32> to vector<16xi32>
        %min3A_579 = arith.constant 24 : i32
        %min3A_580 = vector.broadcast %min3A_579 : i32 to vector<16xi32>
        %min3A_581 = arith.minsi %convert_element_type3A_578, %min3A_580 : vector<16xi32>
        %convert_element_type3A_582 = arith.fptosi %mul3A_577 : vector<16xf32> to vector<16xi32>
        %min3A_583 = arith.constant 24 : i32
        %min3A_584 = vector.broadcast %min3A_583 : i32 to vector<16xi32>
        %min3A_585 = arith.minsi %convert_element_type3A_582, %min3A_584 : vector<16xi32>
        %convert_element_type3A_586 = arith.sitofp %min3A_581 : vector<16xi32> to vector<16xf32>
        %sub3A_587 = arith.subf %mul3A_574, %convert_element_type3A_586 : vector<16xf32>
        %convert_element_type3A_588 = arith.sitofp %min3A_585 : vector<16xi32> to vector<16xf32>
        %sub3A_589 = arith.subf %mul3A_577, %convert_element_type3A_588 : vector<16xf32>
        %add3A_590 = arith.constant 1 : i32
        %add3A_591 = vector.broadcast %add3A_590 : i32 to vector<16xi32>
        %add3A_592 = arith.addi %min3A_581, %add3A_591 : vector<16xi32>
        %mul3A_593 = arith.constant 26 : i32
        %mul3A_594 = vector.broadcast %mul3A_593 : i32 to vector<16xi32>
        %mul3A_595 = arith.muli %min3A_581, %mul3A_594 : vector<16xi32>
        %add3A_596 = arith.constant 4318 : i32
        %add3A_597 = vector.broadcast %add3A_596 : i32 to vector<16xi32>
        %add3A_598 = arith.addi %mul3A_595, %add3A_597 : vector<16xi32>
        %add3A_599 = arith.addi %add3A_598, %min3A_585 : vector<16xi32>
        %add3A_600 = arith.constant 26 : i32
        %add3A_601 = vector.broadcast %add3A_600 : i32 to vector<16xi32>
        %add3A_602 = arith.addi %add3A_599, %add3A_601 : vector<16xi32>
        %add3A_603 = arith.constant 1 : i32
        %add3A_604 = vector.broadcast %add3A_603 : i32 to vector<16xi32>
        %add3A_605 = arith.addi %add3A_599, %add3A_604 : vector<16xi32>
        %add3A_606 = arith.constant 1 : i32
        %add3A_607 = vector.broadcast %add3A_606 : i32 to vector<16xi32>
        %add3A_608 = arith.addi %add3A_602, %add3A_607 : vector<16xi32>
        %gather3A_609 = tpu.vector_load_idx %arg7[%add3A_599] : memref<38304xf32, #tpu.memory_space<vmem>>[vector<16xi32>], vector<16xf32>,
        %gather3A_610 = tpu.vector_load_idx %arg7[%add3A_605] : memref<38304xf32, #tpu.memory_space<vmem>>[vector<16xi32>], vector<16xf32>,
        %gather3A_611 = tpu.vector_load_idx %arg7[%add3A_602] : memref<38304xf32, #tpu.memory_space<vmem>>[vector<16xi32>], vector<16xf32>,
        %gather3A_612 = tpu.vector_load_idx %arg7[%add3A_608] : memref<38304xf32, #tpu.memory_space<vmem>>[vector<16xi32>], vector<16xf32>,
        %sub3A_613 = arith.subf %gather3A_610, %gather3A_609 : vector<16xf32>
        %mul3A_614 = arith.mulf %sub3A_589, %sub3A_613 : vector<16xf32>
        %add3A_615 = arith.addf %gather3A_609, %mul3A_614 : vector<16xf32>
        %sub3A_616 = arith.subf %gather3A_612, %gather3A_611 : vector<16xf32>
        %mul3A_617 = arith.mulf %sub3A_589, %sub3A_616 : vector<16xf32>
        %add3A_618 = arith.addf %gather3A_611, %mul3A_617 : vector<16xf32>
        %sub3A_619 = arith.subf %add3A_618, %add3A_615 : vector<16xf32>
        %mul3A_620 = arith.mulf %sub3A_587, %sub3A_619 : vector<16xf32>
        %add3A_621 = arith.addf %add3A_615, %mul3A_620 : vector<16xf32>
        %mul3A_622 = arith.constant 2.700000e+01 : f32
        %mul3A_623 = vector.broadcast %mul3A_622 : f32 to vector<16xf32>
        %mul3A_624 = arith.mulf %min3A_65, %mul3A_623 : vector<16xf32>
        %mul3A_625 = arith.constant 2.700000e+01 : f32
        %mul3A_626 = vector.broadcast %mul3A_625 : f32 to vector<16xf32>
        %mul3A_627 = arith.mulf %min3A_73, %mul3A_626 : vector<16xf32>
        %convert_element_type3A_628 = arith.fptosi %mul3A_624 : vector<16xf32> to vector<16xi32>
        %min3A_629 = arith.constant 26 : i32
        %min3A_630 = vector.broadcast %min3A_629 : i32 to vector<16xi32>
        %min3A_631 = arith.minsi %convert_element_type3A_628, %min3A_630 : vector<16xi32>
        %convert_element_type3A_632 = arith.fptosi %mul3A_627 : vector<16xf32> to vector<16xi32>
        %min3A_633 = arith.constant 26 : i32
        %min3A_634 = vector.broadcast %min3A_633 : i32 to vector<16xi32>
        %min3A_635 = arith.minsi %convert_element_type3A_632, %min3A_634 : vector<16xi32>
        %convert_element_type3A_636 = arith.sitofp %min3A_631 : vector<16xi32> to vector<16xf32>
        %sub3A_637 = arith.subf %mul3A_624, %convert_element_type3A_636 : vector<16xf32>
        %convert_element_type3A_638 = arith.sitofp %min3A_635 : vector<16xi32> to vector<16xf32>
        %sub3A_639 = arith.subf %mul3A_627, %convert_element_type3A_638 : vector<16xf32>
        %add3A_640 = arith.constant 1 : i32
        %add3A_641 = vector.broadcast %add3A_640 : i32 to vector<16xi32>
        %add3A_642 = arith.addi %min3A_631, %add3A_641 : vector<16xi32>
        %mul3A_643 = arith.constant 28 : i32
        %mul3A_644 = vector.broadcast %mul3A_643 : i32 to vector<16xi32>
        %mul3A_645 = arith.muli %min3A_631, %mul3A_644 : vector<16xi32>
        %add3A_646 = arith.constant 4994 : i32
        %add3A_647 = vector.broadcast %add3A_646 : i32 to vector<16xi32>
        %add3A_648 = arith.addi %mul3A_645, %add3A_647 : vector<16xi32>
        %add3A_649 = arith.addi %add3A_648, %min3A_635 : vector<16xi32>
        %add3A_650 = arith.constant 28 : i32
        %add3A_651 = vector.broadcast %add3A_650 : i32 to vector<16xi32>
        %add3A_652 = arith.addi %add3A_649, %add3A_651 : vector<16xi32>
        %add3A_653 = arith.constant 1 : i32
        %add3A_654 = vector.broadcast %add3A_653 : i32 to vector<16xi32>
        %add3A_655 = arith.addi %add3A_649, %add3A_654 : vector<16xi32>
        %add3A_656 = arith.constant 1 : i32
        %add3A_657 = vector.broadcast %add3A_656 : i32 to vector<16xi32>
        %add3A_658 = arith.addi %add3A_652, %add3A_657 : vector<16xi32>
        %gather3A_659 = tpu.vector_load_idx %arg7[%add3A_649] : memref<38304xf32, #tpu.memory_space<vmem>>[vector<16xi32>], vector<16xf32>,
        %gather3A_660 = tpu.vector_load_idx %arg7[%add3A_655] : memref<38304xf32, #tpu.memory_space<vmem>>[vector<16xi32>], vector<16xf32>,
        %gather3A_661 = tpu.vector_load_idx %arg7[%add3A_652] : memref<38304xf32, #tpu.memory_space<vmem>>[vector<16xi32>], vector<16xf32>,
        %gather3A_662 = tpu.vector_load_idx %arg7[%add3A_658] : memref<38304xf32, #tpu.memory_space<vmem>>[vector<16xi32>], vector<16xf32>,
        %sub3A_663 = arith.subf %gather3A_660, %gather3A_659 : vector<16xf32>
        %mul3A_664 = arith.mulf %sub3A_639, %sub3A_663 : vector<16xf32>
        %add3A_665 = arith.addf %gather3A_659, %mul3A_664 : vector<16xf32>
        %sub3A_666 = arith.subf %gather3A_662, %gather3A_661 : vector<16xf32>
        %mul3A_667 = arith.mulf %sub3A_639, %sub3A_666 : vector<16xf32>
        %add3A_668 = arith.addf %gather3A_661, %mul3A_667 : vector<16xf32>
        %sub3A_669 = arith.subf %add3A_668, %add3A_665 : vector<16xf32>
        %mul3A_670 = arith.mulf %sub3A_637, %sub3A_669 : vector<16xf32>
        %add3A_671 = arith.addf %add3A_665, %mul3A_670 : vector<16xf32>
        %mul3A_672 = arith.constant 2.800000e+01 : f32
        %mul3A_673 = vector.broadcast %mul3A_672 : f32 to vector<16xf32>
        %mul3A_674 = arith.mulf %min3A_65, %mul3A_673 : vector<16xf32>
        %mul3A_675 = arith.constant 2.800000e+01 : f32
        %mul3A_676 = vector.broadcast %mul3A_675 : f32 to vector<16xf32>
        %mul3A_677 = arith.mulf %min3A_73, %mul3A_676 : vector<16xf32>
        %convert_element_type3A_678 = arith.fptosi %mul3A_674 : vector<16xf32> to vector<16xi32>
        %min3A_679 = arith.constant 27 : i32
        %min3A_680 = vector.broadcast %min3A_679 : i32 to vector<16xi32>
        %min3A_681 = arith.minsi %convert_element_type3A_678, %min3A_680 : vector<16xi32>
        %convert_element_type3A_682 = arith.fptosi %mul3A_677 : vector<16xf32> to vector<16xi32>
        %min3A_683 = arith.constant 27 : i32
        %min3A_684 = vector.broadcast %min3A_683 : i32 to vector<16xi32>
        %min3A_685 = arith.minsi %convert_element_type3A_682, %min3A_684 : vector<16xi32>
        %convert_element_type3A_686 = arith.sitofp %min3A_681 : vector<16xi32> to vector<16xf32>
        %sub3A_687 = arith.subf %mul3A_674, %convert_element_type3A_686 : vector<16xf32>
        %convert_element_type3A_688 = arith.sitofp %min3A_685 : vector<16xi32> to vector<16xf32>
        %sub3A_689 = arith.subf %mul3A_677, %convert_element_type3A_688 : vector<16xf32>
        %add3A_690 = arith.constant 1 : i32
        %add3A_691 = vector.broadcast %add3A_690 : i32 to vector<16xi32>
        %add3A_692 = arith.addi %min3A_681, %add3A_691 : vector<16xi32>
        %mul3A_693 = arith.constant 29 : i32
        %mul3A_694 = vector.broadcast %mul3A_693 : i32 to vector<16xi32>
        %mul3A_695 = arith.muli %min3A_681, %mul3A_694 : vector<16xi32>
        %add3A_696 = arith.constant 5778 : i32
        %add3A_697 = vector.broadcast %add3A_696 : i32 to vector<16xi32>
        %add3A_698 = arith.addi %mul3A_695, %add3A_697 : vector<16xi32>
        %add3A_699 = arith.addi %add3A_698, %min3A_685 : vector<16xi32>
        %add3A_700 = arith.constant 29 : i32
        %add3A_701 = vector.broadcast %add3A_700 : i32 to vector<16xi32>
        %add3A_702 = arith.addi %add3A_699, %add3A_701 : vector<16xi32>
        %add3A_703 = arith.constant 1 : i32
        %add3A_704 = vector.broadcast %add3A_703 : i32 to vector<16xi32>
        %add3A_705 = arith.addi %add3A_699, %add3A_704 : vector<16xi32>
        %add3A_706 = arith.constant 1 : i32
        %add3A_707 = vector.broadcast %add3A_706 : i32 to vector<16xi32>
        %add3A_708 = arith.addi %add3A_702, %add3A_707 : vector<16xi32>
        %gather3A_709 = tpu.vector_load_idx %arg7[%add3A_699] : memref<38304xf32, #tpu.memory_space<vmem>>[vector<16xi32>], vector<16xf32>,
        %gather3A_710 = tpu.vector_load_idx %arg7[%add3A_705] : memref<38304xf32, #tpu.memory_space<vmem>>[vector<16xi32>], vector<16xf32>,
        %gather3A_711 = tpu.vector_load_idx %arg7[%add3A_702] : memref<38304xf32, #tpu.memory_space<vmem>>[vector<16xi32>], vector<16xf32>,
        %gather3A_712 = tpu.vector_load_idx %arg7[%add3A_708] : memref<38304xf32, #tpu.memory_space<vmem>>[vector<16xi32>], vector<16xf32>,
        %sub3A_713 = arith.subf %gather3A_710, %gather3A_709 : vector<16xf32>
        %mul3A_714 = arith.mulf %sub3A_689, %sub3A_713 : vector<16xf32>
        %add3A_715 = arith.addf %gather3A_709, %mul3A_714 : vector<16xf32>
        %sub3A_716 = arith.subf %gather3A_712, %gather3A_711 : vector<16xf32>
        %mul3A_717 = arith.mulf %sub3A_689, %sub3A_716 : vector<16xf32>
        %add3A_718 = arith.addf %gather3A_711, %mul3A_717 : vector<16xf32>
        %sub3A_719 = arith.subf %add3A_718, %add3A_715 : vector<16xf32>
        %mul3A_720 = arith.mulf %sub3A_687, %sub3A_719 : vector<16xf32>
        %add3A_721 = arith.addf %add3A_715, %mul3A_720 : vector<16xf32>
        %mul3A_722 = arith.constant 3.000000e+01 : f32
        %mul3A_723 = vector.broadcast %mul3A_722 : f32 to vector<16xf32>
        %mul3A_724 = arith.mulf %min3A_65, %mul3A_723 : vector<16xf32>
        %mul3A_725 = arith.constant 3.000000e+01 : f32
        %mul3A_726 = vector.broadcast %mul3A_725 : f32 to vector<16xf32>
        %mul3A_727 = arith.mulf %min3A_73, %mul3A_726 : vector<16xf32>
        %convert_element_type3A_728 = arith.fptosi %mul3A_724 : vector<16xf32> to vector<16xi32>
        %min3A_729 = arith.constant 29 : i32
        %min3A_730 = vector.broadcast %min3A_729 : i32 to vector<16xi32>
        %min3A_731 = arith.minsi %convert_element_type3A_728, %min3A_730 : vector<16xi32>
        %convert_element_type3A_732 = arith.fptosi %mul3A_727 : vector<16xf32> to vector<16xi32>
        %min3A_733 = arith.constant 29 : i32
        %min3A_734 = vector.broadcast %min3A_733 : i32 to vector<16xi32>
        %min3A_735 = arith.minsi %convert_element_type3A_732, %min3A_734 : vector<16xi32>
        %convert_element_type3A_736 = arith.sitofp %min3A_731 : vector<16xi32> to vector<16xf32>
        %sub3A_737 = arith.subf %mul3A_724, %convert_element_type3A_736 : vector<16xf32>
        %convert_element_type3A_738 = arith.sitofp %min3A_735 : vector<16xi32> to vector<16xf32>
        %sub3A_739 = arith.subf %mul3A_727, %convert_element_type3A_738 : vector<16xf32>
        %add3A_740 = arith.constant 1 : i32
        %add3A_741 = vector.broadcast %add3A_740 : i32 to vector<16xi32>
        %add3A_742 = arith.addi %min3A_731, %add3A_741 : vector<16xi32>
        %mul3A_743 = arith.constant 31 : i32
        %mul3A_744 = vector.broadcast %mul3A_743 : i32 to vector<16xi32>
        %mul3A_745 = arith.muli %min3A_731, %mul3A_744 : vector<16xi32>
        %add3A_746 = arith.constant 6619 : i32
        %add3A_747 = vector.broadcast %add3A_746 : i32 to vector<16xi32>
        %add3A_748 = arith.addi %mul3A_745, %add3A_747 : vector<16xi32>
        %add3A_749 = arith.addi %add3A_748, %min3A_735 : vector<16xi32>
        %add3A_750 = arith.constant 31 : i32
        %add3A_751 = vector.broadcast %add3A_750 : i32 to vector<16xi32>
        %add3A_752 = arith.addi %add3A_749, %add3A_751 : vector<16xi32>
        %add3A_753 = arith.constant 1 : i32
        %add3A_754 = vector.broadcast %add3A_753 : i32 to vector<16xi32>
        %add3A_755 = arith.addi %add3A_749, %add3A_754 : vector<16xi32>
        %add3A_756 = arith.constant 1 : i32
        %add3A_757 = vector.broadcast %add3A_756 : i32 to vector<16xi32>
        %add3A_758 = arith.addi %add3A_752, %add3A_757 : vector<16xi32>
        %gather3A_759 = tpu.vector_load_idx %arg7[%add3A_749] : memref<38304xf32, #tpu.memory_space<vmem>>[vector<16xi32>], vector<16xf32>,
        %gather3A_760 = tpu.vector_load_idx %arg7[%add3A_755] : memref<38304xf32, #tpu.memory_space<vmem>>[vector<16xi32>], vector<16xf32>,
        %gather3A_761 = tpu.vector_load_idx %arg7[%add3A_752] : memref<38304xf32, #tpu.memory_space<vmem>>[vector<16xi32>], vector<16xf32>,
        %gather3A_762 = tpu.vector_load_idx %arg7[%add3A_758] : memref<38304xf32, #tpu.memory_space<vmem>>[vector<16xi32>], vector<16xf32>,
        %sub3A_763 = arith.subf %gather3A_760, %gather3A_759 : vector<16xf32>
        %mul3A_764 = arith.mulf %sub3A_739, %sub3A_763 : vector<16xf32>
        %add3A_765 = arith.addf %gather3A_759, %mul3A_764 : vector<16xf32>
        %sub3A_766 = arith.subf %gather3A_762, %gather3A_761 : vector<16xf32>
        %mul3A_767 = arith.mulf %sub3A_739, %sub3A_766 : vector<16xf32>
        %add3A_768 = arith.addf %gather3A_761, %mul3A_767 : vector<16xf32>
        %sub3A_769 = arith.subf %add3A_768, %add3A_765 : vector<16xf32>
        %mul3A_770 = arith.mulf %sub3A_737, %sub3A_769 : vector<16xf32>
        %add3A_771 = arith.addf %add3A_765, %mul3A_770 : vector<16xf32>
        %mul3A_772 = arith.constant 3.100000e+01 : f32
        %mul3A_773 = vector.broadcast %mul3A_772 : f32 to vector<16xf32>
        %mul3A_774 = arith.mulf %min3A_65, %mul3A_773 : vector<16xf32>
        %mul3A_775 = arith.constant 3.100000e+01 : f32
        %mul3A_776 = vector.broadcast %mul3A_775 : f32 to vector<16xf32>
        %mul3A_777 = arith.mulf %min3A_73, %mul3A_776 : vector<16xf32>
        %convert_element_type3A_778 = arith.fptosi %mul3A_774 : vector<16xf32> to vector<16xi32>
        %min3A_779 = arith.constant 30 : i32
        %min3A_780 = vector.broadcast %min3A_779 : i32 to vector<16xi32>
        %min3A_781 = arith.minsi %convert_element_type3A_778, %min3A_780 : vector<16xi32>
        %convert_element_type3A_782 = arith.fptosi %mul3A_777 : vector<16xf32> to vector<16xi32>
        %min3A_783 = arith.constant 30 : i32
        %min3A_784 = vector.broadcast %min3A_783 : i32 to vector<16xi32>
        %min3A_785 = arith.minsi %convert_element_type3A_782, %min3A_784 : vector<16xi32>
        %convert_element_type3A_786 = arith.sitofp %min3A_781 : vector<16xi32> to vector<16xf32>
        %sub3A_787 = arith.subf %mul3A_774, %convert_element_type3A_786 : vector<16xf32>
        %convert_element_type3A_788 = arith.sitofp %min3A_785 : vector<16xi32> to vector<16xf32>
        %sub3A_789 = arith.subf %mul3A_777, %convert_element_type3A_788 : vector<16xf32>
        %add3A_790 = arith.constant 1 : i32
        %add3A_791 = vector.broadcast %add3A_790 : i32 to vector<16xi32>
        %add3A_792 = arith.addi %min3A_781, %add3A_791 : vector<16xi32>
        %mul3A_793 = arith.constant 32 : i32
        %mul3A_794 = vector.broadcast %mul3A_793 : i32 to vector<16xi32>
        %mul3A_795 = arith.muli %min3A_781, %mul3A_794 : vector<16xi32>
        %add3A_796 = arith.constant 7580 : i32
        %add3A_797 = vector.broadcast %add3A_796 : i32 to vector<16xi32>
        %add3A_798 = arith.addi %mul3A_795, %add3A_797 : vector<16xi32>
        %add3A_799 = arith.addi %add3A_798, %min3A_785 : vector<16xi32>
        %add3A_800 = arith.constant 32 : i32
        %add3A_801 = vector.broadcast %add3A_800 : i32 to vector<16xi32>
        %add3A_802 = arith.addi %add3A_799, %add3A_801 : vector<16xi32>
        %add3A_803 = arith.constant 1 : i32
        %add3A_804 = vector.broadcast %add3A_803 : i32 to vector<16xi32>
        %add3A_805 = arith.addi %add3A_799, %add3A_804 : vector<16xi32>
        %add3A_806 = arith.constant 1 : i32
        %add3A_807 = vector.broadcast %add3A_806 : i32 to vector<16xi32>
        %add3A_808 = arith.addi %add3A_802, %add3A_807 : vector<16xi32>
        %gather3A_809 = tpu.vector_load_idx %arg7[%add3A_799] : memref<38304xf32, #tpu.memory_space<vmem>>[vector<16xi32>], vector<16xf32>,
        %gather3A_810 = tpu.vector_load_idx %arg7[%add3A_805] : memref<38304xf32, #tpu.memory_space<vmem>>[vector<16xi32>], vector<16xf32>,
        %gather3A_811 = tpu.vector_load_idx %arg7[%add3A_802] : memref<38304xf32, #tpu.memory_space<vmem>>[vector<16xi32>], vector<16xf32>,
        %gather3A_812 = tpu.vector_load_idx %arg7[%add3A_808] : memref<38304xf32, #tpu.memory_space<vmem>>[vector<16xi32>], vector<16xf32>,
        %sub3A_813 = arith.subf %gather3A_810, %gather3A_809 : vector<16xf32>
        %mul3A_814 = arith.mulf %sub3A_789, %sub3A_813 : vector<16xf32>
        %add3A_815 = arith.addf %gather3A_809, %mul3A_814 : vector<16xf32>
        %sub3A_816 = arith.subf %gather3A_812, %gather3A_811 : vector<16xf32>
        %mul3A_817 = arith.mulf %sub3A_789, %sub3A_816 : vector<16xf32>
        %add3A_818 = arith.addf %gather3A_811, %mul3A_817 : vector<16xf32>
        %sub3A_819 = arith.subf %add3A_818, %add3A_815 : vector<16xf32>
        %mul3A_820 = arith.mulf %sub3A_787, %sub3A_819 : vector<16xf32>
        %add3A_821 = arith.addf %add3A_815, %mul3A_820 : vector<16xf32>
        %mul3A_822 = arith.constant 3.300000e+01 : f32
        %mul3A_823 = vector.broadcast %mul3A_822 : f32 to vector<16xf32>
        %mul3A_824 = arith.mulf %min3A_65, %mul3A_823 : vector<16xf32>
        %mul3A_825 = arith.constant 3.300000e+01 : f32
        %mul3A_826 = vector.broadcast %mul3A_825 : f32 to vector<16xf32>
        %mul3A_827 = arith.mulf %min3A_73, %mul3A_826 : vector<16xf32>
        %convert_element_type3A_828 = arith.fptosi %mul3A_824 : vector<16xf32> to vector<16xi32>
        %min3A_829 = arith.constant 32 : i32
        %min3A_830 = vector.broadcast %min3A_829 : i32 to vector<16xi32>
        %min3A_831 = arith.minsi %convert_element_type3A_828, %min3A_830 : vector<16xi32>
        %convert_element_type3A_832 = arith.fptosi %mul3A_827 : vector<16xf32> to vector<16xi32>
        %min3A_833 = arith.constant 32 : i32
        %min3A_834 = vector.broadcast %min3A_833 : i32 to vector<16xi32>
        %min3A_835 = arith.minsi %convert_element_type3A_832, %min3A_834 : vector<16xi32>
        %convert_element_type3A_836 = arith.sitofp %min3A_831 : vector<16xi32> to vector<16xf32>
        %sub3A_837 = arith.subf %mul3A_824, %convert_element_type3A_836 : vector<16xf32>
        %convert_element_type3A_838 = arith.sitofp %min3A_835 : vector<16xi32> to vector<16xf32>
        %sub3A_839 = arith.subf %mul3A_827, %convert_element_type3A_838 : vector<16xf32>
        %add3A_840 = arith.constant 1 : i32
        %add3A_841 = vector.broadcast %add3A_840 : i32 to vector<16xi32>
        %add3A_842 = arith.addi %min3A_831, %add3A_841 : vector<16xi32>
        %mul3A_843 = arith.constant -1640531535 : i32
        %mul3A_844 = vector.broadcast %mul3A_843 : i32 to vector<16xi32>
        %mul3A_845 = arith.muli %min3A_835, %mul3A_844 : vector<16xi32>
        %add3A_846 = arith.constant -1640531535 : i32
        %add3A_847 = vector.broadcast %add3A_846 : i32 to vector<16xi32>
        %add3A_848 = arith.addi %mul3A_845, %add3A_847 : vector<16xi32>
        %xor3A = arith.xori %min3A_831, %mul3A_845 : vector<16xi32>
        %and3A_849 = arith.constant 1023 : i32
        %and3A_850 = vector.broadcast %and3A_849 : i32 to vector<16xi32>
        %and3A_851 = arith.andi %xor3A, %and3A_850 : vector<16xi32>
        %add3A_852 = arith.constant 8604 : i32
        %add3A_853 = vector.broadcast %add3A_852 : i32 to vector<16xi32>
        %add3A_854 = arith.addi %and3A_851, %add3A_853 : vector<16xi32>
        %xor3A_855 = arith.xori %min3A_831, %add3A_848 : vector<16xi32>
        %and3A_856 = arith.constant 1023 : i32
        %and3A_857 = vector.broadcast %and3A_856 : i32 to vector<16xi32>
        %and3A_858 = arith.andi %xor3A_855, %and3A_857 : vector<16xi32>
        %add3A_859 = arith.constant 8604 : i32
        %add3A_860 = vector.broadcast %add3A_859 : i32 to vector<16xi32>
        %add3A_861 = arith.addi %and3A_858, %add3A_860 : vector<16xi32>
        %xor3A_862 = arith.xori %add3A_842, %mul3A_845 : vector<16xi32>
        %and3A_863 = arith.constant 1023 : i32
        %and3A_864 = vector.broadcast %and3A_863 : i32 to vector<16xi32>
        %and3A_865 = arith.andi %xor3A_862, %and3A_864 : vector<16xi32>
        %add3A_866 = arith.constant 8604 : i32
        %add3A_867 = vector.broadcast %add3A_866 : i32 to vector<16xi32>
        %add3A_868 = arith.addi %and3A_865, %add3A_867 : vector<16xi32>
        %xor3A_869 = arith.xori %add3A_842, %add3A_848 : vector<16xi32>
        %and3A_870 = arith.constant 1023 : i32
        %and3A_871 = vector.broadcast %and3A_870 : i32 to vector<16xi32>
        %and3A_872 = arith.andi %xor3A_869, %and3A_871 : vector<16xi32>
        %add3A_873 = arith.constant 8604 : i32
        %add3A_874 = vector.broadcast %add3A_873 : i32 to vector<16xi32>
        %add3A_875 = arith.addi %and3A_872, %add3A_874 : vector<16xi32>
        %gather3A_876 = tpu.vector_load_idx %arg7[%add3A_854] : memref<38304xf32, #tpu.memory_space<vmem>>[vector<16xi32>], vector<16xf32>,
        %gather3A_877 = tpu.vector_load_idx %arg7[%add3A_861] : memref<38304xf32, #tpu.memory_space<vmem>>[vector<16xi32>], vector<16xf32>,
        %gather3A_878 = tpu.vector_load_idx %arg7[%add3A_868] : memref<38304xf32, #tpu.memory_space<vmem>>[vector<16xi32>], vector<16xf32>,
        %gather3A_879 = tpu.vector_load_idx %arg7[%add3A_875] : memref<38304xf32, #tpu.memory_space<vmem>>[vector<16xi32>], vector<16xf32>,
        %sub3A_880 = arith.subf %gather3A_877, %gather3A_876 : vector<16xf32>
        %mul3A_881 = arith.mulf %sub3A_839, %sub3A_880 : vector<16xf32>
        %add3A_882 = arith.addf %gather3A_876, %mul3A_881 : vector<16xf32>
        %sub3A_883 = arith.subf %gather3A_879, %gather3A_878 : vector<16xf32>
        %mul3A_884 = arith.mulf %sub3A_839, %sub3A_883 : vector<16xf32>
        %add3A_885 = arith.addf %gather3A_878, %mul3A_884 : vector<16xf32>
        %sub3A_886 = arith.subf %add3A_885, %add3A_882 : vector<16xf32>
        %mul3A_887 = arith.mulf %sub3A_837, %sub3A_886 : vector<16xf32>
        %add3A_888 = arith.addf %add3A_882, %mul3A_887 : vector<16xf32>
        %mul3A_889 = arith.constant 3.400000e+01 : f32
        %mul3A_890 = vector.broadcast %mul3A_889 : f32 to vector<16xf32>
        %mul3A_891 = arith.mulf %min3A_65, %mul3A_890 : vector<16xf32>
        %mul3A_892 = arith.constant 3.400000e+01 : f32
        %mul3A_893 = vector.broadcast %mul3A_892 : f32 to vector<16xf32>
        %mul3A_894 = arith.mulf %min3A_73, %mul3A_893 : vector<16xf32>
        %convert_element_type3A_895 = arith.fptosi %mul3A_891 : vector<16xf32> to vector<16xi32>
        %min3A_896 = arith.constant 33 : i32
        %min3A_897 = vector.broadcast %min3A_896 : i32 to vector<16xi32>
        %min3A_898 = arith.minsi %convert_element_type3A_895, %min3A_897 : vector<16xi32>
        %convert_element_type3A_899 = arith.fptosi %mul3A_894 : vector<16xf32> to vector<16xi32>
        %min3A_900 = arith.constant 33 : i32
        %min3A_901 = vector.broadcast %min3A_900 : i32 to vector<16xi32>
        %min3A_902 = arith.minsi %convert_element_type3A_899, %min3A_901 : vector<16xi32>
        %convert_element_type3A_903 = arith.sitofp %min3A_898 : vector<16xi32> to vector<16xf32>
        %sub3A_904 = arith.subf %mul3A_891, %convert_element_type3A_903 : vector<16xf32>
        %convert_element_type3A_905 = arith.sitofp %min3A_902 : vector<16xi32> to vector<16xf32>
        %sub3A_906 = arith.subf %mul3A_894, %convert_element_type3A_905 : vector<16xf32>
        %add3A_907 = arith.constant 1 : i32
        %add3A_908 = vector.broadcast %add3A_907 : i32 to vector<16xi32>
        %add3A_909 = arith.addi %min3A_898, %add3A_908 : vector<16xi32>
        %mul3A_910 = arith.constant -1640531535 : i32
        %mul3A_911 = vector.broadcast %mul3A_910 : i32 to vector<16xi32>
        %mul3A_912 = arith.muli %min3A_902, %mul3A_911 : vector<16xi32>
        %add3A_913 = arith.constant -1640531535 : i32
        %add3A_914 = vector.broadcast %add3A_913 : i32 to vector<16xi32>
        %add3A_915 = arith.addi %mul3A_912, %add3A_914 : vector<16xi32>
        %xor3A_916 = arith.xori %min3A_898, %mul3A_912 : vector<16xi32>
        %and3A_917 = arith.constant 1023 : i32
        %and3A_918 = vector.broadcast %and3A_917 : i32 to vector<16xi32>
        %and3A_919 = arith.andi %xor3A_916, %and3A_918 : vector<16xi32>
        %add3A_920 = arith.constant 9628 : i32
        %add3A_921 = vector.broadcast %add3A_920 : i32 to vector<16xi32>
        %add3A_922 = arith.addi %and3A_919, %add3A_921 : vector<16xi32>
        %xor3A_923 = arith.xori %min3A_898, %add3A_915 : vector<16xi32>
        %and3A_924 = arith.constant 1023 : i32
        %and3A_925 = vector.broadcast %and3A_924 : i32 to vector<16xi32>
        %and3A_926 = arith.andi %xor3A_923, %and3A_925 : vector<16xi32>
        %add3A_927 = arith.constant 9628 : i32
        %add3A_928 = vector.broadcast %add3A_927 : i32 to vector<16xi32>
        %add3A_929 = arith.addi %and3A_926, %add3A_928 : vector<16xi32>
        %xor3A_930 = arith.xori %add3A_909, %mul3A_912 : vector<16xi32>
        %and3A_931 = arith.constant 1023 : i32
        %and3A_932 = vector.broadcast %and3A_931 : i32 to vector<16xi32>
        %and3A_933 = arith.andi %xor3A_930, %and3A_932 : vector<16xi32>
        %add3A_934 = arith.constant 9628 : i32
        %add3A_935 = vector.broadcast %add3A_934 : i32 to vector<16xi32>
        %add3A_936 = arith.addi %and3A_933, %add3A_935 : vector<16xi32>
        %xor3A_937 = arith.xori %add3A_909, %add3A_915 : vector<16xi32>
        %and3A_938 = arith.constant 1023 : i32
        %and3A_939 = vector.broadcast %and3A_938 : i32 to vector<16xi32>
        %and3A_940 = arith.andi %xor3A_937, %and3A_939 : vector<16xi32>
        %add3A_941 = arith.constant 9628 : i32
        %add3A_942 = vector.broadcast %add3A_941 : i32 to vector<16xi32>
        %add3A_943 = arith.addi %and3A_940, %add3A_942 : vector<16xi32>
        %gather3A_944 = tpu.vector_load_idx %arg7[%add3A_922] : memref<38304xf32, #tpu.memory_space<vmem>>[vector<16xi32>], vector<16xf32>,
        %gather3A_945 = tpu.vector_load_idx %arg7[%add3A_929] : memref<38304xf32, #tpu.memory_space<vmem>>[vector<16xi32>], vector<16xf32>,
        %gather3A_946 = tpu.vector_load_idx %arg7[%add3A_936] : memref<38304xf32, #tpu.memory_space<vmem>>[vector<16xi32>], vector<16xf32>,
        %gather3A_947 = tpu.vector_load_idx %arg7[%add3A_943] : memref<38304xf32, #tpu.memory_space<vmem>>[vector<16xi32>], vector<16xf32>,
        %sub3A_948 = arith.subf %gather3A_945, %gather3A_944 : vector<16xf32>
        %mul3A_949 = arith.mulf %sub3A_906, %sub3A_948 : vector<16xf32>
        %add3A_950 = arith.addf %gather3A_944, %mul3A_949 : vector<16xf32>
        %sub3A_951 = arith.subf %gather3A_947, %gather3A_946 : vector<16xf32>
        %mul3A_952 = arith.mulf %sub3A_906, %sub3A_951 : vector<16xf32>
        %add3A_953 = arith.addf %gather3A_946, %mul3A_952 : vector<16xf32>
        %sub3A_954 = arith.subf %add3A_953, %add3A_950 : vector<16xf32>
        %mul3A_955 = arith.mulf %sub3A_904, %sub3A_954 : vector<16xf32>
        %add3A_956 = arith.addf %add3A_950, %mul3A_955 : vector<16xf32>
        %mul3A_957 = arith.constant 3.600000e+01 : f32
        %mul3A_958 = vector.broadcast %mul3A_957 : f32 to vector<16xf32>
        %mul3A_959 = arith.mulf %min3A_65, %mul3A_958 : vector<16xf32>
        %mul3A_960 = arith.constant 3.600000e+01 : f32
        %mul3A_961 = vector.broadcast %mul3A_960 : f32 to vector<16xf32>
        %mul3A_962 = arith.mulf %min3A_73, %mul3A_961 : vector<16xf32>
        %convert_element_type3A_963 = arith.fptosi %mul3A_959 : vector<16xf32> to vector<16xi32>
        %min3A_964 = arith.constant 35 : i32
        %min3A_965 = vector.broadcast %min3A_964 : i32 to vector<16xi32>
        %min3A_966 = arith.minsi %convert_element_type3A_963, %min3A_965 : vector<16xi32>
        %convert_element_type3A_967 = arith.fptosi %mul3A_962 : vector<16xf32> to vector<16xi32>
        %min3A_968 = arith.constant 35 : i32
        %min3A_969 = vector.broadcast %min3A_968 : i32 to vector<16xi32>
        %min3A_970 = arith.minsi %convert_element_type3A_967, %min3A_969 : vector<16xi32>
        %convert_element_type3A_971 = arith.sitofp %min3A_966 : vector<16xi32> to vector<16xf32>
        %sub3A_972 = arith.subf %mul3A_959, %convert_element_type3A_971 : vector<16xf32>
        %convert_element_type3A_973 = arith.sitofp %min3A_970 : vector<16xi32> to vector<16xf32>
        %sub3A_974 = arith.subf %mul3A_962, %convert_element_type3A_973 : vector<16xf32>
        %add3A_975 = arith.constant 1 : i32
        %add3A_976 = vector.broadcast %add3A_975 : i32 to vector<16xi32>
        %add3A_977 = arith.addi %min3A_966, %add3A_976 : vector<16xi32>
        %mul3A_978 = arith.constant -1640531535 : i32
        %mul3A_979 = vector.broadcast %mul3A_978 : i32 to vector<16xi32>
        %mul3A_980 = arith.muli %min3A_970, %mul3A_979 : vector<16xi32>
        %add3A_981 = arith.constant -1640531535 : i32
        %add3A_982 = vector.broadcast %add3A_981 : i32 to vector<16xi32>
        %add3A_983 = arith.addi %mul3A_980, %add3A_982 : vector<16xi32>
        %xor3A_984 = arith.xori %min3A_966, %mul3A_980 : vector<16xi32>
        %and3A_985 = arith.constant 1023 : i32
        %and3A_986 = vector.broadcast %and3A_985 : i32 to vector<16xi32>
        %and3A_987 = arith.andi %xor3A_984, %and3A_986 : vector<16xi32>
        %add3A_988 = arith.constant 10652 : i32
        %add3A_989 = vector.broadcast %add3A_988 : i32 to vector<16xi32>
        %add3A_990 = arith.addi %and3A_987, %add3A_989 : vector<16xi32>
        %xor3A_991 = arith.xori %min3A_966, %add3A_983 : vector<16xi32>
        %and3A_992 = arith.constant 1023 : i32
        %and3A_993 = vector.broadcast %and3A_992 : i32 to vector<16xi32>
        %and3A_994 = arith.andi %xor3A_991, %and3A_993 : vector<16xi32>
        %add3A_995 = arith.constant 10652 : i32
        %add3A_996 = vector.broadcast %add3A_995 : i32 to vector<16xi32>
        %add3A_997 = arith.addi %and3A_994, %add3A_996 : vector<16xi32>
        %xor3A_998 = arith.xori %add3A_977, %mul3A_980 : vector<16xi32>
        %and3A_999 = arith.constant 1023 : i32
        %and3A_1000 = vector.broadcast %and3A_999 : i32 to vector<16xi32>
        %and3A_1001 = arith.andi %xor3A_998, %and3A_1000 : vector<16xi32>
        %add3A_1002 = arith.constant 10652 : i32
        %add3A_1003 = vector.broadcast %add3A_1002 : i32 to vector<16xi32>
        %add3A_1004 = arith.addi %and3A_1001, %add3A_1003 : vector<16xi32>
        %xor3A_1005 = arith.xori %add3A_977, %add3A_983 : vector<16xi32>
        %and3A_1006 = arith.constant 1023 : i32
        %and3A_1007 = vector.broadcast %and3A_1006 : i32 to vector<16xi32>
        %and3A_1008 = arith.andi %xor3A_1005, %and3A_1007 : vector<16xi32>
        %add3A_1009 = arith.constant 10652 : i32
        %add3A_1010 = vector.broadcast %add3A_1009 : i32 to vector<16xi32>
        %add3A_1011 = arith.addi %and3A_1008, %add3A_1010 : vector<16xi32>
        %gather3A_1012 = tpu.vector_load_idx %arg7[%add3A_990] : memref<38304xf32, #tpu.memory_space<vmem>>[vector<16xi32>], vector<16xf32>,
        %gather3A_1013 = tpu.vector_load_idx %arg7[%add3A_997] : memref<38304xf32, #tpu.memory_space<vmem>>[vector<16xi32>], vector<16xf32>,
        %gather3A_1014 = tpu.vector_load_idx %arg7[%add3A_1004] : memref<38304xf32, #tpu.memory_space<vmem>>[vector<16xi32>], vector<16xf32>,
        %gather3A_1015 = tpu.vector_load_idx %arg7[%add3A_1011] : memref<38304xf32, #tpu.memory_space<vmem>>[vector<16xi32>], vector<16xf32>,
        %sub3A_1016 = arith.subf %gather3A_1013, %gather3A_1012 : vector<16xf32>
        %mul3A_1017 = arith.mulf %sub3A_974, %sub3A_1016 : vector<16xf32>
        %add3A_1018 = arith.addf %gather3A_1012, %mul3A_1017 : vector<16xf32>
        %sub3A_1019 = arith.subf %gather3A_1015, %gather3A_1014 : vector<16xf32>
        %mul3A_1020 = arith.mulf %sub3A_974, %sub3A_1019 : vector<16xf32>
        %add3A_1021 = arith.addf %gather3A_1014, %mul3A_1020 : vector<16xf32>
        %sub3A_1022 = arith.subf %add3A_1021, %add3A_1018 : vector<16xf32>
        %mul3A_1023 = arith.mulf %sub3A_972, %sub3A_1022 : vector<16xf32>
        %add3A_1024 = arith.addf %add3A_1018, %mul3A_1023 : vector<16xf32>
        %mul3A_1025 = arith.constant 3.800000e+01 : f32
        %mul3A_1026 = vector.broadcast %mul3A_1025 : f32 to vector<16xf32>
        %mul3A_1027 = arith.mulf %min3A_65, %mul3A_1026 : vector<16xf32>
        %mul3A_1028 = arith.constant 3.800000e+01 : f32
        %mul3A_1029 = vector.broadcast %mul3A_1028 : f32 to vector<16xf32>
        %mul3A_1030 = arith.mulf %min3A_73, %mul3A_1029 : vector<16xf32>
        %convert_element_type3A_1031 = arith.fptosi %mul3A_1027 : vector<16xf32> to vector<16xi32>
        %min3A_1032 = arith.constant 37 : i32
        %min3A_1033 = vector.broadcast %min3A_1032 : i32 to vector<16xi32>
        %min3A_1034 = arith.minsi %convert_element_type3A_1031, %min3A_1033 : vector<16xi32>
        %convert_element_type3A_1035 = arith.fptosi %mul3A_1030 : vector<16xf32> to vector<16xi32>
        %min3A_1036 = arith.constant 37 : i32
        %min3A_1037 = vector.broadcast %min3A_1036 : i32 to vector<16xi32>
        %min3A_1038 = arith.minsi %convert_element_type3A_1035, %min3A_1037 : vector<16xi32>
        %convert_element_type3A_1039 = arith.sitofp %min3A_1034 : vector<16xi32> to vector<16xf32>
        %sub3A_1040 = arith.subf %mul3A_1027, %convert_element_type3A_1039 : vector<16xf32>
        %convert_element_type3A_1041 = arith.sitofp %min3A_1038 : vector<16xi32> to vector<16xf32>
        %sub3A_1042 = arith.subf %mul3A_1030, %convert_element_type3A_1041 : vector<16xf32>
        %add3A_1043 = arith.constant 1 : i32
        %add3A_1044 = vector.broadcast %add3A_1043 : i32 to vector<16xi32>
        %add3A_1045 = arith.addi %min3A_1034, %add3A_1044 : vector<16xi32>
        %mul3A_1046 = arith.constant -1640531535 : i32
        %mul3A_1047 = vector.broadcast %mul3A_1046 : i32 to vector<16xi32>
        %mul3A_1048 = arith.muli %min3A_1038, %mul3A_1047 : vector<16xi32>
        %add3A_1049 = arith.constant -1640531535 : i32
        %add3A_1050 = vector.broadcast %add3A_1049 : i32 to vector<16xi32>
        %add3A_1051 = arith.addi %mul3A_1048, %add3A_1050 : vector<16xi32>
        %xor3A_1052 = arith.xori %min3A_1034, %mul3A_1048 : vector<16xi32>
        %and3A_1053 = arith.constant 1023 : i32
        %and3A_1054 = vector.broadcast %and3A_1053 : i32 to vector<16xi32>
        %and3A_1055 = arith.andi %xor3A_1052, %and3A_1054 : vector<16xi32>
        %add3A_1056 = arith.constant 11676 : i32
        %add3A_1057 = vector.broadcast %add3A_1056 : i32 to vector<16xi32>
        %add3A_1058 = arith.addi %and3A_1055, %add3A_1057 : vector<16xi32>
        %xor3A_1059 = arith.xori %min3A_1034, %add3A_1051 : vector<16xi32>
        %and3A_1060 = arith.constant 1023 : i32
        %and3A_1061 = vector.broadcast %and3A_1060 : i32 to vector<16xi32>
        %and3A_1062 = arith.andi %xor3A_1059, %and3A_1061 : vector<16xi32>
        %add3A_1063 = arith.constant 11676 : i32
        %add3A_1064 = vector.broadcast %add3A_1063 : i32 to vector<16xi32>
        %add3A_1065 = arith.addi %and3A_1062, %add3A_1064 : vector<16xi32>
        %xor3A_1066 = arith.xori %add3A_1045, %mul3A_1048 : vector<16xi32>
        %and3A_1067 = arith.constant 1023 : i32
        %and3A_1068 = vector.broadcast %and3A_1067 : i32 to vector<16xi32>
        %and3A_1069 = arith.andi %xor3A_1066, %and3A_1068 : vector<16xi32>
        %add3A_1070 = arith.constant 11676 : i32
        %add3A_1071 = vector.broadcast %add3A_1070 : i32 to vector<16xi32>
        %add3A_1072 = arith.addi %and3A_1069, %add3A_1071 : vector<16xi32>
        %xor3A_1073 = arith.xori %add3A_1045, %add3A_1051 : vector<16xi32>
        %and3A_1074 = arith.constant 1023 : i32
        %and3A_1075 = vector.broadcast %and3A_1074 : i32 to vector<16xi32>
        %and3A_1076 = arith.andi %xor3A_1073, %and3A_1075 : vector<16xi32>
        %add3A_1077 = arith.constant 11676 : i32
        %add3A_1078 = vector.broadcast %add3A_1077 : i32 to vector<16xi32>
        %add3A_1079 = arith.addi %and3A_1076, %add3A_1078 : vector<16xi32>
        %gather3A_1080 = tpu.vector_load_idx %arg7[%add3A_1058] : memref<38304xf32, #tpu.memory_space<vmem>>[vector<16xi32>], vector<16xf32>,
        %gather3A_1081 = tpu.vector_load_idx %arg7[%add3A_1065] : memref<38304xf32, #tpu.memory_space<vmem>>[vector<16xi32>], vector<16xf32>,
        %gather3A_1082 = tpu.vector_load_idx %arg7[%add3A_1072] : memref<38304xf32, #tpu.memory_space<vmem>>[vector<16xi32>], vector<16xf32>,
        %gather3A_1083 = tpu.vector_load_idx %arg7[%add3A_1079] : memref<38304xf32, #tpu.memory_space<vmem>>[vector<16xi32>], vector<16xf32>,
        %sub3A_1084 = arith.subf %gather3A_1081, %gather3A_1080 : vector<16xf32>
        %mul3A_1085 = arith.mulf %sub3A_1042, %sub3A_1084 : vector<16xf32>
        %add3A_1086 = arith.addf %gather3A_1080, %mul3A_1085 : vector<16xf32>
        %sub3A_1087 = arith.subf %gather3A_1083, %gather3A_1082 : vector<16xf32>
        %mul3A_1088 = arith.mulf %sub3A_1042, %sub3A_1087 : vector<16xf32>
        %add3A_1089 = arith.addf %gather3A_1082, %mul3A_1088 : vector<16xf32>
        %sub3A_1090 = arith.subf %add3A_1089, %add3A_1086 : vector<16xf32>
        %mul3A_1091 = arith.mulf %sub3A_1040, %sub3A_1090 : vector<16xf32>
        %add3A_1092 = arith.addf %add3A_1086, %mul3A_1091 : vector<16xf32>
        %mul3A_1093 = arith.constant 4.000000e+01 : f32
        %mul3A_1094 = vector.broadcast %mul3A_1093 : f32 to vector<16xf32>
        %mul3A_1095 = arith.mulf %min3A_65, %mul3A_1094 : vector<16xf32>
        %mul3A_1096 = arith.constant 4.000000e+01 : f32
        %mul3A_1097 = vector.broadcast %mul3A_1096 : f32 to vector<16xf32>
        %mul3A_1098 = arith.mulf %min3A_73, %mul3A_1097 : vector<16xf32>
        %convert_element_type3A_1099 = arith.fptosi %mul3A_1095 : vector<16xf32> to vector<16xi32>
        %min3A_1100 = arith.constant 39 : i32
        %min3A_1101 = vector.broadcast %min3A_1100 : i32 to vector<16xi32>
        %min3A_1102 = arith.minsi %convert_element_type3A_1099, %min3A_1101 : vector<16xi32>
        %convert_element_type3A_1103 = arith.fptosi %mul3A_1098 : vector<16xf32> to vector<16xi32>
        %min3A_1104 = arith.constant 39 : i32
        %min3A_1105 = vector.broadcast %min3A_1104 : i32 to vector<16xi32>
        %min3A_1106 = arith.minsi %convert_element_type3A_1103, %min3A_1105 : vector<16xi32>
        %convert_element_type3A_1107 = arith.sitofp %min3A_1102 : vector<16xi32> to vector<16xf32>
        %sub3A_1108 = arith.subf %mul3A_1095, %convert_element_type3A_1107 : vector<16xf32>
        %convert_element_type3A_1109 = arith.sitofp %min3A_1106 : vector<16xi32> to vector<16xf32>
        %sub3A_1110 = arith.subf %mul3A_1098, %convert_element_type3A_1109 : vector<16xf32>
        %add3A_1111 = arith.constant 1 : i32
        %add3A_1112 = vector.broadcast %add3A_1111 : i32 to vector<16xi32>
        %add3A_1113 = arith.addi %min3A_1102, %add3A_1112 : vector<16xi32>
        %mul3A_1114 = arith.constant -1640531535 : i32
        %mul3A_1115 = vector.broadcast %mul3A_1114 : i32 to vector<16xi32>
        %mul3A_1116 = arith.muli %min3A_1106, %mul3A_1115 : vector<16xi32>
        %add3A_1117 = arith.constant -1640531535 : i32
        %add3A_1118 = vector.broadcast %add3A_1117 : i32 to vector<16xi32>
        %add3A_1119 = arith.addi %mul3A_1116, %add3A_1118 : vector<16xi32>
        %xor3A_1120 = arith.xori %min3A_1102, %mul3A_1116 : vector<16xi32>
        %and3A_1121 = arith.constant 1023 : i32
        %and3A_1122 = vector.broadcast %and3A_1121 : i32 to vector<16xi32>
        %and3A_1123 = arith.andi %xor3A_1120, %and3A_1122 : vector<16xi32>
        %add3A_1124 = arith.constant 12700 : i32
        %add3A_1125 = vector.broadcast %add3A_1124 : i32 to vector<16xi32>
        %add3A_1126 = arith.addi %and3A_1123, %add3A_1125 : vector<16xi32>
        %xor3A_1127 = arith.xori %min3A_1102, %add3A_1119 : vector<16xi32>
        %and3A_1128 = arith.constant 1023 : i32
        %and3A_1129 = vector.broadcast %and3A_1128 : i32 to vector<16xi32>
        %and3A_1130 = arith.andi %xor3A_1127, %and3A_1129 : vector<16xi32>
        %add3A_1131 = arith.constant 12700 : i32
        %add3A_1132 = vector.broadcast %add3A_1131 : i32 to vector<16xi32>
        %add3A_1133 = arith.addi %and3A_1130, %add3A_1132 : vector<16xi32>
        %xor3A_1134 = arith.xori %add3A_1113, %mul3A_1116 : vector<16xi32>
        %and3A_1135 = arith.constant 1023 : i32
        %and3A_1136 = vector.broadcast %and3A_1135 : i32 to vector<16xi32>
        %and3A_1137 = arith.andi %xor3A_1134, %and3A_1136 : vector<16xi32>
        %add3A_1138 = arith.constant 12700 : i32
        %add3A_1139 = vector.broadcast %add3A_1138 : i32 to vector<16xi32>
        %add3A_1140 = arith.addi %and3A_1137, %add3A_1139 : vector<16xi32>
        %xor3A_1141 = arith.xori %add3A_1113, %add3A_1119 : vector<16xi32>
        %and3A_1142 = arith.constant 1023 : i32
        %and3A_1143 = vector.broadcast %and3A_1142 : i32 to vector<16xi32>
        %and3A_1144 = arith.andi %xor3A_1141, %and3A_1143 : vector<16xi32>
        %add3A_1145 = arith.constant 12700 : i32
        %add3A_1146 = vector.broadcast %add3A_1145 : i32 to vector<16xi32>
        %add3A_1147 = arith.addi %and3A_1144, %add3A_1146 : vector<16xi32>
        %gather3A_1148 = tpu.vector_load_idx %arg7[%add3A_1126] : memref<38304xf32, #tpu.memory_space<vmem>>[vector<16xi32>], vector<16xf32>,
        %gather3A_1149 = tpu.vector_load_idx %arg7[%add3A_1133] : memref<38304xf32, #tpu.memory_space<vmem>>[vector<16xi32>], vector<16xf32>,
        %gather3A_1150 = tpu.vector_load_idx %arg7[%add3A_1140] : memref<38304xf32, #tpu.memory_space<vmem>>[vector<16xi32>], vector<16xf32>,
        %gather3A_1151 = tpu.vector_load_idx %arg7[%add3A_1147] : memref<38304xf32, #tpu.memory_space<vmem>>[vector<16xi32>], vector<16xf32>,
        %sub3A_1152 = arith.subf %gather3A_1149, %gather3A_1148 : vector<16xf32>
        %mul3A_1153 = arith.mulf %sub3A_1110, %sub3A_1152 : vector<16xf32>
        %add3A_1154 = arith.addf %gather3A_1148, %mul3A_1153 : vector<16xf32>
        %sub3A_1155 = arith.subf %gather3A_1151, %gather3A_1150 : vector<16xf32>
        %mul3A_1156 = arith.mulf %sub3A_1110, %sub3A_1155 : vector<16xf32>
        %add3A_1157 = arith.addf %gather3A_1150, %mul3A_1156 : vector<16xf32>
        %sub3A_1158 = arith.subf %add3A_1157, %add3A_1154 : vector<16xf32>
        %mul3A_1159 = arith.mulf %sub3A_1108, %sub3A_1158 : vector<16xf32>
        %add3A_1160 = arith.addf %add3A_1154, %mul3A_1159 : vector<16xf32>
        %mul3A_1161 = arith.constant 4.200000e+01 : f32
        %mul3A_1162 = vector.broadcast %mul3A_1161 : f32 to vector<16xf32>
        %mul3A_1163 = arith.mulf %min3A_65, %mul3A_1162 : vector<16xf32>
        %mul3A_1164 = arith.constant 4.200000e+01 : f32
        %mul3A_1165 = vector.broadcast %mul3A_1164 : f32 to vector<16xf32>
        %mul3A_1166 = arith.mulf %min3A_73, %mul3A_1165 : vector<16xf32>
        %convert_element_type3A_1167 = arith.fptosi %mul3A_1163 : vector<16xf32> to vector<16xi32>
        %min3A_1168 = arith.constant 41 : i32
        %min3A_1169 = vector.broadcast %min3A_1168 : i32 to vector<16xi32>
        %min3A_1170 = arith.minsi %convert_element_type3A_1167, %min3A_1169 : vector<16xi32>
        %convert_element_type3A_1171 = arith.fptosi %mul3A_1166 : vector<16xf32> to vector<16xi32>
        %min3A_1172 = arith.constant 41 : i32
        %min3A_1173 = vector.broadcast %min3A_1172 : i32 to vector<16xi32>
        %min3A_1174 = arith.minsi %convert_element_type3A_1171, %min3A_1173 : vector<16xi32>
        %convert_element_type3A_1175 = arith.sitofp %min3A_1170 : vector<16xi32> to vector<16xf32>
        %sub3A_1176 = arith.subf %mul3A_1163, %convert_element_type3A_1175 : vector<16xf32>
        %convert_element_type3A_1177 = arith.sitofp %min3A_1174 : vector<16xi32> to vector<16xf32>
        %sub3A_1178 = arith.subf %mul3A_1166, %convert_element_type3A_1177 : vector<16xf32>
        %add3A_1179 = arith.constant 1 : i32
        %add3A_1180 = vector.broadcast %add3A_1179 : i32 to vector<16xi32>
        %add3A_1181 = arith.addi %min3A_1170, %add3A_1180 : vector<16xi32>
        %mul3A_1182 = arith.constant -1640531535 : i32
        %mul3A_1183 = vector.broadcast %mul3A_1182 : i32 to vector<16xi32>
        %mul3A_1184 = arith.muli %min3A_1174, %mul3A_1183 : vector<16xi32>
        %add3A_1185 = arith.constant -1640531535 : i32
        %add3A_1186 = vector.broadcast %add3A_1185 : i32 to vector<16xi32>
        %add3A_1187 = arith.addi %mul3A_1184, %add3A_1186 : vector<16xi32>
        %xor3A_1188 = arith.xori %min3A_1170, %mul3A_1184 : vector<16xi32>
        %and3A_1189 = arith.constant 1023 : i32
        %and3A_1190 = vector.broadcast %and3A_1189 : i32 to vector<16xi32>
        %and3A_1191 = arith.andi %xor3A_1188, %and3A_1190 : vector<16xi32>
        %add3A_1192 = arith.constant 13724 : i32
        %add3A_1193 = vector.broadcast %add3A_1192 : i32 to vector<16xi32>
        %add3A_1194 = arith.addi %and3A_1191, %add3A_1193 : vector<16xi32>
        %xor3A_1195 = arith.xori %min3A_1170, %add3A_1187 : vector<16xi32>
        %and3A_1196 = arith.constant 1023 : i32
        %and3A_1197 = vector.broadcast %and3A_1196 : i32 to vector<16xi32>
        %and3A_1198 = arith.andi %xor3A_1195, %and3A_1197 : vector<16xi32>
        %add3A_1199 = arith.constant 13724 : i32
        %add3A_1200 = vector.broadcast %add3A_1199 : i32 to vector<16xi32>
        %add3A_1201 = arith.addi %and3A_1198, %add3A_1200 : vector<16xi32>
        %xor3A_1202 = arith.xori %add3A_1181, %mul3A_1184 : vector<16xi32>
        %and3A_1203 = arith.constant 1023 : i32
        %and3A_1204 = vector.broadcast %and3A_1203 : i32 to vector<16xi32>
        %and3A_1205 = arith.andi %xor3A_1202, %and3A_1204 : vector<16xi32>
        %add3A_1206 = arith.constant 13724 : i32
        %add3A_1207 = vector.broadcast %add3A_1206 : i32 to vector<16xi32>
        %add3A_1208 = arith.addi %and3A_1205, %add3A_1207 : vector<16xi32>
        %xor3A_1209 = arith.xori %add3A_1181, %add3A_1187 : vector<16xi32>
        %and3A_1210 = arith.constant 1023 : i32
        %and3A_1211 = vector.broadcast %and3A_1210 : i32 to vector<16xi32>
        %and3A_1212 = arith.andi %xor3A_1209, %and3A_1211 : vector<16xi32>
        %add3A_1213 = arith.constant 13724 : i32
        %add3A_1214 = vector.broadcast %add3A_1213 : i32 to vector<16xi32>
        %add3A_1215 = arith.addi %and3A_1212, %add3A_1214 : vector<16xi32>
        %gather3A_1216 = tpu.vector_load_idx %arg7[%add3A_1194] : memref<38304xf32, #tpu.memory_space<vmem>>[vector<16xi32>], vector<16xf32>,
        %gather3A_1217 = tpu.vector_load_idx %arg7[%add3A_1201] : memref<38304xf32, #tpu.memory_space<vmem>>[vector<16xi32>], vector<16xf32>,
        %gather3A_1218 = tpu.vector_load_idx %arg7[%add3A_1208] : memref<38304xf32, #tpu.memory_space<vmem>>[vector<16xi32>], vector<16xf32>,
        %gather3A_1219 = tpu.vector_load_idx %arg7[%add3A_1215] : memref<38304xf32, #tpu.memory_space<vmem>>[vector<16xi32>], vector<16xf32>,
        %sub3A_1220 = arith.subf %gather3A_1217, %gather3A_1216 : vector<16xf32>
        %mul3A_1221 = arith.mulf %sub3A_1178, %sub3A_1220 : vector<16xf32>
        %add3A_1222 = arith.addf %gather3A_1216, %mul3A_1221 : vector<16xf32>
        %sub3A_1223 = arith.subf %gather3A_1219, %gather3A_1218 : vector<16xf32>
        %mul3A_1224 = arith.mulf %sub3A_1178, %sub3A_1223 : vector<16xf32>
        %add3A_1225 = arith.addf %gather3A_1218, %mul3A_1224 : vector<16xf32>
        %sub3A_1226 = arith.subf %add3A_1225, %add3A_1222 : vector<16xf32>
        %mul3A_1227 = arith.mulf %sub3A_1176, %sub3A_1226 : vector<16xf32>
        %add3A_1228 = arith.addf %add3A_1222, %mul3A_1227 : vector<16xf32>
        %mul3A_1229 = arith.constant 4.400000e+01 : f32
        %mul3A_1230 = vector.broadcast %mul3A_1229 : f32 to vector<16xf32>
        %mul3A_1231 = arith.mulf %min3A_65, %mul3A_1230 : vector<16xf32>
        %mul3A_1232 = arith.constant 4.400000e+01 : f32
        %mul3A_1233 = vector.broadcast %mul3A_1232 : f32 to vector<16xf32>
        %mul3A_1234 = arith.mulf %min3A_73, %mul3A_1233 : vector<16xf32>
        %convert_element_type3A_1235 = arith.fptosi %mul3A_1231 : vector<16xf32> to vector<16xi32>
        %min3A_1236 = arith.constant 43 : i32
        %min3A_1237 = vector.broadcast %min3A_1236 : i32 to vector<16xi32>
        %min3A_1238 = arith.minsi %convert_element_type3A_1235, %min3A_1237 : vector<16xi32>
        %convert_element_type3A_1239 = arith.fptosi %mul3A_1234 : vector<16xf32> to vector<16xi32>
        %min3A_1240 = arith.constant 43 : i32
        %min3A_1241 = vector.broadcast %min3A_1240 : i32 to vector<16xi32>
        %min3A_1242 = arith.minsi %convert_element_type3A_1239, %min3A_1241 : vector<16xi32>
        %convert_element_type3A_1243 = arith.sitofp %min3A_1238 : vector<16xi32> to vector<16xf32>
        %sub3A_1244 = arith.subf %mul3A_1231, %convert_element_type3A_1243 : vector<16xf32>
        %convert_element_type3A_1245 = arith.sitofp %min3A_1242 : vector<16xi32> to vector<16xf32>
        %sub3A_1246 = arith.subf %mul3A_1234, %convert_element_type3A_1245 : vector<16xf32>
        %add3A_1247 = arith.constant 1 : i32
        %add3A_1248 = vector.broadcast %add3A_1247 : i32 to vector<16xi32>
        %add3A_1249 = arith.addi %min3A_1238, %add3A_1248 : vector<16xi32>
        %mul3A_1250 = arith.constant -1640531535 : i32
        %mul3A_1251 = vector.broadcast %mul3A_1250 : i32 to vector<16xi32>
        %mul3A_1252 = arith.muli %min3A_1242, %mul3A_1251 : vector<16xi32>
        %add3A_1253 = arith.constant -1640531535 : i32
        %add3A_1254 = vector.broadcast %add3A_1253 : i32 to vector<16xi32>
        %add3A_1255 = arith.addi %mul3A_1252, %add3A_1254 : vector<16xi32>
        %xor3A_1256 = arith.xori %min3A_1238, %mul3A_1252 : vector<16xi32>
        %and3A_1257 = arith.constant 1023 : i32
        %and3A_1258 = vector.broadcast %and3A_1257 : i32 to vector<16xi32>
        %and3A_1259 = arith.andi %xor3A_1256, %and3A_1258 : vector<16xi32>
        %add3A_1260 = arith.constant 14748 : i32
        %add3A_1261 = vector.broadcast %add3A_1260 : i32 to vector<16xi32>
        %add3A_1262 = arith.addi %and3A_1259, %add3A_1261 : vector<16xi32>
        %xor3A_1263 = arith.xori %min3A_1238, %add3A_1255 : vector<16xi32>
        %and3A_1264 = arith.constant 1023 : i32
        %and3A_1265 = vector.broadcast %and3A_1264 : i32 to vector<16xi32>
        %and3A_1266 = arith.andi %xor3A_1263, %and3A_1265 : vector<16xi32>
        %add3A_1267 = arith.constant 14748 : i32
        %add3A_1268 = vector.broadcast %add3A_1267 : i32 to vector<16xi32>
        %add3A_1269 = arith.addi %and3A_1266, %add3A_1268 : vector<16xi32>
        %xor3A_1270 = arith.xori %add3A_1249, %mul3A_1252 : vector<16xi32>
        %and3A_1271 = arith.constant 1023 : i32
        %and3A_1272 = vector.broadcast %and3A_1271 : i32 to vector<16xi32>
        %and3A_1273 = arith.andi %xor3A_1270, %and3A_1272 : vector<16xi32>
        %add3A_1274 = arith.constant 14748 : i32
        %add3A_1275 = vector.broadcast %add3A_1274 : i32 to vector<16xi32>
        %add3A_1276 = arith.addi %and3A_1273, %add3A_1275 : vector<16xi32>
        %xor3A_1277 = arith.xori %add3A_1249, %add3A_1255 : vector<16xi32>
        %and3A_1278 = arith.constant 1023 : i32
        %and3A_1279 = vector.broadcast %and3A_1278 : i32 to vector<16xi32>
        %and3A_1280 = arith.andi %xor3A_1277, %and3A_1279 : vector<16xi32>
        %add3A_1281 = arith.constant 14748 : i32
        %add3A_1282 = vector.broadcast %add3A_1281 : i32 to vector<16xi32>
        %add3A_1283 = arith.addi %and3A_1280, %add3A_1282 : vector<16xi32>
        %gather3A_1284 = tpu.vector_load_idx %arg7[%add3A_1262] : memref<38304xf32, #tpu.memory_space<vmem>>[vector<16xi32>], vector<16xf32>,
        %gather3A_1285 = tpu.vector_load_idx %arg7[%add3A_1269] : memref<38304xf32, #tpu.memory_space<vmem>>[vector<16xi32>], vector<16xf32>,
        %gather3A_1286 = tpu.vector_load_idx %arg7[%add3A_1276] : memref<38304xf32, #tpu.memory_space<vmem>>[vector<16xi32>], vector<16xf32>,
        %gather3A_1287 = tpu.vector_load_idx %arg7[%add3A_1283] : memref<38304xf32, #tpu.memory_space<vmem>>[vector<16xi32>], vector<16xf32>,
        %sub3A_1288 = arith.subf %gather3A_1285, %gather3A_1284 : vector<16xf32>
        %mul3A_1289 = arith.mulf %sub3A_1246, %sub3A_1288 : vector<16xf32>
        %add3A_1290 = arith.addf %gather3A_1284, %mul3A_1289 : vector<16xf32>
        %sub3A_1291 = arith.subf %gather3A_1287, %gather3A_1286 : vector<16xf32>
        %mul3A_1292 = arith.mulf %sub3A_1246, %sub3A_1291 : vector<16xf32>
        %add3A_1293 = arith.addf %gather3A_1286, %mul3A_1292 : vector<16xf32>
        %sub3A_1294 = arith.subf %add3A_1293, %add3A_1290 : vector<16xf32>
        %mul3A_1295 = arith.mulf %sub3A_1244, %sub3A_1294 : vector<16xf32>
        %add3A_1296 = arith.addf %add3A_1290, %mul3A_1295 : vector<16xf32>
        %mul3A_1297 = arith.constant 4.600000e+01 : f32
        %mul3A_1298 = vector.broadcast %mul3A_1297 : f32 to vector<16xf32>
        %mul3A_1299 = arith.mulf %min3A_65, %mul3A_1298 : vector<16xf32>
        %mul3A_1300 = arith.constant 4.600000e+01 : f32
        %mul3A_1301 = vector.broadcast %mul3A_1300 : f32 to vector<16xf32>
        %mul3A_1302 = arith.mulf %min3A_73, %mul3A_1301 : vector<16xf32>
        %convert_element_type3A_1303 = arith.fptosi %mul3A_1299 : vector<16xf32> to vector<16xi32>
        %min3A_1304 = arith.constant 45 : i32
        %min3A_1305 = vector.broadcast %min3A_1304 : i32 to vector<16xi32>
        %min3A_1306 = arith.minsi %convert_element_type3A_1303, %min3A_1305 : vector<16xi32>
        %convert_element_type3A_1307 = arith.fptosi %mul3A_1302 : vector<16xf32> to vector<16xi32>
        %min3A_1308 = arith.constant 45 : i32
        %min3A_1309 = vector.broadcast %min3A_1308 : i32 to vector<16xi32>
        %min3A_1310 = arith.minsi %convert_element_type3A_1307, %min3A_1309 : vector<16xi32>
        %convert_element_type3A_1311 = arith.sitofp %min3A_1306 : vector<16xi32> to vector<16xf32>
        %sub3A_1312 = arith.subf %mul3A_1299, %convert_element_type3A_1311 : vector<16xf32>
        %convert_element_type3A_1313 = arith.sitofp %min3A_1310 : vector<16xi32> to vector<16xf32>
        %sub3A_1314 = arith.subf %mul3A_1302, %convert_element_type3A_1313 : vector<16xf32>
        %add3A_1315 = arith.constant 1 : i32
        %add3A_1316 = vector.broadcast %add3A_1315 : i32 to vector<16xi32>
        %add3A_1317 = arith.addi %min3A_1306, %add3A_1316 : vector<16xi32>
        %mul3A_1318 = arith.constant -1640531535 : i32
        %mul3A_1319 = vector.broadcast %mul3A_1318 : i32 to vector<16xi32>
        %mul3A_1320 = arith.muli %min3A_1310, %mul3A_1319 : vector<16xi32>
        %add3A_1321 = arith.constant -1640531535 : i32
        %add3A_1322 = vector.broadcast %add3A_1321 : i32 to vector<16xi32>
        %add3A_1323 = arith.addi %mul3A_1320, %add3A_1322 : vector<16xi32>
        %xor3A_1324 = arith.xori %min3A_1306, %mul3A_1320 : vector<16xi32>
        %and3A_1325 = arith.constant 1023 : i32
        %and3A_1326 = vector.broadcast %and3A_1325 : i32 to vector<16xi32>
        %and3A_1327 = arith.andi %xor3A_1324, %and3A_1326 : vector<16xi32>
        %add3A_1328 = arith.constant 15772 : i32
        %add3A_1329 = vector.broadcast %add3A_1328 : i32 to vector<16xi32>
        %add3A_1330 = arith.addi %and3A_1327, %add3A_1329 : vector<16xi32>
        %xor3A_1331 = arith.xori %min3A_1306, %add3A_1323 : vector<16xi32>
        %and3A_1332 = arith.constant 1023 : i32
        %and3A_1333 = vector.broadcast %and3A_1332 : i32 to vector<16xi32>
        %and3A_1334 = arith.andi %xor3A_1331, %and3A_1333 : vector<16xi32>
        %add3A_1335 = arith.constant 15772 : i32
        %add3A_1336 = vector.broadcast %add3A_1335 : i32 to vector<16xi32>
        %add3A_1337 = arith.addi %and3A_1334, %add3A_1336 : vector<16xi32>
        %xor3A_1338 = arith.xori %add3A_1317, %mul3A_1320 : vector<16xi32>
        %and3A_1339 = arith.constant 1023 : i32
        %and3A_1340 = vector.broadcast %and3A_1339 : i32 to vector<16xi32>
        %and3A_1341 = arith.andi %xor3A_1338, %and3A_1340 : vector<16xi32>
        %add3A_1342 = arith.constant 15772 : i32
        %add3A_1343 = vector.broadcast %add3A_1342 : i32 to vector<16xi32>
        %add3A_1344 = arith.addi %and3A_1341, %add3A_1343 : vector<16xi32>
        %xor3A_1345 = arith.xori %add3A_1317, %add3A_1323 : vector<16xi32>
        %and3A_1346 = arith.constant 1023 : i32
        %and3A_1347 = vector.broadcast %and3A_1346 : i32 to vector<16xi32>
        %and3A_1348 = arith.andi %xor3A_1345, %and3A_1347 : vector<16xi32>
        %add3A_1349 = arith.constant 15772 : i32
        %add3A_1350 = vector.broadcast %add3A_1349 : i32 to vector<16xi32>
        %add3A_1351 = arith.addi %and3A_1348, %add3A_1350 : vector<16xi32>
        %gather3A_1352 = tpu.vector_load_idx %arg7[%add3A_1330] : memref<38304xf32, #tpu.memory_space<vmem>>[vector<16xi32>], vector<16xf32>,
        %gather3A_1353 = tpu.vector_load_idx %arg7[%add3A_1337] : memref<38304xf32, #tpu.memory_space<vmem>>[vector<16xi32>], vector<16xf32>,
        %gather3A_1354 = tpu.vector_load_idx %arg7[%add3A_1344] : memref<38304xf32, #tpu.memory_space<vmem>>[vector<16xi32>], vector<16xf32>,
        %gather3A_1355 = tpu.vector_load_idx %arg7[%add3A_1351] : memref<38304xf32, #tpu.memory_space<vmem>>[vector<16xi32>], vector<16xf32>,
        %sub3A_1356 = arith.subf %gather3A_1353, %gather3A_1352 : vector<16xf32>
        %mul3A_1357 = arith.mulf %sub3A_1314, %sub3A_1356 : vector<16xf32>
        %add3A_1358 = arith.addf %gather3A_1352, %mul3A_1357 : vector<16xf32>
        %sub3A_1359 = arith.subf %gather3A_1355, %gather3A_1354 : vector<16xf32>
        %mul3A_1360 = arith.mulf %sub3A_1314, %sub3A_1359 : vector<16xf32>
        %add3A_1361 = arith.addf %gather3A_1354, %mul3A_1360 : vector<16xf32>
        %sub3A_1362 = arith.subf %add3A_1361, %add3A_1358 : vector<16xf32>
        %mul3A_1363 = arith.mulf %sub3A_1312, %sub3A_1362 : vector<16xf32>
        %add3A_1364 = arith.addf %add3A_1358, %mul3A_1363 : vector<16xf32>
        %mul3A_1365 = arith.constant 4.800000e+01 : f32
        %mul3A_1366 = vector.broadcast %mul3A_1365 : f32 to vector<16xf32>
        %mul3A_1367 = arith.mulf %min3A_65, %mul3A_1366 : vector<16xf32>
        %mul3A_1368 = arith.constant 4.800000e+01 : f32
        %mul3A_1369 = vector.broadcast %mul3A_1368 : f32 to vector<16xf32>
        %mul3A_1370 = arith.mulf %min3A_73, %mul3A_1369 : vector<16xf32>
        %convert_element_type3A_1371 = arith.fptosi %mul3A_1367 : vector<16xf32> to vector<16xi32>
        %min3A_1372 = arith.constant 47 : i32
        %min3A_1373 = vector.broadcast %min3A_1372 : i32 to vector<16xi32>
        %min3A_1374 = arith.minsi %convert_element_type3A_1371, %min3A_1373 : vector<16xi32>
        %convert_element_type3A_1375 = arith.fptosi %mul3A_1370 : vector<16xf32> to vector<16xi32>
        %min3A_1376 = arith.constant 47 : i32
        %min3A_1377 = vector.broadcast %min3A_1376 : i32 to vector<16xi32>
        %min3A_1378 = arith.minsi %convert_element_type3A_1375, %min3A_1377 : vector<16xi32>
        %convert_element_type3A_1379 = arith.sitofp %min3A_1374 : vector<16xi32> to vector<16xf32>
        %sub3A_1380 = arith.subf %mul3A_1367, %convert_element_type3A_1379 : vector<16xf32>
        %convert_element_type3A_1381 = arith.sitofp %min3A_1378 : vector<16xi32> to vector<16xf32>
        %sub3A_1382 = arith.subf %mul3A_1370, %convert_element_type3A_1381 : vector<16xf32>
        %add3A_1383 = arith.constant 1 : i32
        %add3A_1384 = vector.broadcast %add3A_1383 : i32 to vector<16xi32>
        %add3A_1385 = arith.addi %min3A_1374, %add3A_1384 : vector<16xi32>
        %mul3A_1386 = arith.constant -1640531535 : i32
        %mul3A_1387 = vector.broadcast %mul3A_1386 : i32 to vector<16xi32>
        %mul3A_1388 = arith.muli %min3A_1378, %mul3A_1387 : vector<16xi32>
        %add3A_1389 = arith.constant -1640531535 : i32
        %add3A_1390 = vector.broadcast %add3A_1389 : i32 to vector<16xi32>
        %add3A_1391 = arith.addi %mul3A_1388, %add3A_1390 : vector<16xi32>
        %xor3A_1392 = arith.xori %min3A_1374, %mul3A_1388 : vector<16xi32>
        %and3A_1393 = arith.constant 1023 : i32
        %and3A_1394 = vector.broadcast %and3A_1393 : i32 to vector<16xi32>
        %and3A_1395 = arith.andi %xor3A_1392, %and3A_1394 : vector<16xi32>
        %add3A_1396 = arith.constant 16796 : i32
        %add3A_1397 = vector.broadcast %add3A_1396 : i32 to vector<16xi32>
        %add3A_1398 = arith.addi %and3A_1395, %add3A_1397 : vector<16xi32>
        %xor3A_1399 = arith.xori %min3A_1374, %add3A_1391 : vector<16xi32>
        %and3A_1400 = arith.constant 1023 : i32
        %and3A_1401 = vector.broadcast %and3A_1400 : i32 to vector<16xi32>
        %and3A_1402 = arith.andi %xor3A_1399, %and3A_1401 : vector<16xi32>
        %add3A_1403 = arith.constant 16796 : i32
        %add3A_1404 = vector.broadcast %add3A_1403 : i32 to vector<16xi32>
        %add3A_1405 = arith.addi %and3A_1402, %add3A_1404 : vector<16xi32>
        %xor3A_1406 = arith.xori %add3A_1385, %mul3A_1388 : vector<16xi32>
        %and3A_1407 = arith.constant 1023 : i32
        %and3A_1408 = vector.broadcast %and3A_1407 : i32 to vector<16xi32>
        %and3A_1409 = arith.andi %xor3A_1406, %and3A_1408 : vector<16xi32>
        %add3A_1410 = arith.constant 16796 : i32
        %add3A_1411 = vector.broadcast %add3A_1410 : i32 to vector<16xi32>
        %add3A_1412 = arith.addi %and3A_1409, %add3A_1411 : vector<16xi32>
        %xor3A_1413 = arith.xori %add3A_1385, %add3A_1391 : vector<16xi32>
        %and3A_1414 = arith.constant 1023 : i32
        %and3A_1415 = vector.broadcast %and3A_1414 : i32 to vector<16xi32>
        %and3A_1416 = arith.andi %xor3A_1413, %and3A_1415 : vector<16xi32>
        %add3A_1417 = arith.constant 16796 : i32
        %add3A_1418 = vector.broadcast %add3A_1417 : i32 to vector<16xi32>
        %add3A_1419 = arith.addi %and3A_1416, %add3A_1418 : vector<16xi32>
        %gather3A_1420 = tpu.vector_load_idx %arg7[%add3A_1398] : memref<38304xf32, #tpu.memory_space<vmem>>[vector<16xi32>], vector<16xf32>,
        %gather3A_1421 = tpu.vector_load_idx %arg7[%add3A_1405] : memref<38304xf32, #tpu.memory_space<vmem>>[vector<16xi32>], vector<16xf32>,
        %gather3A_1422 = tpu.vector_load_idx %arg7[%add3A_1412] : memref<38304xf32, #tpu.memory_space<vmem>>[vector<16xi32>], vector<16xf32>,
        %gather3A_1423 = tpu.vector_load_idx %arg7[%add3A_1419] : memref<38304xf32, #tpu.memory_space<vmem>>[vector<16xi32>], vector<16xf32>,
        %sub3A_1424 = arith.subf %gather3A_1421, %gather3A_1420 : vector<16xf32>
        %mul3A_1425 = arith.mulf %sub3A_1382, %sub3A_1424 : vector<16xf32>
        %add3A_1426 = arith.addf %gather3A_1420, %mul3A_1425 : vector<16xf32>
        %sub3A_1427 = arith.subf %gather3A_1423, %gather3A_1422 : vector<16xf32>
        %mul3A_1428 = arith.mulf %sub3A_1382, %sub3A_1427 : vector<16xf32>
        %add3A_1429 = arith.addf %gather3A_1422, %mul3A_1428 : vector<16xf32>
        %sub3A_1430 = arith.subf %add3A_1429, %add3A_1426 : vector<16xf32>
        %mul3A_1431 = arith.mulf %sub3A_1380, %sub3A_1430 : vector<16xf32>
        %add3A_1432 = arith.addf %add3A_1426, %mul3A_1431 : vector<16xf32>
        %mul3A_1433 = arith.constant 5.100000e+01 : f32
        %mul3A_1434 = vector.broadcast %mul3A_1433 : f32 to vector<16xf32>
        %mul3A_1435 = arith.mulf %min3A_65, %mul3A_1434 : vector<16xf32>
        %mul3A_1436 = arith.constant 5.100000e+01 : f32
        %mul3A_1437 = vector.broadcast %mul3A_1436 : f32 to vector<16xf32>
        %mul3A_1438 = arith.mulf %min3A_73, %mul3A_1437 : vector<16xf32>
        %convert_element_type3A_1439 = arith.fptosi %mul3A_1435 : vector<16xf32> to vector<16xi32>
        %min3A_1440 = arith.constant 50 : i32
        %min3A_1441 = vector.broadcast %min3A_1440 : i32 to vector<16xi32>
        %min3A_1442 = arith.minsi %convert_element_type3A_1439, %min3A_1441 : vector<16xi32>
        %convert_element_type3A_1443 = arith.fptosi %mul3A_1438 : vector<16xf32> to vector<16xi32>
        %min3A_1444 = arith.constant 50 : i32
        %min3A_1445 = vector.broadcast %min3A_1444 : i32 to vector<16xi32>
        %min3A_1446 = arith.minsi %convert_element_type3A_1443, %min3A_1445 : vector<16xi32>
        %convert_element_type3A_1447 = arith.sitofp %min3A_1442 : vector<16xi32> to vector<16xf32>
        %sub3A_1448 = arith.subf %mul3A_1435, %convert_element_type3A_1447 : vector<16xf32>
        %convert_element_type3A_1449 = arith.sitofp %min3A_1446 : vector<16xi32> to vector<16xf32>
        %sub3A_1450 = arith.subf %mul3A_1438, %convert_element_type3A_1449 : vector<16xf32>
        %add3A_1451 = arith.constant 1 : i32
        %add3A_1452 = vector.broadcast %add3A_1451 : i32 to vector<16xi32>
        %add3A_1453 = arith.addi %min3A_1442, %add3A_1452 : vector<16xi32>
        %mul3A_1454 = arith.constant -1640531535 : i32
        %mul3A_1455 = vector.broadcast %mul3A_1454 : i32 to vector<16xi32>
        %mul3A_1456 = arith.muli %min3A_1446, %mul3A_1455 : vector<16xi32>
        %add3A_1457 = arith.constant -1640531535 : i32
        %add3A_1458 = vector.broadcast %add3A_1457 : i32 to vector<16xi32>
        %add3A_1459 = arith.addi %mul3A_1456, %add3A_1458 : vector<16xi32>
        %xor3A_1460 = arith.xori %min3A_1442, %mul3A_1456 : vector<16xi32>
        %and3A_1461 = arith.constant 1023 : i32
        %and3A_1462 = vector.broadcast %and3A_1461 : i32 to vector<16xi32>
        %and3A_1463 = arith.andi %xor3A_1460, %and3A_1462 : vector<16xi32>
        %add3A_1464 = arith.constant 17820 : i32
        %add3A_1465 = vector.broadcast %add3A_1464 : i32 to vector<16xi32>
        %add3A_1466 = arith.addi %and3A_1463, %add3A_1465 : vector<16xi32>
        %xor3A_1467 = arith.xori %min3A_1442, %add3A_1459 : vector<16xi32>
        %and3A_1468 = arith.constant 1023 : i32
        %and3A_1469 = vector.broadcast %and3A_1468 : i32 to vector<16xi32>
        %and3A_1470 = arith.andi %xor3A_1467, %and3A_1469 : vector<16xi32>
        %add3A_1471 = arith.constant 17820 : i32
        %add3A_1472 = vector.broadcast %add3A_1471 : i32 to vector<16xi32>
        %add3A_1473 = arith.addi %and3A_1470, %add3A_1472 : vector<16xi32>
        %xor3A_1474 = arith.xori %add3A_1453, %mul3A_1456 : vector<16xi32>
        %and3A_1475 = arith.constant 1023 : i32
        %and3A_1476 = vector.broadcast %and3A_1475 : i32 to vector<16xi32>
        %and3A_1477 = arith.andi %xor3A_1474, %and3A_1476 : vector<16xi32>
        %add3A_1478 = arith.constant 17820 : i32
        %add3A_1479 = vector.broadcast %add3A_1478 : i32 to vector<16xi32>
        %add3A_1480 = arith.addi %and3A_1477, %add3A_1479 : vector<16xi32>
        %xor3A_1481 = arith.xori %add3A_1453, %add3A_1459 : vector<16xi32>
        %and3A_1482 = arith.constant 1023 : i32
        %and3A_1483 = vector.broadcast %and3A_1482 : i32 to vector<16xi32>
        %and3A_1484 = arith.andi %xor3A_1481, %and3A_1483 : vector<16xi32>
        %add3A_1485 = arith.constant 17820 : i32
        %add3A_1486 = vector.broadcast %add3A_1485 : i32 to vector<16xi32>
        %add3A_1487 = arith.addi %and3A_1484, %add3A_1486 : vector<16xi32>
        %gather3A_1488 = tpu.vector_load_idx %arg7[%add3A_1466] : memref<38304xf32, #tpu.memory_space<vmem>>[vector<16xi32>], vector<16xf32>,
        %gather3A_1489 = tpu.vector_load_idx %arg7[%add3A_1473] : memref<38304xf32, #tpu.memory_space<vmem>>[vector<16xi32>], vector<16xf32>,
        %gather3A_1490 = tpu.vector_load_idx %arg7[%add3A_1480] : memref<38304xf32, #tpu.memory_space<vmem>>[vector<16xi32>], vector<16xf32>,
        %gather3A_1491 = tpu.vector_load_idx %arg7[%add3A_1487] : memref<38304xf32, #tpu.memory_space<vmem>>[vector<16xi32>], vector<16xf32>,
        %sub3A_1492 = arith.subf %gather3A_1489, %gather3A_1488 : vector<16xf32>
        %mul3A_1493 = arith.mulf %sub3A_1450, %sub3A_1492 : vector<16xf32>
        %add3A_1494 = arith.addf %gather3A_1488, %mul3A_1493 : vector<16xf32>
        %sub3A_1495 = arith.subf %gather3A_1491, %gather3A_1490 : vector<16xf32>
        %mul3A_1496 = arith.mulf %sub3A_1450, %sub3A_1495 : vector<16xf32>
        %add3A_1497 = arith.addf %gather3A_1490, %mul3A_1496 : vector<16xf32>
        %sub3A_1498 = arith.subf %add3A_1497, %add3A_1494 : vector<16xf32>
        %mul3A_1499 = arith.mulf %sub3A_1448, %sub3A_1498 : vector<16xf32>
        %add3A_1500 = arith.addf %add3A_1494, %mul3A_1499 : vector<16xf32>
        %mul3A_1501 = arith.constant 5.300000e+01 : f32
        %mul3A_1502 = vector.broadcast %mul3A_1501 : f32 to vector<16xf32>
        %mul3A_1503 = arith.mulf %min3A_65, %mul3A_1502 : vector<16xf32>
        %mul3A_1504 = arith.constant 5.300000e+01 : f32
        %mul3A_1505 = vector.broadcast %mul3A_1504 : f32 to vector<16xf32>
        %mul3A_1506 = arith.mulf %min3A_73, %mul3A_1505 : vector<16xf32>
        %convert_element_type3A_1507 = arith.fptosi %mul3A_1503 : vector<16xf32> to vector<16xi32>
        %min3A_1508 = arith.constant 52 : i32
        %min3A_1509 = vector.broadcast %min3A_1508 : i32 to vector<16xi32>
        %min3A_1510 = arith.minsi %convert_element_type3A_1507, %min3A_1509 : vector<16xi32>
        %convert_element_type3A_1511 = arith.fptosi %mul3A_1506 : vector<16xf32> to vector<16xi32>
        %min3A_1512 = arith.constant 52 : i32
        %min3A_1513 = vector.broadcast %min3A_1512 : i32 to vector<16xi32>
        %min3A_1514 = arith.minsi %convert_element_type3A_1511, %min3A_1513 : vector<16xi32>
        %convert_element_type3A_1515 = arith.sitofp %min3A_1510 : vector<16xi32> to vector<16xf32>
        %sub3A_1516 = arith.subf %mul3A_1503, %convert_element_type3A_1515 : vector<16xf32>
        %convert_element_type3A_1517 = arith.sitofp %min3A_1514 : vector<16xi32> to vector<16xf32>
        %sub3A_1518 = arith.subf %mul3A_1506, %convert_element_type3A_1517 : vector<16xf32>
        %add3A_1519 = arith.constant 1 : i32
        %add3A_1520 = vector.broadcast %add3A_1519 : i32 to vector<16xi32>
        %add3A_1521 = arith.addi %min3A_1510, %add3A_1520 : vector<16xi32>
        %mul3A_1522 = arith.constant -1640531535 : i32
        %mul3A_1523 = vector.broadcast %mul3A_1522 : i32 to vector<16xi32>
        %mul3A_1524 = arith.muli %min3A_1514, %mul3A_1523 : vector<16xi32>
        %add3A_1525 = arith.constant -1640531535 : i32
        %add3A_1526 = vector.broadcast %add3A_1525 : i32 to vector<16xi32>
        %add3A_1527 = arith.addi %mul3A_1524, %add3A_1526 : vector<16xi32>
        %xor3A_1528 = arith.xori %min3A_1510, %mul3A_1524 : vector<16xi32>
        %and3A_1529 = arith.constant 1023 : i32
        %and3A_1530 = vector.broadcast %and3A_1529 : i32 to vector<16xi32>
        %and3A_1531 = arith.andi %xor3A_1528, %and3A_1530 : vector<16xi32>
        %add3A_1532 = arith.constant 18844 : i32
        %add3A_1533 = vector.broadcast %add3A_1532 : i32 to vector<16xi32>
        %add3A_1534 = arith.addi %and3A_1531, %add3A_1533 : vector<16xi32>
        %xor3A_1535 = arith.xori %min3A_1510, %add3A_1527 : vector<16xi32>
        %and3A_1536 = arith.constant 1023 : i32
        %and3A_1537 = vector.broadcast %and3A_1536 : i32 to vector<16xi32>
        %and3A_1538 = arith.andi %xor3A_1535, %and3A_1537 : vector<16xi32>
        %add3A_1539 = arith.constant 18844 : i32
        %add3A_1540 = vector.broadcast %add3A_1539 : i32 to vector<16xi32>
        %add3A_1541 = arith.addi %and3A_1538, %add3A_1540 : vector<16xi32>
        %xor3A_1542 = arith.xori %add3A_1521, %mul3A_1524 : vector<16xi32>
        %and3A_1543 = arith.constant 1023 : i32
        %and3A_1544 = vector.broadcast %and3A_1543 : i32 to vector<16xi32>
        %and3A_1545 = arith.andi %xor3A_1542, %and3A_1544 : vector<16xi32>
        %add3A_1546 = arith.constant 18844 : i32
        %add3A_1547 = vector.broadcast %add3A_1546 : i32 to vector<16xi32>
        %add3A_1548 = arith.addi %and3A_1545, %add3A_1547 : vector<16xi32>
        %xor3A_1549 = arith.xori %add3A_1521, %add3A_1527 : vector<16xi32>
        %and3A_1550 = arith.constant 1023 : i32
        %and3A_1551 = vector.broadcast %and3A_1550 : i32 to vector<16xi32>
        %and3A_1552 = arith.andi %xor3A_1549, %and3A_1551 : vector<16xi32>
        %add3A_1553 = arith.constant 18844 : i32
        %add3A_1554 = vector.broadcast %add3A_1553 : i32 to vector<16xi32>
        %add3A_1555 = arith.addi %and3A_1552, %add3A_1554 : vector<16xi32>
        %gather3A_1556 = tpu.vector_load_idx %arg7[%add3A_1534] : memref<38304xf32, #tpu.memory_space<vmem>>[vector<16xi32>], vector<16xf32>,
        %gather3A_1557 = tpu.vector_load_idx %arg7[%add3A_1541] : memref<38304xf32, #tpu.memory_space<vmem>>[vector<16xi32>], vector<16xf32>,
        %gather3A_1558 = tpu.vector_load_idx %arg7[%add3A_1548] : memref<38304xf32, #tpu.memory_space<vmem>>[vector<16xi32>], vector<16xf32>,
        %gather3A_1559 = tpu.vector_load_idx %arg7[%add3A_1555] : memref<38304xf32, #tpu.memory_space<vmem>>[vector<16xi32>], vector<16xf32>,
        %sub3A_1560 = arith.subf %gather3A_1557, %gather3A_1556 : vector<16xf32>
        %mul3A_1561 = arith.mulf %sub3A_1518, %sub3A_1560 : vector<16xf32>
        %add3A_1562 = arith.addf %gather3A_1556, %mul3A_1561 : vector<16xf32>
        %sub3A_1563 = arith.subf %gather3A_1559, %gather3A_1558 : vector<16xf32>
        %mul3A_1564 = arith.mulf %sub3A_1518, %sub3A_1563 : vector<16xf32>
        %add3A_1565 = arith.addf %gather3A_1558, %mul3A_1564 : vector<16xf32>
        %sub3A_1566 = arith.subf %add3A_1565, %add3A_1562 : vector<16xf32>
        %mul3A_1567 = arith.mulf %sub3A_1516, %sub3A_1566 : vector<16xf32>
        %add3A_1568 = arith.addf %add3A_1562, %mul3A_1567 : vector<16xf32>
        %mul3A_1569 = arith.constant 5.600000e+01 : f32
        %mul3A_1570 = vector.broadcast %mul3A_1569 : f32 to vector<16xf32>
        %mul3A_1571 = arith.mulf %min3A_65, %mul3A_1570 : vector<16xf32>
        %mul3A_1572 = arith.constant 5.600000e+01 : f32
        %mul3A_1573 = vector.broadcast %mul3A_1572 : f32 to vector<16xf32>
        %mul3A_1574 = arith.mulf %min3A_73, %mul3A_1573 : vector<16xf32>
        %convert_element_type3A_1575 = arith.fptosi %mul3A_1571 : vector<16xf32> to vector<16xi32>
        %min3A_1576 = arith.constant 55 : i32
        %min3A_1577 = vector.broadcast %min3A_1576 : i32 to vector<16xi32>
        %min3A_1578 = arith.minsi %convert_element_type3A_1575, %min3A_1577 : vector<16xi32>
        %convert_element_type3A_1579 = arith.fptosi %mul3A_1574 : vector<16xf32> to vector<16xi32>
        %min3A_1580 = arith.constant 55 : i32
        %min3A_1581 = vector.broadcast %min3A_1580 : i32 to vector<16xi32>
        %min3A_1582 = arith.minsi %convert_element_type3A_1579, %min3A_1581 : vector<16xi32>
        %convert_element_type3A_1583 = arith.sitofp %min3A_1578 : vector<16xi32> to vector<16xf32>
        %sub3A_1584 = arith.subf %mul3A_1571, %convert_element_type3A_1583 : vector<16xf32>
        %convert_element_type3A_1585 = arith.sitofp %min3A_1582 : vector<16xi32> to vector<16xf32>
        %sub3A_1586 = arith.subf %mul3A_1574, %convert_element_type3A_1585 : vector<16xf32>
        %add3A_1587 = arith.constant 1 : i32
        %add3A_1588 = vector.broadcast %add3A_1587 : i32 to vector<16xi32>
        %add3A_1589 = arith.addi %min3A_1578, %add3A_1588 : vector<16xi32>
        %mul3A_1590 = arith.constant -1640531535 : i32
        %mul3A_1591 = vector.broadcast %mul3A_1590 : i32 to vector<16xi32>
        %mul3A_1592 = arith.muli %min3A_1582, %mul3A_1591 : vector<16xi32>
        %add3A_1593 = arith.constant -1640531535 : i32
        %add3A_1594 = vector.broadcast %add3A_1593 : i32 to vector<16xi32>
        %add3A_1595 = arith.addi %mul3A_1592, %add3A_1594 : vector<16xi32>
        %xor3A_1596 = arith.xori %min3A_1578, %mul3A_1592 : vector<16xi32>
        %and3A_1597 = arith.constant 1023 : i32
        %and3A_1598 = vector.broadcast %and3A_1597 : i32 to vector<16xi32>
        %and3A_1599 = arith.andi %xor3A_1596, %and3A_1598 : vector<16xi32>
        %add3A_1600 = arith.constant 19868 : i32
        %add3A_1601 = vector.broadcast %add3A_1600 : i32 to vector<16xi32>
        %add3A_1602 = arith.addi %and3A_1599, %add3A_1601 : vector<16xi32>
        %xor3A_1603 = arith.xori %min3A_1578, %add3A_1595 : vector<16xi32>
        %and3A_1604 = arith.constant 1023 : i32
        %and3A_1605 = vector.broadcast %and3A_1604 : i32 to vector<16xi32>
        %and3A_1606 = arith.andi %xor3A_1603, %and3A_1605 : vector<16xi32>
        %add3A_1607 = arith.constant 19868 : i32
        %add3A_1608 = vector.broadcast %add3A_1607 : i32 to vector<16xi32>
        %add3A_1609 = arith.addi %and3A_1606, %add3A_1608 : vector<16xi32>
        %xor3A_1610 = arith.xori %add3A_1589, %mul3A_1592 : vector<16xi32>
        %and3A_1611 = arith.constant 1023 : i32
        %and3A_1612 = vector.broadcast %and3A_1611 : i32 to vector<16xi32>
        %and3A_1613 = arith.andi %xor3A_1610, %and3A_1612 : vector<16xi32>
        %add3A_1614 = arith.constant 19868 : i32
        %add3A_1615 = vector.broadcast %add3A_1614 : i32 to vector<16xi32>
        %add3A_1616 = arith.addi %and3A_1613, %add3A_1615 : vector<16xi32>
        %xor3A_1617 = arith.xori %add3A_1589, %add3A_1595 : vector<16xi32>
        %and3A_1618 = arith.constant 1023 : i32
        %and3A_1619 = vector.broadcast %and3A_1618 : i32 to vector<16xi32>
        %and3A_1620 = arith.andi %xor3A_1617, %and3A_1619 : vector<16xi32>
        %add3A_1621 = arith.constant 19868 : i32
        %add3A_1622 = vector.broadcast %add3A_1621 : i32 to vector<16xi32>
        %add3A_1623 = arith.addi %and3A_1620, %add3A_1622 : vector<16xi32>
        %gather3A_1624 = tpu.vector_load_idx %arg7[%add3A_1602] : memref<38304xf32, #tpu.memory_space<vmem>>[vector<16xi32>], vector<16xf32>,
        %gather3A_1625 = tpu.vector_load_idx %arg7[%add3A_1609] : memref<38304xf32, #tpu.memory_space<vmem>>[vector<16xi32>], vector<16xf32>,
        %gather3A_1626 = tpu.vector_load_idx %arg7[%add3A_1616] : memref<38304xf32, #tpu.memory_space<vmem>>[vector<16xi32>], vector<16xf32>,
        %gather3A_1627 = tpu.vector_load_idx %arg7[%add3A_1623] : memref<38304xf32, #tpu.memory_space<vmem>>[vector<16xi32>], vector<16xf32>,
        %sub3A_1628 = arith.subf %gather3A_1625, %gather3A_1624 : vector<16xf32>
        %mul3A_1629 = arith.mulf %sub3A_1586, %sub3A_1628 : vector<16xf32>
        %add3A_1630 = arith.addf %gather3A_1624, %mul3A_1629 : vector<16xf32>
        %sub3A_1631 = arith.subf %gather3A_1627, %gather3A_1626 : vector<16xf32>
        %mul3A_1632 = arith.mulf %sub3A_1586, %sub3A_1631 : vector<16xf32>
        %add3A_1633 = arith.addf %gather3A_1626, %mul3A_1632 : vector<16xf32>
        %sub3A_1634 = arith.subf %add3A_1633, %add3A_1630 : vector<16xf32>
        %mul3A_1635 = arith.mulf %sub3A_1584, %sub3A_1634 : vector<16xf32>
        %add3A_1636 = arith.addf %add3A_1630, %mul3A_1635 : vector<16xf32>
        %mul3A_1637 = arith.constant 5.900000e+01 : f32
        %mul3A_1638 = vector.broadcast %mul3A_1637 : f32 to vector<16xf32>
        %mul3A_1639 = arith.mulf %min3A_65, %mul3A_1638 : vector<16xf32>
        %mul3A_1640 = arith.constant 5.900000e+01 : f32
        %mul3A_1641 = vector.broadcast %mul3A_1640 : f32 to vector<16xf32>
        %mul3A_1642 = arith.mulf %min3A_73, %mul3A_1641 : vector<16xf32>
        %convert_element_type3A_1643 = arith.fptosi %mul3A_1639 : vector<16xf32> to vector<16xi32>
        %min3A_1644 = arith.constant 58 : i32
        %min3A_1645 = vector.broadcast %min3A_1644 : i32 to vector<16xi32>
        %min3A_1646 = arith.minsi %convert_element_type3A_1643, %min3A_1645 : vector<16xi32>
        %convert_element_type3A_1647 = arith.fptosi %mul3A_1642 : vector<16xf32> to vector<16xi32>
        %min3A_1648 = arith.constant 58 : i32
        %min3A_1649 = vector.broadcast %min3A_1648 : i32 to vector<16xi32>
        %min3A_1650 = arith.minsi %convert_element_type3A_1647, %min3A_1649 : vector<16xi32>
        %convert_element_type3A_1651 = arith.sitofp %min3A_1646 : vector<16xi32> to vector<16xf32>
        %sub3A_1652 = arith.subf %mul3A_1639, %convert_element_type3A_1651 : vector<16xf32>
        %convert_element_type3A_1653 = arith.sitofp %min3A_1650 : vector<16xi32> to vector<16xf32>
        %sub3A_1654 = arith.subf %mul3A_1642, %convert_element_type3A_1653 : vector<16xf32>
        %add3A_1655 = arith.constant 1 : i32
        %add3A_1656 = vector.broadcast %add3A_1655 : i32 to vector<16xi32>
        %add3A_1657 = arith.addi %min3A_1646, %add3A_1656 : vector<16xi32>
        %mul3A_1658 = arith.constant -1640531535 : i32
        %mul3A_1659 = vector.broadcast %mul3A_1658 : i32 to vector<16xi32>
        %mul3A_1660 = arith.muli %min3A_1650, %mul3A_1659 : vector<16xi32>
        %add3A_1661 = arith.constant -1640531535 : i32
        %add3A_1662 = vector.broadcast %add3A_1661 : i32 to vector<16xi32>
        %add3A_1663 = arith.addi %mul3A_1660, %add3A_1662 : vector<16xi32>
        %xor3A_1664 = arith.xori %min3A_1646, %mul3A_1660 : vector<16xi32>
        %and3A_1665 = arith.constant 1023 : i32
        %and3A_1666 = vector.broadcast %and3A_1665 : i32 to vector<16xi32>
        %and3A_1667 = arith.andi %xor3A_1664, %and3A_1666 : vector<16xi32>
        %add3A_1668 = arith.constant 20892 : i32
        %add3A_1669 = vector.broadcast %add3A_1668 : i32 to vector<16xi32>
        %add3A_1670 = arith.addi %and3A_1667, %add3A_1669 : vector<16xi32>
        %xor3A_1671 = arith.xori %min3A_1646, %add3A_1663 : vector<16xi32>
        %and3A_1672 = arith.constant 1023 : i32
        %and3A_1673 = vector.broadcast %and3A_1672 : i32 to vector<16xi32>
        %and3A_1674 = arith.andi %xor3A_1671, %and3A_1673 : vector<16xi32>
        %add3A_1675 = arith.constant 20892 : i32
        %add3A_1676 = vector.broadcast %add3A_1675 : i32 to vector<16xi32>
        %add3A_1677 = arith.addi %and3A_1674, %add3A_1676 : vector<16xi32>
        %xor3A_1678 = arith.xori %add3A_1657, %mul3A_1660 : vector<16xi32>
        %and3A_1679 = arith.constant 1023 : i32
        %and3A_1680 = vector.broadcast %and3A_1679 : i32 to vector<16xi32>
        %and3A_1681 = arith.andi %xor3A_1678, %and3A_1680 : vector<16xi32>
        %add3A_1682 = arith.constant 20892 : i32
        %add3A_1683 = vector.broadcast %add3A_1682 : i32 to vector<16xi32>
        %add3A_1684 = arith.addi %and3A_1681, %add3A_1683 : vector<16xi32>
        %xor3A_1685 = arith.xori %add3A_1657, %add3A_1663 : vector<16xi32>
        %and3A_1686 = arith.constant 1023 : i32
        %and3A_1687 = vector.broadcast %and3A_1686 : i32 to vector<16xi32>
        %and3A_1688 = arith.andi %xor3A_1685, %and3A_1687 : vector<16xi32>
        %add3A_1689 = arith.constant 20892 : i32
        %add3A_1690 = vector.broadcast %add3A_1689 : i32 to vector<16xi32>
        %add3A_1691 = arith.addi %and3A_1688, %add3A_1690 : vector<16xi32>
        %gather3A_1692 = tpu.vector_load_idx %arg7[%add3A_1670] : memref<38304xf32, #tpu.memory_space<vmem>>[vector<16xi32>], vector<16xf32>,
        %gather3A_1693 = tpu.vector_load_idx %arg7[%add3A_1677] : memref<38304xf32, #tpu.memory_space<vmem>>[vector<16xi32>], vector<16xf32>,
        %gather3A_1694 = tpu.vector_load_idx %arg7[%add3A_1684] : memref<38304xf32, #tpu.memory_space<vmem>>[vector<16xi32>], vector<16xf32>,
        %gather3A_1695 = tpu.vector_load_idx %arg7[%add3A_1691] : memref<38304xf32, #tpu.memory_space<vmem>>[vector<16xi32>], vector<16xf32>,
        %sub3A_1696 = arith.subf %gather3A_1693, %gather3A_1692 : vector<16xf32>
        %mul3A_1697 = arith.mulf %sub3A_1654, %sub3A_1696 : vector<16xf32>
        %add3A_1698 = arith.addf %gather3A_1692, %mul3A_1697 : vector<16xf32>
        %sub3A_1699 = arith.subf %gather3A_1695, %gather3A_1694 : vector<16xf32>
        %mul3A_1700 = arith.mulf %sub3A_1654, %sub3A_1699 : vector<16xf32>
        %add3A_1701 = arith.addf %gather3A_1694, %mul3A_1700 : vector<16xf32>
        %sub3A_1702 = arith.subf %add3A_1701, %add3A_1698 : vector<16xf32>
        %mul3A_1703 = arith.mulf %sub3A_1652, %sub3A_1702 : vector<16xf32>
        %add3A_1704 = arith.addf %add3A_1698, %mul3A_1703 : vector<16xf32>
        %mul3A_1705 = arith.constant 6.100000e+01 : f32
        %mul3A_1706 = vector.broadcast %mul3A_1705 : f32 to vector<16xf32>
        %mul3A_1707 = arith.mulf %min3A_65, %mul3A_1706 : vector<16xf32>
        %mul3A_1708 = arith.constant 6.100000e+01 : f32
        %mul3A_1709 = vector.broadcast %mul3A_1708 : f32 to vector<16xf32>
        %mul3A_1710 = arith.mulf %min3A_73, %mul3A_1709 : vector<16xf32>
        %convert_element_type3A_1711 = arith.fptosi %mul3A_1707 : vector<16xf32> to vector<16xi32>
        %min3A_1712 = arith.constant 60 : i32
        %min3A_1713 = vector.broadcast %min3A_1712 : i32 to vector<16xi32>
        %min3A_1714 = arith.minsi %convert_element_type3A_1711, %min3A_1713 : vector<16xi32>
        %convert_element_type3A_1715 = arith.fptosi %mul3A_1710 : vector<16xf32> to vector<16xi32>
        %min3A_1716 = arith.constant 60 : i32
        %min3A_1717 = vector.broadcast %min3A_1716 : i32 to vector<16xi32>
        %min3A_1718 = arith.minsi %convert_element_type3A_1715, %min3A_1717 : vector<16xi32>
        %convert_element_type3A_1719 = arith.sitofp %min3A_1714 : vector<16xi32> to vector<16xf32>
        %sub3A_1720 = arith.subf %mul3A_1707, %convert_element_type3A_1719 : vector<16xf32>
        %convert_element_type3A_1721 = arith.sitofp %min3A_1718 : vector<16xi32> to vector<16xf32>
        %sub3A_1722 = arith.subf %mul3A_1710, %convert_element_type3A_1721 : vector<16xf32>
        %add3A_1723 = arith.constant 1 : i32
        %add3A_1724 = vector.broadcast %add3A_1723 : i32 to vector<16xi32>
        %add3A_1725 = arith.addi %min3A_1714, %add3A_1724 : vector<16xi32>
        %mul3A_1726 = arith.constant -1640531535 : i32
        %mul3A_1727 = vector.broadcast %mul3A_1726 : i32 to vector<16xi32>
        %mul3A_1728 = arith.muli %min3A_1718, %mul3A_1727 : vector<16xi32>
        %add3A_1729 = arith.constant -1640531535 : i32
        %add3A_1730 = vector.broadcast %add3A_1729 : i32 to vector<16xi32>
        %add3A_1731 = arith.addi %mul3A_1728, %add3A_1730 : vector<16xi32>
        %xor3A_1732 = arith.xori %min3A_1714, %mul3A_1728 : vector<16xi32>
        %and3A_1733 = arith.constant 1023 : i32
        %and3A_1734 = vector.broadcast %and3A_1733 : i32 to vector<16xi32>
        %and3A_1735 = arith.andi %xor3A_1732, %and3A_1734 : vector<16xi32>
        %add3A_1736 = arith.constant 21916 : i32
        %add3A_1737 = vector.broadcast %add3A_1736 : i32 to vector<16xi32>
        %add3A_1738 = arith.addi %and3A_1735, %add3A_1737 : vector<16xi32>
        %xor3A_1739 = arith.xori %min3A_1714, %add3A_1731 : vector<16xi32>
        %and3A_1740 = arith.constant 1023 : i32
        %and3A_1741 = vector.broadcast %and3A_1740 : i32 to vector<16xi32>
        %and3A_1742 = arith.andi %xor3A_1739, %and3A_1741 : vector<16xi32>
        %add3A_1743 = arith.constant 21916 : i32
        %add3A_1744 = vector.broadcast %add3A_1743 : i32 to vector<16xi32>
        %add3A_1745 = arith.addi %and3A_1742, %add3A_1744 : vector<16xi32>
        %xor3A_1746 = arith.xori %add3A_1725, %mul3A_1728 : vector<16xi32>
        %and3A_1747 = arith.constant 1023 : i32
        %and3A_1748 = vector.broadcast %and3A_1747 : i32 to vector<16xi32>
        %and3A_1749 = arith.andi %xor3A_1746, %and3A_1748 : vector<16xi32>
        %add3A_1750 = arith.constant 21916 : i32
        %add3A_1751 = vector.broadcast %add3A_1750 : i32 to vector<16xi32>
        %add3A_1752 = arith.addi %and3A_1749, %add3A_1751 : vector<16xi32>
        %xor3A_1753 = arith.xori %add3A_1725, %add3A_1731 : vector<16xi32>
        %and3A_1754 = arith.constant 1023 : i32
        %and3A_1755 = vector.broadcast %and3A_1754 : i32 to vector<16xi32>
        %and3A_1756 = arith.andi %xor3A_1753, %and3A_1755 : vector<16xi32>
        %add3A_1757 = arith.constant 21916 : i32
        %add3A_1758 = vector.broadcast %add3A_1757 : i32 to vector<16xi32>
        %add3A_1759 = arith.addi %and3A_1756, %add3A_1758 : vector<16xi32>
        %gather3A_1760 = tpu.vector_load_idx %arg7[%add3A_1738] : memref<38304xf32, #tpu.memory_space<vmem>>[vector<16xi32>], vector<16xf32>,
        %gather3A_1761 = tpu.vector_load_idx %arg7[%add3A_1745] : memref<38304xf32, #tpu.memory_space<vmem>>[vector<16xi32>], vector<16xf32>,
        %gather3A_1762 = tpu.vector_load_idx %arg7[%add3A_1752] : memref<38304xf32, #tpu.memory_space<vmem>>[vector<16xi32>], vector<16xf32>,
        %gather3A_1763 = tpu.vector_load_idx %arg7[%add3A_1759] : memref<38304xf32, #tpu.memory_space<vmem>>[vector<16xi32>], vector<16xf32>,
        %sub3A_1764 = arith.subf %gather3A_1761, %gather3A_1760 : vector<16xf32>
        %mul3A_1765 = arith.mulf %sub3A_1722, %sub3A_1764 : vector<16xf32>
        %add3A_1766 = arith.addf %gather3A_1760, %mul3A_1765 : vector<16xf32>
        %sub3A_1767 = arith.subf %gather3A_1763, %gather3A_1762 : vector<16xf32>
        %mul3A_1768 = arith.mulf %sub3A_1722, %sub3A_1767 : vector<16xf32>
        %add3A_1769 = arith.addf %gather3A_1762, %mul3A_1768 : vector<16xf32>
        %sub3A_1770 = arith.subf %add3A_1769, %add3A_1766 : vector<16xf32>
        %mul3A_1771 = arith.mulf %sub3A_1720, %sub3A_1770 : vector<16xf32>
        %add3A_1772 = arith.addf %add3A_1766, %mul3A_1771 : vector<16xf32>
        %mul3A_1773 = arith.constant 6.500000e+01 : f32
        %mul3A_1774 = vector.broadcast %mul3A_1773 : f32 to vector<16xf32>
        %mul3A_1775 = arith.mulf %min3A_65, %mul3A_1774 : vector<16xf32>
        %mul3A_1776 = arith.constant 6.500000e+01 : f32
        %mul3A_1777 = vector.broadcast %mul3A_1776 : f32 to vector<16xf32>
        %mul3A_1778 = arith.mulf %min3A_73, %mul3A_1777 : vector<16xf32>
        %convert_element_type3A_1779 = arith.fptosi %mul3A_1775 : vector<16xf32> to vector<16xi32>
        %min3A_1780 = arith.constant 64 : i32
        %min3A_1781 = vector.broadcast %min3A_1780 : i32 to vector<16xi32>
        %min3A_1782 = arith.minsi %convert_element_type3A_1779, %min3A_1781 : vector<16xi32>
        %convert_element_type3A_1783 = arith.fptosi %mul3A_1778 : vector<16xf32> to vector<16xi32>
        %min3A_1784 = arith.constant 64 : i32
        %min3A_1785 = vector.broadcast %min3A_1784 : i32 to vector<16xi32>
        %min3A_1786 = arith.minsi %convert_element_type3A_1783, %min3A_1785 : vector<16xi32>
        %convert_element_type3A_1787 = arith.sitofp %min3A_1782 : vector<16xi32> to vector<16xf32>
        %sub3A_1788 = arith.subf %mul3A_1775, %convert_element_type3A_1787 : vector<16xf32>
        %convert_element_type3A_1789 = arith.sitofp %min3A_1786 : vector<16xi32> to vector<16xf32>
        %sub3A_1790 = arith.subf %mul3A_1778, %convert_element_type3A_1789 : vector<16xf32>
        %add3A_1791 = arith.constant 1 : i32
        %add3A_1792 = vector.broadcast %add3A_1791 : i32 to vector<16xi32>
        %add3A_1793 = arith.addi %min3A_1782, %add3A_1792 : vector<16xi32>
        %mul3A_1794 = arith.constant -1640531535 : i32
        %mul3A_1795 = vector.broadcast %mul3A_1794 : i32 to vector<16xi32>
        %mul3A_1796 = arith.muli %min3A_1786, %mul3A_1795 : vector<16xi32>
        %add3A_1797 = arith.constant -1640531535 : i32
        %add3A_1798 = vector.broadcast %add3A_1797 : i32 to vector<16xi32>
        %add3A_1799 = arith.addi %mul3A_1796, %add3A_1798 : vector<16xi32>
        %xor3A_1800 = arith.xori %min3A_1782, %mul3A_1796 : vector<16xi32>
        %and3A_1801 = arith.constant 1023 : i32
        %and3A_1802 = vector.broadcast %and3A_1801 : i32 to vector<16xi32>
        %and3A_1803 = arith.andi %xor3A_1800, %and3A_1802 : vector<16xi32>
        %add3A_1804 = arith.constant 22940 : i32
        %add3A_1805 = vector.broadcast %add3A_1804 : i32 to vector<16xi32>
        %add3A_1806 = arith.addi %and3A_1803, %add3A_1805 : vector<16xi32>
        %xor3A_1807 = arith.xori %min3A_1782, %add3A_1799 : vector<16xi32>
        %and3A_1808 = arith.constant 1023 : i32
        %and3A_1809 = vector.broadcast %and3A_1808 : i32 to vector<16xi32>
        %and3A_1810 = arith.andi %xor3A_1807, %and3A_1809 : vector<16xi32>
        %add3A_1811 = arith.constant 22940 : i32
        %add3A_1812 = vector.broadcast %add3A_1811 : i32 to vector<16xi32>
        %add3A_1813 = arith.addi %and3A_1810, %add3A_1812 : vector<16xi32>
        %xor3A_1814 = arith.xori %add3A_1793, %mul3A_1796 : vector<16xi32>
        %and3A_1815 = arith.constant 1023 : i32
        %and3A_1816 = vector.broadcast %and3A_1815 : i32 to vector<16xi32>
        %and3A_1817 = arith.andi %xor3A_1814, %and3A_1816 : vector<16xi32>
        %add3A_1818 = arith.constant 22940 : i32
        %add3A_1819 = vector.broadcast %add3A_1818 : i32 to vector<16xi32>
        %add3A_1820 = arith.addi %and3A_1817, %add3A_1819 : vector<16xi32>
        %xor3A_1821 = arith.xori %add3A_1793, %add3A_1799 : vector<16xi32>
        %and3A_1822 = arith.constant 1023 : i32
        %and3A_1823 = vector.broadcast %and3A_1822 : i32 to vector<16xi32>
        %and3A_1824 = arith.andi %xor3A_1821, %and3A_1823 : vector<16xi32>
        %add3A_1825 = arith.constant 22940 : i32
        %add3A_1826 = vector.broadcast %add3A_1825 : i32 to vector<16xi32>
        %add3A_1827 = arith.addi %and3A_1824, %add3A_1826 : vector<16xi32>
        %gather3A_1828 = tpu.vector_load_idx %arg7[%add3A_1806] : memref<38304xf32, #tpu.memory_space<vmem>>[vector<16xi32>], vector<16xf32>,
        %gather3A_1829 = tpu.vector_load_idx %arg7[%add3A_1813] : memref<38304xf32, #tpu.memory_space<vmem>>[vector<16xi32>], vector<16xf32>,
        %gather3A_1830 = tpu.vector_load_idx %arg7[%add3A_1820] : memref<38304xf32, #tpu.memory_space<vmem>>[vector<16xi32>], vector<16xf32>,
        %gather3A_1831 = tpu.vector_load_idx %arg7[%add3A_1827] : memref<38304xf32, #tpu.memory_space<vmem>>[vector<16xi32>], vector<16xf32>,
        %sub3A_1832 = arith.subf %gather3A_1829, %gather3A_1828 : vector<16xf32>
        %mul3A_1833 = arith.mulf %sub3A_1790, %sub3A_1832 : vector<16xf32>
        %add3A_1834 = arith.addf %gather3A_1828, %mul3A_1833 : vector<16xf32>
        %sub3A_1835 = arith.subf %gather3A_1831, %gather3A_1830 : vector<16xf32>
        %mul3A_1836 = arith.mulf %sub3A_1790, %sub3A_1835 : vector<16xf32>
        %add3A_1837 = arith.addf %gather3A_1830, %mul3A_1836 : vector<16xf32>
        %sub3A_1838 = arith.subf %add3A_1837, %add3A_1834 : vector<16xf32>
        %mul3A_1839 = arith.mulf %sub3A_1788, %sub3A_1838 : vector<16xf32>
        %add3A_1840 = arith.addf %add3A_1834, %mul3A_1839 : vector<16xf32>
        %mul3A_1841 = arith.constant 6.800000e+01 : f32
        %mul3A_1842 = vector.broadcast %mul3A_1841 : f32 to vector<16xf32>
        %mul3A_1843 = arith.mulf %min3A_65, %mul3A_1842 : vector<16xf32>
        %mul3A_1844 = arith.constant 6.800000e+01 : f32
        %mul3A_1845 = vector.broadcast %mul3A_1844 : f32 to vector<16xf32>
        %mul3A_1846 = arith.mulf %min3A_73, %mul3A_1845 : vector<16xf32>
        %convert_element_type3A_1847 = arith.fptosi %mul3A_1843 : vector<16xf32> to vector<16xi32>
        %min3A_1848 = arith.constant 67 : i32
        %min3A_1849 = vector.broadcast %min3A_1848 : i32 to vector<16xi32>
        %min3A_1850 = arith.minsi %convert_element_type3A_1847, %min3A_1849 : vector<16xi32>
        %convert_element_type3A_1851 = arith.fptosi %mul3A_1846 : vector<16xf32> to vector<16xi32>
        %min3A_1852 = arith.constant 67 : i32
        %min3A_1853 = vector.broadcast %min3A_1852 : i32 to vector<16xi32>
        %min3A_1854 = arith.minsi %convert_element_type3A_1851, %min3A_1853 : vector<16xi32>
        %convert_element_type3A_1855 = arith.sitofp %min3A_1850 : vector<16xi32> to vector<16xf32>
        %sub3A_1856 = arith.subf %mul3A_1843, %convert_element_type3A_1855 : vector<16xf32>
        %convert_element_type3A_1857 = arith.sitofp %min3A_1854 : vector<16xi32> to vector<16xf32>
        %sub3A_1858 = arith.subf %mul3A_1846, %convert_element_type3A_1857 : vector<16xf32>
        %add3A_1859 = arith.constant 1 : i32
        %add3A_1860 = vector.broadcast %add3A_1859 : i32 to vector<16xi32>
        %add3A_1861 = arith.addi %min3A_1850, %add3A_1860 : vector<16xi32>
        %mul3A_1862 = arith.constant -1640531535 : i32
        %mul3A_1863 = vector.broadcast %mul3A_1862 : i32 to vector<16xi32>
        %mul3A_1864 = arith.muli %min3A_1854, %mul3A_1863 : vector<16xi32>
        %add3A_1865 = arith.constant -1640531535 : i32
        %add3A_1866 = vector.broadcast %add3A_1865 : i32 to vector<16xi32>
        %add3A_1867 = arith.addi %mul3A_1864, %add3A_1866 : vector<16xi32>
        %xor3A_1868 = arith.xori %min3A_1850, %mul3A_1864 : vector<16xi32>
        %and3A_1869 = arith.constant 1023 : i32
        %and3A_1870 = vector.broadcast %and3A_1869 : i32 to vector<16xi32>
        %and3A_1871 = arith.andi %xor3A_1868, %and3A_1870 : vector<16xi32>
        %add3A_1872 = arith.constant 23964 : i32
        %add3A_1873 = vector.broadcast %add3A_1872 : i32 to vector<16xi32>
        %add3A_1874 = arith.addi %and3A_1871, %add3A_1873 : vector<16xi32>
        %xor3A_1875 = arith.xori %min3A_1850, %add3A_1867 : vector<16xi32>
        %and3A_1876 = arith.constant 1023 : i32
        %and3A_1877 = vector.broadcast %and3A_1876 : i32 to vector<16xi32>
        %and3A_1878 = arith.andi %xor3A_1875, %and3A_1877 : vector<16xi32>
        %add3A_1879 = arith.constant 23964 : i32
        %add3A_1880 = vector.broadcast %add3A_1879 : i32 to vector<16xi32>
        %add3A_1881 = arith.addi %and3A_1878, %add3A_1880 : vector<16xi32>
        %xor3A_1882 = arith.xori %add3A_1861, %mul3A_1864 : vector<16xi32>
        %and3A_1883 = arith.constant 1023 : i32
        %and3A_1884 = vector.broadcast %and3A_1883 : i32 to vector<16xi32>
        %and3A_1885 = arith.andi %xor3A_1882, %and3A_1884 : vector<16xi32>
        %add3A_1886 = arith.constant 23964 : i32
        %add3A_1887 = vector.broadcast %add3A_1886 : i32 to vector<16xi32>
        %add3A_1888 = arith.addi %and3A_1885, %add3A_1887 : vector<16xi32>
        %xor3A_1889 = arith.xori %add3A_1861, %add3A_1867 : vector<16xi32>
        %and3A_1890 = arith.constant 1023 : i32
        %and3A_1891 = vector.broadcast %and3A_1890 : i32 to vector<16xi32>
        %and3A_1892 = arith.andi %xor3A_1889, %and3A_1891 : vector<16xi32>
        %add3A_1893 = arith.constant 23964 : i32
        %add3A_1894 = vector.broadcast %add3A_1893 : i32 to vector<16xi32>
        %add3A_1895 = arith.addi %and3A_1892, %add3A_1894 : vector<16xi32>
        %gather3A_1896 = tpu.vector_load_idx %arg7[%add3A_1874] : memref<38304xf32, #tpu.memory_space<vmem>>[vector<16xi32>], vector<16xf32>,
        %gather3A_1897 = tpu.vector_load_idx %arg7[%add3A_1881] : memref<38304xf32, #tpu.memory_space<vmem>>[vector<16xi32>], vector<16xf32>,
        %gather3A_1898 = tpu.vector_load_idx %arg7[%add3A_1888] : memref<38304xf32, #tpu.memory_space<vmem>>[vector<16xi32>], vector<16xf32>,
        %gather3A_1899 = tpu.vector_load_idx %arg7[%add3A_1895] : memref<38304xf32, #tpu.memory_space<vmem>>[vector<16xi32>], vector<16xf32>,
        %sub3A_1900 = arith.subf %gather3A_1897, %gather3A_1896 : vector<16xf32>
        %mul3A_1901 = arith.mulf %sub3A_1858, %sub3A_1900 : vector<16xf32>
        %add3A_1902 = arith.addf %gather3A_1896, %mul3A_1901 : vector<16xf32>
        %sub3A_1903 = arith.subf %gather3A_1899, %gather3A_1898 : vector<16xf32>
        %mul3A_1904 = arith.mulf %sub3A_1858, %sub3A_1903 : vector<16xf32>
        %add3A_1905 = arith.addf %gather3A_1898, %mul3A_1904 : vector<16xf32>
        %sub3A_1906 = arith.subf %add3A_1905, %add3A_1902 : vector<16xf32>
        %mul3A_1907 = arith.mulf %sub3A_1856, %sub3A_1906 : vector<16xf32>
        %add3A_1908 = arith.addf %add3A_1902, %mul3A_1907 : vector<16xf32>
        %mul3A_1909 = arith.constant 7.100000e+01 : f32
        %mul3A_1910 = vector.broadcast %mul3A_1909 : f32 to vector<16xf32>
        %mul3A_1911 = arith.mulf %min3A_65, %mul3A_1910 : vector<16xf32>
        %mul3A_1912 = arith.constant 7.100000e+01 : f32
        %mul3A_1913 = vector.broadcast %mul3A_1912 : f32 to vector<16xf32>
        %mul3A_1914 = arith.mulf %min3A_73, %mul3A_1913 : vector<16xf32>
        %convert_element_type3A_1915 = arith.fptosi %mul3A_1911 : vector<16xf32> to vector<16xi32>
        %min3A_1916 = arith.constant 70 : i32
        %min3A_1917 = vector.broadcast %min3A_1916 : i32 to vector<16xi32>
        %min3A_1918 = arith.minsi %convert_element_type3A_1915, %min3A_1917 : vector<16xi32>
        %convert_element_type3A_1919 = arith.fptosi %mul3A_1914 : vector<16xf32> to vector<16xi32>
        %min3A_1920 = arith.constant 70 : i32
        %min3A_1921 = vector.broadcast %min3A_1920 : i32 to vector<16xi32>
        %min3A_1922 = arith.minsi %convert_element_type3A_1919, %min3A_1921 : vector<16xi32>
        %convert_element_type3A_1923 = arith.sitofp %min3A_1918 : vector<16xi32> to vector<16xf32>
        %sub3A_1924 = arith.subf %mul3A_1911, %convert_element_type3A_1923 : vector<16xf32>
        %convert_element_type3A_1925 = arith.sitofp %min3A_1922 : vector<16xi32> to vector<16xf32>
        %sub3A_1926 = arith.subf %mul3A_1914, %convert_element_type3A_1925 : vector<16xf32>
        %add3A_1927 = arith.constant 1 : i32
        %add3A_1928 = vector.broadcast %add3A_1927 : i32 to vector<16xi32>
        %add3A_1929 = arith.addi %min3A_1918, %add3A_1928 : vector<16xi32>
        %mul3A_1930 = arith.constant -1640531535 : i32
        %mul3A_1931 = vector.broadcast %mul3A_1930 : i32 to vector<16xi32>
        %mul3A_1932 = arith.muli %min3A_1922, %mul3A_1931 : vector<16xi32>
        %add3A_1933 = arith.constant -1640531535 : i32
        %add3A_1934 = vector.broadcast %add3A_1933 : i32 to vector<16xi32>
        %add3A_1935 = arith.addi %mul3A_1932, %add3A_1934 : vector<16xi32>
        %xor3A_1936 = arith.xori %min3A_1918, %mul3A_1932 : vector<16xi32>
        %and3A_1937 = arith.constant 1023 : i32
        %and3A_1938 = vector.broadcast %and3A_1937 : i32 to vector<16xi32>
        %and3A_1939 = arith.andi %xor3A_1936, %and3A_1938 : vector<16xi32>
        %add3A_1940 = arith.constant 24988 : i32
        %add3A_1941 = vector.broadcast %add3A_1940 : i32 to vector<16xi32>
        %add3A_1942 = arith.addi %and3A_1939, %add3A_1941 : vector<16xi32>
        %xor3A_1943 = arith.xori %min3A_1918, %add3A_1935 : vector<16xi32>
        %and3A_1944 = arith.constant 1023 : i32
        %and3A_1945 = vector.broadcast %and3A_1944 : i32 to vector<16xi32>
        %and3A_1946 = arith.andi %xor3A_1943, %and3A_1945 : vector<16xi32>
        %add3A_1947 = arith.constant 24988 : i32
        %add3A_1948 = vector.broadcast %add3A_1947 : i32 to vector<16xi32>
        %add3A_1949 = arith.addi %and3A_1946, %add3A_1948 : vector<16xi32>
        %xor3A_1950 = arith.xori %add3A_1929, %mul3A_1932 : vector<16xi32>
        %and3A_1951 = arith.constant 1023 : i32
        %and3A_1952 = vector.broadcast %and3A_1951 : i32 to vector<16xi32>
        %and3A_1953 = arith.andi %xor3A_1950, %and3A_1952 : vector<16xi32>
        %add3A_1954 = arith.constant 24988 : i32
        %add3A_1955 = vector.broadcast %add3A_1954 : i32 to vector<16xi32>
        %add3A_1956 = arith.addi %and3A_1953, %add3A_1955 : vector<16xi32>
        %xor3A_1957 = arith.xori %add3A_1929, %add3A_1935 : vector<16xi32>
        %and3A_1958 = arith.constant 1023 : i32
        %and3A_1959 = vector.broadcast %and3A_1958 : i32 to vector<16xi32>
        %and3A_1960 = arith.andi %xor3A_1957, %and3A_1959 : vector<16xi32>
        %add3A_1961 = arith.constant 24988 : i32
        %add3A_1962 = vector.broadcast %add3A_1961 : i32 to vector<16xi32>
        %add3A_1963 = arith.addi %and3A_1960, %add3A_1962 : vector<16xi32>
        %gather3A_1964 = tpu.vector_load_idx %arg7[%add3A_1942] : memref<38304xf32, #tpu.memory_space<vmem>>[vector<16xi32>], vector<16xf32>,
        %gather3A_1965 = tpu.vector_load_idx %arg7[%add3A_1949] : memref<38304xf32, #tpu.memory_space<vmem>>[vector<16xi32>], vector<16xf32>,
        %gather3A_1966 = tpu.vector_load_idx %arg7[%add3A_1956] : memref<38304xf32, #tpu.memory_space<vmem>>[vector<16xi32>], vector<16xf32>,
        %gather3A_1967 = tpu.vector_load_idx %arg7[%add3A_1963] : memref<38304xf32, #tpu.memory_space<vmem>>[vector<16xi32>], vector<16xf32>,
        %sub3A_1968 = arith.subf %gather3A_1965, %gather3A_1964 : vector<16xf32>
        %mul3A_1969 = arith.mulf %sub3A_1926, %sub3A_1968 : vector<16xf32>
        %add3A_1970 = arith.addf %gather3A_1964, %mul3A_1969 : vector<16xf32>
        %sub3A_1971 = arith.subf %gather3A_1967, %gather3A_1966 : vector<16xf32>
        %mul3A_1972 = arith.mulf %sub3A_1926, %sub3A_1971 : vector<16xf32>
        %add3A_1973 = arith.addf %gather3A_1966, %mul3A_1972 : vector<16xf32>
        %sub3A_1974 = arith.subf %add3A_1973, %add3A_1970 : vector<16xf32>
        %mul3A_1975 = arith.mulf %sub3A_1924, %sub3A_1974 : vector<16xf32>
        %add3A_1976 = arith.addf %add3A_1970, %mul3A_1975 : vector<16xf32>
        %mul3A_1977 = arith.constant 7.500000e+01 : f32
        %mul3A_1978 = vector.broadcast %mul3A_1977 : f32 to vector<16xf32>
        %mul3A_1979 = arith.mulf %min3A_65, %mul3A_1978 : vector<16xf32>
        %mul3A_1980 = arith.constant 7.500000e+01 : f32
        %mul3A_1981 = vector.broadcast %mul3A_1980 : f32 to vector<16xf32>
        %mul3A_1982 = arith.mulf %min3A_73, %mul3A_1981 : vector<16xf32>
        %convert_element_type3A_1983 = arith.fptosi %mul3A_1979 : vector<16xf32> to vector<16xi32>
        %min3A_1984 = arith.constant 74 : i32
        %min3A_1985 = vector.broadcast %min3A_1984 : i32 to vector<16xi32>
        %min3A_1986 = arith.minsi %convert_element_type3A_1983, %min3A_1985 : vector<16xi32>
        %convert_element_type3A_1987 = arith.fptosi %mul3A_1982 : vector<16xf32> to vector<16xi32>
        %min3A_1988 = arith.constant 74 : i32
        %min3A_1989 = vector.broadcast %min3A_1988 : i32 to vector<16xi32>
        %min3A_1990 = arith.minsi %convert_element_type3A_1987, %min3A_1989 : vector<16xi32>
        %convert_element_type3A_1991 = arith.sitofp %min3A_1986 : vector<16xi32> to vector<16xf32>
        %sub3A_1992 = arith.subf %mul3A_1979, %convert_element_type3A_1991 : vector<16xf32>
        %convert_element_type3A_1993 = arith.sitofp %min3A_1990 : vector<16xi32> to vector<16xf32>
        %sub3A_1994 = arith.subf %mul3A_1982, %convert_element_type3A_1993 : vector<16xf32>
        %add3A_1995 = arith.constant 1 : i32
        %add3A_1996 = vector.broadcast %add3A_1995 : i32 to vector<16xi32>
        %add3A_1997 = arith.addi %min3A_1986, %add3A_1996 : vector<16xi32>
        %mul3A_1998 = arith.constant -1640531535 : i32
        %mul3A_1999 = vector.broadcast %mul3A_1998 : i32 to vector<16xi32>
        %mul3A_2000 = arith.muli %min3A_1990, %mul3A_1999 : vector<16xi32>
        %add3A_2001 = arith.constant -1640531535 : i32
        %add3A_2002 = vector.broadcast %add3A_2001 : i32 to vector<16xi32>
        %add3A_2003 = arith.addi %mul3A_2000, %add3A_2002 : vector<16xi32>
        %xor3A_2004 = arith.xori %min3A_1986, %mul3A_2000 : vector<16xi32>
        %and3A_2005 = arith.constant 1023 : i32
        %and3A_2006 = vector.broadcast %and3A_2005 : i32 to vector<16xi32>
        %and3A_2007 = arith.andi %xor3A_2004, %and3A_2006 : vector<16xi32>
        %add3A_2008 = arith.constant 26012 : i32
        %add3A_2009 = vector.broadcast %add3A_2008 : i32 to vector<16xi32>
        %add3A_2010 = arith.addi %and3A_2007, %add3A_2009 : vector<16xi32>
        %xor3A_2011 = arith.xori %min3A_1986, %add3A_2003 : vector<16xi32>
        %and3A_2012 = arith.constant 1023 : i32
        %and3A_2013 = vector.broadcast %and3A_2012 : i32 to vector<16xi32>
        %and3A_2014 = arith.andi %xor3A_2011, %and3A_2013 : vector<16xi32>
        %add3A_2015 = arith.constant 26012 : i32
        %add3A_2016 = vector.broadcast %add3A_2015 : i32 to vector<16xi32>
        %add3A_2017 = arith.addi %and3A_2014, %add3A_2016 : vector<16xi32>
        %xor3A_2018 = arith.xori %add3A_1997, %mul3A_2000 : vector<16xi32>
        %and3A_2019 = arith.constant 1023 : i32
        %and3A_2020 = vector.broadcast %and3A_2019 : i32 to vector<16xi32>
        %and3A_2021 = arith.andi %xor3A_2018, %and3A_2020 : vector<16xi32>
        %add3A_2022 = arith.constant 26012 : i32
        %add3A_2023 = vector.broadcast %add3A_2022 : i32 to vector<16xi32>
        %add3A_2024 = arith.addi %and3A_2021, %add3A_2023 : vector<16xi32>
        %xor3A_2025 = arith.xori %add3A_1997, %add3A_2003 : vector<16xi32>
        %and3A_2026 = arith.constant 1023 : i32
        %and3A_2027 = vector.broadcast %and3A_2026 : i32 to vector<16xi32>
        %and3A_2028 = arith.andi %xor3A_2025, %and3A_2027 : vector<16xi32>
        %add3A_2029 = arith.constant 26012 : i32
        %add3A_2030 = vector.broadcast %add3A_2029 : i32 to vector<16xi32>
        %add3A_2031 = arith.addi %and3A_2028, %add3A_2030 : vector<16xi32>
        %gather3A_2032 = tpu.vector_load_idx %arg7[%add3A_2010] : memref<38304xf32, #tpu.memory_space<vmem>>[vector<16xi32>], vector<16xf32>,
        %gather3A_2033 = tpu.vector_load_idx %arg7[%add3A_2017] : memref<38304xf32, #tpu.memory_space<vmem>>[vector<16xi32>], vector<16xf32>,
        %gather3A_2034 = tpu.vector_load_idx %arg7[%add3A_2024] : memref<38304xf32, #tpu.memory_space<vmem>>[vector<16xi32>], vector<16xf32>,
        %gather3A_2035 = tpu.vector_load_idx %arg7[%add3A_2031] : memref<38304xf32, #tpu.memory_space<vmem>>[vector<16xi32>], vector<16xf32>,
        %sub3A_2036 = arith.subf %gather3A_2033, %gather3A_2032 : vector<16xf32>
        %mul3A_2037 = arith.mulf %sub3A_1994, %sub3A_2036 : vector<16xf32>
        %add3A_2038 = arith.addf %gather3A_2032, %mul3A_2037 : vector<16xf32>
        %sub3A_2039 = arith.subf %gather3A_2035, %gather3A_2034 : vector<16xf32>
        %mul3A_2040 = arith.mulf %sub3A_1994, %sub3A_2039 : vector<16xf32>
        %add3A_2041 = arith.addf %gather3A_2034, %mul3A_2040 : vector<16xf32>
        %sub3A_2042 = arith.subf %add3A_2041, %add3A_2038 : vector<16xf32>
        %mul3A_2043 = arith.mulf %sub3A_1992, %sub3A_2042 : vector<16xf32>
        %add3A_2044 = arith.addf %add3A_2038, %mul3A_2043 : vector<16xf32>
        %mul3A_2045 = arith.constant 7.800000e+01 : f32
        %mul3A_2046 = vector.broadcast %mul3A_2045 : f32 to vector<16xf32>
        %mul3A_2047 = arith.mulf %min3A_65, %mul3A_2046 : vector<16xf32>
        %mul3A_2048 = arith.constant 7.800000e+01 : f32
        %mul3A_2049 = vector.broadcast %mul3A_2048 : f32 to vector<16xf32>
        %mul3A_2050 = arith.mulf %min3A_73, %mul3A_2049 : vector<16xf32>
        %convert_element_type3A_2051 = arith.fptosi %mul3A_2047 : vector<16xf32> to vector<16xi32>
        %min3A_2052 = arith.constant 77 : i32
        %min3A_2053 = vector.broadcast %min3A_2052 : i32 to vector<16xi32>
        %min3A_2054 = arith.minsi %convert_element_type3A_2051, %min3A_2053 : vector<16xi32>
        %convert_element_type3A_2055 = arith.fptosi %mul3A_2050 : vector<16xf32> to vector<16xi32>
        %min3A_2056 = arith.constant 77 : i32
        %min3A_2057 = vector.broadcast %min3A_2056 : i32 to vector<16xi32>
        %min3A_2058 = arith.minsi %convert_element_type3A_2055, %min3A_2057 : vector<16xi32>
        %convert_element_type3A_2059 = arith.sitofp %min3A_2054 : vector<16xi32> to vector<16xf32>
        %sub3A_2060 = arith.subf %mul3A_2047, %convert_element_type3A_2059 : vector<16xf32>
        %convert_element_type3A_2061 = arith.sitofp %min3A_2058 : vector<16xi32> to vector<16xf32>
        %sub3A_2062 = arith.subf %mul3A_2050, %convert_element_type3A_2061 : vector<16xf32>
        %add3A_2063 = arith.constant 1 : i32
        %add3A_2064 = vector.broadcast %add3A_2063 : i32 to vector<16xi32>
        %add3A_2065 = arith.addi %min3A_2054, %add3A_2064 : vector<16xi32>
        %mul3A_2066 = arith.constant -1640531535 : i32
        %mul3A_2067 = vector.broadcast %mul3A_2066 : i32 to vector<16xi32>
        %mul3A_2068 = arith.muli %min3A_2058, %mul3A_2067 : vector<16xi32>
        %add3A_2069 = arith.constant -1640531535 : i32
        %add3A_2070 = vector.broadcast %add3A_2069 : i32 to vector<16xi32>
        %add3A_2071 = arith.addi %mul3A_2068, %add3A_2070 : vector<16xi32>
        %xor3A_2072 = arith.xori %min3A_2054, %mul3A_2068 : vector<16xi32>
        %and3A_2073 = arith.constant 1023 : i32
        %and3A_2074 = vector.broadcast %and3A_2073 : i32 to vector<16xi32>
        %and3A_2075 = arith.andi %xor3A_2072, %and3A_2074 : vector<16xi32>
        %add3A_2076 = arith.constant 27036 : i32
        %add3A_2077 = vector.broadcast %add3A_2076 : i32 to vector<16xi32>
        %add3A_2078 = arith.addi %and3A_2075, %add3A_2077 : vector<16xi32>
        %xor3A_2079 = arith.xori %min3A_2054, %add3A_2071 : vector<16xi32>
        %and3A_2080 = arith.constant 1023 : i32
        %and3A_2081 = vector.broadcast %and3A_2080 : i32 to vector<16xi32>
        %and3A_2082 = arith.andi %xor3A_2079, %and3A_2081 : vector<16xi32>
        %add3A_2083 = arith.constant 27036 : i32
        %add3A_2084 = vector.broadcast %add3A_2083 : i32 to vector<16xi32>
        %add3A_2085 = arith.addi %and3A_2082, %add3A_2084 : vector<16xi32>
        %xor3A_2086 = arith.xori %add3A_2065, %mul3A_2068 : vector<16xi32>
        %and3A_2087 = arith.constant 1023 : i32
        %and3A_2088 = vector.broadcast %and3A_2087 : i32 to vector<16xi32>
        %and3A_2089 = arith.andi %xor3A_2086, %and3A_2088 : vector<16xi32>
        %add3A_2090 = arith.constant 27036 : i32
        %add3A_2091 = vector.broadcast %add3A_2090 : i32 to vector<16xi32>
        %add3A_2092 = arith.addi %and3A_2089, %add3A_2091 : vector<16xi32>
        %xor3A_2093 = arith.xori %add3A_2065, %add3A_2071 : vector<16xi32>
        %and3A_2094 = arith.constant 1023 : i32
        %and3A_2095 = vector.broadcast %and3A_2094 : i32 to vector<16xi32>
        %and3A_2096 = arith.andi %xor3A_2093, %and3A_2095 : vector<16xi32>
        %add3A_2097 = arith.constant 27036 : i32
        %add3A_2098 = vector.broadcast %add3A_2097 : i32 to vector<16xi32>
        %add3A_2099 = arith.addi %and3A_2096, %add3A_2098 : vector<16xi32>
        %gather3A_2100 = tpu.vector_load_idx %arg7[%add3A_2078] : memref<38304xf32, #tpu.memory_space<vmem>>[vector<16xi32>], vector<16xf32>,
        %gather3A_2101 = tpu.vector_load_idx %arg7[%add3A_2085] : memref<38304xf32, #tpu.memory_space<vmem>>[vector<16xi32>], vector<16xf32>,
        %gather3A_2102 = tpu.vector_load_idx %arg7[%add3A_2092] : memref<38304xf32, #tpu.memory_space<vmem>>[vector<16xi32>], vector<16xf32>,
        %gather3A_2103 = tpu.vector_load_idx %arg7[%add3A_2099] : memref<38304xf32, #tpu.memory_space<vmem>>[vector<16xi32>], vector<16xf32>,
        %sub3A_2104 = arith.subf %gather3A_2101, %gather3A_2100 : vector<16xf32>
        %mul3A_2105 = arith.mulf %sub3A_2062, %sub3A_2104 : vector<16xf32>
        %add3A_2106 = arith.addf %gather3A_2100, %mul3A_2105 : vector<16xf32>
        %sub3A_2107 = arith.subf %gather3A_2103, %gather3A_2102 : vector<16xf32>
        %mul3A_2108 = arith.mulf %sub3A_2062, %sub3A_2107 : vector<16xf32>
        %add3A_2109 = arith.addf %gather3A_2102, %mul3A_2108 : vector<16xf32>
        %sub3A_2110 = arith.subf %add3A_2109, %add3A_2106 : vector<16xf32>
        %mul3A_2111 = arith.mulf %sub3A_2060, %sub3A_2110 : vector<16xf32>
        %add3A_2112 = arith.addf %add3A_2106, %mul3A_2111 : vector<16xf32>
        %mul3A_2113 = arith.constant 8.200000e+01 : f32
        %mul3A_2114 = vector.broadcast %mul3A_2113 : f32 to vector<16xf32>
        %mul3A_2115 = arith.mulf %min3A_65, %mul3A_2114 : vector<16xf32>
        %mul3A_2116 = arith.constant 8.200000e+01 : f32
        %mul3A_2117 = vector.broadcast %mul3A_2116 : f32 to vector<16xf32>
        %mul3A_2118 = arith.mulf %min3A_73, %mul3A_2117 : vector<16xf32>
        %convert_element_type3A_2119 = arith.fptosi %mul3A_2115 : vector<16xf32> to vector<16xi32>
        %min3A_2120 = arith.constant 81 : i32
        %min3A_2121 = vector.broadcast %min3A_2120 : i32 to vector<16xi32>
        %min3A_2122 = arith.minsi %convert_element_type3A_2119, %min3A_2121 : vector<16xi32>
        %convert_element_type3A_2123 = arith.fptosi %mul3A_2118 : vector<16xf32> to vector<16xi32>
        %min3A_2124 = arith.constant 81 : i32
        %min3A_2125 = vector.broadcast %min3A_2124 : i32 to vector<16xi32>
        %min3A_2126 = arith.minsi %convert_element_type3A_2123, %min3A_2125 : vector<16xi32>
        %convert_element_type3A_2127 = arith.sitofp %min3A_2122 : vector<16xi32> to vector<16xf32>
        %sub3A_2128 = arith.subf %mul3A_2115, %convert_element_type3A_2127 : vector<16xf32>
        %convert_element_type3A_2129 = arith.sitofp %min3A_2126 : vector<16xi32> to vector<16xf32>
        %sub3A_2130 = arith.subf %mul3A_2118, %convert_element_type3A_2129 : vector<16xf32>
        %add3A_2131 = arith.constant 1 : i32
        %add3A_2132 = vector.broadcast %add3A_2131 : i32 to vector<16xi32>
        %add3A_2133 = arith.addi %min3A_2122, %add3A_2132 : vector<16xi32>
        %mul3A_2134 = arith.constant -1640531535 : i32
        %mul3A_2135 = vector.broadcast %mul3A_2134 : i32 to vector<16xi32>
        %mul3A_2136 = arith.muli %min3A_2126, %mul3A_2135 : vector<16xi32>
        %add3A_2137 = arith.constant -1640531535 : i32
        %add3A_2138 = vector.broadcast %add3A_2137 : i32 to vector<16xi32>
        %add3A_2139 = arith.addi %mul3A_2136, %add3A_2138 : vector<16xi32>
        %xor3A_2140 = arith.xori %min3A_2122, %mul3A_2136 : vector<16xi32>
        %and3A_2141 = arith.constant 1023 : i32
        %and3A_2142 = vector.broadcast %and3A_2141 : i32 to vector<16xi32>
        %and3A_2143 = arith.andi %xor3A_2140, %and3A_2142 : vector<16xi32>
        %add3A_2144 = arith.constant 28060 : i32
        %add3A_2145 = vector.broadcast %add3A_2144 : i32 to vector<16xi32>
        %add3A_2146 = arith.addi %and3A_2143, %add3A_2145 : vector<16xi32>
        %xor3A_2147 = arith.xori %min3A_2122, %add3A_2139 : vector<16xi32>
        %and3A_2148 = arith.constant 1023 : i32
        %and3A_2149 = vector.broadcast %and3A_2148 : i32 to vector<16xi32>
        %and3A_2150 = arith.andi %xor3A_2147, %and3A_2149 : vector<16xi32>
        %add3A_2151 = arith.constant 28060 : i32
        %add3A_2152 = vector.broadcast %add3A_2151 : i32 to vector<16xi32>
        %add3A_2153 = arith.addi %and3A_2150, %add3A_2152 : vector<16xi32>
        %xor3A_2154 = arith.xori %add3A_2133, %mul3A_2136 : vector<16xi32>
        %and3A_2155 = arith.constant 1023 : i32
        %and3A_2156 = vector.broadcast %and3A_2155 : i32 to vector<16xi32>
        %and3A_2157 = arith.andi %xor3A_2154, %and3A_2156 : vector<16xi32>
        %add3A_2158 = arith.constant 28060 : i32
        %add3A_2159 = vector.broadcast %add3A_2158 : i32 to vector<16xi32>
        %add3A_2160 = arith.addi %and3A_2157, %add3A_2159 : vector<16xi32>
        %xor3A_2161 = arith.xori %add3A_2133, %add3A_2139 : vector<16xi32>
        %and3A_2162 = arith.constant 1023 : i32
        %and3A_2163 = vector.broadcast %and3A_2162 : i32 to vector<16xi32>
        %and3A_2164 = arith.andi %xor3A_2161, %and3A_2163 : vector<16xi32>
        %add3A_2165 = arith.constant 28060 : i32
        %add3A_2166 = vector.broadcast %add3A_2165 : i32 to vector<16xi32>
        %add3A_2167 = arith.addi %and3A_2164, %add3A_2166 : vector<16xi32>
        %gather3A_2168 = tpu.vector_load_idx %arg7[%add3A_2146] : memref<38304xf32, #tpu.memory_space<vmem>>[vector<16xi32>], vector<16xf32>,
        %gather3A_2169 = tpu.vector_load_idx %arg7[%add3A_2153] : memref<38304xf32, #tpu.memory_space<vmem>>[vector<16xi32>], vector<16xf32>,
        %gather3A_2170 = tpu.vector_load_idx %arg7[%add3A_2160] : memref<38304xf32, #tpu.memory_space<vmem>>[vector<16xi32>], vector<16xf32>,
        %gather3A_2171 = tpu.vector_load_idx %arg7[%add3A_2167] : memref<38304xf32, #tpu.memory_space<vmem>>[vector<16xi32>], vector<16xf32>,
        %sub3A_2172 = arith.subf %gather3A_2169, %gather3A_2168 : vector<16xf32>
        %mul3A_2173 = arith.mulf %sub3A_2130, %sub3A_2172 : vector<16xf32>
        %add3A_2174 = arith.addf %gather3A_2168, %mul3A_2173 : vector<16xf32>
        %sub3A_2175 = arith.subf %gather3A_2171, %gather3A_2170 : vector<16xf32>
        %mul3A_2176 = arith.mulf %sub3A_2130, %sub3A_2175 : vector<16xf32>
        %add3A_2177 = arith.addf %gather3A_2170, %mul3A_2176 : vector<16xf32>
        %sub3A_2178 = arith.subf %add3A_2177, %add3A_2174 : vector<16xf32>
        %mul3A_2179 = arith.mulf %sub3A_2128, %sub3A_2178 : vector<16xf32>
        %add3A_2180 = arith.addf %add3A_2174, %mul3A_2179 : vector<16xf32>
        %mul3A_2181 = arith.constant 8.600000e+01 : f32
        %mul3A_2182 = vector.broadcast %mul3A_2181 : f32 to vector<16xf32>
        %mul3A_2183 = arith.mulf %min3A_65, %mul3A_2182 : vector<16xf32>
        %mul3A_2184 = arith.constant 8.600000e+01 : f32
        %mul3A_2185 = vector.broadcast %mul3A_2184 : f32 to vector<16xf32>
        %mul3A_2186 = arith.mulf %min3A_73, %mul3A_2185 : vector<16xf32>
        %convert_element_type3A_2187 = arith.fptosi %mul3A_2183 : vector<16xf32> to vector<16xi32>
        %min3A_2188 = arith.constant 85 : i32
        %min3A_2189 = vector.broadcast %min3A_2188 : i32 to vector<16xi32>
        %min3A_2190 = arith.minsi %convert_element_type3A_2187, %min3A_2189 : vector<16xi32>
        %convert_element_type3A_2191 = arith.fptosi %mul3A_2186 : vector<16xf32> to vector<16xi32>
        %min3A_2192 = arith.constant 85 : i32
        %min3A_2193 = vector.broadcast %min3A_2192 : i32 to vector<16xi32>
        %min3A_2194 = arith.minsi %convert_element_type3A_2191, %min3A_2193 : vector<16xi32>
        %convert_element_type3A_2195 = arith.sitofp %min3A_2190 : vector<16xi32> to vector<16xf32>
        %sub3A_2196 = arith.subf %mul3A_2183, %convert_element_type3A_2195 : vector<16xf32>
        %convert_element_type3A_2197 = arith.sitofp %min3A_2194 : vector<16xi32> to vector<16xf32>
        %sub3A_2198 = arith.subf %mul3A_2186, %convert_element_type3A_2197 : vector<16xf32>
        %add3A_2199 = arith.constant 1 : i32
        %add3A_2200 = vector.broadcast %add3A_2199 : i32 to vector<16xi32>
        %add3A_2201 = arith.addi %min3A_2190, %add3A_2200 : vector<16xi32>
        %mul3A_2202 = arith.constant -1640531535 : i32
        %mul3A_2203 = vector.broadcast %mul3A_2202 : i32 to vector<16xi32>
        %mul3A_2204 = arith.muli %min3A_2194, %mul3A_2203 : vector<16xi32>
        %add3A_2205 = arith.constant -1640531535 : i32
        %add3A_2206 = vector.broadcast %add3A_2205 : i32 to vector<16xi32>
        %add3A_2207 = arith.addi %mul3A_2204, %add3A_2206 : vector<16xi32>
        %xor3A_2208 = arith.xori %min3A_2190, %mul3A_2204 : vector<16xi32>
        %and3A_2209 = arith.constant 1023 : i32
        %and3A_2210 = vector.broadcast %and3A_2209 : i32 to vector<16xi32>
        %and3A_2211 = arith.andi %xor3A_2208, %and3A_2210 : vector<16xi32>
        %add3A_2212 = arith.constant 29084 : i32
        %add3A_2213 = vector.broadcast %add3A_2212 : i32 to vector<16xi32>
        %add3A_2214 = arith.addi %and3A_2211, %add3A_2213 : vector<16xi32>
        %xor3A_2215 = arith.xori %min3A_2190, %add3A_2207 : vector<16xi32>
        %and3A_2216 = arith.constant 1023 : i32
        %and3A_2217 = vector.broadcast %and3A_2216 : i32 to vector<16xi32>
        %and3A_2218 = arith.andi %xor3A_2215, %and3A_2217 : vector<16xi32>
        %add3A_2219 = arith.constant 29084 : i32
        %add3A_2220 = vector.broadcast %add3A_2219 : i32 to vector<16xi32>
        %add3A_2221 = arith.addi %and3A_2218, %add3A_2220 : vector<16xi32>
        %xor3A_2222 = arith.xori %add3A_2201, %mul3A_2204 : vector<16xi32>
        %and3A_2223 = arith.constant 1023 : i32
        %and3A_2224 = vector.broadcast %and3A_2223 : i32 to vector<16xi32>
        %and3A_2225 = arith.andi %xor3A_2222, %and3A_2224 : vector<16xi32>
        %add3A_2226 = arith.constant 29084 : i32
        %add3A_2227 = vector.broadcast %add3A_2226 : i32 to vector<16xi32>
        %add3A_2228 = arith.addi %and3A_2225, %add3A_2227 : vector<16xi32>
        %xor3A_2229 = arith.xori %add3A_2201, %add3A_2207 : vector<16xi32>
        %and3A_2230 = arith.constant 1023 : i32
        %and3A_2231 = vector.broadcast %and3A_2230 : i32 to vector<16xi32>
        %and3A_2232 = arith.andi %xor3A_2229, %and3A_2231 : vector<16xi32>
        %add3A_2233 = arith.constant 29084 : i32
        %add3A_2234 = vector.broadcast %add3A_2233 : i32 to vector<16xi32>
        %add3A_2235 = arith.addi %and3A_2232, %add3A_2234 : vector<16xi32>
        %gather3A_2236 = tpu.vector_load_idx %arg7[%add3A_2214] : memref<38304xf32, #tpu.memory_space<vmem>>[vector<16xi32>], vector<16xf32>,
        %gather3A_2237 = tpu.vector_load_idx %arg7[%add3A_2221] : memref<38304xf32, #tpu.memory_space<vmem>>[vector<16xi32>], vector<16xf32>,
        %gather3A_2238 = tpu.vector_load_idx %arg7[%add3A_2228] : memref<38304xf32, #tpu.memory_space<vmem>>[vector<16xi32>], vector<16xf32>,
        %gather3A_2239 = tpu.vector_load_idx %arg7[%add3A_2235] : memref<38304xf32, #tpu.memory_space<vmem>>[vector<16xi32>], vector<16xf32>,
        %sub3A_2240 = arith.subf %gather3A_2237, %gather3A_2236 : vector<16xf32>
        %mul3A_2241 = arith.mulf %sub3A_2198, %sub3A_2240 : vector<16xf32>
        %add3A_2242 = arith.addf %gather3A_2236, %mul3A_2241 : vector<16xf32>
        %sub3A_2243 = arith.subf %gather3A_2239, %gather3A_2238 : vector<16xf32>
        %mul3A_2244 = arith.mulf %sub3A_2198, %sub3A_2243 : vector<16xf32>
        %add3A_2245 = arith.addf %gather3A_2238, %mul3A_2244 : vector<16xf32>
        %sub3A_2246 = arith.subf %add3A_2245, %add3A_2242 : vector<16xf32>
        %mul3A_2247 = arith.mulf %sub3A_2196, %sub3A_2246 : vector<16xf32>
        %add3A_2248 = arith.addf %add3A_2242, %mul3A_2247 : vector<16xf32>
        %mul3A_2249 = arith.constant 9.100000e+01 : f32
        %mul3A_2250 = vector.broadcast %mul3A_2249 : f32 to vector<16xf32>
        %mul3A_2251 = arith.mulf %min3A_65, %mul3A_2250 : vector<16xf32>
        %mul3A_2252 = arith.constant 9.100000e+01 : f32
        %mul3A_2253 = vector.broadcast %mul3A_2252 : f32 to vector<16xf32>
        %mul3A_2254 = arith.mulf %min3A_73, %mul3A_2253 : vector<16xf32>
        %convert_element_type3A_2255 = arith.fptosi %mul3A_2251 : vector<16xf32> to vector<16xi32>
        %min3A_2256 = arith.constant 90 : i32
        %min3A_2257 = vector.broadcast %min3A_2256 : i32 to vector<16xi32>
        %min3A_2258 = arith.minsi %convert_element_type3A_2255, %min3A_2257 : vector<16xi32>
        %convert_element_type3A_2259 = arith.fptosi %mul3A_2254 : vector<16xf32> to vector<16xi32>
        %min3A_2260 = arith.constant 90 : i32
        %min3A_2261 = vector.broadcast %min3A_2260 : i32 to vector<16xi32>
        %min3A_2262 = arith.minsi %convert_element_type3A_2259, %min3A_2261 : vector<16xi32>
        %convert_element_type3A_2263 = arith.sitofp %min3A_2258 : vector<16xi32> to vector<16xf32>
        %sub3A_2264 = arith.subf %mul3A_2251, %convert_element_type3A_2263 : vector<16xf32>
        %convert_element_type3A_2265 = arith.sitofp %min3A_2262 : vector<16xi32> to vector<16xf32>
        %sub3A_2266 = arith.subf %mul3A_2254, %convert_element_type3A_2265 : vector<16xf32>
        %add3A_2267 = arith.constant 1 : i32
        %add3A_2268 = vector.broadcast %add3A_2267 : i32 to vector<16xi32>
        %add3A_2269 = arith.addi %min3A_2258, %add3A_2268 : vector<16xi32>
        %mul3A_2270 = arith.constant -1640531535 : i32
        %mul3A_2271 = vector.broadcast %mul3A_2270 : i32 to vector<16xi32>
        %mul3A_2272 = arith.muli %min3A_2262, %mul3A_2271 : vector<16xi32>
        %add3A_2273 = arith.constant -1640531535 : i32
        %add3A_2274 = vector.broadcast %add3A_2273 : i32 to vector<16xi32>
        %add3A_2275 = arith.addi %mul3A_2272, %add3A_2274 : vector<16xi32>
        %xor3A_2276 = arith.xori %min3A_2258, %mul3A_2272 : vector<16xi32>
        %and3A_2277 = arith.constant 1023 : i32
        %and3A_2278 = vector.broadcast %and3A_2277 : i32 to vector<16xi32>
        %and3A_2279 = arith.andi %xor3A_2276, %and3A_2278 : vector<16xi32>
        %add3A_2280 = arith.constant 30108 : i32
        %add3A_2281 = vector.broadcast %add3A_2280 : i32 to vector<16xi32>
        %add3A_2282 = arith.addi %and3A_2279, %add3A_2281 : vector<16xi32>
        %xor3A_2283 = arith.xori %min3A_2258, %add3A_2275 : vector<16xi32>
        %and3A_2284 = arith.constant 1023 : i32
        %and3A_2285 = vector.broadcast %and3A_2284 : i32 to vector<16xi32>
        %and3A_2286 = arith.andi %xor3A_2283, %and3A_2285 : vector<16xi32>
        %add3A_2287 = arith.constant 30108 : i32
        %add3A_2288 = vector.broadcast %add3A_2287 : i32 to vector<16xi32>
        %add3A_2289 = arith.addi %and3A_2286, %add3A_2288 : vector<16xi32>
        %xor3A_2290 = arith.xori %add3A_2269, %mul3A_2272 : vector<16xi32>
        %and3A_2291 = arith.constant 1023 : i32
        %and3A_2292 = vector.broadcast %and3A_2291 : i32 to vector<16xi32>
        %and3A_2293 = arith.andi %xor3A_2290, %and3A_2292 : vector<16xi32>
        %add3A_2294 = arith.constant 30108 : i32
        %add3A_2295 = vector.broadcast %add3A_2294 : i32 to vector<16xi32>
        %add3A_2296 = arith.addi %and3A_2293, %add3A_2295 : vector<16xi32>
        %xor3A_2297 = arith.xori %add3A_2269, %add3A_2275 : vector<16xi32>
        %and3A_2298 = arith.constant 1023 : i32
        %and3A_2299 = vector.broadcast %and3A_2298 : i32 to vector<16xi32>
        %and3A_2300 = arith.andi %xor3A_2297, %and3A_2299 : vector<16xi32>
        %add3A_2301 = arith.constant 30108 : i32
        %add3A_2302 = vector.broadcast %add3A_2301 : i32 to vector<16xi32>
        %add3A_2303 = arith.addi %and3A_2300, %add3A_2302 : vector<16xi32>
        %gather3A_2304 = tpu.vector_load_idx %arg7[%add3A_2282] : memref<38304xf32, #tpu.memory_space<vmem>>[vector<16xi32>], vector<16xf32>,
        %gather3A_2305 = tpu.vector_load_idx %arg7[%add3A_2289] : memref<38304xf32, #tpu.memory_space<vmem>>[vector<16xi32>], vector<16xf32>,
        %gather3A_2306 = tpu.vector_load_idx %arg7[%add3A_2296] : memref<38304xf32, #tpu.memory_space<vmem>>[vector<16xi32>], vector<16xf32>,
        %gather3A_2307 = tpu.vector_load_idx %arg7[%add3A_2303] : memref<38304xf32, #tpu.memory_space<vmem>>[vector<16xi32>], vector<16xf32>,
        %sub3A_2308 = arith.subf %gather3A_2305, %gather3A_2304 : vector<16xf32>
        %mul3A_2309 = arith.mulf %sub3A_2266, %sub3A_2308 : vector<16xf32>
        %add3A_2310 = arith.addf %gather3A_2304, %mul3A_2309 : vector<16xf32>
        %sub3A_2311 = arith.subf %gather3A_2307, %gather3A_2306 : vector<16xf32>
        %mul3A_2312 = arith.mulf %sub3A_2266, %sub3A_2311 : vector<16xf32>
        %add3A_2313 = arith.addf %gather3A_2306, %mul3A_2312 : vector<16xf32>
        %sub3A_2314 = arith.subf %add3A_2313, %add3A_2310 : vector<16xf32>
        %mul3A_2315 = arith.mulf %sub3A_2264, %sub3A_2314 : vector<16xf32>
        %add3A_2316 = arith.addf %add3A_2310, %mul3A_2315 : vector<16xf32>
        %mul3A_2317 = arith.constant 9.500000e+01 : f32
        %mul3A_2318 = vector.broadcast %mul3A_2317 : f32 to vector<16xf32>
        %mul3A_2319 = arith.mulf %min3A_65, %mul3A_2318 : vector<16xf32>
        %mul3A_2320 = arith.constant 9.500000e+01 : f32
        %mul3A_2321 = vector.broadcast %mul3A_2320 : f32 to vector<16xf32>
        %mul3A_2322 = arith.mulf %min3A_73, %mul3A_2321 : vector<16xf32>
        %convert_element_type3A_2323 = arith.fptosi %mul3A_2319 : vector<16xf32> to vector<16xi32>
        %min3A_2324 = arith.constant 94 : i32
        %min3A_2325 = vector.broadcast %min3A_2324 : i32 to vector<16xi32>
        %min3A_2326 = arith.minsi %convert_element_type3A_2323, %min3A_2325 : vector<16xi32>
        %convert_element_type3A_2327 = arith.fptosi %mul3A_2322 : vector<16xf32> to vector<16xi32>
        %min3A_2328 = arith.constant 94 : i32
        %min3A_2329 = vector.broadcast %min3A_2328 : i32 to vector<16xi32>
        %min3A_2330 = arith.minsi %convert_element_type3A_2327, %min3A_2329 : vector<16xi32>
        %convert_element_type3A_2331 = arith.sitofp %min3A_2326 : vector<16xi32> to vector<16xf32>
        %sub3A_2332 = arith.subf %mul3A_2319, %convert_element_type3A_2331 : vector<16xf32>
        %convert_element_type3A_2333 = arith.sitofp %min3A_2330 : vector<16xi32> to vector<16xf32>
        %sub3A_2334 = arith.subf %mul3A_2322, %convert_element_type3A_2333 : vector<16xf32>
        %add3A_2335 = arith.constant 1 : i32
        %add3A_2336 = vector.broadcast %add3A_2335 : i32 to vector<16xi32>
        %add3A_2337 = arith.addi %min3A_2326, %add3A_2336 : vector<16xi32>
        %mul3A_2338 = arith.constant -1640531535 : i32
        %mul3A_2339 = vector.broadcast %mul3A_2338 : i32 to vector<16xi32>
        %mul3A_2340 = arith.muli %min3A_2330, %mul3A_2339 : vector<16xi32>
        %add3A_2341 = arith.constant -1640531535 : i32
        %add3A_2342 = vector.broadcast %add3A_2341 : i32 to vector<16xi32>
        %add3A_2343 = arith.addi %mul3A_2340, %add3A_2342 : vector<16xi32>
        %xor3A_2344 = arith.xori %min3A_2326, %mul3A_2340 : vector<16xi32>
        %and3A_2345 = arith.constant 1023 : i32
        %and3A_2346 = vector.broadcast %and3A_2345 : i32 to vector<16xi32>
        %and3A_2347 = arith.andi %xor3A_2344, %and3A_2346 : vector<16xi32>
        %add3A_2348 = arith.constant 31132 : i32
        %add3A_2349 = vector.broadcast %add3A_2348 : i32 to vector<16xi32>
        %add3A_2350 = arith.addi %and3A_2347, %add3A_2349 : vector<16xi32>
        %xor3A_2351 = arith.xori %min3A_2326, %add3A_2343 : vector<16xi32>
        %and3A_2352 = arith.constant 1023 : i32
        %and3A_2353 = vector.broadcast %and3A_2352 : i32 to vector<16xi32>
        %and3A_2354 = arith.andi %xor3A_2351, %and3A_2353 : vector<16xi32>
        %add3A_2355 = arith.constant 31132 : i32
        %add3A_2356 = vector.broadcast %add3A_2355 : i32 to vector<16xi32>
        %add3A_2357 = arith.addi %and3A_2354, %add3A_2356 : vector<16xi32>
        %xor3A_2358 = arith.xori %add3A_2337, %mul3A_2340 : vector<16xi32>
        %and3A_2359 = arith.constant 1023 : i32
        %and3A_2360 = vector.broadcast %and3A_2359 : i32 to vector<16xi32>
        %and3A_2361 = arith.andi %xor3A_2358, %and3A_2360 : vector<16xi32>
        %add3A_2362 = arith.constant 31132 : i32
        %add3A_2363 = vector.broadcast %add3A_2362 : i32 to vector<16xi32>
        %add3A_2364 = arith.addi %and3A_2361, %add3A_2363 : vector<16xi32>
        %xor3A_2365 = arith.xori %add3A_2337, %add3A_2343 : vector<16xi32>
        %and3A_2366 = arith.constant 1023 : i32
        %and3A_2367 = vector.broadcast %and3A_2366 : i32 to vector<16xi32>
        %and3A_2368 = arith.andi %xor3A_2365, %and3A_2367 : vector<16xi32>
        %add3A_2369 = arith.constant 31132 : i32
        %add3A_2370 = vector.broadcast %add3A_2369 : i32 to vector<16xi32>
        %add3A_2371 = arith.addi %and3A_2368, %add3A_2370 : vector<16xi32>
        %gather3A_2372 = tpu.vector_load_idx %arg7[%add3A_2350] : memref<38304xf32, #tpu.memory_space<vmem>>[vector<16xi32>], vector<16xf32>,
        %gather3A_2373 = tpu.vector_load_idx %arg7[%add3A_2357] : memref<38304xf32, #tpu.memory_space<vmem>>[vector<16xi32>], vector<16xf32>,
        %gather3A_2374 = tpu.vector_load_idx %arg7[%add3A_2364] : memref<38304xf32, #tpu.memory_space<vmem>>[vector<16xi32>], vector<16xf32>,
        %gather3A_2375 = tpu.vector_load_idx %arg7[%add3A_2371] : memref<38304xf32, #tpu.memory_space<vmem>>[vector<16xi32>], vector<16xf32>,
        %sub3A_2376 = arith.subf %gather3A_2373, %gather3A_2372 : vector<16xf32>
        %mul3A_2377 = arith.mulf %sub3A_2334, %sub3A_2376 : vector<16xf32>
        %add3A_2378 = arith.addf %gather3A_2372, %mul3A_2377 : vector<16xf32>
        %sub3A_2379 = arith.subf %gather3A_2375, %gather3A_2374 : vector<16xf32>
        %mul3A_2380 = arith.mulf %sub3A_2334, %sub3A_2379 : vector<16xf32>
        %add3A_2381 = arith.addf %gather3A_2374, %mul3A_2380 : vector<16xf32>
        %sub3A_2382 = arith.subf %add3A_2381, %add3A_2378 : vector<16xf32>
        %mul3A_2383 = arith.mulf %sub3A_2332, %sub3A_2382 : vector<16xf32>
        %add3A_2384 = arith.addf %add3A_2378, %mul3A_2383 : vector<16xf32>
        %mul3A_2385 = arith.constant 1.000000e+02 : f32
        %mul3A_2386 = vector.broadcast %mul3A_2385 : f32 to vector<16xf32>
        %mul3A_2387 = arith.mulf %min3A_65, %mul3A_2386 : vector<16xf32>
        %mul3A_2388 = arith.constant 1.000000e+02 : f32
        %mul3A_2389 = vector.broadcast %mul3A_2388 : f32 to vector<16xf32>
        %mul3A_2390 = arith.mulf %min3A_73, %mul3A_2389 : vector<16xf32>
        %convert_element_type3A_2391 = arith.fptosi %mul3A_2387 : vector<16xf32> to vector<16xi32>
        %min3A_2392 = arith.constant 99 : i32
        %min3A_2393 = vector.broadcast %min3A_2392 : i32 to vector<16xi32>
        %min3A_2394 = arith.minsi %convert_element_type3A_2391, %min3A_2393 : vector<16xi32>
        %convert_element_type3A_2395 = arith.fptosi %mul3A_2390 : vector<16xf32> to vector<16xi32>
        %min3A_2396 = arith.constant 99 : i32
        %min3A_2397 = vector.broadcast %min3A_2396 : i32 to vector<16xi32>
        %min3A_2398 = arith.minsi %convert_element_type3A_2395, %min3A_2397 : vector<16xi32>
        %convert_element_type3A_2399 = arith.sitofp %min3A_2394 : vector<16xi32> to vector<16xf32>
        %sub3A_2400 = arith.subf %mul3A_2387, %convert_element_type3A_2399 : vector<16xf32>
        %convert_element_type3A_2401 = arith.sitofp %min3A_2398 : vector<16xi32> to vector<16xf32>
        %sub3A_2402 = arith.subf %mul3A_2390, %convert_element_type3A_2401 : vector<16xf32>
        %add3A_2403 = arith.constant 1 : i32
        %add3A_2404 = vector.broadcast %add3A_2403 : i32 to vector<16xi32>
        %add3A_2405 = arith.addi %min3A_2394, %add3A_2404 : vector<16xi32>
        %mul3A_2406 = arith.constant -1640531535 : i32
        %mul3A_2407 = vector.broadcast %mul3A_2406 : i32 to vector<16xi32>
        %mul3A_2408 = arith.muli %min3A_2398, %mul3A_2407 : vector<16xi32>
        %add3A_2409 = arith.constant -1640531535 : i32
        %add3A_2410 = vector.broadcast %add3A_2409 : i32 to vector<16xi32>
        %add3A_2411 = arith.addi %mul3A_2408, %add3A_2410 : vector<16xi32>
        %xor3A_2412 = arith.xori %min3A_2394, %mul3A_2408 : vector<16xi32>
        %and3A_2413 = arith.constant 1023 : i32
        %and3A_2414 = vector.broadcast %and3A_2413 : i32 to vector<16xi32>
        %and3A_2415 = arith.andi %xor3A_2412, %and3A_2414 : vector<16xi32>
        %add3A_2416 = arith.constant 32156 : i32
        %add3A_2417 = vector.broadcast %add3A_2416 : i32 to vector<16xi32>
        %add3A_2418 = arith.addi %and3A_2415, %add3A_2417 : vector<16xi32>
        %xor3A_2419 = arith.xori %min3A_2394, %add3A_2411 : vector<16xi32>
        %and3A_2420 = arith.constant 1023 : i32
        %and3A_2421 = vector.broadcast %and3A_2420 : i32 to vector<16xi32>
        %and3A_2422 = arith.andi %xor3A_2419, %and3A_2421 : vector<16xi32>
        %add3A_2423 = arith.constant 32156 : i32
        %add3A_2424 = vector.broadcast %add3A_2423 : i32 to vector<16xi32>
        %add3A_2425 = arith.addi %and3A_2422, %add3A_2424 : vector<16xi32>
        %xor3A_2426 = arith.xori %add3A_2405, %mul3A_2408 : vector<16xi32>
        %and3A_2427 = arith.constant 1023 : i32
        %and3A_2428 = vector.broadcast %and3A_2427 : i32 to vector<16xi32>
        %and3A_2429 = arith.andi %xor3A_2426, %and3A_2428 : vector<16xi32>
        %add3A_2430 = arith.constant 32156 : i32
        %add3A_2431 = vector.broadcast %add3A_2430 : i32 to vector<16xi32>
        %add3A_2432 = arith.addi %and3A_2429, %add3A_2431 : vector<16xi32>
        %xor3A_2433 = arith.xori %add3A_2405, %add3A_2411 : vector<16xi32>
        %and3A_2434 = arith.constant 1023 : i32
        %and3A_2435 = vector.broadcast %and3A_2434 : i32 to vector<16xi32>
        %and3A_2436 = arith.andi %xor3A_2433, %and3A_2435 : vector<16xi32>
        %add3A_2437 = arith.constant 32156 : i32
        %add3A_2438 = vector.broadcast %add3A_2437 : i32 to vector<16xi32>
        %add3A_2439 = arith.addi %and3A_2436, %add3A_2438 : vector<16xi32>
        %gather3A_2440 = tpu.vector_load_idx %arg7[%add3A_2418] : memref<38304xf32, #tpu.memory_space<vmem>>[vector<16xi32>], vector<16xf32>,
        %gather3A_2441 = tpu.vector_load_idx %arg7[%add3A_2425] : memref<38304xf32, #tpu.memory_space<vmem>>[vector<16xi32>], vector<16xf32>,
        %gather3A_2442 = tpu.vector_load_idx %arg7[%add3A_2432] : memref<38304xf32, #tpu.memory_space<vmem>>[vector<16xi32>], vector<16xf32>,
        %gather3A_2443 = tpu.vector_load_idx %arg7[%add3A_2439] : memref<38304xf32, #tpu.memory_space<vmem>>[vector<16xi32>], vector<16xf32>,
        %sub3A_2444 = arith.subf %gather3A_2441, %gather3A_2440 : vector<16xf32>
        %mul3A_2445 = arith.mulf %sub3A_2402, %sub3A_2444 : vector<16xf32>
        %add3A_2446 = arith.addf %gather3A_2440, %mul3A_2445 : vector<16xf32>
        %sub3A_2447 = arith.subf %gather3A_2443, %gather3A_2442 : vector<16xf32>
        %mul3A_2448 = arith.mulf %sub3A_2402, %sub3A_2447 : vector<16xf32>
        %add3A_2449 = arith.addf %gather3A_2442, %mul3A_2448 : vector<16xf32>
        %sub3A_2450 = arith.subf %add3A_2449, %add3A_2446 : vector<16xf32>
        %mul3A_2451 = arith.mulf %sub3A_2400, %sub3A_2450 : vector<16xf32>
        %add3A_2452 = arith.addf %add3A_2446, %mul3A_2451 : vector<16xf32>
        %mul3A_2453 = arith.constant 1.050000e+02 : f32
        %mul3A_2454 = vector.broadcast %mul3A_2453 : f32 to vector<16xf32>
        %mul3A_2455 = arith.mulf %min3A_65, %mul3A_2454 : vector<16xf32>
        %mul3A_2456 = arith.constant 1.050000e+02 : f32
        %mul3A_2457 = vector.broadcast %mul3A_2456 : f32 to vector<16xf32>
        %mul3A_2458 = arith.mulf %min3A_73, %mul3A_2457 : vector<16xf32>
        %convert_element_type3A_2459 = arith.fptosi %mul3A_2455 : vector<16xf32> to vector<16xi32>
        %min3A_2460 = arith.constant 104 : i32
        %min3A_2461 = vector.broadcast %min3A_2460 : i32 to vector<16xi32>
        %min3A_2462 = arith.minsi %convert_element_type3A_2459, %min3A_2461 : vector<16xi32>
        %convert_element_type3A_2463 = arith.fptosi %mul3A_2458 : vector<16xf32> to vector<16xi32>
        %min3A_2464 = arith.constant 104 : i32
        %min3A_2465 = vector.broadcast %min3A_2464 : i32 to vector<16xi32>
        %min3A_2466 = arith.minsi %convert_element_type3A_2463, %min3A_2465 : vector<16xi32>
        %convert_element_type3A_2467 = arith.sitofp %min3A_2462 : vector<16xi32> to vector<16xf32>
        %sub3A_2468 = arith.subf %mul3A_2455, %convert_element_type3A_2467 : vector<16xf32>
        %convert_element_type3A_2469 = arith.sitofp %min3A_2466 : vector<16xi32> to vector<16xf32>
        %sub3A_2470 = arith.subf %mul3A_2458, %convert_element_type3A_2469 : vector<16xf32>
        %add3A_2471 = arith.constant 1 : i32
        %add3A_2472 = vector.broadcast %add3A_2471 : i32 to vector<16xi32>
        %add3A_2473 = arith.addi %min3A_2462, %add3A_2472 : vector<16xi32>
        %mul3A_2474 = arith.constant -1640531535 : i32
        %mul3A_2475 = vector.broadcast %mul3A_2474 : i32 to vector<16xi32>
        %mul3A_2476 = arith.muli %min3A_2466, %mul3A_2475 : vector<16xi32>
        %add3A_2477 = arith.constant -1640531535 : i32
        %add3A_2478 = vector.broadcast %add3A_2477 : i32 to vector<16xi32>
        %add3A_2479 = arith.addi %mul3A_2476, %add3A_2478 : vector<16xi32>
        %xor3A_2480 = arith.xori %min3A_2462, %mul3A_2476 : vector<16xi32>
        %and3A_2481 = arith.constant 1023 : i32
        %and3A_2482 = vector.broadcast %and3A_2481 : i32 to vector<16xi32>
        %and3A_2483 = arith.andi %xor3A_2480, %and3A_2482 : vector<16xi32>
        %add3A_2484 = arith.constant 33180 : i32
        %add3A_2485 = vector.broadcast %add3A_2484 : i32 to vector<16xi32>
        %add3A_2486 = arith.addi %and3A_2483, %add3A_2485 : vector<16xi32>
        %xor3A_2487 = arith.xori %min3A_2462, %add3A_2479 : vector<16xi32>
        %and3A_2488 = arith.constant 1023 : i32
        %and3A_2489 = vector.broadcast %and3A_2488 : i32 to vector<16xi32>
        %and3A_2490 = arith.andi %xor3A_2487, %and3A_2489 : vector<16xi32>
        %add3A_2491 = arith.constant 33180 : i32
        %add3A_2492 = vector.broadcast %add3A_2491 : i32 to vector<16xi32>
        %add3A_2493 = arith.addi %and3A_2490, %add3A_2492 : vector<16xi32>
        %xor3A_2494 = arith.xori %add3A_2473, %mul3A_2476 : vector<16xi32>
        %and3A_2495 = arith.constant 1023 : i32
        %and3A_2496 = vector.broadcast %and3A_2495 : i32 to vector<16xi32>
        %and3A_2497 = arith.andi %xor3A_2494, %and3A_2496 : vector<16xi32>
        %add3A_2498 = arith.constant 33180 : i32
        %add3A_2499 = vector.broadcast %add3A_2498 : i32 to vector<16xi32>
        %add3A_2500 = arith.addi %and3A_2497, %add3A_2499 : vector<16xi32>
        %xor3A_2501 = arith.xori %add3A_2473, %add3A_2479 : vector<16xi32>
        %and3A_2502 = arith.constant 1023 : i32
        %and3A_2503 = vector.broadcast %and3A_2502 : i32 to vector<16xi32>
        %and3A_2504 = arith.andi %xor3A_2501, %and3A_2503 : vector<16xi32>
        %add3A_2505 = arith.constant 33180 : i32
        %add3A_2506 = vector.broadcast %add3A_2505 : i32 to vector<16xi32>
        %add3A_2507 = arith.addi %and3A_2504, %add3A_2506 : vector<16xi32>
        %gather3A_2508 = tpu.vector_load_idx %arg7[%add3A_2486] : memref<38304xf32, #tpu.memory_space<vmem>>[vector<16xi32>], vector<16xf32>,
        %gather3A_2509 = tpu.vector_load_idx %arg7[%add3A_2493] : memref<38304xf32, #tpu.memory_space<vmem>>[vector<16xi32>], vector<16xf32>,
        %gather3A_2510 = tpu.vector_load_idx %arg7[%add3A_2500] : memref<38304xf32, #tpu.memory_space<vmem>>[vector<16xi32>], vector<16xf32>,
        %gather3A_2511 = tpu.vector_load_idx %arg7[%add3A_2507] : memref<38304xf32, #tpu.memory_space<vmem>>[vector<16xi32>], vector<16xf32>,
        %sub3A_2512 = arith.subf %gather3A_2509, %gather3A_2508 : vector<16xf32>
        %mul3A_2513 = arith.mulf %sub3A_2470, %sub3A_2512 : vector<16xf32>
        %add3A_2514 = arith.addf %gather3A_2508, %mul3A_2513 : vector<16xf32>
        %sub3A_2515 = arith.subf %gather3A_2511, %gather3A_2510 : vector<16xf32>
        %mul3A_2516 = arith.mulf %sub3A_2470, %sub3A_2515 : vector<16xf32>
        %add3A_2517 = arith.addf %gather3A_2510, %mul3A_2516 : vector<16xf32>
        %sub3A_2518 = arith.subf %add3A_2517, %add3A_2514 : vector<16xf32>
        %mul3A_2519 = arith.mulf %sub3A_2468, %sub3A_2518 : vector<16xf32>
        %add3A_2520 = arith.addf %add3A_2514, %mul3A_2519 : vector<16xf32>
        %mul3A_2521 = arith.constant 1.100000e+02 : f32
        %mul3A_2522 = vector.broadcast %mul3A_2521 : f32 to vector<16xf32>
        %mul3A_2523 = arith.mulf %min3A_65, %mul3A_2522 : vector<16xf32>
        %mul3A_2524 = arith.constant 1.100000e+02 : f32
        %mul3A_2525 = vector.broadcast %mul3A_2524 : f32 to vector<16xf32>
        %mul3A_2526 = arith.mulf %min3A_73, %mul3A_2525 : vector<16xf32>
        %convert_element_type3A_2527 = arith.fptosi %mul3A_2523 : vector<16xf32> to vector<16xi32>
        %min3A_2528 = arith.constant 109 : i32
        %min3A_2529 = vector.broadcast %min3A_2528 : i32 to vector<16xi32>
        %min3A_2530 = arith.minsi %convert_element_type3A_2527, %min3A_2529 : vector<16xi32>
        %convert_element_type3A_2531 = arith.fptosi %mul3A_2526 : vector<16xf32> to vector<16xi32>
        %min3A_2532 = arith.constant 109 : i32
        %min3A_2533 = vector.broadcast %min3A_2532 : i32 to vector<16xi32>
        %min3A_2534 = arith.minsi %convert_element_type3A_2531, %min3A_2533 : vector<16xi32>
        %convert_element_type3A_2535 = arith.sitofp %min3A_2530 : vector<16xi32> to vector<16xf32>
        %sub3A_2536 = arith.subf %mul3A_2523, %convert_element_type3A_2535 : vector<16xf32>
        %convert_element_type3A_2537 = arith.sitofp %min3A_2534 : vector<16xi32> to vector<16xf32>
        %sub3A_2538 = arith.subf %mul3A_2526, %convert_element_type3A_2537 : vector<16xf32>
        %add3A_2539 = arith.constant 1 : i32
        %add3A_2540 = vector.broadcast %add3A_2539 : i32 to vector<16xi32>
        %add3A_2541 = arith.addi %min3A_2530, %add3A_2540 : vector<16xi32>
        %mul3A_2542 = arith.constant -1640531535 : i32
        %mul3A_2543 = vector.broadcast %mul3A_2542 : i32 to vector<16xi32>
        %mul3A_2544 = arith.muli %min3A_2534, %mul3A_2543 : vector<16xi32>
        %add3A_2545 = arith.constant -1640531535 : i32
        %add3A_2546 = vector.broadcast %add3A_2545 : i32 to vector<16xi32>
        %add3A_2547 = arith.addi %mul3A_2544, %add3A_2546 : vector<16xi32>
        %xor3A_2548 = arith.xori %min3A_2530, %mul3A_2544 : vector<16xi32>
        %and3A_2549 = arith.constant 1023 : i32
        %and3A_2550 = vector.broadcast %and3A_2549 : i32 to vector<16xi32>
        %and3A_2551 = arith.andi %xor3A_2548, %and3A_2550 : vector<16xi32>
        %add3A_2552 = arith.constant 34204 : i32
        %add3A_2553 = vector.broadcast %add3A_2552 : i32 to vector<16xi32>
        %add3A_2554 = arith.addi %and3A_2551, %add3A_2553 : vector<16xi32>
        %xor3A_2555 = arith.xori %min3A_2530, %add3A_2547 : vector<16xi32>
        %and3A_2556 = arith.constant 1023 : i32
        %and3A_2557 = vector.broadcast %and3A_2556 : i32 to vector<16xi32>
        %and3A_2558 = arith.andi %xor3A_2555, %and3A_2557 : vector<16xi32>
        %add3A_2559 = arith.constant 34204 : i32
        %add3A_2560 = vector.broadcast %add3A_2559 : i32 to vector<16xi32>
        %add3A_2561 = arith.addi %and3A_2558, %add3A_2560 : vector<16xi32>
        %xor3A_2562 = arith.xori %add3A_2541, %mul3A_2544 : vector<16xi32>
        %and3A_2563 = arith.constant 1023 : i32
        %and3A_2564 = vector.broadcast %and3A_2563 : i32 to vector<16xi32>
        %and3A_2565 = arith.andi %xor3A_2562, %and3A_2564 : vector<16xi32>
        %add3A_2566 = arith.constant 34204 : i32
        %add3A_2567 = vector.broadcast %add3A_2566 : i32 to vector<16xi32>
        %add3A_2568 = arith.addi %and3A_2565, %add3A_2567 : vector<16xi32>
        %xor3A_2569 = arith.xori %add3A_2541, %add3A_2547 : vector<16xi32>
        %and3A_2570 = arith.constant 1023 : i32
        %and3A_2571 = vector.broadcast %and3A_2570 : i32 to vector<16xi32>
        %and3A_2572 = arith.andi %xor3A_2569, %and3A_2571 : vector<16xi32>
        %add3A_2573 = arith.constant 34204 : i32
        %add3A_2574 = vector.broadcast %add3A_2573 : i32 to vector<16xi32>
        %add3A_2575 = arith.addi %and3A_2572, %add3A_2574 : vector<16xi32>
        %gather3A_2576 = tpu.vector_load_idx %arg7[%add3A_2554] : memref<38304xf32, #tpu.memory_space<vmem>>[vector<16xi32>], vector<16xf32>,
        %gather3A_2577 = tpu.vector_load_idx %arg7[%add3A_2561] : memref<38304xf32, #tpu.memory_space<vmem>>[vector<16xi32>], vector<16xf32>,
        %gather3A_2578 = tpu.vector_load_idx %arg7[%add3A_2568] : memref<38304xf32, #tpu.memory_space<vmem>>[vector<16xi32>], vector<16xf32>,
        %gather3A_2579 = tpu.vector_load_idx %arg7[%add3A_2575] : memref<38304xf32, #tpu.memory_space<vmem>>[vector<16xi32>], vector<16xf32>,
        %sub3A_2580 = arith.subf %gather3A_2577, %gather3A_2576 : vector<16xf32>
        %mul3A_2581 = arith.mulf %sub3A_2538, %sub3A_2580 : vector<16xf32>
        %add3A_2582 = arith.addf %gather3A_2576, %mul3A_2581 : vector<16xf32>
        %sub3A_2583 = arith.subf %gather3A_2579, %gather3A_2578 : vector<16xf32>
        %mul3A_2584 = arith.mulf %sub3A_2538, %sub3A_2583 : vector<16xf32>
        %add3A_2585 = arith.addf %gather3A_2578, %mul3A_2584 : vector<16xf32>
        %sub3A_2586 = arith.subf %add3A_2585, %add3A_2582 : vector<16xf32>
        %mul3A_2587 = arith.mulf %sub3A_2536, %sub3A_2586 : vector<16xf32>
        %add3A_2588 = arith.addf %add3A_2582, %mul3A_2587 : vector<16xf32>
        %mul3A_2589 = arith.constant 1.160000e+02 : f32
        %mul3A_2590 = vector.broadcast %mul3A_2589 : f32 to vector<16xf32>
        %mul3A_2591 = arith.mulf %min3A_65, %mul3A_2590 : vector<16xf32>
        %mul3A_2592 = arith.constant 1.160000e+02 : f32
        %mul3A_2593 = vector.broadcast %mul3A_2592 : f32 to vector<16xf32>
        %mul3A_2594 = arith.mulf %min3A_73, %mul3A_2593 : vector<16xf32>
        %convert_element_type3A_2595 = arith.fptosi %mul3A_2591 : vector<16xf32> to vector<16xi32>
        %min3A_2596 = arith.constant 115 : i32
        %min3A_2597 = vector.broadcast %min3A_2596 : i32 to vector<16xi32>
        %min3A_2598 = arith.minsi %convert_element_type3A_2595, %min3A_2597 : vector<16xi32>
        %convert_element_type3A_2599 = arith.fptosi %mul3A_2594 : vector<16xf32> to vector<16xi32>
        %min3A_2600 = arith.constant 115 : i32
        %min3A_2601 = vector.broadcast %min3A_2600 : i32 to vector<16xi32>
        %min3A_2602 = arith.minsi %convert_element_type3A_2599, %min3A_2601 : vector<16xi32>
        %convert_element_type3A_2603 = arith.sitofp %min3A_2598 : vector<16xi32> to vector<16xf32>
        %sub3A_2604 = arith.subf %mul3A_2591, %convert_element_type3A_2603 : vector<16xf32>
        %convert_element_type3A_2605 = arith.sitofp %min3A_2602 : vector<16xi32> to vector<16xf32>
        %sub3A_2606 = arith.subf %mul3A_2594, %convert_element_type3A_2605 : vector<16xf32>
        %add3A_2607 = arith.constant 1 : i32
        %add3A_2608 = vector.broadcast %add3A_2607 : i32 to vector<16xi32>
        %add3A_2609 = arith.addi %min3A_2598, %add3A_2608 : vector<16xi32>
        %mul3A_2610 = arith.constant -1640531535 : i32
        %mul3A_2611 = vector.broadcast %mul3A_2610 : i32 to vector<16xi32>
        %mul3A_2612 = arith.muli %min3A_2602, %mul3A_2611 : vector<16xi32>
        %add3A_2613 = arith.constant -1640531535 : i32
        %add3A_2614 = vector.broadcast %add3A_2613 : i32 to vector<16xi32>
        %add3A_2615 = arith.addi %mul3A_2612, %add3A_2614 : vector<16xi32>
        %xor3A_2616 = arith.xori %min3A_2598, %mul3A_2612 : vector<16xi32>
        %and3A_2617 = arith.constant 1023 : i32
        %and3A_2618 = vector.broadcast %and3A_2617 : i32 to vector<16xi32>
        %and3A_2619 = arith.andi %xor3A_2616, %and3A_2618 : vector<16xi32>
        %add3A_2620 = arith.constant 35228 : i32
        %add3A_2621 = vector.broadcast %add3A_2620 : i32 to vector<16xi32>
        %add3A_2622 = arith.addi %and3A_2619, %add3A_2621 : vector<16xi32>
        %xor3A_2623 = arith.xori %min3A_2598, %add3A_2615 : vector<16xi32>
        %and3A_2624 = arith.constant 1023 : i32
        %and3A_2625 = vector.broadcast %and3A_2624 : i32 to vector<16xi32>
        %and3A_2626 = arith.andi %xor3A_2623, %and3A_2625 : vector<16xi32>
        %add3A_2627 = arith.constant 35228 : i32
        %add3A_2628 = vector.broadcast %add3A_2627 : i32 to vector<16xi32>
        %add3A_2629 = arith.addi %and3A_2626, %add3A_2628 : vector<16xi32>
        %xor3A_2630 = arith.xori %add3A_2609, %mul3A_2612 : vector<16xi32>
        %and3A_2631 = arith.constant 1023 : i32
        %and3A_2632 = vector.broadcast %and3A_2631 : i32 to vector<16xi32>
        %and3A_2633 = arith.andi %xor3A_2630, %and3A_2632 : vector<16xi32>
        %add3A_2634 = arith.constant 35228 : i32
        %add3A_2635 = vector.broadcast %add3A_2634 : i32 to vector<16xi32>
        %add3A_2636 = arith.addi %and3A_2633, %add3A_2635 : vector<16xi32>
        %xor3A_2637 = arith.xori %add3A_2609, %add3A_2615 : vector<16xi32>
        %and3A_2638 = arith.constant 1023 : i32
        %and3A_2639 = vector.broadcast %and3A_2638 : i32 to vector<16xi32>
        %and3A_2640 = arith.andi %xor3A_2637, %and3A_2639 : vector<16xi32>
        %add3A_2641 = arith.constant 35228 : i32
        %add3A_2642 = vector.broadcast %add3A_2641 : i32 to vector<16xi32>
        %add3A_2643 = arith.addi %and3A_2640, %add3A_2642 : vector<16xi32>
        %gather3A_2644 = tpu.vector_load_idx %arg7[%add3A_2622] : memref<38304xf32, #tpu.memory_space<vmem>>[vector<16xi32>], vector<16xf32>,
        %gather3A_2645 = tpu.vector_load_idx %arg7[%add3A_2629] : memref<38304xf32, #tpu.memory_space<vmem>>[vector<16xi32>], vector<16xf32>,
        %gather3A_2646 = tpu.vector_load_idx %arg7[%add3A_2636] : memref<38304xf32, #tpu.memory_space<vmem>>[vector<16xi32>], vector<16xf32>,
        %gather3A_2647 = tpu.vector_load_idx %arg7[%add3A_2643] : memref<38304xf32, #tpu.memory_space<vmem>>[vector<16xi32>], vector<16xf32>,
        %sub3A_2648 = arith.subf %gather3A_2645, %gather3A_2644 : vector<16xf32>
        %mul3A_2649 = arith.mulf %sub3A_2606, %sub3A_2648 : vector<16xf32>
        %add3A_2650 = arith.addf %gather3A_2644, %mul3A_2649 : vector<16xf32>
        %sub3A_2651 = arith.subf %gather3A_2647, %gather3A_2646 : vector<16xf32>
        %mul3A_2652 = arith.mulf %sub3A_2606, %sub3A_2651 : vector<16xf32>
        %add3A_2653 = arith.addf %gather3A_2646, %mul3A_2652 : vector<16xf32>
        %sub3A_2654 = arith.subf %add3A_2653, %add3A_2650 : vector<16xf32>
        %mul3A_2655 = arith.mulf %sub3A_2604, %sub3A_2654 : vector<16xf32>
        %add3A_2656 = arith.addf %add3A_2650, %mul3A_2655 : vector<16xf32>
        %mul3A_2657 = arith.constant 1.210000e+02 : f32
        %mul3A_2658 = vector.broadcast %mul3A_2657 : f32 to vector<16xf32>
        %mul3A_2659 = arith.mulf %min3A_65, %mul3A_2658 : vector<16xf32>
        %mul3A_2660 = arith.constant 1.210000e+02 : f32
        %mul3A_2661 = vector.broadcast %mul3A_2660 : f32 to vector<16xf32>
        %mul3A_2662 = arith.mulf %min3A_73, %mul3A_2661 : vector<16xf32>
        %convert_element_type3A_2663 = arith.fptosi %mul3A_2659 : vector<16xf32> to vector<16xi32>
        %min3A_2664 = arith.constant 120 : i32
        %min3A_2665 = vector.broadcast %min3A_2664 : i32 to vector<16xi32>
        %min3A_2666 = arith.minsi %convert_element_type3A_2663, %min3A_2665 : vector<16xi32>
        %convert_element_type3A_2667 = arith.fptosi %mul3A_2662 : vector<16xf32> to vector<16xi32>
        %min3A_2668 = arith.constant 120 : i32
        %min3A_2669 = vector.broadcast %min3A_2668 : i32 to vector<16xi32>
        %min3A_2670 = arith.minsi %convert_element_type3A_2667, %min3A_2669 : vector<16xi32>
        %convert_element_type3A_2671 = arith.sitofp %min3A_2666 : vector<16xi32> to vector<16xf32>
        %sub3A_2672 = arith.subf %mul3A_2659, %convert_element_type3A_2671 : vector<16xf32>
        %convert_element_type3A_2673 = arith.sitofp %min3A_2670 : vector<16xi32> to vector<16xf32>
        %sub3A_2674 = arith.subf %mul3A_2662, %convert_element_type3A_2673 : vector<16xf32>
        %add3A_2675 = arith.constant 1 : i32
        %add3A_2676 = vector.broadcast %add3A_2675 : i32 to vector<16xi32>
        %add3A_2677 = arith.addi %min3A_2666, %add3A_2676 : vector<16xi32>
        %mul3A_2678 = arith.constant -1640531535 : i32
        %mul3A_2679 = vector.broadcast %mul3A_2678 : i32 to vector<16xi32>
        %mul3A_2680 = arith.muli %min3A_2670, %mul3A_2679 : vector<16xi32>
        %add3A_2681 = arith.constant -1640531535 : i32
        %add3A_2682 = vector.broadcast %add3A_2681 : i32 to vector<16xi32>
        %add3A_2683 = arith.addi %mul3A_2680, %add3A_2682 : vector<16xi32>
        %xor3A_2684 = arith.xori %min3A_2666, %mul3A_2680 : vector<16xi32>
        %and3A_2685 = arith.constant 1023 : i32
        %and3A_2686 = vector.broadcast %and3A_2685 : i32 to vector<16xi32>
        %and3A_2687 = arith.andi %xor3A_2684, %and3A_2686 : vector<16xi32>
        %add3A_2688 = arith.constant 36252 : i32
        %add3A_2689 = vector.broadcast %add3A_2688 : i32 to vector<16xi32>
        %add3A_2690 = arith.addi %and3A_2687, %add3A_2689 : vector<16xi32>
        %xor3A_2691 = arith.xori %min3A_2666, %add3A_2683 : vector<16xi32>
        %and3A_2692 = arith.constant 1023 : i32
        %and3A_2693 = vector.broadcast %and3A_2692 : i32 to vector<16xi32>
        %and3A_2694 = arith.andi %xor3A_2691, %and3A_2693 : vector<16xi32>
        %add3A_2695 = arith.constant 36252 : i32
        %add3A_2696 = vector.broadcast %add3A_2695 : i32 to vector<16xi32>
        %add3A_2697 = arith.addi %and3A_2694, %add3A_2696 : vector<16xi32>
        %xor3A_2698 = arith.xori %add3A_2677, %mul3A_2680 : vector<16xi32>
        %and3A_2699 = arith.constant 1023 : i32
        %and3A_2700 = vector.broadcast %and3A_2699 : i32 to vector<16xi32>
        %and3A_2701 = arith.andi %xor3A_2698, %and3A_2700 : vector<16xi32>
        %add3A_2702 = arith.constant 36252 : i32
        %add3A_2703 = vector.broadcast %add3A_2702 : i32 to vector<16xi32>
        %add3A_2704 = arith.addi %and3A_2701, %add3A_2703 : vector<16xi32>
        %xor3A_2705 = arith.xori %add3A_2677, %add3A_2683 : vector<16xi32>
        %and3A_2706 = arith.constant 1023 : i32
        %and3A_2707 = vector.broadcast %and3A_2706 : i32 to vector<16xi32>
        %and3A_2708 = arith.andi %xor3A_2705, %and3A_2707 : vector<16xi32>
        %add3A_2709 = arith.constant 36252 : i32
        %add3A_2710 = vector.broadcast %add3A_2709 : i32 to vector<16xi32>
        %add3A_2711 = arith.addi %and3A_2708, %add3A_2710 : vector<16xi32>
        %gather3A_2712 = tpu.vector_load_idx %arg7[%add3A_2690] : memref<38304xf32, #tpu.memory_space<vmem>>[vector<16xi32>], vector<16xf32>,
        %gather3A_2713 = tpu.vector_load_idx %arg7[%add3A_2697] : memref<38304xf32, #tpu.memory_space<vmem>>[vector<16xi32>], vector<16xf32>,
        %gather3A_2714 = tpu.vector_load_idx %arg7[%add3A_2704] : memref<38304xf32, #tpu.memory_space<vmem>>[vector<16xi32>], vector<16xf32>,
        %gather3A_2715 = tpu.vector_load_idx %arg7[%add3A_2711] : memref<38304xf32, #tpu.memory_space<vmem>>[vector<16xi32>], vector<16xf32>,
        %sub3A_2716 = arith.subf %gather3A_2713, %gather3A_2712 : vector<16xf32>
        %mul3A_2717 = arith.mulf %sub3A_2674, %sub3A_2716 : vector<16xf32>
        %add3A_2718 = arith.addf %gather3A_2712, %mul3A_2717 : vector<16xf32>
        %sub3A_2719 = arith.subf %gather3A_2715, %gather3A_2714 : vector<16xf32>
        %mul3A_2720 = arith.mulf %sub3A_2674, %sub3A_2719 : vector<16xf32>
        %add3A_2721 = arith.addf %gather3A_2714, %mul3A_2720 : vector<16xf32>
        %sub3A_2722 = arith.subf %add3A_2721, %add3A_2718 : vector<16xf32>
        %mul3A_2723 = arith.mulf %sub3A_2672, %sub3A_2722 : vector<16xf32>
        %add3A_2724 = arith.addf %add3A_2718, %mul3A_2723 : vector<16xf32>
        %mul3A_2725 = arith.constant 1.280000e+02 : f32
        %mul3A_2726 = vector.broadcast %mul3A_2725 : f32 to vector<16xf32>
        %mul3A_2727 = arith.mulf %min3A_65, %mul3A_2726 : vector<16xf32>
        %mul3A_2728 = arith.constant 1.280000e+02 : f32
        %mul3A_2729 = vector.broadcast %mul3A_2728 : f32 to vector<16xf32>
        %mul3A_2730 = arith.mulf %min3A_73, %mul3A_2729 : vector<16xf32>
        %convert_element_type3A_2731 = arith.fptosi %mul3A_2727 : vector<16xf32> to vector<16xi32>
        %min3A_2732 = arith.constant 127 : i32
        %min3A_2733 = vector.broadcast %min3A_2732 : i32 to vector<16xi32>
        %min3A_2734 = arith.minsi %convert_element_type3A_2731, %min3A_2733 : vector<16xi32>
        %convert_element_type3A_2735 = arith.fptosi %mul3A_2730 : vector<16xf32> to vector<16xi32>
        %min3A_2736 = arith.constant 127 : i32
        %min3A_2737 = vector.broadcast %min3A_2736 : i32 to vector<16xi32>
        %min3A_2738 = arith.minsi %convert_element_type3A_2735, %min3A_2737 : vector<16xi32>
        %convert_element_type3A_2739 = arith.sitofp %min3A_2734 : vector<16xi32> to vector<16xf32>
        %sub3A_2740 = arith.subf %mul3A_2727, %convert_element_type3A_2739 : vector<16xf32>
        %convert_element_type3A_2741 = arith.sitofp %min3A_2738 : vector<16xi32> to vector<16xf32>
        %sub3A_2742 = arith.subf %mul3A_2730, %convert_element_type3A_2741 : vector<16xf32>
        %add3A_2743 = arith.constant 1 : i32
        %add3A_2744 = vector.broadcast %add3A_2743 : i32 to vector<16xi32>
        %add3A_2745 = arith.addi %min3A_2734, %add3A_2744 : vector<16xi32>
        %mul3A_2746 = arith.constant -1640531535 : i32
        %mul3A_2747 = vector.broadcast %mul3A_2746 : i32 to vector<16xi32>
        %mul3A_2748 = arith.muli %min3A_2738, %mul3A_2747 : vector<16xi32>
        %add3A_2749 = arith.constant -1640531535 : i32
        %add3A_2750 = vector.broadcast %add3A_2749 : i32 to vector<16xi32>
        %add3A_2751 = arith.addi %mul3A_2748, %add3A_2750 : vector<16xi32>
        %xor3A_2752 = arith.xori %min3A_2734, %mul3A_2748 : vector<16xi32>
        %and3A_2753 = arith.constant 1023 : i32
        %and3A_2754 = vector.broadcast %and3A_2753 : i32 to vector<16xi32>
        %and3A_2755 = arith.andi %xor3A_2752, %and3A_2754 : vector<16xi32>
        %add3A_2756 = arith.constant 37276 : i32
        %add3A_2757 = vector.broadcast %add3A_2756 : i32 to vector<16xi32>
        %add3A_2758 = arith.addi %and3A_2755, %add3A_2757 : vector<16xi32>
        %xor3A_2759 = arith.xori %min3A_2734, %add3A_2751 : vector<16xi32>
        %and3A_2760 = arith.constant 1023 : i32
        %and3A_2761 = vector.broadcast %and3A_2760 : i32 to vector<16xi32>
        %and3A_2762 = arith.andi %xor3A_2759, %and3A_2761 : vector<16xi32>
        %add3A_2763 = arith.constant 37276 : i32
        %add3A_2764 = vector.broadcast %add3A_2763 : i32 to vector<16xi32>
        %add3A_2765 = arith.addi %and3A_2762, %add3A_2764 : vector<16xi32>
        %xor3A_2766 = arith.xori %add3A_2745, %mul3A_2748 : vector<16xi32>
        %and3A_2767 = arith.constant 1023 : i32
        %and3A_2768 = vector.broadcast %and3A_2767 : i32 to vector<16xi32>
        %and3A_2769 = arith.andi %xor3A_2766, %and3A_2768 : vector<16xi32>
        %add3A_2770 = arith.constant 37276 : i32
        %add3A_2771 = vector.broadcast %add3A_2770 : i32 to vector<16xi32>
        %add3A_2772 = arith.addi %and3A_2769, %add3A_2771 : vector<16xi32>
        %xor3A_2773 = arith.xori %add3A_2745, %add3A_2751 : vector<16xi32>
        %and3A_2774 = arith.constant 1023 : i32
        %and3A_2775 = vector.broadcast %and3A_2774 : i32 to vector<16xi32>
        %and3A_2776 = arith.andi %xor3A_2773, %and3A_2775 : vector<16xi32>
        %add3A_2777 = arith.constant 37276 : i32
        %add3A_2778 = vector.broadcast %add3A_2777 : i32 to vector<16xi32>
        %add3A_2779 = arith.addi %and3A_2776, %add3A_2778 : vector<16xi32>
        %gather3A_2780 = tpu.vector_load_idx %arg7[%add3A_2758] : memref<38304xf32, #tpu.memory_space<vmem>>[vector<16xi32>], vector<16xf32>,
        %gather3A_2781 = tpu.vector_load_idx %arg7[%add3A_2765] : memref<38304xf32, #tpu.memory_space<vmem>>[vector<16xi32>], vector<16xf32>,
        %gather3A_2782 = tpu.vector_load_idx %arg7[%add3A_2772] : memref<38304xf32, #tpu.memory_space<vmem>>[vector<16xi32>], vector<16xf32>,
        %gather3A_2783 = tpu.vector_load_idx %arg7[%add3A_2779] : memref<38304xf32, #tpu.memory_space<vmem>>[vector<16xi32>], vector<16xf32>,
        %sub3A_2784 = arith.subf %gather3A_2781, %gather3A_2780 : vector<16xf32>
        %mul3A_2785 = arith.mulf %sub3A_2742, %sub3A_2784 : vector<16xf32>
        %add3A_2786 = arith.addf %gather3A_2780, %mul3A_2785 : vector<16xf32>
        %sub3A_2787 = arith.subf %gather3A_2783, %gather3A_2782 : vector<16xf32>
        %mul3A_2788 = arith.mulf %sub3A_2742, %sub3A_2787 : vector<16xf32>
        %add3A_2789 = arith.addf %gather3A_2782, %mul3A_2788 : vector<16xf32>
        %sub3A_2790 = arith.subf %add3A_2789, %add3A_2786 : vector<16xf32>
        %mul3A_2791 = arith.mulf %sub3A_2740, %sub3A_2790 : vector<16xf32>
        %add3A_2792 = arith.addf %add3A_2786, %mul3A_2791 : vector<16xf32>
        %mul3A_2793 = arith.constant 16 : i32
        %mul3A_2794 = arith.muli %scan3A_57, %mul3A_2793 : i32
        %swap3A = arith.constant 0 : i32
        %swap3A_2795 = arith.index_cast %swap3A : i32 to index
        %swap3A_2796 = arith.index_cast %mul3A_2794 : i32 to index
        %swap3A_2797 = tpu.vector_load %arg8[%swap3A_2795, %swap3A_2796] {strides = array<i32>} : memref<48x992xf32, #tpu.memory_space<vmem>>, vector<16xf32>,
        tpu.vector_store %arg8[%swap3A_2795, %swap3A_2796], %add3A_121 {strides = array<i32>} : memref<48x992xf32, #tpu.memory_space<vmem>>, vector<16xf32>,
        %mul3A_2798 = arith.constant 16 : i32
        %mul3A_2799 = arith.muli %scan3A_57, %mul3A_2798 : i32
        %swap3A_2800 = arith.constant 1 : i32
        %swap3A_2801 = arith.index_cast %swap3A_2800 : i32 to index
        %swap3A_2802 = arith.index_cast %mul3A_2799 : i32 to index
        %swap3A_2803 = tpu.vector_load %arg8[%swap3A_2801, %swap3A_2802] {strides = array<i32>} : memref<48x992xf32, #tpu.memory_space<vmem>>, vector<16xf32>,
        tpu.vector_store %arg8[%swap3A_2801, %swap3A_2802], %add3A_171 {strides = array<i32>} : memref<48x992xf32, #tpu.memory_space<vmem>>, vector<16xf32>,
        %mul3A_2804 = arith.constant 16 : i32
        %mul3A_2805 = arith.muli %scan3A_57, %mul3A_2804 : i32
        %swap3A_2806 = arith.constant 2 : i32
        %swap3A_2807 = arith.index_cast %swap3A_2806 : i32 to index
        %swap3A_2808 = arith.index_cast %mul3A_2805 : i32 to index
        %swap3A_2809 = tpu.vector_load %arg8[%swap3A_2807, %swap3A_2808] {strides = array<i32>} : memref<48x992xf32, #tpu.memory_space<vmem>>, vector<16xf32>,
        tpu.vector_store %arg8[%swap3A_2807, %swap3A_2808], %add3A_221 {strides = array<i32>} : memref<48x992xf32, #tpu.memory_space<vmem>>, vector<16xf32>,
        %mul3A_2810 = arith.constant 16 : i32
        %mul3A_2811 = arith.muli %scan3A_57, %mul3A_2810 : i32
        %swap3A_2812 = arith.constant 3 : i32
        %swap3A_2813 = arith.index_cast %swap3A_2812 : i32 to index
        %swap3A_2814 = arith.index_cast %mul3A_2811 : i32 to index
        %swap3A_2815 = tpu.vector_load %arg8[%swap3A_2813, %swap3A_2814] {strides = array<i32>} : memref<48x992xf32, #tpu.memory_space<vmem>>, vector<16xf32>,
        tpu.vector_store %arg8[%swap3A_2813, %swap3A_2814], %add3A_271 {strides = array<i32>} : memref<48x992xf32, #tpu.memory_space<vmem>>, vector<16xf32>,
        %mul3A_2816 = arith.constant 16 : i32
        %mul3A_2817 = arith.muli %scan3A_57, %mul3A_2816 : i32
        %swap3A_2818 = arith.constant 4 : i32
        %swap3A_2819 = arith.index_cast %swap3A_2818 : i32 to index
        %swap3A_2820 = arith.index_cast %mul3A_2817 : i32 to index
        %swap3A_2821 = tpu.vector_load %arg8[%swap3A_2819, %swap3A_2820] {strides = array<i32>} : memref<48x992xf32, #tpu.memory_space<vmem>>, vector<16xf32>,
        tpu.vector_store %arg8[%swap3A_2819, %swap3A_2820], %add3A_321 {strides = array<i32>} : memref<48x992xf32, #tpu.memory_space<vmem>>, vector<16xf32>,
        %mul3A_2822 = arith.constant 16 : i32
        %mul3A_2823 = arith.muli %scan3A_57, %mul3A_2822 : i32
        %swap3A_2824 = arith.constant 5 : i32
        %swap3A_2825 = arith.index_cast %swap3A_2824 : i32 to index
        %swap3A_2826 = arith.index_cast %mul3A_2823 : i32 to index
        %swap3A_2827 = tpu.vector_load %arg8[%swap3A_2825, %swap3A_2826] {strides = array<i32>} : memref<48x992xf32, #tpu.memory_space<vmem>>, vector<16xf32>,
        tpu.vector_store %arg8[%swap3A_2825, %swap3A_2826], %add3A_371 {strides = array<i32>} : memref<48x992xf32, #tpu.memory_space<vmem>>, vector<16xf32>,
        %mul3A_2828 = arith.constant 16 : i32
        %mul3A_2829 = arith.muli %scan3A_57, %mul3A_2828 : i32
        %swap3A_2830 = arith.constant 6 : i32
        %swap3A_2831 = arith.index_cast %swap3A_2830 : i32 to index
        %swap3A_2832 = arith.index_cast %mul3A_2829 : i32 to index
        %swap3A_2833 = tpu.vector_load %arg8[%swap3A_2831, %swap3A_2832] {strides = array<i32>} : memref<48x992xf32, #tpu.memory_space<vmem>>, vector<16xf32>,
        tpu.vector_store %arg8[%swap3A_2831, %swap3A_2832], %add3A_421 {strides = array<i32>} : memref<48x992xf32, #tpu.memory_space<vmem>>, vector<16xf32>,
        %mul3A_2834 = arith.constant 16 : i32
        %mul3A_2835 = arith.muli %scan3A_57, %mul3A_2834 : i32
        %swap3A_2836 = arith.constant 7 : i32
        %swap3A_2837 = arith.index_cast %swap3A_2836 : i32 to index
        %swap3A_2838 = arith.index_cast %mul3A_2835 : i32 to index
        %swap3A_2839 = tpu.vector_load %arg8[%swap3A_2837, %swap3A_2838] {strides = array<i32>} : memref<48x992xf32, #tpu.memory_space<vmem>>, vector<16xf32>,
        tpu.vector_store %arg8[%swap3A_2837, %swap3A_2838], %add3A_471 {strides = array<i32>} : memref<48x992xf32, #tpu.memory_space<vmem>>, vector<16xf32>,
        %mul3A_2840 = arith.constant 16 : i32
        %mul3A_2841 = arith.muli %scan3A_57, %mul3A_2840 : i32
        %swap3A_2842 = arith.constant 8 : i32
        %swap3A_2843 = arith.index_cast %swap3A_2842 : i32 to index
        %swap3A_2844 = arith.index_cast %mul3A_2841 : i32 to index
        %swap3A_2845 = tpu.vector_load %arg8[%swap3A_2843, %swap3A_2844] {strides = array<i32>} : memref<48x992xf32, #tpu.memory_space<vmem>>, vector<16xf32>,
        tpu.vector_store %arg8[%swap3A_2843, %swap3A_2844], %add3A_521 {strides = array<i32>} : memref<48x992xf32, #tpu.memory_space<vmem>>, vector<16xf32>,
        %mul3A_2846 = arith.constant 16 : i32
        %mul3A_2847 = arith.muli %scan3A_57, %mul3A_2846 : i32
        %swap3A_2848 = arith.constant 9 : i32
        %swap3A_2849 = arith.index_cast %swap3A_2848 : i32 to index
        %swap3A_2850 = arith.index_cast %mul3A_2847 : i32 to index
        %swap3A_2851 = tpu.vector_load %arg8[%swap3A_2849, %swap3A_2850] {strides = array<i32>} : memref<48x992xf32, #tpu.memory_space<vmem>>, vector<16xf32>,
        tpu.vector_store %arg8[%swap3A_2849, %swap3A_2850], %add3A_571 {strides = array<i32>} : memref<48x992xf32, #tpu.memory_space<vmem>>, vector<16xf32>,
        %mul3A_2852 = arith.constant 16 : i32
        %mul3A_2853 = arith.muli %scan3A_57, %mul3A_2852 : i32
        %swap3A_2854 = arith.constant 10 : i32
        %swap3A_2855 = arith.index_cast %swap3A_2854 : i32 to index
        %swap3A_2856 = arith.index_cast %mul3A_2853 : i32 to index
        %swap3A_2857 = tpu.vector_load %arg8[%swap3A_2855, %swap3A_2856] {strides = array<i32>} : memref<48x992xf32, #tpu.memory_space<vmem>>, vector<16xf32>,
        tpu.vector_store %arg8[%swap3A_2855, %swap3A_2856], %add3A_621 {strides = array<i32>} : memref<48x992xf32, #tpu.memory_space<vmem>>, vector<16xf32>,
        %mul3A_2858 = arith.constant 16 : i32
        %mul3A_2859 = arith.muli %scan3A_57, %mul3A_2858 : i32
        %swap3A_2860 = arith.constant 11 : i32
        %swap3A_2861 = arith.index_cast %swap3A_2860 : i32 to index
        %swap3A_2862 = arith.index_cast %mul3A_2859 : i32 to index
        %swap3A_2863 = tpu.vector_load %arg8[%swap3A_2861, %swap3A_2862] {strides = array<i32>} : memref<48x992xf32, #tpu.memory_space<vmem>>, vector<16xf32>,
        tpu.vector_store %arg8[%swap3A_2861, %swap3A_2862], %add3A_671 {strides = array<i32>} : memref<48x992xf32, #tpu.memory_space<vmem>>, vector<16xf32>,
        %mul3A_2864 = arith.constant 16 : i32
        %mul3A_2865 = arith.muli %scan3A_57, %mul3A_2864 : i32
        %swap3A_2866 = arith.constant 12 : i32
        %swap3A_2867 = arith.index_cast %swap3A_2866 : i32 to index
        %swap3A_2868 = arith.index_cast %mul3A_2865 : i32 to index
        %swap3A_2869 = tpu.vector_load %arg8[%swap3A_2867, %swap3A_2868] {strides = array<i32>} : memref<48x992xf32, #tpu.memory_space<vmem>>, vector<16xf32>,
        tpu.vector_store %arg8[%swap3A_2867, %swap3A_2868], %add3A_721 {strides = array<i32>} : memref<48x992xf32, #tpu.memory_space<vmem>>, vector<16xf32>,
        %mul3A_2870 = arith.constant 16 : i32
        %mul3A_2871 = arith.muli %scan3A_57, %mul3A_2870 : i32
        %swap3A_2872 = arith.constant 13 : i32
        %swap3A_2873 = arith.index_cast %swap3A_2872 : i32 to index
        %swap3A_2874 = arith.index_cast %mul3A_2871 : i32 to index
        %swap3A_2875 = tpu.vector_load %arg8[%swap3A_2873, %swap3A_2874] {strides = array<i32>} : memref<48x992xf32, #tpu.memory_space<vmem>>, vector<16xf32>,
        tpu.vector_store %arg8[%swap3A_2873, %swap3A_2874], %add3A_771 {strides = array<i32>} : memref<48x992xf32, #tpu.memory_space<vmem>>, vector<16xf32>,
        %mul3A_2876 = arith.constant 16 : i32
        %mul3A_2877 = arith.muli %scan3A_57, %mul3A_2876 : i32
        %swap3A_2878 = arith.constant 14 : i32
        %swap3A_2879 = arith.index_cast %swap3A_2878 : i32 to index
        %swap3A_2880 = arith.index_cast %mul3A_2877 : i32 to index
        %swap3A_2881 = tpu.vector_load %arg8[%swap3A_2879, %swap3A_2880] {strides = array<i32>} : memref<48x992xf32, #tpu.memory_space<vmem>>, vector<16xf32>,
        tpu.vector_store %arg8[%swap3A_2879, %swap3A_2880], %add3A_821 {strides = array<i32>} : memref<48x992xf32, #tpu.memory_space<vmem>>, vector<16xf32>,
        %mul3A_2882 = arith.constant 16 : i32
        %mul3A_2883 = arith.muli %scan3A_57, %mul3A_2882 : i32
        %swap3A_2884 = arith.constant 15 : i32
        %swap3A_2885 = arith.index_cast %swap3A_2884 : i32 to index
        %swap3A_2886 = arith.index_cast %mul3A_2883 : i32 to index
        %swap3A_2887 = tpu.vector_load %arg8[%swap3A_2885, %swap3A_2886] {strides = array<i32>} : memref<48x992xf32, #tpu.memory_space<vmem>>, vector<16xf32>,
        tpu.vector_store %arg8[%swap3A_2885, %swap3A_2886], %add3A_888 {strides = array<i32>} : memref<48x992xf32, #tpu.memory_space<vmem>>, vector<16xf32>,
        %mul3A_2888 = arith.constant 16 : i32
        %mul3A_2889 = arith.muli %scan3A_57, %mul3A_2888 : i32
        %swap3A_2890 = arith.constant 16 : i32
        %swap3A_2891 = arith.index_cast %swap3A_2890 : i32 to index
        %swap3A_2892 = arith.index_cast %mul3A_2889 : i32 to index
        %swap3A_2893 = tpu.vector_load %arg8[%swap3A_2891, %swap3A_2892] {strides = array<i32>} : memref<48x992xf32, #tpu.memory_space<vmem>>, vector<16xf32>,
        tpu.vector_store %arg8[%swap3A_2891, %swap3A_2892], %add3A_956 {strides = array<i32>} : memref<48x992xf32, #tpu.memory_space<vmem>>, vector<16xf32>,
        %mul3A_2894 = arith.constant 16 : i32
        %mul3A_2895 = arith.muli %scan3A_57, %mul3A_2894 : i32
        %swap3A_2896 = arith.constant 17 : i32
        %swap3A_2897 = arith.index_cast %swap3A_2896 : i32 to index
        %swap3A_2898 = arith.index_cast %mul3A_2895 : i32 to index
        %swap3A_2899 = tpu.vector_load %arg8[%swap3A_2897, %swap3A_2898] {strides = array<i32>} : memref<48x992xf32, #tpu.memory_space<vmem>>, vector<16xf32>,
        tpu.vector_store %arg8[%swap3A_2897, %swap3A_2898], %add3A_1024 {strides = array<i32>} : memref<48x992xf32, #tpu.memory_space<vmem>>, vector<16xf32>,
        %mul3A_2900 = arith.constant 16 : i32
        %mul3A_2901 = arith.muli %scan3A_57, %mul3A_2900 : i32
        %swap3A_2902 = arith.constant 18 : i32
        %swap3A_2903 = arith.index_cast %swap3A_2902 : i32 to index
        %swap3A_2904 = arith.index_cast %mul3A_2901 : i32 to index
        %swap3A_2905 = tpu.vector_load %arg8[%swap3A_2903, %swap3A_2904] {strides = array<i32>} : memref<48x992xf32, #tpu.memory_space<vmem>>, vector<16xf32>,
        tpu.vector_store %arg8[%swap3A_2903, %swap3A_2904], %add3A_1092 {strides = array<i32>} : memref<48x992xf32, #tpu.memory_space<vmem>>, vector<16xf32>,
        %mul3A_2906 = arith.constant 16 : i32
        %mul3A_2907 = arith.muli %scan3A_57, %mul3A_2906 : i32
        %swap3A_2908 = arith.constant 19 : i32
        %swap3A_2909 = arith.index_cast %swap3A_2908 : i32 to index
        %swap3A_2910 = arith.index_cast %mul3A_2907 : i32 to index
        %swap3A_2911 = tpu.vector_load %arg8[%swap3A_2909, %swap3A_2910] {strides = array<i32>} : memref<48x992xf32, #tpu.memory_space<vmem>>, vector<16xf32>,
        tpu.vector_store %arg8[%swap3A_2909, %swap3A_2910], %add3A_1160 {strides = array<i32>} : memref<48x992xf32, #tpu.memory_space<vmem>>, vector<16xf32>,
        %mul3A_2912 = arith.constant 16 : i32
        %mul3A_2913 = arith.muli %scan3A_57, %mul3A_2912 : i32
        %swap3A_2914 = arith.constant 20 : i32
        %swap3A_2915 = arith.index_cast %swap3A_2914 : i32 to index
        %swap3A_2916 = arith.index_cast %mul3A_2913 : i32 to index
        %swap3A_2917 = tpu.vector_load %arg8[%swap3A_2915, %swap3A_2916] {strides = array<i32>} : memref<48x992xf32, #tpu.memory_space<vmem>>, vector<16xf32>,
        tpu.vector_store %arg8[%swap3A_2915, %swap3A_2916], %add3A_1228 {strides = array<i32>} : memref<48x992xf32, #tpu.memory_space<vmem>>, vector<16xf32>,
        %mul3A_2918 = arith.constant 16 : i32
        %mul3A_2919 = arith.muli %scan3A_57, %mul3A_2918 : i32
        %swap3A_2920 = arith.constant 21 : i32
        %swap3A_2921 = arith.index_cast %swap3A_2920 : i32 to index
        %swap3A_2922 = arith.index_cast %mul3A_2919 : i32 to index
        %swap3A_2923 = tpu.vector_load %arg8[%swap3A_2921, %swap3A_2922] {strides = array<i32>} : memref<48x992xf32, #tpu.memory_space<vmem>>, vector<16xf32>,
        tpu.vector_store %arg8[%swap3A_2921, %swap3A_2922], %add3A_1296 {strides = array<i32>} : memref<48x992xf32, #tpu.memory_space<vmem>>, vector<16xf32>,
        %mul3A_2924 = arith.constant 16 : i32
        %mul3A_2925 = arith.muli %scan3A_57, %mul3A_2924 : i32
        %swap3A_2926 = arith.constant 22 : i32
        %swap3A_2927 = arith.index_cast %swap3A_2926 : i32 to index
        %swap3A_2928 = arith.index_cast %mul3A_2925 : i32 to index
        %swap3A_2929 = tpu.vector_load %arg8[%swap3A_2927, %swap3A_2928] {strides = array<i32>} : memref<48x992xf32, #tpu.memory_space<vmem>>, vector<16xf32>,
        tpu.vector_store %arg8[%swap3A_2927, %swap3A_2928], %add3A_1364 {strides = array<i32>} : memref<48x992xf32, #tpu.memory_space<vmem>>, vector<16xf32>,
        %mul3A_2930 = arith.constant 16 : i32
        %mul3A_2931 = arith.muli %scan3A_57, %mul3A_2930 : i32
        %swap3A_2932 = arith.constant 23 : i32
        %swap3A_2933 = arith.index_cast %swap3A_2932 : i32 to index
        %swap3A_2934 = arith.index_cast %mul3A_2931 : i32 to index
        %swap3A_2935 = tpu.vector_load %arg8[%swap3A_2933, %swap3A_2934] {strides = array<i32>} : memref<48x992xf32, #tpu.memory_space<vmem>>, vector<16xf32>,
        tpu.vector_store %arg8[%swap3A_2933, %swap3A_2934], %add3A_1432 {strides = array<i32>} : memref<48x992xf32, #tpu.memory_space<vmem>>, vector<16xf32>,
        %mul3A_2936 = arith.constant 16 : i32
        %mul3A_2937 = arith.muli %scan3A_57, %mul3A_2936 : i32
        %swap3A_2938 = arith.constant 24 : i32
        %swap3A_2939 = arith.index_cast %swap3A_2938 : i32 to index
        %swap3A_2940 = arith.index_cast %mul3A_2937 : i32 to index
        %swap3A_2941 = tpu.vector_load %arg8[%swap3A_2939, %swap3A_2940] {strides = array<i32>} : memref<48x992xf32, #tpu.memory_space<vmem>>, vector<16xf32>,
        tpu.vector_store %arg8[%swap3A_2939, %swap3A_2940], %add3A_1500 {strides = array<i32>} : memref<48x992xf32, #tpu.memory_space<vmem>>, vector<16xf32>,
        %mul3A_2942 = arith.constant 16 : i32
        %mul3A_2943 = arith.muli %scan3A_57, %mul3A_2942 : i32
        %swap3A_2944 = arith.constant 25 : i32
        %swap3A_2945 = arith.index_cast %swap3A_2944 : i32 to index
        %swap3A_2946 = arith.index_cast %mul3A_2943 : i32 to index
        %swap3A_2947 = tpu.vector_load %arg8[%swap3A_2945, %swap3A_2946] {strides = array<i32>} : memref<48x992xf32, #tpu.memory_space<vmem>>, vector<16xf32>,
        tpu.vector_store %arg8[%swap3A_2945, %swap3A_2946], %add3A_1568 {strides = array<i32>} : memref<48x992xf32, #tpu.memory_space<vmem>>, vector<16xf32>,
        %mul3A_2948 = arith.constant 16 : i32
        %mul3A_2949 = arith.muli %scan3A_57, %mul3A_2948 : i32
        %swap3A_2950 = arith.constant 26 : i32
        %swap3A_2951 = arith.index_cast %swap3A_2950 : i32 to index
        %swap3A_2952 = arith.index_cast %mul3A_2949 : i32 to index
        %swap3A_2953 = tpu.vector_load %arg8[%swap3A_2951, %swap3A_2952] {strides = array<i32>} : memref<48x992xf32, #tpu.memory_space<vmem>>, vector<16xf32>,
        tpu.vector_store %arg8[%swap3A_2951, %swap3A_2952], %add3A_1636 {strides = array<i32>} : memref<48x992xf32, #tpu.memory_space<vmem>>, vector<16xf32>,
        %mul3A_2954 = arith.constant 16 : i32
        %mul3A_2955 = arith.muli %scan3A_57, %mul3A_2954 : i32
        %swap3A_2956 = arith.constant 27 : i32
        %swap3A_2957 = arith.index_cast %swap3A_2956 : i32 to index
        %swap3A_2958 = arith.index_cast %mul3A_2955 : i32 to index
        %swap3A_2959 = tpu.vector_load %arg8[%swap3A_2957, %swap3A_2958] {strides = array<i32>} : memref<48x992xf32, #tpu.memory_space<vmem>>, vector<16xf32>,
        tpu.vector_store %arg8[%swap3A_2957, %swap3A_2958], %add3A_1704 {strides = array<i32>} : memref<48x992xf32, #tpu.memory_space<vmem>>, vector<16xf32>,
        %mul3A_2960 = arith.constant 16 : i32
        %mul3A_2961 = arith.muli %scan3A_57, %mul3A_2960 : i32
        %swap3A_2962 = arith.constant 28 : i32
        %swap3A_2963 = arith.index_cast %swap3A_2962 : i32 to index
        %swap3A_2964 = arith.index_cast %mul3A_2961 : i32 to index
        %swap3A_2965 = tpu.vector_load %arg8[%swap3A_2963, %swap3A_2964] {strides = array<i32>} : memref<48x992xf32, #tpu.memory_space<vmem>>, vector<16xf32>,
        tpu.vector_store %arg8[%swap3A_2963, %swap3A_2964], %add3A_1772 {strides = array<i32>} : memref<48x992xf32, #tpu.memory_space<vmem>>, vector<16xf32>,
        %mul3A_2966 = arith.constant 16 : i32
        %mul3A_2967 = arith.muli %scan3A_57, %mul3A_2966 : i32
        %swap3A_2968 = arith.constant 29 : i32
        %swap3A_2969 = arith.index_cast %swap3A_2968 : i32 to index
        %swap3A_2970 = arith.index_cast %mul3A_2967 : i32 to index
        %swap3A_2971 = tpu.vector_load %arg8[%swap3A_2969, %swap3A_2970] {strides = array<i32>} : memref<48x992xf32, #tpu.memory_space<vmem>>, vector<16xf32>,
        tpu.vector_store %arg8[%swap3A_2969, %swap3A_2970], %add3A_1840 {strides = array<i32>} : memref<48x992xf32, #tpu.memory_space<vmem>>, vector<16xf32>,
        %mul3A_2972 = arith.constant 16 : i32
        %mul3A_2973 = arith.muli %scan3A_57, %mul3A_2972 : i32
        %swap3A_2974 = arith.constant 30 : i32
        %swap3A_2975 = arith.index_cast %swap3A_2974 : i32 to index
        %swap3A_2976 = arith.index_cast %mul3A_2973 : i32 to index
        %swap3A_2977 = tpu.vector_load %arg8[%swap3A_2975, %swap3A_2976] {strides = array<i32>} : memref<48x992xf32, #tpu.memory_space<vmem>>, vector<16xf32>,
        tpu.vector_store %arg8[%swap3A_2975, %swap3A_2976], %add3A_1908 {strides = array<i32>} : memref<48x992xf32, #tpu.memory_space<vmem>>, vector<16xf32>,
        %mul3A_2978 = arith.constant 16 : i32
        %mul3A_2979 = arith.muli %scan3A_57, %mul3A_2978 : i32
        %swap3A_2980 = arith.constant 31 : i32
        %swap3A_2981 = arith.index_cast %swap3A_2980 : i32 to index
        %swap3A_2982 = arith.index_cast %mul3A_2979 : i32 to index
        %swap3A_2983 = tpu.vector_load %arg8[%swap3A_2981, %swap3A_2982] {strides = array<i32>} : memref<48x992xf32, #tpu.memory_space<vmem>>, vector<16xf32>,
        tpu.vector_store %arg8[%swap3A_2981, %swap3A_2982], %add3A_1976 {strides = array<i32>} : memref<48x992xf32, #tpu.memory_space<vmem>>, vector<16xf32>,
        %mul3A_2984 = arith.constant 16 : i32
        %mul3A_2985 = arith.muli %scan3A_57, %mul3A_2984 : i32
        %swap3A_2986 = arith.constant 32 : i32
        %swap3A_2987 = arith.index_cast %swap3A_2986 : i32 to index
        %swap3A_2988 = arith.index_cast %mul3A_2985 : i32 to index
        %swap3A_2989 = tpu.vector_load %arg8[%swap3A_2987, %swap3A_2988] {strides = array<i32>} : memref<48x992xf32, #tpu.memory_space<vmem>>, vector<16xf32>,
        tpu.vector_store %arg8[%swap3A_2987, %swap3A_2988], %add3A_2044 {strides = array<i32>} : memref<48x992xf32, #tpu.memory_space<vmem>>, vector<16xf32>,
        %mul3A_2990 = arith.constant 16 : i32
        %mul3A_2991 = arith.muli %scan3A_57, %mul3A_2990 : i32
        %swap3A_2992 = arith.constant 33 : i32
        %swap3A_2993 = arith.index_cast %swap3A_2992 : i32 to index
        %swap3A_2994 = arith.index_cast %mul3A_2991 : i32 to index
        %swap3A_2995 = tpu.vector_load %arg8[%swap3A_2993, %swap3A_2994] {strides = array<i32>} : memref<48x992xf32, #tpu.memory_space<vmem>>, vector<16xf32>,
        tpu.vector_store %arg8[%swap3A_2993, %swap3A_2994], %add3A_2112 {strides = array<i32>} : memref<48x992xf32, #tpu.memory_space<vmem>>, vector<16xf32>,
        %mul3A_2996 = arith.constant 16 : i32
        %mul3A_2997 = arith.muli %scan3A_57, %mul3A_2996 : i32
        %swap3A_2998 = arith.constant 34 : i32
        %swap3A_2999 = arith.index_cast %swap3A_2998 : i32 to index
        %swap3A_3000 = arith.index_cast %mul3A_2997 : i32 to index
        %swap3A_3001 = tpu.vector_load %arg8[%swap3A_2999, %swap3A_3000] {strides = array<i32>} : memref<48x992xf32, #tpu.memory_space<vmem>>, vector<16xf32>,
        tpu.vector_store %arg8[%swap3A_2999, %swap3A_3000], %add3A_2180 {strides = array<i32>} : memref<48x992xf32, #tpu.memory_space<vmem>>, vector<16xf32>,
        %mul3A_3002 = arith.constant 16 : i32
        %mul3A_3003 = arith.muli %scan3A_57, %mul3A_3002 : i32
        %swap3A_3004 = arith.constant 35 : i32
        %swap3A_3005 = arith.index_cast %swap3A_3004 : i32 to index
        %swap3A_3006 = arith.index_cast %mul3A_3003 : i32 to index
        %swap3A_3007 = tpu.vector_load %arg8[%swap3A_3005, %swap3A_3006] {strides = array<i32>} : memref<48x992xf32, #tpu.memory_space<vmem>>, vector<16xf32>,
        tpu.vector_store %arg8[%swap3A_3005, %swap3A_3006], %add3A_2248 {strides = array<i32>} : memref<48x992xf32, #tpu.memory_space<vmem>>, vector<16xf32>,
        %mul3A_3008 = arith.constant 16 : i32
        %mul3A_3009 = arith.muli %scan3A_57, %mul3A_3008 : i32
        %swap3A_3010 = arith.constant 36 : i32
        %swap3A_3011 = arith.index_cast %swap3A_3010 : i32 to index
        %swap3A_3012 = arith.index_cast %mul3A_3009 : i32 to index
        %swap3A_3013 = tpu.vector_load %arg8[%swap3A_3011, %swap3A_3012] {strides = array<i32>} : memref<48x992xf32, #tpu.memory_space<vmem>>, vector<16xf32>,
        tpu.vector_store %arg8[%swap3A_3011, %swap3A_3012], %add3A_2316 {strides = array<i32>} : memref<48x992xf32, #tpu.memory_space<vmem>>, vector<16xf32>,
        %mul3A_3014 = arith.constant 16 : i32
        %mul3A_3015 = arith.muli %scan3A_57, %mul3A_3014 : i32
        %swap3A_3016 = arith.constant 37 : i32
        %swap3A_3017 = arith.index_cast %swap3A_3016 : i32 to index
        %swap3A_3018 = arith.index_cast %mul3A_3015 : i32 to index
        %swap3A_3019 = tpu.vector_load %arg8[%swap3A_3017, %swap3A_3018] {strides = array<i32>} : memref<48x992xf32, #tpu.memory_space<vmem>>, vector<16xf32>,
        tpu.vector_store %arg8[%swap3A_3017, %swap3A_3018], %add3A_2384 {strides = array<i32>} : memref<48x992xf32, #tpu.memory_space<vmem>>, vector<16xf32>,
        %mul3A_3020 = arith.constant 16 : i32
        %mul3A_3021 = arith.muli %scan3A_57, %mul3A_3020 : i32
        %swap3A_3022 = arith.constant 38 : i32
        %swap3A_3023 = arith.index_cast %swap3A_3022 : i32 to index
        %swap3A_3024 = arith.index_cast %mul3A_3021 : i32 to index
        %swap3A_3025 = tpu.vector_load %arg8[%swap3A_3023, %swap3A_3024] {strides = array<i32>} : memref<48x992xf32, #tpu.memory_space<vmem>>, vector<16xf32>,
        tpu.vector_store %arg8[%swap3A_3023, %swap3A_3024], %add3A_2452 {strides = array<i32>} : memref<48x992xf32, #tpu.memory_space<vmem>>, vector<16xf32>,
        %mul3A_3026 = arith.constant 16 : i32
        %mul3A_3027 = arith.muli %scan3A_57, %mul3A_3026 : i32
        %swap3A_3028 = arith.constant 39 : i32
        %swap3A_3029 = arith.index_cast %swap3A_3028 : i32 to index
        %swap3A_3030 = arith.index_cast %mul3A_3027 : i32 to index
        %swap3A_3031 = tpu.vector_load %arg8[%swap3A_3029, %swap3A_3030] {strides = array<i32>} : memref<48x992xf32, #tpu.memory_space<vmem>>, vector<16xf32>,
        tpu.vector_store %arg8[%swap3A_3029, %swap3A_3030], %add3A_2520 {strides = array<i32>} : memref<48x992xf32, #tpu.memory_space<vmem>>, vector<16xf32>,
        %mul3A_3032 = arith.constant 16 : i32
        %mul3A_3033 = arith.muli %scan3A_57, %mul3A_3032 : i32
        %swap3A_3034 = arith.constant 40 : i32
        %swap3A_3035 = arith.index_cast %swap3A_3034 : i32 to index
        %swap3A_3036 = arith.index_cast %mul3A_3033 : i32 to index
        %swap3A_3037 = tpu.vector_load %arg8[%swap3A_3035, %swap3A_3036] {strides = array<i32>} : memref<48x992xf32, #tpu.memory_space<vmem>>, vector<16xf32>,
        tpu.vector_store %arg8[%swap3A_3035, %swap3A_3036], %add3A_2588 {strides = array<i32>} : memref<48x992xf32, #tpu.memory_space<vmem>>, vector<16xf32>,
        %mul3A_3038 = arith.constant 16 : i32
        %mul3A_3039 = arith.muli %scan3A_57, %mul3A_3038 : i32
        %swap3A_3040 = arith.constant 41 : i32
        %swap3A_3041 = arith.index_cast %swap3A_3040 : i32 to index
        %swap3A_3042 = arith.index_cast %mul3A_3039 : i32 to index
        %swap3A_3043 = tpu.vector_load %arg8[%swap3A_3041, %swap3A_3042] {strides = array<i32>} : memref<48x992xf32, #tpu.memory_space<vmem>>, vector<16xf32>,
        tpu.vector_store %arg8[%swap3A_3041, %swap3A_3042], %add3A_2656 {strides = array<i32>} : memref<48x992xf32, #tpu.memory_space<vmem>>, vector<16xf32>,
        %mul3A_3044 = arith.constant 16 : i32
        %mul3A_3045 = arith.muli %scan3A_57, %mul3A_3044 : i32
        %swap3A_3046 = arith.constant 42 : i32
        %swap3A_3047 = arith.index_cast %swap3A_3046 : i32 to index
        %swap3A_3048 = arith.index_cast %mul3A_3045 : i32 to index
        %swap3A_3049 = tpu.vector_load %arg8[%swap3A_3047, %swap3A_3048] {strides = array<i32>} : memref<48x992xf32, #tpu.memory_space<vmem>>, vector<16xf32>,
        tpu.vector_store %arg8[%swap3A_3047, %swap3A_3048], %add3A_2724 {strides = array<i32>} : memref<48x992xf32, #tpu.memory_space<vmem>>, vector<16xf32>,
        %mul3A_3050 = arith.constant 16 : i32
        %mul3A_3051 = arith.muli %scan3A_57, %mul3A_3050 : i32
        %swap3A_3052 = arith.constant 43 : i32
        %swap3A_3053 = arith.index_cast %swap3A_3052 : i32 to index
        %swap3A_3054 = arith.index_cast %mul3A_3051 : i32 to index
        %swap3A_3055 = tpu.vector_load %arg8[%swap3A_3053, %swap3A_3054] {strides = array<i32>} : memref<48x992xf32, #tpu.memory_space<vmem>>, vector<16xf32>,
        tpu.vector_store %arg8[%swap3A_3053, %swap3A_3054], %add3A_2792 {strides = array<i32>} : memref<48x992xf32, #tpu.memory_space<vmem>>, vector<16xf32>,
      }
      %scan3A_53 = arith.constant 62 : i32
      %mul3A_54 = arith.constant 992 : i32
      %mul3A_55 = arith.muli %scan3A_45, %mul3A_54 : i32
      %add3A_56 = arith.addi %mul3A_32, %mul3A_55 : i32
      "tpu.region"() ({
        %run_scoped3A_57 = tpu.sem_alloc : memref<!tpu.dma_semaphore, #tpu.memory_space<semaphore_mem>>
        %dma_start3A = arith.constant 0 : i32
        %dma_start3A_58 = tpu.memref_slice %arg4[%select_n3A, %dma_start3A, %add3A_56] : memref<4x48x31744xf32, #tpu.memory_space<hbm>> -> memref<1x48x992xf32, #tpu.memory_space<hbm>>
        %dma_start3A_59 = tpu.memref_squeeze %dma_start3A_58 : memref<1x48x992xf32, #tpu.memory_space<hbm>> -> memref<48x992xf32, #tpu.memory_space<hbm>>
        %dma_start3A_60 = arith.constant 0 : i32
        %dma_start3A_61 = tpu.memref_slice %arg4[%select_n3A, %dma_start3A_60, %add3A_56] : memref<4x48x31744xf32, #tpu.memory_space<hbm>> -> memref<1x48x992xf32, #tpu.memory_space<hbm>>
        %dma_start3A_62 = tpu.memref_squeeze %dma_start3A_61 : memref<1x48x992xf32, #tpu.memory_space<hbm>> -> memref<48x992xf32, #tpu.memory_space<hbm>>
        tpu.enqueue_dma source(%arg8 : memref<48x992xf32, #tpu.memory_space<vmem>>) target(%dma_start3A_62 : memref<48x992xf32, #tpu.memory_space<hbm>>) target_semaphore(%run_scoped3A_57 : memref<!tpu.dma_semaphore, #tpu.memory_space<semaphore_mem>>)
        %dma_wait3A = arith.constant 0 : i32
        %dma_wait3A_63 = tpu.memref_slice %arg4[%select_n3A, %dma_wait3A, %add3A_56] : memref<4x48x31744xf32, #tpu.memory_space<hbm>> -> memref<1x48x992xf32, #tpu.memory_space<hbm>>
        %dma_wait3A_64 = tpu.memref_squeeze %dma_wait3A_63 : memref<1x48x992xf32, #tpu.memory_space<hbm>> -> memref<48x992xf32, #tpu.memory_space<hbm>>
        %dma_wait3A_65 = arith.constant 0 : i32
        %dma_wait3A_66 = tpu.memref_slice %arg4[%select_n3A, %dma_wait3A_65, %add3A_56] : memref<4x48x31744xf32, #tpu.memory_space<hbm>> -> memref<1x48x992xf32, #tpu.memory_space<hbm>>
        %dma_wait3A_67 = tpu.memref_squeeze %dma_wait3A_66 : memref<1x48x992xf32, #tpu.memory_space<hbm>> -> memref<48x992xf32, #tpu.memory_space<hbm>>
        tpu.wait_dma2 semaphore(%run_scoped3A_57 : memref<!tpu.dma_semaphore, #tpu.memory_space<semaphore_mem>>) src(%arg8 : memref<48x992xf32, #tpu.memory_space<vmem>>) dst(%dma_wait3A_67 : memref<48x992xf32, #tpu.memory_space<hbm>>)
        tpu.yield
      }) : () -> ()
    }
    %scan3A_44 = arith.constant 4 : i32
    return
  }
}

module attributes {stable_mosaic.version = 14 : i64} {
  func.func @body(%arg0: i32, %arg1: i32, %arg2: memref<1x48x3968xf32, #tpu.memory_space<vmem>>, %arg3: memref<1x16x48xf32, #tpu.memory_space<vmem>>, %arg4: memref<1x16x16xf32, #tpu.memory_space<vmem>>, %arg5: memref<1x3x16xf32, #tpu.memory_space<vmem>>, %arg6: memref<1x3x3968xf32, #tpu.memory_space<vmem>>) attributes {dimension_semantics = [#tpu.dimension_semantics<arbitrary>, #tpu.dimension_semantics<arbitrary>], iteration_bounds = array<i64: 4, 8>, scalar_prefetch = 0 : i64, scratch_operands = 0 : i64, tpu.core_type = #tpu.core_type<tc>, window_params = [{transform_indices = @transform_0, window_bounds = array<i64: 1, 48, 3968>}, {transform_indices = @transform_1, window_bounds = array<i64: 1, 16, 48>}, {transform_indices = @transform_2, window_bounds = array<i64: 1, 16, 16>}, {transform_indices = @transform_3, window_bounds = array<i64: 1, 3, 16>}, {transform_indices = @transform_4, window_bounds = array<i64: 1, 3, 3968>}]} {
    %get3A = arith.constant 0 : index
    %get3A_0 = arith.constant 0 : index
    %get3A_1 = arith.constant 0 : index
    %get3A_2 = vector.load %arg2[%get3A, %get3A_0, %get3A_1] : memref<1x48x3968xf32, #tpu.memory_space<vmem>>, vector<1x48x3968xf32>
    %get3A_3 = vector.shape_cast %get3A_2 : vector<1x48x3968xf32> to vector<48x3968xf32>
    %get3A_4 = arith.constant 0 : index
    %get3A_5 = arith.constant 0 : index
    %get3A_6 = arith.constant 0 : index
    %get3A_7 = vector.load %arg3[%get3A_4, %get3A_5, %get3A_6] : memref<1x16x48xf32, #tpu.memory_space<vmem>>, vector<1x16x48xf32>
    %get3A_8 = vector.shape_cast %get3A_7 : vector<1x16x48xf32> to vector<16x48xf32>
    %dot_general3A = arith.constant dense<0.000000e+00> : vector<16x3968xf32>
    %dot_general3A_9 = tpu.matmul %get3A_8, %get3A_3, %dot_general3A {dimension_numbers = #tpu.dot_dimension_numbers<[1], [0], [0], [1], [0, 0, 1, 1], [], []>, transpose_lhs_hint = false} : vector<16x48xf32>, vector<48x3968xf32>, vector<16x3968xf32> -> vector<16x3968xf32>
    %max3A = arith.constant 0.000000e+00 : f32
    %max3A_10 = vector.broadcast %max3A : f32 to vector<16x3968xf32>
    %max3A_11 = arith.maximumf %dot_general3A_9, %max3A_10 : vector<16x3968xf32>
    %get3A_12 = arith.constant 0 : index
    %get3A_13 = arith.constant 0 : index
    %get3A_14 = arith.constant 0 : index
    %get3A_15 = vector.load %arg4[%get3A_12, %get3A_13, %get3A_14] : memref<1x16x16xf32, #tpu.memory_space<vmem>>, vector<1x16x16xf32>
    %get3A_16 = vector.shape_cast %get3A_15 : vector<1x16x16xf32> to vector<16x16xf32>
    %dot_general3A_17 = arith.constant dense<0.000000e+00> : vector<16x3968xf32>
    %dot_general3A_18 = tpu.matmul %get3A_16, %max3A_11, %dot_general3A_17 {dimension_numbers = #tpu.dot_dimension_numbers<[1], [0], [0], [1], [0, 0, 1, 1], [], []>, transpose_lhs_hint = false} : vector<16x16xf32>, vector<16x3968xf32>, vector<16x3968xf32> -> vector<16x3968xf32>
    %max3A_19 = arith.constant 0.000000e+00 : f32
    %max3A_20 = vector.broadcast %max3A_19 : f32 to vector<16x3968xf32>
    %max3A_21 = arith.maximumf %dot_general3A_18, %max3A_20 : vector<16x3968xf32>
    %get3A_22 = arith.constant 0 : index
    %get3A_23 = arith.constant 0 : index
    %get3A_24 = arith.constant 0 : index
    %get3A_25 = vector.load %arg5[%get3A_22, %get3A_23, %get3A_24] : memref<1x3x16xf32, #tpu.memory_space<vmem>>, vector<1x3x16xf32>
    %get3A_26 = vector.shape_cast %get3A_25 : vector<1x3x16xf32> to vector<3x16xf32>
    %dot_general3A_27 = arith.constant dense<0.000000e+00> : vector<3x3968xf32>
    %dot_general3A_28 = tpu.matmul %get3A_26, %max3A_21, %dot_general3A_27 {dimension_numbers = #tpu.dot_dimension_numbers<[1], [0], [0], [1], [0, 0, 1, 1], [], []>, transpose_lhs_hint = false} : vector<3x16xf32>, vector<16x3968xf32>, vector<3x3968xf32> -> vector<3x3968xf32>
    %logistic3A = arith.negf %dot_general3A_28 : vector<3x3968xf32>
    %logistic3A_29 = math.exp %logistic3A : vector<3x3968xf32>
    %logistic3A_30 = arith.constant 1.000000e+00 : f32
    %logistic3A_31 = vector.broadcast %logistic3A_30 : f32 to vector<3x3968xf32>
    %logistic3A_32 = arith.addf %logistic3A_31, %logistic3A_29 : vector<3x3968xf32>
    %logistic3A_33 = arith.divf %logistic3A_31, %logistic3A_32 : vector<3x3968xf32>
    %swap3A = arith.constant 0 : index
    %swap3A_34 = arith.constant 0 : index
    %swap3A_35 = arith.constant 0 : index
    %swap3A_36 = vector.load %arg6[%swap3A, %swap3A_34, %swap3A_35] : memref<1x3x3968xf32, #tpu.memory_space<vmem>>, vector<1x3x3968xf32>
    %swap3A_37 = vector.shape_cast %swap3A_36 : vector<1x3x3968xf32> to vector<3x3968xf32>
    %swap3A_38 = vector.shape_cast %logistic3A_33 : vector<3x3968xf32> to vector<1x3x3968xf32>
    tpu.vector_store %arg6[%swap3A, %swap3A_34, %swap3A_35], %swap3A_38 {strides = array<i32>} : memref<1x3x3968xf32, #tpu.memory_space<vmem>>, vector<1x3x3968xf32>,
    return
  }
  func.func @transform_0(%arg0: i32, %arg1: i32) -> (i32, i32, i32) {
    %c0_i32 = arith.constant 0 : i32
    %c0_i32_0 = arith.constant 0 : i32
    return %arg0, %c0_i32, %arg1 : i32, i32, i32
  }
  func.func @transform_1(%arg0: i32, %arg1: i32) -> (i32, i32, i32) {
    %c0_i32 = arith.constant 0 : i32
    %c0_i32_0 = arith.constant 0 : i32
    %c0_i32_1 = arith.constant 0 : i32
    return %arg0, %c0_i32, %c0_i32_0 : i32, i32, i32
  }
  func.func @transform_2(%arg0: i32, %arg1: i32) -> (i32, i32, i32) {
    %c0_i32 = arith.constant 0 : i32
    %c0_i32_0 = arith.constant 0 : i32
    %c0_i32_1 = arith.constant 0 : i32
    return %arg0, %c0_i32, %c0_i32_0 : i32, i32, i32
  }
  func.func @transform_3(%arg0: i32, %arg1: i32) -> (i32, i32, i32) {
    %c0_i32 = arith.constant 0 : i32
    %c0_i32_0 = arith.constant 0 : i32
    %c0_i32_1 = arith.constant 0 : i32
    return %arg0, %c0_i32, %c0_i32_0 : i32, i32, i32
  }
  func.func @transform_4(%arg0: i32, %arg1: i32) -> (i32, i32, i32) {
    %c0_i32 = arith.constant 0 : i32
    %c0_i32_0 = arith.constant 0 : i32
    return %arg0, %c0_i32, %arg1 : i32, i32, i32
  }
}

</mosaic_0001>

<sc_bundles>
// kernel: kernel.4.cloned.1.call-start
scs
__scs_entry_jumppad:
0x0: {  	(pc) =	sbr.rel $0x88, $3  }
0x1: {  	(tag) =	ssettag $0x0;
	lr =	simm.s32 $0x1  }
0x2: {  	[smem:$0x3F9C] =	sst lr;
	_ =	strace $0xD0000000  }
0x3: {  	_ = 	snop  }
0x4: {  	_ = 	snop  }
0x5: {  	_ = 	snop  }
0x6: {  	_ = 	snop  }
0x7: {  	_ = 	snop  }
__scs_overlays_trampoline_lowered:
0x8: {  	[smem:$0x3FAB] =	sst s0  }
0x9: {  	[smem:$0x3FAC] =	sst s1  }
0xa: {  	[smem:$0x3FAD] =	sst s2  }
0xb: {  	[smem:$0x3FAE] =	sst s3  }
0xc: {  	[smem:$0x3FAF] =	sst s4  }
0xd: {  	[smem:$0x3FB0] =	sst s5  }
0xe: {  	[smem:$0x3FB1] =	sst s6  }
0xf: {  	[smem:$0x3FB2] =	sst s7  }
0x10: {  	[smem:$0x3FB3] =	sst s8  }
0x11: {  	[smem:$0x3FB4] =	sst s9;
	s0 =	simm.s32 @!p0 $0x0  }
0x12: {  	s1 =	sld [smem:$0x3F9A];
	s0 =	simm.s32 @p0 $0x1  }
0x13: {  	[smem:$0x3FB5] =	sst s0;
	s0 =	simm.s32 @!p1 $0x0  }
0x14: {  	s2 =	sld [smem:$0x3F99];
	s0 =	simm.s32 @p1 $0x1  }
0x15: {  	[smem:$0x3FB6] =	sst s0;
	s0 =	simm.s32 @!p2 $0x0  }
0x16: {  	s3 =	sld [smem:$0x3FDB];
	s0 =	simm.s32 @p2 $0x1  }
0x17: {  	s4 =	simm.s32 $0x1BF5;
	[smem:$0x3FB8] =	sst s0  }
0x18: {  	s0 =	sld [smem:$0x3F9B];
	_ =	swait.ge [sflag:s4], $0x0  }
0x19: {  	s7 =	sld [smem:$0x3F9C]  }
0x1a: {  	s8 =	sadd.s32 $0xFFFFE003, lr  }
0x1b: {  	s9 =	sadd.s32 $0xFFFFFEF7, lr;
	s5 =	simm.s32 $0xFFFFFFFF;
	p2 =	slt.u32 s8, $0xFFFFF086  }
0x1c: {  	p1 =	slt.u32 s9, $0xF7A;
	s5 =	simm.s32 @!p2 $0x0  }
0x1d: {  	s5 =	simm.s32 @p1 $0x1;
	p0 =	seq.s32 s7, s2  }
0x1e: {  	s7 =	smul.u32 @!p0 $0xF7A, s2;
	p2 =	seq.s32 @!p0 s5, $0x0  }
0x1f: {  	s9 =	smul.u32 $0xF7A, s1;
	s8 =	simm.s32 @!p0 $0x1BF5;
	p2 =	por !p2, p0  }
0x20: {  	[sflag:s8] =	ssyncset.s32 @!p0 $0xFFFFF086;
	s6 =	sadd.s32 @!p0 s3, s7;
	s7 =	simm.s32 @!p0 $0x108  }
0x21: {  	s3 =	sadd.s32 s3, s9;
	s6 =	sadd.s32 @!p0 $0x88, s6;
	s7 =	simm.s32 @p2 $0x1082  }
0x22: {  	[simem:s7], [sflag:s8] =	dma.local @!p0 [hbm:s6], $0xF7A  }
0x23: {  	s9 =	sor.u32 $0xD0000000, s2;
	s6 =	simm.s32 $0x108;
	_ =	swait.ge @!p0 [sflag:s8], $0x0  }
0x24: {  	s3 =	sadd.s32 $0x88, s3;
	s6 =	simm.s32 @!p1 $0x1082;
	[sflag:s4] =	ssyncset.s32 $0xFFFFF086  }
0x25: {  	[simem:s6], [sflag:s4] =	dma.local [hbm:s3], $0xF7A  }
0x26: {  	[smem:$0x3F9C] =	sst s1;
	(tag) =	ssettag s2;
	_ =	strace s9  }
0x27: {  	s1 =	sld [smem:$0x3FAC]  }
0x28: {  	s2 =	sld [smem:$0x3FAD]  }
0x29: {  	s4 =	sld [smem:$0x3FAF]  }
0x2a: {  	p0 =	seq.s32 s5, $0x0;
	s5 =	sld [smem:$0x3FB0]  }
0x2b: {  	s6 =	sld [smem:$0x3FB1]  }
0x2c: {  	s7 =	sld [smem:$0x3FB2]  }
0x2d: {  	s3 =	simm.s32 $0x108;
	s8 =	sld [smem:$0x3FB3]  }
0x2e: {  	s3 =	simm.s32 @!p0 $0x1082;
	s9 =	sld [smem:$0x3FB4]  }
0x2f: {  	lr =	sadd.s32 s0, s3;
	s0 =	sld [smem:$0x3FAB]  }
0x30: {  	s3 =	sld [smem:$0x3FAE]  }
0x31: {  	[smem:$0x3FB7] =	sst s10  }
0x32: {  	s10 =	sld [smem:$0x3FB5];
	_ =	sdelay $0x3  }
0x33: {  	p0 =	seq.s32 s10, $0x1;
	s10 =	sld [smem:$0x3FB7];
	_ =	sdelay $0x3  }
0x34: {  	[smem:$0x3FB7] =	sst s10  }
0x35: {  	s10 =	sld [smem:$0x3FB6];
	_ =	sdelay $0x3  }
0x36: {  	p1 =	seq.s32 s10, $0x1;
	s10 =	sld [smem:$0x3FB7];
	_ =	sdelay $0x3  }
0x37: {  	[smem:$0x3FB7] =	sst s10  }
0x38: {  	s10 =	sld [smem:$0x3FB8]  }
0x39: {  	_ = 	snop;
	(pc) =	sbr.ind lr, $3  }
0x3a: {  	_ = 	snop  }
0x3b: {  	_ = 	snop  }
0x3c: {  	p2 =	seq.s32 s10, $0x1;
	s10 =	sld [smem:$0x3FB7]  }
0x3d: {  	_ =	shalt  }
0x3e: {  	_ =	shalt  }
0x3f: {  	_ =	shalt  }
0x40: {  	_ =	shalt  }
0x41: {  	_ =	shalt  }
0x42: {  	_ =	shalt  }
0x43: {  	_ =	shalt  }
0x44: {  	_ =	shalt  }
0x45: {  	_ =	shalt  }
0x46: {  	_ =	shalt  }
0x47: {  	_ =	shalt  }
0x48: {  	_ =	shalt  }
0x49: {  	_ =	shalt  }
0x4a: {  	_ =	shalt  }
0x4b: {  	_ =	shalt  }
0x4c: {  	_ =	shalt  }
0x4d: {  	_ =	shalt  }
0x4e: {  	_ =	shalt  }
0x4f: {  	_ =	shalt  }
0x50: {  	_ =	shalt  }
0x51: {  	_ =	shalt  }
0x52: {  	_ =	shalt  }
0x53: {  	_ =	shalt  }
0x54: {  	_ =	shalt  }
0x55: {  	_ =	shalt  }
0x56: {  	_ =	shalt  }
0x57: {  	_ =	shalt  }
0x58: {  	_ =	shalt  }
0x59: {  	_ =	shalt  }
0x5a: {  	_ =	shalt  }
0x5b: {  	_ =	shalt  }
0x5c: {  	_ =	shalt  }
0x5d: {  	_ =	shalt  }
0x5e: {  	_ =	shalt  }
0x5f: {  	_ =	shalt  }
0x60: {  	_ =	shalt  }
0x61: {  	_ =	shalt  }
0x62: {  	_ =	shalt  }
0x63: {  	_ =	shalt  }
0x64: {  	_ =	shalt  }
0x65: {  	_ =	shalt  }
0x66: {  	_ =	shalt  }
0x67: {  	_ =	shalt  }
0x68: {  	_ =	shalt  }
0x69: {  	_ =	shalt  }
0x6a: {  	_ =	shalt  }
0x6b: {  	_ =	shalt  }
0x6c: {  	_ =	shalt  }
0x6d: {  	_ =	shalt  }
0x6e: {  	_ =	shalt  }
0x6f: {  	_ =	shalt  }
0x70: {  	_ =	shalt  }
0x71: {  	_ =	shalt  }
0x72: {  	_ =	shalt  }
0x73: {  	_ =	shalt  }
0x74: {  	_ =	shalt  }
0x75: {  	_ =	shalt  }
0x76: {  	_ =	shalt  }
0x77: {  	_ =	shalt  }
0x78: {  	_ =	shalt  }
0x79: {  	_ =	shalt  }
0x7a: {  	_ =	shalt  }
0x7b: {  	_ =	shalt  }
0x7c: {  	_ =	shalt  }
0x7d: {  	_ =	shalt  }
0x7e: {  	_ =	shalt  }
0x7f: {  	_ =	shalt  }
0x80: {  	_ =	shalt  }
0x81: {  	_ =	shalt  }
0x82: {  	_ =	shalt  }
0x83: {  	_ =	shalt  }
0x84: {  	_ =	shalt  }
0x85: {  	_ =	shalt  }
0x86: {  	_ =	shalt  }
0x87: {  	_ =	shalt  }
.Lfunc_end0:
.L_simem_size_0:
called_computation_lowered:
.L_overlay_start_0:
0x88: {  	s2 =	sld [smem:$0x3FD9]  }
0x89: {  	s3 =	sld [smem:$0x3FFE];
	_ =	sdelay $0x1  }
0x8a: {  	s1 =	srdreg.scid  }
0x8b: {  	s0 =	sand.u32 $0x1, s1  }
0x8c: {  	s17 =	sshll.u32 s0, $0xA;
	s2 =	sadd.s32 s3, s2  }
0x8d: {  	s2 =	sadd.s32 s2, s17  }
0x8e: {  	[smem:$0x3FC3] =	sst s2  }
0x8f: {  	_ = 	snop  }
0x90: {  	s2 =	sld [smem:$0x3FD0];
	(tm) =	ssettm $0x1  }
0x91: {  	s18 =	sld [smem:$0x3FFB];
	_ =	sdelay $0x3  }
0x92: {  	_ =	strace s18  }
0x93: {  	s3 =	sld [smem:$0x3FFC];
	_ =	sdelay $0x3  }
0x94: {  	_ =	strace s3  }
0x95: {  	s3 =	sld [smem:$0x3FFD];
	_ =	sdelay $0x3  }
0x96: {  	_ =	strace s3  }
0x97: {  	_ =	strace $0x8FFFFFFF  }
0x98: {  	s19 =	sld [smem:$0x3FDB];
	_ =	sdelay $0x1  }
0x99: {  	s4 =	simm.s32 $_scs_section_size  }
0x9a: {  	s5 =	simm.s32 $_size__tile_overlayer_lowered;
	s6 =	simm.s32 $_tile_overlayer_lowered  }
0x9b: {  	s22 =	simm.s32 $0x1BFF;
	s21 =	sshll.u32 s6, $0x1;
	s3 =	sadd.s32 s4, s19  }
0x9c: {  	s7 =	simm.s32 $0x0;
	s20 =	sshll.u32 s5, $0x1;
	s5 =	sadd.s32 s21, s3  }
0x9d: {  	[timem:s7], [sflag:s22] =	dma.local [hbm:s5], s20  }
0x9e: {  	_ =	swait.ge [sflag:s22], s20  }
0x9f: {  	s4 =	ssub.s32 $0x0, s20;
	[sflag:s22] =	ssyncset.done $0x0  }
0xa0: {  	[sflag:s22] =	ssyncadd.s32 s4;
	_ =	sdelay $0x1  }
0xa1: {  	s23 =	simm.s32 $0x1B8B  }
0xa2: {  	_ =	swait.ge [sflag:s23], $0x1  }
0xa3: {  	[sflag:s23] =	ssyncset.done $0x0  }
0xa4: {  	s25 =	simm.s32 $0x1B8E;
	s24 =	sld [smem:$0x3FFE];
	[sflag:s23] =	ssyncadd.s32 $0xFFFFFFFF  }
0xa5: {  	s26 =	simm.s32 $execute0_lowered;
	[smem:$0x3FD2] =	sst s25  }
0xa6: {  	s5 =	sshll.u32 s26, $0x1;
	_ =	strace $0x80000046;
	[dreg:$0x1] =	wrdreg $0xFFFFFFFF  }
0xa7: {  	s28 =	simm.s32 $_size_execute0_lowered;
	s3 =	sadd.s32 s3, s5;
	[dreg:$0x0] =	wrdreg $0x0  }
0xa8: {  	s5 =	sshll.u32 s28, $0x1;
	[dreg:$0x2] =	wrdreg s3  }
0xa9: {  	[dreg:$0x3] =	wrdreg s5  }
0xaa: {  	[dreg:$0x4] =	wrdreg $0xC0  }
0xab: {  	_ =	task [dreg:s7], $0x5FFFF  }
0xac: {  	[dreg:$0x1] =	wrdreg $0xFFFFFFFF  }
0xad: {  	[dreg:$0x0] =	wrdreg $0x60  }
0xae: {  	[dreg:$0x2] =	wrdreg s2  }
0xaf: {  	[dreg:$0x3] =	wrdreg s24  }
0xb0: {  	[dreg:$0x4] =	wrdreg $0x9  }
0xb1: {  	_ =	task.clear_ibuf [dreg:s7], $0x5FFFF;
	_ =	strace $0x90000046  }
0xb2: {  	s29 =	simm.s32 $0x9;
	_ =	strace $0x80000048  }
0xb3: {  	_ =	swait.ge [sflag:s29], $0x1  }
0xb4: {  	[sflag:s29] =	ssyncadd.s32 $0xFFFFFFFF  }
0xb5: {  	_ =	strace $0x90000048  }
0xb6: {  	_ =	sfence  }
0xb7: {  	s30 =	sld [smem:$0x0];
	_ =	sdelay $0x2  }
0xb8: {  	s31 =	sshll.u32 s1, $0xD;
	s1 =	sshrl.u32 s1, $0x2  }
0xb9: {  	s3 =	sand.u32 $0x4000, s31;
	s1 =	sadd.s32 s1, s30  }
0xba: {  	s0 =	sor.u32 s3, s0;
	s1 =	sshll.u32 s1, $0x11  }
0xbb: {  	s0 =	sor.u32 s1, s0  }
0xbc: {  	s0 =	sadd.s32 $0x8F2B, s0  }
0xbd: {  	[sflag:s0] =	ssyncadd.remote.s32 $0x1  }
0xbe: {  	_ =	sfence.sel $0xFFFF  }
0xbf: {  	[dreg:$0x0] =	wrdreg $0xFFFFFFFF;
	(pc) =	sbr.abs _section_cstart, $3  }
0xc0: {  	[dreg:$0x1] =	wrdreg $0xFFFFFFFF  }
0xc1: {  	_ =	task.clear_ibuf [dreg:s7], $0x2FFFF;
	_ =	strace $0x9FFFFFFF  }
0xc2: {  	(tm) =	ssettm $0x7FFFFFFF  }
0xc3: {  	_ =	shalt  }
tec
execute0_lowered:
.L_overlay_start_1:
0x0: {  	(tag) =	ssettag $0x1  }
0x1: {  	s0 =	stileid.u32  }
0x2: {  	s1 =	srdreg.scid;
	s6 =	rddreg [dreg:$0x0]  }
0x3: {  	s7 =	rddreg [dreg:$0x1];
	s12 =	simm.s32 $0x3E0;
	s13 =	simm.s32 $0x7C00  }
0x4: {  	s14 =	simm.s32 $0xB4A0;
	s15 =	simm.s32 $0x0;
	s5 =	sshrl.u32 s0, $0x2  }
0x5: {  	s2 =	sshll.u32 s0, $0x1;
	s4 =	sand.u32 $0x1, s1;
	s3 =	smul.u32 $0x12B4, s5  }
0x6: {  	s28 =	sand.u32 $0x6, s2;
	s2 =	simm.s32 $0x0;
	s9 =	smul.u32 $0xF800, s5  }
0x7: {  	s29 =	ssub.s32 $0x2, s4;
	s11 =	smul.u32 $0x174000, s5;
	s1 =	sor.u32 s4, s28  }
0x8: {  	[smem:$0x7FF] =	sst s2;
	s31 =	sshrl.u32 s29, $0x1;
	s8 =	smul.u32 $0xF80, s1  }
0x9: {  	s1 =	rddreg [dreg:$0x2];
	_ =	strace $0x80000047;
	s10 =	sadd.s32 s3, s7  }
0xa: {  	s3 =	sadd.s32 $0x5800, s7;
	s9 =	sadd.s32 s9, s8;
	s7 =	sadd.s32 s11, s8  }
0xb: {  	s11 =	simm.s32 $0x1F00;
	s30 =	sshrl.u32 s9, $0x3;
	s9 =	ssub.s32 s29, s31  }
0xc: {  	s4 =	sadd.s32 s6, s30;
	s6 =	sadd.s32 $0xC00, s10;
	s8 =	smax.u32 s9, $0x1  }
0xd: {  	v0 =	vimm.f32 $0.0e+00;
	s9 =	simm.s32 $0x1;
	s10 =	simm.s32 $0xF80;
	s5 =	sadd.s32 $0xF80, s4  }
.LBB2_1:
0xe: {  	[tilespmem:s2], [sflag:$0x1] =	stream.linear.gather [hbm4b:s4+s2], $0xF80, $0x38;
	[tilespmem:$0x16EA0] =	vst v63  }
0xf: {  	_ =	swait.ge [sflag:s9], $0xF80  }
0x10: {  	[sflag:s9] =	ssyncset.done $0x0  }
0x11: {  	[sflag:s9] =	ssyncadd.s32 $0xFFFFF080  }
0x12: {  	[tilespmem:s10], [sflag:$0x1] =	stream.linear.gather [hbm4b:s5+s2], $0xF80, $0x38;
	[tilespmem:$0x16EA0] =	vst v63  }
0x13: {  	_ =	swait.ge [sflag:s9], $0xF80  }
0x14: {  	[sflag:s9] =	ssyncset.done $0x0  }
0x15: {  	[sflag:s9] =	ssyncadd.s32 $0xFFFFF080  }
0x16: {  	[tilespmem:s11], [sflag:$0x1] =	stream.linear.gather [hbm4b:s6+s2], $0x95A0, $0x38;
	[tilespmem:$0x16EA0] =	vst v63  }
0x17: {  	_ =	swait.ge [sflag:s9], $0x95A0  }
0x18: {  	[sflag:s9] =	ssyncset.done $0x0  }
0x19: {  	s16 =	simm.s32 $0x0;
	[sflag:s9] =	ssyncadd.s32 $0xFFFF6A60  }
.LBB2_2:
0x1a: {  	p0 =	sne.s32 s16, $0xF40  }
.Ltmp0:
0x1b: {  	s17 =	sshra.s32 s16, $0x2;
	(pc) =	sbr.rel @p0 .LBB2_2-.Ltmp0, $4  }
0x1c: {  	[tilespmem:s17+$0x15F20] =	vst v0  }
0x1d: {  	[tilespmem:s17+$0x16300] =	vst v0  }
0x1e: {  	[tilespmem:s17+$0x166E0] =	vst v0  }
0x1f: {  	s16 =	sadd.s32 $0x40, s16;
	[tilespmem:s17+$0x16AC0] =	vst v0  }
0x20: {  	s16 =	simm.s32 $0x0;
	s17 =	simm.s32 $0xF80;
	s18 =	simm.s32 $0x0  }
.LBB2_4:
0x21: {  	v0 =	vmov s16  }
0x22: {  	v63 =	vmov s17;
	[tilespmem:$0x1FFE0] =	vst v0  }
0x23: {  	s19 =	smul.u32 $0x3E0, s18;
	s20 =	simm.s32 $0x0;
	[tilespmem:$0x1FFF0] =	vst v63  }
.LBB2_5:
0x24: {  	v0 =	vld [tilespmem:$0x1FFE0];
	_ =	sdelay $0x1  }
0x25: {  	v1 =	vld [tilespmem:$0x1FFF0];
	_ =	sdelay $0x4  }
0x26: {  	s21 =	sshra.s32 s20, $0x2  }
0x27: {  	v0 =	vld.idx.msk [tilespmem:v0+s21+$0x0 ss:$0x1], $0xffff;
	_ =	sdelay $0x1  }
0x28: {  	v1 =	vld.idx.msk [tilespmem:v1+s21+$0x0 ss:$0x1], $0xffff;
	_ =	sdelay $0x2  }
0x29: {  	v0 =	vmax.f32 v0, $0.0e+00  }
0x2a: {  	v6 =	vmin.f32 v0, $1.000000000e+00  }
0x2b: {  	v39 =	vmax.f32 v1, $0.0e+00;
	v40 =	vmul.f32 $1.600000000e+01, v6  }
0x2c: {  	v7 =	vmin.f32 v39, $1.000000000e+00  }
0x2d: {  	v0 =	vmul.f32 $1.600000000e+01, v7;
	v2 =	vtrunc.f32 v40  }
0x2e: {  	v2 =	vcvt.f32.s32 v2  }
0x2f: {  	v14 =	vmul.f32 $1.700000000e+01, v6;
	v3 =	vtrunc.f32 v0  }
0x30: {  	v15 =	vmul.f32 $1.700000000e+01, v7;
	v3 =	vcvt.f32.s32 v3;
	vm0 =	vlt.s32 v2, $0xF  }
0x31: {  	v52 =	vmul.f32 $1.800000000e+01, v7;
	v61 =	vmul.f32 $1.900000000e+01, v6;
	v2 =	vnsel vm0, $0xF, v2  }
0x32: {  	v63 =	vmul.f32 $1.900000000e+01, v7;
	vm15 =	vlt.s32 v3, $0xF;
	v4 =	vmul.u32 $0x11, v2  }
0x33: {  	v36 =	vmul.f32 $2.000000000e+01, v6;
	v20 =	vmul.f32 $2.000000000e+01, v7;
	v3 =	vnsel vm15, $0xF, v3  }
0x34: {  	v26 =	vmul.f32 $2.100000000e+01, v6;
	v28 =	vmul.f32 $2.100000000e+01, v7;
	v4 =	vadd.s32 v3, v4  }
0x35: {  	v16 =	vtrunc.f32 v14;
	v17 =	vtrunc.f32 v15;
	v5 =	vadd.s32 $0x1, v4  }
0x36: {  	v57 =	vtrunc.f32 v52;
	v16 =	vcvt.f32.s32 v16;
	v8 =	vadd.s32 $0x11, v4  }
0x37: {  	v32 =	vtrunc.f32 v61;
	v35 =	vtrunc.f32 v63;
	v10 =	vadd.s32 $0x121, v4  }
0x38: {  	v17 =	vcvt.f32.s32 v17;
	vm4 =	vlt.s32 v16, $0x10;
	v12 =	vadd.s32 $0x122, v4  }
0x39: {  	v21 =	vtrunc.f32 v36;
	v16 =	vnsel vm4, $0x10, v16;
	v9 =	vadd.s32 $0x12, v4;
	v11 =	vld.idx.msk [tilespmem:v4+s11+$0x0], $0xffff  }
0x3a: {  	v29 =	vtrunc.f32 v26;
	vm5 =	vlt.s32 v17, $0x10;
	v18 =	vmul.u32 $0x12, v16;
	v5 =	vld.idx.msk [tilespmem:v5+s11+$0x0], $0xffff  }
0x3b: {  	v21 =	vcvt.f32.s32 v21;
	v41 =	vnsel vm5, $0x10, v17;
	v13 =	vadd.s32 $0x132, v4;
	v8 =	vld.idx.msk [tilespmem:v8+s11+$0x0], $0xffff  }
0x3c: {  	v58 =	vcvt.f32.s32 v57;
	v17 =	vadd.s32 v41, v18;
	v4 =	vadd.s32 $0x133, v4;
	v10 =	vld.idx.msk [tilespmem:v10+s11+$0x0], $0xffff  }
0x3d: {  	vm10 =	vlt.s32 v21, $0x13;
	v2 =	vcvt.s32.f32 v2;
	v18 =	vadd.s32 $0x242, v17;
	v12 =	vld.idx.msk [tilespmem:v12+s11+$0x0], $0xffff  }
0x3e: {  	v19 =	vadd.s32 $0x243, v17;
	v45 =	vadd.s32 $0x254, v17;
	v17 =	vcvt.f32.s32 v35;
	v9 =	vld.idx.msk [tilespmem:v9+s11+$0x0], $0xffff  }
0x3f: {  	v21 =	vnsel vm10, $0x13, v21;
	v50 =	vcvt.s32.f32 v41;
	v3 =	vcvt.s32.f32 v3  }
0x40: {  	v1 =	vsub.f32 v40, v2;
	v40 =	vtrunc.f32 v20;
	vm9 =	vlt.s32 v17, $0x12;
	v13 =	vld.idx.msk [tilespmem:v13+s11+$0x0], $0xffff  }
0x41: {  	v47 =	vadd.s32 $0x13, v18;
	v39 =	vnsel vm9, $0x12, v17;
	v17 =	vcvt.f32.s32 v40;
	v4 =	vld.idx.msk [tilespmem:v4+s11+$0x0], $0xffff  }
0x42: {  	v24 =	vmul.u32 $0x15, v21;
	v0 =	vsub.f32 v0, v3;
	v12 =	vsub.f32 v12, v10  }
0x43: {  	v48 =	vld.idx.msk [tilespmem:v18+s11+$0x0], $0xffff;
	vm11 =	vlt.s32 v17, $0x13;
	v5 =	vsub.f32 v5, v11;
	v9 =	vsub.f32 v9, v8  }
0x44: {  	v54 =	vcvt.s32.f32 v16;
	v49 =	vld.idx.msk [tilespmem:v19+s11+$0x0], $0xffff;
	v17 =	vnsel vm11, $0x13, v17;
	v12 =	vmul.f32 v12, v0  }
0x45: {  	v51 =	vld.idx.msk [tilespmem:v45+s11+$0x0], $0xffff;
	v24 =	vadd.s32 v17, v24;
	v5 =	vmul.f32 v0, v5;
	v9 =	vmul.f32 v0, v9  }
0x46: {  	v55 =	vld.idx.msk [tilespmem:v47+s11+$0x0], $0xffff;
	v4 =	vsub.f32 v4, v13;
	v44 =	vadd.f32 v12, v10;
	v12 =	vmul.f32 $1.800000000e+01, v6  }
0x47: {  	v17 =	vcvt.s32.f32 v17;
	v42 =	vadd.f32 v5, v11;
	v43 =	vadd.f32 v9, v8  }
0x48: {  	vm7 =	vlt.s32 v58, $0x11;
	v0 =	vmul.f32 v4, v0;
	v53 =	vtrunc.f32 v12  }
0x49: {  	v17 =	vsub.f32 v20, v17;
	v46 =	vsub.f32 v43, v42;
	v56 =	vcvt.f32.s32 v53  }
0x4a: {  	v11 =	vsub.f32 v49, v48;
	v49 =	vcvt.f32.s32 v29;
	v0 =	vadd.f32 v0, v13  }
0x4b: {  	v4 =	vsub.f32 v55, v51;
	v2 =	vmul.f32 v46, v1;
	vm6 =	vlt.s32 v56, $0x11  }
0x4c: {  	vm12 =	vlt.s32 v49, $0x14;
	v0 =	vsub.f32 v0, v44;
	v5 =	vnsel vm6, $0x11, v56  }
0x4d: {  	v46 =	vadd.s32 $0x680, v24;
	v2 =	vadd.f32 v2, v42;
	v60 =	vmul.u32 $0x13, v5  }
0x4e: {  	v43 =	vcvt.s32.f32 v5;
	v0 =	vmul.f32 v0, v1;
	v1 =	vsub.f32 v15, v50  }
0x4f: {  	[tilespmem:$0x1FD00] =	vst v2;
	v2 =	vsub.f32 v14, v54;
	v14 =	vcvt.f32.s32 v32;
	v50 =	vtrunc.f32 v28  }
0x50: {  	v15 =	vcvt.s32.f32 v39;
	v0 =	vadd.f32 v0, v44;
	v59 =	vmul.f32 v11, v1  }
0x51: {  	vm8 =	vlt.s32 v14, $0x12;
	v1 =	vmul.f32 v4, v1;
	v44 =	vadd.s32 $0x67F, v24  }
0x52: {  	v24 =	vadd.s32 $0x694, v24;
	v14 =	vnsel vm8, $0x12, v14;
	v27 =	vadd.s32 $0x16, v44  }
0x53: {  	[tilespmem:$0x1FD10] =	vst v0;
	v8 =	vadd.f32 v59, v48;
	v0 =	vnsel vm7, $0x11, v58;
	v22 =	vmul.u32 $0x14, v14  }
0x54: {  	v1 =	vadd.f32 v1, v51;
	v14 =	vcvt.s32.f32 v14;
	v62 =	vadd.s32 v0, v60  }
0x55: {  	v0 =	vcvt.s32.f32 v0;
	v60 =	vcvt.s32.f32 v21;
	v33 =	vadd.s32 $0x386, v62  }
0x56: {  	v34 =	vadd.s32 $0x399, v62;
	v10 =	vadd.s32 $0x387, v62;
	v22 =	vadd.s32 v39, v22  }
0x57: {  	v16 =	vld.idx.msk [tilespmem:v46+s11+$0x0], $0xffff;
	v1 =	vsub.f32 v1, v8;
	v13 =	vsub.f32 v61, v14;
	v14 =	vmul.f32 $2.200000000e+01, v6  }
0x58: {  	v39 =	vmul.f32 $2.300000000e+01, v7;
	v37 =	vadd.s32 $0x14, v33;
	v42 =	vadd.s32 $0x4EF, v22;
	v5 =	vld.idx.msk [tilespmem:v44+s11+$0x0], $0xffff  }
0x59: {  	v23 =	vadd.s32 $0x4F0, v22;
	v22 =	vadd.s32 $0x503, v22;
	v0 =	vsub.f32 v52, v0;
	v51 =	vld.idx.msk [tilespmem:v24+s11+$0x0], $0xffff  }
0x5a: {  	v52 =	vsub.f32 v63, v15;
	v63 =	vmul.f32 $2.200000000e+01, v7;
	v24 =	vmul.f32 $2.400000000e+01, v6;
	v53 =	vld.idx.msk [tilespmem:v27+s11+$0x0], $0xffff  }
0x5b: {  	v44 =	vmul.f32 $2.400000000e+01, v7;
	v25 =	vadd.s32 $0x15, v42;
	v1 =	vmul.f32 v1, v2;
	v38 =	vld.idx.msk [tilespmem:v33+s11+$0x0], $0xffff  }
0x5c: {  	v2 =	vsub.f32 v12, v43;
	v12 =	vcvt.f32.s32 v50;
	v32 =	vtrunc.f32 v14;
	v10 =	vld.idx.msk [tilespmem:v10+s11+$0x0], $0xffff  }
0x5d: {  	v35 =	vtrunc.f32 v63;
	v30 =	vtrunc.f32 v44;
	v1 =	vadd.f32 v1, v8;
	v41 =	vld.idx.msk [tilespmem:v34+s11+$0x0], $0xffff  }
0x5e: {  	vm13 =	vlt.s32 v12, $0x14;
	v18 =	vcvt.f32.s32 v35;
	v30 =	vcvt.f32.s32 v30;
	v19 =	vld.idx.msk [tilespmem:v37+s11+$0x0], $0xffff  }
0x5f: {  	v12 =	vnsel vm13, $0x14, v12;
	v33 =	vsub.f32 v36, v60;
	v34 =	vcvt.f32.s32 v32;
	v45 =	vld.idx.msk [tilespmem:v42+s11+$0x0], $0xffff  }
0x60: {  	v23 =	vld.idx.msk [tilespmem:v23+s11+$0x0], $0xffff;
	v16 =	vsub.f32 v16, v5;
	vm15 =	vlt.s32 v18, $0x15;
	v42 =	vtrunc.f32 v39  }
0x61: {  	vm7 =	vlt.s32 v30, $0x17;
	v11 =	vsub.f32 v53, v51;
	vm14 =	vlt.s32 v34, $0x15  }
0x62: {  	v22 =	vld.idx.msk [tilespmem:v22+s11+$0x0], $0xffff;
	v37 =	vnsel vm15, $0x15, v18;
	v18 =	vmul.f32 $2.300000000e+01, v6;
	v58 =	vmul.f32 v16, v17  }
0x63: {  	v48 =	vld.idx.msk [tilespmem:v25+s11+$0x0], $0xffff;
	v30 =	vnsel vm7, $0x17, v30;
	v16 =	vcvt.s32.f32 v37;
	v11 =	vmul.f32 v11, v17  }
0x64: {  	v17 =	vnsel vm14, $0x15, v34;
	v40 =	vtrunc.f32 v18;
	v10 =	vsub.f32 v10, v38  }
0x65: {  	v36 =	vmul.u32 $0x17, v17;
	v19 =	vsub.f32 v19, v41;
	v55 =	vsub.f32 v23, v45  }
0x66: {  	v3 =	vadd.f32 v11, v51;
	v23 =	vcvt.f32.s32 v42;
	v11 =	vsub.f32 v63, v16  }
0x67: {  	v63 =	vcvt.s32.f32 v30;
	v47 =	vmul.f32 v10, v0;
	v10 =	vnsel vm12, $0x14, v49  }
0x68: {  	v8 =	vsub.f32 v48, v22;
	v0 =	vmul.f32 v19, v0;
	v54 =	vmul.u32 $0x16, v10  }
0x69: {  	v19 =	vmul.f32 v55, v52;
	vm5 =	vlt.s32 v23, $0x16;
	v4 =	vadd.f32 v47, v38  }
0x6a: {  	[tilespmem:$0x1FD30] =	vst v1;
	v1 =	vmul.f32 v8, v52;
	v0 =	vadd.f32 v0, v41;
	v15 =	vadd.s32 v12, v54  }
0x6b: {  	v12 =	vcvt.s32.f32 v12;
	v56 =	vadd.s32 $0x838, v15;
	v57 =	vadd.s32 $0x839, v15  }
0x6c: {  	v1 =	vadd.f32 v1, v22;
	v22 =	vcvt.f32.s32 v40;
	v0 =	vsub.f32 v0, v4  }
0x6d: {  	v23 =	vnsel vm5, $0x16, v23;
	v15 =	vadd.s32 $0x84E, v15;
	v12 =	vsub.f32 v28, v12  }
0x6e: {  	v8 =	vadd.s32 $0x17, v56;
	vm4 =	vlt.s32 v22, $0x16;
	v2 =	vmul.f32 v0, v2  }
0x6f: {  	v0 =	vadd.f32 v19, v45;
	v19 =	vadd.s32 v37, v36;
	v22 =	vnsel vm4, $0x16, v22  }
0x70: {  	v45 =	vtrunc.f32 v24;
	v38 =	vadd.s32 $0xA1C, v19;
	v46 =	vmul.u32 $0x18, v22;
	v61 =	vld.idx.msk [tilespmem:v56+s11+$0x0], $0xffff  }
0x71: {  	v41 =	vadd.s32 $0xA1D, v19;
	v19 =	vadd.s32 $0xA33, v19;
	v28 =	vcvt.f32.s32 v45;
	v62 =	vld.idx.msk [tilespmem:v57+s11+$0x0], $0xffff  }
0x72: {  	v10 =	vcvt.s32.f32 v10;
	v15 =	vld.idx.msk [tilespmem:v15+s11+$0x0], $0xffff;
	v43 =	vadd.s32 $0x18, v38;
	v29 =	vadd.s32 v23, v46  }
0x73: {  	v55 =	vmul.f32 $2.500000000e+01, v7;
	v8 =	vld.idx.msk [tilespmem:v8+s11+$0x0], $0xffff;
	vm6 =	vlt.s32 v28, $0x17;
	v48 =	vadd.s32 $0xC2D, v29  }
0x74: {  	v34 =	vsub.f32 v44, v63;
	v28 =	vnsel vm6, $0x17, v28;
	v31 =	vadd.s32 $0xC2E, v29  }
0x75: {  	v54 =	vcvt.s32.f32 v17;
	v29 =	vadd.s32 $0xC45, v29;
	v32 =	vmul.u32 $0x19, v28;
	v20 =	vld.idx.msk [tilespmem:v38+s11+$0x0], $0xffff  }
0x76: {  	v10 =	vsub.f32 v26, v10;
	v60 =	vtrunc.f32 v55;
	v22 =	vcvt.s32.f32 v22;
	v19 =	vld.idx.msk [tilespmem:v19+s11+$0x0], $0xffff  }
0x77: {  	v49 =	vadd.s32 $0x19, v48;
	v9 =	vsub.f32 v62, v61;
	v47 =	vld.idx.msk [tilespmem:v43+s11+$0x0], $0xffff;
	v32 =	vadd.s32 v30, v32  }
0x78: {  	v59 =	vsub.f32 v1, v0;
	v8 =	vsub.f32 v8, v15;
	v50 =	vadd.s32 $0xE6D, v32;
	v25 =	vld.idx.msk [tilespmem:v48+s11+$0x0], $0xffff  }
0x79: {  	v1 =	vadd.f32 v58, v5;
	v51 =	vadd.s32 $0xE6E, v32;
	v9 =	vmul.f32 v9, v12;
	v31 =	vld.idx.msk [tilespmem:v31+s11+$0x0], $0xffff  }
0x7a: {  	v2 =	vadd.f32 v2, v4;
	v32 =	vadd.s32 $0xE86, v32;
	v52 =	vld.idx.msk [tilespmem:v29+s11+$0x0], $0xffff;
	v8 =	vmul.f32 v8, v12  }
0x7b: {  	v3 =	vsub.f32 v3, v1;
	v53 =	vadd.s32 $0x1A, v50;
	v5 =	vadd.f32 v9, v61;
	v9 =	vld.idx.msk [tilespmem:v41+s11+$0x0], $0xffff  }
0x7c: {  	v57 =	vcvt.s32.f32 v23;
	v13 =	vmul.f32 v59, v13;
	v8 =	vadd.f32 v8, v15;
	v15 =	vld.idx.msk [tilespmem:v49+s11+$0x0], $0xffff  }
0x7d: {  	v18 =	vsub.f32 v18, v22;
	v40 =	vcvt.s32.f32 v28;
	v3 =	vmul.f32 v3, v33;
	v16 =	vld.idx.msk [tilespmem:v50+s11+$0x0], $0xffff  }
0x7e: {  	[tilespmem:$0x1FD40] =	vst v2;
	v2 =	vsub.f32 v39, v57;
	v33 =	vmul.f32 $2.500000000e+01, v6;
	v0 =	vadd.f32 v13, v0;
	v58 =	vld.idx.msk [tilespmem:v51+s11+$0x0], $0xffff  }
0x7f: {  	v45 =	vmul.f32 $2.700000000e+01, v7;
	v43 =	vsub.f32 v24, v40;
	v1 =	vadd.f32 v3, v1;
	v59 =	vld.idx.msk [tilespmem:v32+s11+$0x0], $0xffff  }
0x80: {  	v56 =	vtrunc.f32 v33;
	v8 =	vsub.f32 v8, v5;
	v61 =	vld.idx.msk [tilespmem:v53+s11+$0x0], $0xffff;
	v62 =	vsub.f32 v31, v25  }
0x81: {  	v12 =	vsub.f32 v47, v19;
	v51 =	vtrunc.f32 v45;
	v9 =	vsub.f32 v9, v20  }
0x82: {  	v8 =	vmul.f32 v8, v10;
	v10 =	vsub.f32 v14, v54;
	v23 =	vmul.f32 v62, v2  }
0x83: {  	v54 =	vmul.f32 $2.800000000e+01, v7;
	v15 =	vsub.f32 v15, v52;
	v9 =	vmul.f32 v9, v11  }
0x84: {  	v11 =	vmul.f32 v12, v11;
	v4 =	vsub.f32 v58, v16;
	v23 =	vadd.f32 v23, v25  }
0x85: {  	v58 =	vtrunc.f32 v54;
	v2 =	vmul.f32 v15, v2;
	v21 =	vsub.f32 v61, v59  }
0x86: {  	v61 =	vmul.f32 $3.000000000e+01, v7;
	v11 =	vadd.f32 v11, v19;
	v19 =	vcvt.f32.s32 v56  }
0x87: {  	v9 =	vadd.f32 v9, v20;
	v20 =	vcvt.f32.s32 v60;
	v4 =	vmul.f32 v4, v34  }
0x88: {  	v2 =	vadd.f32 v2, v52;
	v15 =	vmul.f32 v21, v34;
	v21 =	vmul.f32 $3.000000000e+01, v6  }
0x89: {  	v11 =	vsub.f32 v11, v9;
	vm8 =	vlt.s32 v19, $0x18;
	vm9 =	vlt.s32 v20, $0x18  }
0x8a: {  	v4 =	vadd.f32 v4, v16;
	v16 =	vmul.f32 $2.800000000e+01, v6;
	v19 =	vnsel vm8, $0x18, v19  }
0x8b: {  	v20 =	vnsel vm9, $0x18, v20;
	v2 =	vsub.f32 v2, v23;
	v62 =	vtrunc.f32 v21  }
0x8c: {  	v14 =	vadd.f32 v15, v59;
	v41 =	vmul.f32 v11, v10;
	v11 =	vmul.f32 $2.700000000e+01, v6  }
0x8d: {  	v32 =	vmul.u32 $0x1A, v19;
	v50 =	vcvt.s32.f32 v20;
	v52 =	vcvt.s32.f32 v19  }
0x8e: {  	v5 =	vadd.f32 v8, v5;
	v19 =	vcvt.f32.s32 v58;
	v24 =	vcvt.f32.s32 v62  }
0x8f: {  	v2 =	vmul.f32 v2, v18;
	v14 =	vsub.f32 v14, v4;
	v35 =	vadd.s32 v20, v32  }
0x90: {  	[tilespmem:$0x1FD60] =	vst v0;
	v46 =	vtrunc.f32 v11;
	v0 =	vadd.f32 v41, v9;
	v9 =	vcvt.f32.s32 v51  }
0x91: {  	vm13 =	vlt.s32 v19, $0x1B;
	v32 =	vtrunc.f32 v61;
	vm14 =	vlt.s32 v24, $0x1D  }
0x92: {  	v36 =	vadd.s32 $0x10DE, v35;
	v37 =	vadd.s32 $0x10DF, v35;
	v38 =	vadd.s32 $0x10F8, v35  }
0x93: {  	v47 =	vmul.f32 v14, v43;
	v49 =	vcvt.f32.s32 v46;
	v19 =	vnsel vm13, $0x1B, v19  }
0x94: {  	v14 =	vsub.f32 v33, v52;
	v26 =	vcvt.f32.s32 v32;
	v24 =	vnsel vm14, $0x1D, v24  }
0x95: {  	v2 =	vadd.f32 v2, v23;
	v23 =	vmul.f32 $3.100000000e+01, v6;
	v39 =	vadd.s32 $0x1B, v36  }
0x96: {  	[tilespmem:$0x1FDB0] =	vst v0;
	v0 =	vsub.f32 v55, v50;
	v55 =	vtrunc.f32 v16;
	vm10 =	vlt.s32 v49, $0x1A  }
0x97: {  	vm11 =	vlt.s32 v9, $0x1A;
	v18 =	vcvt.f32.s32 v55;
	v13 =	vnsel vm10, $0x1A, v49;
	v42 =	vld.idx.msk [tilespmem:v36+s11+$0x0], $0xffff  }
0x98: {  	v35 =	vmul.u32 $0x1F, v24;
	v46 =	vcvt.s32.f32 v19;
	v53 =	vmul.u32 $0x1C, v13;
	v12 =	vld.idx.msk [tilespmem:v37+s11+$0x0], $0xffff  }
0x99: {  	v29 =	vcvt.s32.f32 v24;
	v9 =	vnsel vm11, $0x1A, v9;
	vm12 =	vlt.s32 v18, $0x1B;
	v44 =	vld.idx.msk [tilespmem:v38+s11+$0x0], $0xffff  }
0x9a: {  	v24 =	vmul.f32 $3.400000000e+01, v6;
	v18 =	vnsel vm12, $0x1B, v18;
	v48 =	vld.idx.msk [tilespmem:v39+s11+$0x0], $0xffff;
	v15 =	vadd.s32 v9, v53  }
0x9b: {  	v56 =	vadd.s32 $0x1382, v15;
	v57 =	vadd.s32 $0x1383, v15;
	v15 =	vadd.s32 $0x139E, v15  }
0x9c: {  	vm15 =	vlt.s32 v26, $0x1D;
	v51 =	vtrunc.f32 v23;
	v60 =	vmul.u32 $0x1D, v18  }
0x9d: {  	v49 =	vsub.f32 v54, v46;
	v43 =	vcvt.s32.f32 v13;
	v59 =	vadd.s32 $0x1D, v56  }
0x9e: {  	[tilespmem:$0x1FD80] =	vst v1;
	v36 =	vadd.f32 v47, v4;
	v37 =	vnsel vm15, $0x1D, v26;
	v1 =	vadd.s32 v19, v60  }
0x9f: {  	v63 =	vadd.s32 $0x1692, v1;
	v12 =	vsub.f32 v12, v42;
	v8 =	vsub.f32 v48, v44  }
0xa0: {  	v9 =	vcvt.s32.f32 v9;
	v60 =	vmul.f32 $3.300000000e+01, v7;
	v33 =	vadd.s32 $0x1693, v1;
	v15 =	vld.idx.msk [tilespmem:v15+s11+$0x0], $0xffff  }
0xa1: {  	v1 =	vadd.s32 $0x16AF, v1;
	v12 =	vmul.f32 v12, v0;
	v0 =	vmul.f32 v8, v0;
	v8 =	vld.idx.msk [tilespmem:v57+s11+$0x0], $0xffff  }
0xa2: {  	[tilespmem:$0x1FDC0] =	vst v2;
	v39 =	vadd.s32 v37, v35;
	v2 =	vcvt.s32.f32 v37;
	v34 =	vadd.s32 $0x1E, v63;
	v20 =	vld.idx.msk [tilespmem:v59+s11+$0x0], $0xffff  }
0xa3: {  	v62 =	vtrunc.f32 v60;
	v48 =	vmul.f32 $3.100000000e+01, v7;
	v10 =	vadd.f32 v12, v42;
	v12 =	vld.idx.msk [tilespmem:v56+s11+$0x0], $0xffff  }
0xa4: {  	[tilespmem:$0x1FDA0] =	vst v5;
	v18 =	vcvt.s32.f32 v18;
	v5 =	vadd.s32 $0x19FA, v39;
	v28 =	vcvt.f32.s32 v62;
	v38 =	vld.idx.msk [tilespmem:v63+s11+$0x0], $0xffff  }
0xa5: {  	v3 =	vsub.f32 v45, v9;
	v2 =	vsub.f32 v61, v2;
	v52 =	vtrunc.f32 v48;
	v41 =	vld.idx.msk [tilespmem:v33+s11+$0x0], $0xffff  }
0xa6: {  	v61 =	vsub.f32 v16, v18;
	vm6 =	vlt.s32 v28, $0x20;
	v1 =	vld.idx.msk [tilespmem:v1+s11+$0x0], $0xffff;
	v17 =	vcvt.f32.s32 v52  }
0xa7: {  	v42 =	vadd.s32 $0x19DB, v39;
	v63 =	vmul.f32 $3.300000000e+01, v6;
	v0 =	vadd.f32 v0, v44;
	v45 =	vld.idx.msk [tilespmem:v34+s11+$0x0], $0xffff  }
0xa8: {  	v44 =	vadd.s32 $0x19DC, v39;
	v47 =	vadd.s32 $0x20, v42;
	vm5 =	vlt.s32 v17, $0x1E  }
0xa9: {  	v32 =	vtrunc.f32 v63;
	v0 =	vsub.f32 v0, v10;
	v54 =	vnsel vm5, $0x1E, v17  }
0xaa: {  	v16 =	vcvt.f32.s32 v32;
	v32 =	vmul.f32 $3.800000000e+01, v7;
	v40 =	vsub.f32 v20, v15  }
0xab: {  	v0 =	vmul.f32 v0, v14;
	v8 =	vsub.f32 v8, v12;
	v14 =	vsub.f32 v41, v38  }
0xac: {  	v50 =	vld.idx.msk [tilespmem:v42+s11+$0x0], $0xffff;
	vm7 =	vlt.s32 v16, $0x20;
	v42 =	vtrunc.f32 v24;
	v9 =	vsub.f32 v45, v1  }
0xad: {  	v5 =	vld.idx.msk [tilespmem:v5+s11+$0x0], $0xffff;
	v25 =	vcvt.f32.s32 v42;
	v0 =	vadd.f32 v0, v10;
	v8 =	vmul.f32 v8, v3  }
0xae: {  	v19 =	vld.idx.msk [tilespmem:v47+s11+$0x0], $0xffff;
	v34 =	vnsel vm7, $0x20, v16;
	v3 =	vmul.f32 v40, v3;
	v14 =	vmul.f32 v14, v49  }
0xaf: {  	v10 =	vld.idx.msk [tilespmem:v44+s11+$0x0], $0xffff;
	v39 =	vadd.s32 $0x1, v34;
	v9 =	vmul.f32 v9, v49;
	[tilespmem:$0x1FDF0] =	vst v0;
	v0 =	vsub.f32 v11, v43  }
0xb0: {  	vm9 =	vlt.s32 v25, $0x21;
	v8 =	vadd.f32 v8, v12;
	v3 =	vadd.f32 v3, v15  }
0xb1: {  	v15 =	vcvt.f32.s32 v51;
	v4 =	vadd.f32 v14, v38;
	v45 =	vnsel vm9, $0x21, v25  }
0xb2: {  	v38 =	vmul.f32 $3.400000000e+01, v7;
	v1 =	vadd.f32 v9, v1;
	v47 =	vadd.s32 $0x1, v45  }
0xb3: {  	v3 =	vsub.f32 v3, v8;
	vm4 =	vlt.s32 v15, $0x1E;
	v58 =	vsub.f32 v19, v5  }
0xb4: {  	v40 =	vtrunc.f32 v38;
	v53 =	vnsel vm4, $0x1E, v15;
	v10 =	vsub.f32 v10, v50  }
0xb5: {  	v1 =	vsub.f32 v1, v4;
	v15 =	vcvt.s32.f32 v54;
	v41 =	vcvt.f32.s32 v40  }
0xb6: {  	v55 =	vshll.u32 v53, $0x5;
	v0 =	vmul.f32 v3, v0;
	v3 =	vsub.f32 v21, v29  }
0xb7: {  	v12 =	vcvt.s32.f32 v53;
	v56 =	vadd.s32 v54, v55;
	v10 =	vmul.f32 v10, v2  }
0xb8: {  	v2 =	vmul.f32 v58, v2;
	v1 =	vmul.f32 v1, v61;
	v11 =	vsub.f32 v48, v15  }
0xb9: {  	vm8 =	vlt.s32 v41, $0x21;
	v58 =	vmul.f32 $3.600000000e+01, v7;
	v61 =	vmul.f32 $3.600000000e+01, v6  }
0xba: {  	v57 =	vadd.s32 $0x1D9C, v56;
	v59 =	vadd.s32 $0x1D9D, v56;
	v0 =	vadd.f32 v0, v8  }
0xbb: {  	v9 =	vadd.s32 $0x1DBC, v56;
	v8 =	vnsel vm6, $0x20, v28;
	v52 =	vsub.f32 v23, v12  }
0xbc: {  	v22 =	vnsel vm8, $0x21, v41;
	v10 =	vadd.f32 v10, v50;
	v2 =	vadd.f32 v2, v5  }
0xbd: {  	v14 =	vadd.s32 $0x21, v57;
	v33 =	vmul.u32 $0x9E3779B1, v8;
	v8 =	vcvt.s32.f32 v8  }
0xbe: {  	v43 =	vmul.u32 $0x9E3779B1, v22;
	v62 =	vtrunc.f32 v58;
	v29 =	vtrunc.f32 v61  }
0xbf: {  	v1 =	vadd.f32 v1, v4;
	v27 =	vcvt.f32.s32 v62;
	v62 =	vmul.f32 $4.200000000e+01, v7  }
0xc0: {  	[tilespmem:$0x1FDD0] =	vst v36;
	v2 =	vsub.f32 v2, v10;
	v35 =	vadd.s32 $0x9E3779B1, v33;
	v36 =	vxor.u32 v34, v33  }
0xc1: {  	v17 =	vxor.u32 v39, v33;
	v46 =	vadd.s32 $0x9E3779B1, v43;
	v25 =	vxor.u32 v45, v43  }
0xc2: {  	v26 =	vxor.u32 v47, v43;
	v8 =	vsub.f32 v60, v8;
	v18 =	vand.u32 $0x3FF, v36  }
0xc3: {  	v37 =	vxor.u32 v34, v35;
	v17 =	vand.u32 $0x3FF, v17;
	v30 =	vld.idx.msk [tilespmem:v57+s11+$0x0], $0xffff;
	v18 =	vadd.s32 $0x219C, v18  }
0xc4: {  	v16 =	vxor.u32 v39, v35;
	v31 =	vld.idx.msk [tilespmem:v59+s11+$0x0], $0xffff;
	v19 =	vand.u32 $0x3FF, v37;
	v17 =	vadd.s32 $0x219C, v17  }
0xc5: {  	v25 =	vand.u32 $0x3FF, v25;
	v9 =	vld.idx.msk [tilespmem:v9+s11+$0x0], $0xffff;
	v16 =	vand.u32 $0x3FF, v16;
	v19 =	vadd.s32 $0x219C, v19  }
0xc6: {  	v48 =	vxor.u32 v45, v46;
	v26 =	vand.u32 $0x3FF, v26;
	v14 =	vld.idx.msk [tilespmem:v14+s11+$0x0], $0xffff;
	v16 =	vadd.s32 $0x219C, v16  }
0xc7: {  	vm10 =	vlt.s32 v27, $0x23;
	v36 =	vtrunc.f32 v32;
	v25 =	vadd.s32 $0x259C, v25  }
0xc8: {  	v28 =	vand.u32 $0x3FF, v48;
	v50 =	vmul.f32 v2, v3;
	v20 =	vcvt.f32.s32 v36;
	v18 =	vld.idx.msk [tilespmem:v18+s11+$0x0], $0xffff  }
0xc9: {  	v49 =	vadd.s32 $0x259C, v26;
	v59 =	vcvt.s32.f32 v34;
	v15 =	vnsel vm10, $0x23, v27;
	v17 =	vld.idx.msk [tilespmem:v17+s11+$0x0], $0xffff  }
0xca: {  	[tilespmem:$0x1FE20] =	vst v1;
	v28 =	vadd.s32 $0x259C, v28;
	v1 =	vadd.f32 v50, v10;
	vm12 =	vlt.s32 v20, $0x25;
	v44 =	vld.idx.msk [tilespmem:v19+s11+$0x0], $0xffff  }
0xcb: {  	v5 =	vsub.f32 v31, v30;
	v14 =	vsub.f32 v14, v9;
	v16 =	vld.idx.msk [tilespmem:v16+s11+$0x0], $0xffff;
	v19 =	vxor.u32 v47, v46  }
0xcc: {  	v63 =	vsub.f32 v63, v59;
	v20 =	vnsel vm12, $0x25, v20;
	v19 =	vand.u32 $0x3FF, v19  }
0xcd: {  	v5 =	vmul.f32 v5, v11;
	v11 =	vmul.f32 v14, v11;
	v19 =	vadd.s32 $0x259C, v19  }
0xce: {  	v39 =	vmul.u32 $0x9E3779B1, v20;
	v59 =	vcvt.s32.f32 v20;
	v31 =	vmul.u32 $0x9E3779B1, v15  }
0xcf: {  	v57 =	vld.idx.msk [tilespmem:v28+s11+$0x0], $0xffff;
	v28 =	vcvt.s32.f32 v22;
	v5 =	vadd.f32 v5, v30;
	v9 =	vadd.f32 v11, v9  }
0xd0: {  	v55 =	vld.idx.msk [tilespmem:v25+s11+$0x0], $0xffff;
	v41 =	vadd.s32 $0x9E3779B1, v39;
	v13 =	vsub.f32 v44, v18;
	v51 =	vsub.f32 v16, v17  }
0xd1: {  	v47 =	vcvt.s32.f32 v15;
	v34 =	vadd.s32 $0x9E3779B1, v31;
	v11 =	vld.idx.msk [tilespmem:v49+s11+$0x0], $0xffff;
	v53 =	vsub.f32 v9, v5  }
0xd2: {  	v4 =	vsub.f32 v38, v28;
	v54 =	vmul.f32 v13, v8;
	v56 =	vmul.f32 v51, v8;
	v60 =	vld.idx.msk [tilespmem:v19+s11+$0x0], $0xffff  }
0xd3: {  	v10 =	vsub.f32 v58, v47;
	v8 =	vmul.f32 $3.800000000e+01, v6;
	v3 =	vmul.f32 v53, v52  }
0xd4: {  	[tilespmem:$0x1FE30] =	vst v1;
	v14 =	vcvt.s32.f32 v45;
	v9 =	vadd.f32 v54, v18;
	v1 =	vadd.f32 v56, v17  }
0xd5: {  	v38 =	vtrunc.f32 v8;
	v3 =	vadd.f32 v3, v5;
	v5 =	vcvt.f32.s32 v29  }
0xd6: {  	v49 =	vsub.f32 v24, v14;
	v2 =	vsub.f32 v57, v55;
	v22 =	vcvt.f32.s32 v38  }
0xd7: {  	v1 =	vsub.f32 v1, v9;
	v30 =	vsub.f32 v60, v11;
	vm11 =	vlt.s32 v5, $0x23  }
0xd8: {  	v2 =	vmul.f32 v2, v4;
	vm13 =	vlt.s32 v22, $0x25;
	v5 =	vnsel vm11, $0x23, v5  }
0xd9: {  	v22 =	vnsel vm13, $0x25, v22;
	v1 =	vmul.f32 v1, v63;
	v4 =	vmul.f32 v30, v4  }
0xda: {  	v33 =	vadd.s32 $0x1, v5;
	v35 =	vxor.u32 v5, v31;
	v37 =	vxor.u32 v5, v34  }
0xdb: {  	v42 =	vxor.u32 v22, v39;
	v43 =	vadd.s32 $0x1, v22;
	v44 =	vxor.u32 v22, v41  }
0xdc: {  	v5 =	vcvt.s32.f32 v5;
	v19 =	vand.u32 $0x3FF, v35;
	v21 =	vand.u32 $0x3FF, v37  }
0xdd: {  	[tilespmem:$0x1FE10] =	vst v0;
	v16 =	vxor.u32 v33, v31;
	v0 =	vxor.u32 v33, v34;
	v25 =	vand.u32 $0x3FF, v42  }
0xde: {  	v27 =	vand.u32 $0x3FF, v44;
	v18 =	vxor.u32 v43, v39;
	v26 =	vxor.u32 v43, v41  }
0xdf: {  	v1 =	vadd.f32 v1, v9;
	v37 =	vtrunc.f32 v62;
	v19 =	vadd.s32 $0x299C, v19  }
0xe0: {  	v21 =	vadd.s32 $0x299C, v21;
	v16 =	vand.u32 $0x3FF, v16;
	v0 =	vand.u32 $0x3FF, v0  }
0xe1: {  	v25 =	vadd.s32 $0x2D9C, v25;
	v27 =	vadd.s32 $0x2D9C, v27;
	v18 =	vand.u32 $0x3FF, v18  }
0xe2: {  	v46 =	vand.u32 $0x3FF, v26;
	v4 =	vadd.f32 v4, v11;
	v26 =	vcvt.f32.s32 v37  }
0xe3: {  	v16 =	vadd.s32 $0x299C, v16;
	v40 =	vadd.s32 $0x299C, v0;
	v0 =	vadd.f32 v2, v55  }
0xe4: {  	v45 =	vadd.s32 $0x2D9C, v18;
	v18 =	vmul.f32 $4.000000000e+01, v7;
	v2 =	vmul.f32 $4.000000000e+01, v6;
	v19 =	vld.idx.msk [tilespmem:v19+s11+$0x0], $0xffff  }
0xe5: {  	v33 =	vmul.f32 $4.600000000e+01, v6;
	v48 =	vadd.s32 $0x2D9C, v46;
	vm4 =	vlt.s32 v26, $0x29;
	v21 =	vld.idx.msk [tilespmem:v21+s11+$0x0], $0xffff  }
0xe6: {  	v4 =	vsub.f32 v4, v0;
	v53 =	vtrunc.f32 v18;
	v58 =	vtrunc.f32 v2;
	v51 =	vld.idx.msk [tilespmem:v25+s11+$0x0], $0xffff  }
0xe7: {  	v26 =	vnsel vm4, $0x29, v26;
	v55 =	vcvt.f32.s32 v53;
	v13 =	vcvt.f32.s32 v58;
	v52 =	vld.idx.msk [tilespmem:v27+s11+$0x0], $0xffff  }
0xe8: {  	[tilespmem:$0x1FE60] =	vst v1;
	v58 =	vmul.f32 $4.600000000e+01, v7;
	v1 =	vmul.f32 v4, v49;
	v4 =	vsub.f32 v61, v5;
	v15 =	vld.idx.msk [tilespmem:v16+s11+$0x0], $0xffff  }
0xe9: {  	v5 =	vmul.f32 $4.200000000e+01, v6;
	v50 =	vld.idx.msk [tilespmem:v40+s11+$0x0], $0xffff;
	vm14 =	vlt.s32 v55, $0x27;
	v16 =	vsub.f32 v32, v59  }
0xea: {  	v57 =	vld.idx.msk [tilespmem:v48+s11+$0x0], $0xffff;
	vm15 =	vlt.s32 v13, $0x27;
	v40 =	vmul.u32 $0x9E3779B1, v26;
	v48 =	vcvt.s32.f32 v22  }
0xeb: {  	v26 =	vcvt.s32.f32 v26;
	v12 =	vnsel vm14, $0x27, v55;
	v13 =	vnsel vm15, $0x27, v13  }
0xec: {  	v54 =	vld.idx.msk [tilespmem:v45+s11+$0x0], $0xffff;
	v39 =	vtrunc.f32 v5;
	v0 =	vadd.f32 v1, v0;
	v60 =	vmul.u32 $0x9E3779B1, v12  }
0xed: {  	v34 =	vadd.s32 $0x1, v13;
	v28 =	vcvt.f32.s32 v39;
	v41 =	vadd.s32 $0x9E3779B1, v40  }
0xee: {  	v12 =	vcvt.s32.f32 v12;
	v8 =	vsub.f32 v8, v48;
	v20 =	vsub.f32 v62, v26  }
0xef: {  	v21 =	vsub.f32 v21, v19;
	v61 =	vsub.f32 v52, v51;
	v35 =	vadd.s32 $0x9E3779B1, v60  }
0xf0: {  	v36 =	vxor.u32 v13, v60;
	v17 =	vxor.u32 v34, v60;
	v12 =	vsub.f32 v18, v12  }
0xf1: {  	vm5 =	vlt.s32 v28, $0x29;
	v14 =	vsub.f32 v50, v15;
	v63 =	vsub.f32 v57, v54  }
0xf2: {  	v25 =	vand.u32 $0x3FF, v36;
	v38 =	vxor.u32 v13, v35;
	v17 =	vand.u32 $0x3FF, v17  }
0xf3: {  	v23 =	vxor.u32 v34, v35;
	v34 =	vtrunc.f32 v58;
	v36 =	vtrunc.f32 v33  }
0xf4: {  	v28 =	vnsel vm5, $0x29, v28;
	v13 =	vcvt.s32.f32 v13;
	v56 =	vmul.f32 v21, v10  }
0xf5: {  	v25 =	vadd.s32 $0x319C, v25;
	v27 =	vand.u32 $0x3FF, v38;
	v17 =	vadd.s32 $0x319C, v17  }
0xf6: {  	v23 =	vand.u32 $0x3FF, v23;
	v42 =	vxor.u32 v28, v40;
	v43 =	vadd.s32 $0x1, v28  }
0xf7: {  	v44 =	vxor.u32 v28, v41;
	v34 =	vcvt.f32.s32 v34;
	v36 =	vcvt.f32.s32 v36  }
0xf8: {  	v27 =	vadd.s32 $0x319C, v27;
	v23 =	vadd.s32 $0x319C, v23;
	v30 =	vand.u32 $0x3FF, v42  }
0xf9: {  	v32 =	vand.u32 $0x3FF, v44;
	v24 =	vxor.u32 v43, v40;
	v29 =	vxor.u32 v43, v41  }
0xfa: {  	v10 =	vmul.f32 v14, v10;
	v43 =	vcvt.s32.f32 v28;
	v2 =	vsub.f32 v2, v13  }
0xfb: {  	[tilespmem:$0x1FE50] =	vst v3;
	v3 =	vadd.f32 v56, v19;
	v30 =	vadd.s32 $0x359C, v30;
	v32 =	vadd.s32 $0x359C, v32  }
0xfc: {  	v24 =	vand.u32 $0x3FF, v24;
	v46 =	vand.u32 $0x3FF, v29;
	v19 =	vmul.f32 v61, v16  }
0xfd: {  	v16 =	vmul.f32 v63, v16;
	vm8 =	vlt.s32 v34, $0x2D;
	vm9 =	vlt.s32 v36, $0x2D  }
0xfe: {  	v24 =	vadd.s32 $0x359C, v24;
	v47 =	vadd.s32 $0x359C, v46;
	v10 =	vadd.f32 v10, v15  }
0xff: {  	v34 =	vnsel vm8, $0x2D, v34;
	v36 =	vnsel vm9, $0x2D, v36;
	v5 =	vsub.f32 v5, v43  }
0x100: {  	v43 =	vmul.f32 $5.300000000e+01, v7;
	v11 =	vadd.f32 v19, v51;
	v9 =	vadd.f32 v16, v54  }
0x101: {  	v62 =	vmul.u32 $0x9E3779B1, v34;
	v39 =	vadd.s32 $0x1, v36;
	v29 =	vcvt.s32.f32 v36;
	v45 =	vld.idx.msk [tilespmem:v27+s11+$0x0], $0xffff  }
0x102: {  	v10 =	vsub.f32 v10, v3;
	v49 =	vld.idx.msk [tilespmem:v23+s11+$0x0], $0xffff;
	v23 =	vmul.f32 $4.400000000e+01, v7;
	v27 =	vmul.f32 $4.400000000e+01, v6  }
0x103: {  	v25 =	vld.idx.msk [tilespmem:v25+s11+$0x0], $0xffff;
	v9 =	vsub.f32 v9, v11;
	v37 =	vadd.s32 $0x9E3779B1, v62;
	v38 =	vxor.u32 v36, v62  }
0x104: {  	v17 =	vld.idx.msk [tilespmem:v17+s11+$0x0], $0xffff;
	v31 =	vxor.u32 v39, v62;
	v38 =	vand.u32 $0x3FF, v38;
	v40 =	vxor.u32 v36, v37  }
0x105: {  	v50 =	vld.idx.msk [tilespmem:v30+s11+$0x0], $0xffff;
	v31 =	vand.u32 $0x3FF, v31;
	v37 =	vxor.u32 v39, v37;
	v4 =	vmul.f32 v10, v4  }
0x106: {  	v51 =	vld.idx.msk [tilespmem:v32+s11+$0x0], $0xffff;
	v52 =	vtrunc.f32 v23;
	v56 =	vtrunc.f32 v27;
	v38 =	vadd.s32 $0x3D9C, v38  }
0x107: {  	v53 =	vld.idx.msk [tilespmem:v24+s11+$0x0], $0xffff;
	v40 =	vand.u32 $0x3FF, v40;
	v31 =	vadd.s32 $0x3D9C, v31;
	v8 =	vmul.f32 v9, v8  }
0x108: {  	v55 =	vld.idx.msk [tilespmem:v47+s11+$0x0], $0xffff;
	v37 =	vand.u32 $0x3FF, v37;
	v54 =	vcvt.f32.s32 v52;
	v21 =	vcvt.f32.s32 v56  }
0x109: {  	v40 =	vadd.s32 $0x3D9C, v40;
	v41 =	vadd.s32 $0x3D9C, v37;
	v52 =	vadd.f32 v8, v11  }
0x10a: {  	v14 =	vsub.f32 v45, v25;
	vm6 =	vlt.s32 v54, $0x2B;
	v22 =	vsub.f32 v49, v17  }
0x10b: {  	vm7 =	vlt.s32 v21, $0x2B;
	v24 =	vnsel vm6, $0x2B, v54;
	v19 =	vsub.f32 v51, v50  }
0x10c: {  	v21 =	vnsel vm7, $0x2B, v21;
	v14 =	vmul.f32 v14, v12;
	v57 =	vmul.u32 $0x9E3779B1, v24  }
0x10d: {  	v18 =	vsub.f32 v55, v53;
	v59 =	vadd.s32 $0x1, v21;
	v12 =	vmul.f32 v22, v12  }
0x10e: {  	v48 =	vld.idx.msk [tilespmem:v31+s11+$0x0], $0xffff;
	v55 =	vcvt.s32.f32 v34;
	v31 =	vsub.f32 v33, v29;
	v19 =	vmul.f32 v19, v20  }
0x10f: {  	v60 =	vadd.s32 $0x9E3779B1, v57;
	v61 =	vxor.u32 v21, v57;
	v26 =	vxor.u32 v59, v57  }
0x110: {  	v18 =	vmul.f32 v18, v20;
	v14 =	vadd.f32 v14, v25;
	v12 =	vadd.f32 v12, v17  }
0x111: {  	v58 =	vsub.f32 v58, v55;
	v32 =	vand.u32 $0x3FF, v61;
	v35 =	vxor.u32 v21, v60  }
0x112: {  	v51 =	vld.idx.msk [tilespmem:v41+s11+$0x0], $0xffff;
	v26 =	vand.u32 $0x3FF, v26;
	v16 =	vadd.f32 v19, v50;
	v50 =	vcvt.s32.f32 v24  }
0x113: {  	v44 =	vld.idx.msk [tilespmem:v38+s11+$0x0], $0xffff;
	v30 =	vxor.u32 v59, v60;
	v60 =	vcvt.s32.f32 v21;
	v61 =	vmul.f32 $4.800000000e+01, v7  }
0x114: {  	v46 =	vld.idx.msk [tilespmem:v40+s11+$0x0], $0xffff;
	v32 =	vadd.s32 $0x399C, v32;
	v35 =	vand.u32 $0x3FF, v35;
	v26 =	vadd.s32 $0x399C, v26  }
0x115: {  	v30 =	vand.u32 $0x3FF, v30;
	v15 =	vadd.f32 v18, v53;
	v45 =	vsub.f32 v12, v14  }
0x116: {  	v35 =	vadd.s32 $0x399C, v35;
	v30 =	vadd.s32 $0x399C, v30;
	v62 =	vsub.f32 v27, v60  }
0x117: {  	v27 =	vtrunc.f32 v61;
	v47 =	vsub.f32 v15, v16;
	v1 =	vsub.f32 v51, v48  }
0x118: {  	[tilespmem:$0x1FE70] =	vst v0;
	v0 =	vsub.f32 v23, v50;
	v2 =	vmul.f32 v45, v2;
	v9 =	vcvt.f32.s32 v27  }
0x119: {  	v59 =	vsub.f32 v46, v44;
	v53 =	vmul.f32 v47, v5;
	v1 =	vmul.f32 v1, v58;
	v32 =	vld.idx.msk [tilespmem:v32+s11+$0x0], $0xffff  }
0x11a: {  	v2 =	vadd.f32 v2, v14;
	vm10 =	vlt.s32 v9, $0x2F;
	v47 =	vmul.f32 $5.300000000e+01, v6;
	v39 =	vld.idx.msk [tilespmem:v26+s11+$0x0], $0xffff  }
0x11b: {  	v9 =	vnsel vm10, $0x2F, v9;
	v63 =	vld.idx.msk [tilespmem:v35+s11+$0x0], $0xffff;
	v1 =	vadd.f32 v1, v48;
	v35 =	vmul.f32 $5.100000000e+01, v7  }
0x11c: {  	v42 =	vld.idx.msk [tilespmem:v30+s11+$0x0], $0xffff;
	v33 =	vmul.u32 $0x9E3779B1, v9;
	v48 =	vtrunc.f32 v43;
	v50 =	vtrunc.f32 v47  }
0x11d: {  	v49 =	vadd.f32 v4, v3;
	v21 =	vcvt.f32.s32 v48;
	v23 =	vcvt.f32.s32 v50  }
0x11e: {  	[tilespmem:$0x1FEA0] =	vst v2;
	v3 =	vadd.f32 v53, v16;
	v2 =	vmul.f32 v59, v58;
	v37 =	vadd.s32 $0x9E3779B1, v33  }
0x11f: {  	v40 =	vtrunc.f32 v35;
	vm14 =	vlt.s32 v21, $0x34;
	vm15 =	vlt.s32 v23, $0x34  }
0x120: {  	v14 =	vcvt.f32.s32 v40;
	v21 =	vnsel vm14, $0x34, v21;
	v23 =	vnsel vm15, $0x34, v23  }
0x121: {  	v54 =	vsub.f32 v63, v32;
	v56 =	vsub.f32 v42, v39;
	v63 =	vmul.f32 $4.800000000e+01, v6  }
0x122: {  	vm12 =	vlt.s32 v14, $0x32;
	v51 =	vmul.u32 $0x9E3779B1, v21;
	v55 =	vadd.s32 $0x1, v23  }
0x123: {  	v14 =	vnsel vm12, $0x32, v14;
	v57 =	vmul.f32 v54, v0;
	v0 =	vmul.f32 v56, v0  }
0x124: {  	[tilespmem:$0x1FE90] =	vst v52;
	v30 =	vtrunc.f32 v63;
	v42 =	vmul.u32 $0x9E3779B1, v14;
	v52 =	vadd.s32 $0x9E3779B1, v51  }
0x125: {  	v53 =	vxor.u32 v23, v51;
	v18 =	vxor.u32 v55, v51;
	v59 =	vcvt.s32.f32 v14  }
0x126: {  	v25 =	vand.u32 $0x3FF, v53;
	v54 =	vxor.u32 v23, v52;
	v18 =	vand.u32 $0x3FF, v18  }
0x127: {  	[tilespmem:$0x1FEC0] =	vst v3;
	v24 =	vxor.u32 v55, v52;
	v3 =	vadd.f32 v57, v32;
	v0 =	vadd.f32 v0, v39  }
0x128: {  	v32 =	vcvt.s32.f32 v9;
	v39 =	vmul.f32 $5.100000000e+01, v6;
	v45 =	vadd.s32 $0x9E3779B1, v42  }
0x129: {  	v25 =	vadd.s32 $0x499C, v25;
	v26 =	vand.u32 $0x3FF, v54;
	v57 =	vadd.s32 $0x499C, v18  }
0x12a: {  	v58 =	vand.u32 $0x3FF, v24;
	v8 =	vsub.f32 v35, v59;
	v28 =	vsub.f32 v0, v3  }
0x12b: {  	v0 =	vadd.f32 v2, v44;
	v2 =	vcvt.f32.s32 v30;
	v41 =	vtrunc.f32 v39  }
0x12c: {  	v26 =	vadd.s32 $0x499C, v26;
	v60 =	vadd.s32 $0x499C, v58;
	v15 =	vcvt.f32.s32 v41  }
0x12d: {  	v4 =	vmul.f32 v28, v62;
	v1 =	vsub.f32 v1, v0;
	vm11 =	vlt.s32 v2, $0x2F  }
0x12e: {  	v30 =	vcvt.s32.f32 v21;
	v62 =	vmul.f32 $5.600000000e+01, v7;
	v2 =	vnsel vm11, $0x2F, v2  }
0x12f: {  	vm13 =	vlt.s32 v15, $0x32;
	v3 =	vadd.f32 v4, v3;
	v1 =	vmul.f32 v1, v31  }
0x130: {  	v34 =	vcvt.s32.f32 v2;
	v36 =	vadd.s32 $0x1, v2;
	v38 =	vxor.u32 v2, v33  }
0x131: {  	v2 =	vxor.u32 v2, v37;
	v15 =	vnsel vm13, $0x32, v15;
	v29 =	vtrunc.f32 v62  }
0x132: {  	v12 =	vand.u32 $0x3FF, v38;
	v2 =	vand.u32 $0x3FF, v2;
	v4 =	vxor.u32 v36, v33  }
0x133: {  	v10 =	vxor.u32 v36, v37;
	v44 =	vadd.s32 $0x1, v15;
	v12 =	vadd.s32 $0x419C, v12  }
0x134: {  	v46 =	vxor.u32 v15, v42;
	v4 =	vand.u32 $0x3FF, v4;
	v2 =	vadd.s32 $0x419C, v2  }
0x135: {  	[tilespmem:$0x1FE80] =	vst v49;
	v28 =	vld.idx.msk [tilespmem:v26+s11+$0x0], $0xffff;
	v49 =	vxor.u32 v15, v45;
	v10 =	vand.u32 $0x3FF, v10;
	v4 =	vadd.s32 $0x419C, v4  }
0x136: {  	v14 =	vld.idx.msk [tilespmem:v60+s11+$0x0], $0xffff;
	[tilespmem:$0x1FED0] =	vst v3;
	v3 =	vsub.f32 v61, v32;
	v19 =	vand.u32 $0x3FF, v46;
	v10 =	vadd.s32 $0x419C, v10  }
0x137: {  	v22 =	vand.u32 $0x3FF, v49;
	v17 =	vxor.u32 v44, v45;
	v61 =	vld.idx.msk [tilespmem:v25+s11+$0x0], $0xffff;
	v19 =	vadd.s32 $0x459C, v19  }
0x138: {  	v15 =	vcvt.s32.f32 v15;
	v22 =	vadd.s32 $0x459C, v22;
	v17 =	vand.u32 $0x3FF, v17;
	v12 =	vld.idx.msk [tilespmem:v12+s11+$0x0], $0xffff  }
0x139: {  	v24 =	vcvt.f32.s32 v29;
	v11 =	vxor.u32 v44, v42;
	v17 =	vadd.s32 $0x459C, v17;
	v2 =	vld.idx.msk [tilespmem:v2+s11+$0x0], $0xffff  }
0x13a: {  	v5 =	vsub.f32 v63, v34;
	v42 =	vcvt.s32.f32 v23;
	v11 =	vand.u32 $0x3FF, v11;
	v4 =	vld.idx.msk [tilespmem:v4+s11+$0x0], $0xffff  }
0x13b: {  	v44 =	vmul.f32 $5.900000000e+01, v7;
	v0 =	vadd.f32 v1, v0;
	v11 =	vadd.s32 $0x459C, v11;
	v10 =	vld.idx.msk [tilespmem:v10+s11+$0x0], $0xffff  }
0x13c: {  	v13 =	vsub.f32 v39, v15;
	vm4 =	vlt.s32 v24, $0x37;
	v15 =	vsub.f32 v43, v30;
	v19 =	vld.idx.msk [tilespmem:v19+s11+$0x0], $0xffff  }
0x13d: {  	v50 =	vtrunc.f32 v44;
	[tilespmem:$0x1FEF0] =	vst v0;
	v0 =	vmul.f32 $6.100000000e+01, v6;
	v33 =	vsub.f32 v28, v61;
	v22 =	vld.idx.msk [tilespmem:v22+s11+$0x0], $0xffff  }
0x13e: {  	v49 =	vmul.f32 $5.900000000e+01, v6;
	v34 =	vnsel vm4, $0x37, v24;
	v53 =	vcvt.f32.s32 v50;
	v56 =	vld.idx.msk [tilespmem:v17+s11+$0x0], $0xffff  }
0x13f: {  	v35 =	vmul.u32 $0x9E3779B1, v34;
	v17 =	vld.idx.msk [tilespmem:v57+s11+$0x0], $0xffff;
	v36 =	vmul.f32 v33, v15;
	v33 =	vtrunc.f32 v0  }
0x140: {  	v46 =	vsub.f32 v47, v42;
	vm6 =	vlt.s32 v53, $0x3A;
	v11 =	vld.idx.msk [tilespmem:v11+s11+$0x0], $0xffff;
	v20 =	vcvt.f32.s32 v33  }
0x141: {  	v58 =	vcvt.s32.f32 v34;
	v37 =	vadd.s32 $0x9E3779B1, v35;
	v60 =	vnsel vm6, $0x3A, v53  }
0x142: {  	v57 =	vtrunc.f32 v49;
	v2 =	vsub.f32 v2, v12;
	vm9 =	vlt.s32 v20, $0x3C  }
0x143: {  	v10 =	vsub.f32 v10, v4;
	v63 =	vsub.f32 v22, v19;
	v22 =	vmul.f32 $5.600000000e+01, v6  }
0x144: {  	v20 =	vnsel vm9, $0x3C, v20;
	v2 =	vmul.f32 v2, v3;
	v14 =	vsub.f32 v14, v17  }
0x145: {  	v3 =	vmul.f32 v10, v3;
	v9 =	vmul.f32 v63, v8;
	v10 =	vsub.f32 v56, v11  }
0x146: {  	v31 =	vtrunc.f32 v22;
	v63 =	vmul.f32 $6.100000000e+01, v7;
	v2 =	vadd.f32 v2, v12  }
0x147: {  	v32 =	vcvt.f32.s32 v31;
	v14 =	vmul.f32 v14, v15;
	v3 =	vadd.f32 v3, v4  }
0x148: {  	v8 =	vmul.f32 v10, v8;
	v9 =	vadd.f32 v9, v19;
	v4 =	vadd.f32 v36, v61  }
0x149: {  	v61 =	vmul.u32 $0x9E3779B1, v60;
	v31 =	vtrunc.f32 v63;
	vm5 =	vlt.s32 v32, $0x37  }
0x14a: {  	v43 =	vadd.f32 v14, v17;
	v17 =	vcvt.f32.s32 v31;
	v3 =	vsub.f32 v3, v2  }
0x14b: {  	v8 =	vadd.f32 v8, v11;
	v10 =	vnsel vm5, $0x37, v32;
	v29 =	vadd.s32 $0x9E3779B1, v61  }
0x14c: {  	v38 =	vxor.u32 v10, v35;
	v39 =	vadd.s32 $0x1, v10;
	v40 =	vxor.u32 v10, v37  }
0x14d: {  	v11 =	vsub.f32 v43, v4;
	v59 =	vcvt.s32.f32 v10;
	vm8 =	vlt.s32 v17, $0x3C  }
0x14e: {  	v21 =	vand.u32 $0x3FF, v38;
	v25 =	vand.u32 $0x3FF, v40;
	v19 =	vxor.u32 v39, v35  }
0x14f: {  	v16 =	vxor.u32 v39, v37;
	v8 =	vsub.f32 v8, v9;
	v3 =	vmul.f32 v3, v5  }
0x150: {  	v5 =	vcvt.f32.s32 v57;
	v17 =	vnsel vm8, $0x3C, v17;
	v37 =	vadd.s32 $0x1, v20  }
0x151: {  	v21 =	vadd.s32 $0x4D9C, v21;
	v25 =	vadd.s32 $0x4D9C, v25;
	v19 =	vand.u32 $0x3FF, v19  }
0x152: {  	v16 =	vand.u32 $0x3FF, v16;
	v55 =	vmul.f32 v11, v46;
	v34 =	vmul.u32 $0x9E3779B1, v17  }
0x153: {  	v17 =	vcvt.s32.f32 v17;
	v41 =	vadd.s32 $0x4D9C, v19;
	v16 =	vadd.s32 $0x4D9C, v16  }
0x154: {  	v45 =	vmul.f32 v8, v13;
	v51 =	vadd.f32 v3, v2;
	vm7 =	vlt.s32 v5, $0x3A  }
0x155: {  	v8 =	vsub.f32 v62, v58;
	v2 =	vadd.f32 v55, v4;
	v5 =	vnsel vm7, $0x3A, v5  }
0x156: {  	v35 =	vadd.s32 $0x9E3779B1, v34;
	v36 =	vxor.u32 v20, v34;
	v15 =	vxor.u32 v37, v34  }
0x157: {  	v4 =	vcvt.s32.f32 v60;
	v11 =	vsub.f32 v63, v17;
	v54 =	vadd.f32 v45, v9  }
0x158: {  	v28 =	vadd.s32 $0x1, v5;
	v30 =	vxor.u32 v5, v61;
	v32 =	vxor.u32 v5, v29  }
0x159: {  	v23 =	vand.u32 $0x3FF, v36;
	v38 =	vxor.u32 v20, v35;
	v15 =	vand.u32 $0x3FF, v15  }
0x15a: {  	v42 =	vcvt.s32.f32 v5;
	v20 =	vcvt.s32.f32 v20;
	v18 =	vand.u32 $0x3FF, v32  }
0x15b: {  	v9 =	vxor.u32 v28, v61;
	v12 =	vxor.u32 v28, v29;
	v23 =	vadd.s32 $0x559C, v23  }
0x15c: {  	[tilespmem:$0x1FF30] =	vst v2;
	v15 =	vadd.s32 $0x559C, v15;
	v2 =	vsub.f32 v22, v59;
	v4 =	vsub.f32 v44, v4  }
0x15d: {  	v47 =	vld.idx.msk [tilespmem:v21+s11+$0x0], $0xffff;
	v18 =	vadd.s32 $0x519C, v18;
	v9 =	vand.u32 $0x3FF, v9;
	v12 =	vand.u32 $0x3FF, v12  }
0x15e: {  	v48 =	vld.idx.msk [tilespmem:v25+s11+$0x0], $0xffff;
	v25 =	vand.u32 $0x3FF, v38;
	v21 =	vxor.u32 v37, v35;
	v37 =	vmul.f32 $6.800000000e+01, v7  }
0x15f: {  	v0 =	vsub.f32 v0, v20;
	v20 =	vmul.f32 $8.200000000e+01, v7;
	v52 =	vld.idx.msk [tilespmem:v41+s11+$0x0], $0xffff;
	v9 =	vadd.s32 $0x519C, v9  }
0x160: {  	v56 =	vld.idx.msk [tilespmem:v16+s11+$0x0], $0xffff;
	v12 =	vadd.s32 $0x519C, v12;
	v21 =	vand.u32 $0x3FF, v21;
	v41 =	vmul.f32 $6.500000000e+01, v7  }
0x161: {  	v25 =	vadd.s32 $0x559C, v25;
	v40 =	vadd.s32 $0x559C, v21;
	v21 =	vmul.f32 $6.500000000e+01, v6  }
0x162: {  	v16 =	vand.u32 $0x3FF, v30;
	v44 =	vtrunc.f32 v37;
	v58 =	vtrunc.f32 v41  }
0x163: {  	v16 =	vadd.s32 $0x519C, v16;
	v26 =	vcvt.f32.s32 v44;
	v43 =	vld.idx.msk [tilespmem:v23+s11+$0x0], $0xffff;
	v60 =	vtrunc.f32 v21  }
0x164: {  	v59 =	vcvt.f32.s32 v58;
	v62 =	vsub.f32 v48, v47;
	v22 =	vcvt.f32.s32 v60;
	v9 =	vld.idx.msk [tilespmem:v9+s11+$0x0], $0xffff  }
0x165: {  	vm12 =	vlt.s32 v26, $0x43;
	v60 =	vmul.f32 $7.100000000e+01, v6;
	v3 =	vsub.f32 v56, v52;
	v39 =	vld.idx.msk [tilespmem:v12+s11+$0x0], $0xffff  }
0x166: {  	v57 =	vld.idx.msk [tilespmem:v25+s11+$0x0], $0xffff;
	vm10 =	vlt.s32 v59, $0x40;
	v26 =	vnsel vm12, $0x43, v26;
	v10 =	vmul.f32 v62, v8  }
0x167: {  	v12 =	vld.idx.msk [tilespmem:v40+s11+$0x0], $0xffff;
	v61 =	vnsel vm10, $0x40, v59;
	vm11 =	vlt.s32 v22, $0x40;
	v40 =	vmul.f32 $6.800000000e+01, v6  }
0x168: {  	v18 =	vld.idx.msk [tilespmem:v18+s11+$0x0], $0xffff;
	v3 =	vmul.f32 v3, v8;
	v62 =	vmul.u32 $0x9E3779B1, v61;
	v36 =	vnsel vm11, $0x40, v22  }
0x169: {  	v16 =	vld.idx.msk [tilespmem:v16+s11+$0x0], $0xffff;
	v10 =	vadd.f32 v10, v47;
	v22 =	vadd.s32 $0x1, v36;
	v46 =	vtrunc.f32 v40  }
0x16a: {  	v15 =	vld.idx.msk [tilespmem:v15+s11+$0x0], $0xffff;
	v47 =	vmul.u32 $0x9E3779B1, v26;
	v26 =	vcvt.s32.f32 v26;
	v1 =	vadd.f32 v3, v52  }
0x16b: {  	v3 =	vsub.f32 v49, v42;
	v38 =	vadd.s32 $0x9E3779B1, v62;
	v28 =	vcvt.f32.s32 v46  }
0x16c: {  	v8 =	vsub.f32 v39, v9;
	v63 =	vsub.f32 v57, v43;
	v39 =	vxor.u32 v36, v62  }
0x16d: {  	v45 =	vxor.u32 v36, v38;
	v48 =	vadd.s32 $0x9E3779B1, v47;
	v19 =	vsub.f32 v37, v26  }
0x16e: {  	v57 =	vmul.f32 $7.100000000e+01, v7;
	v56 =	vsub.f32 v18, v16;
	v1 =	vsub.f32 v1, v10  }
0x16f: {  	v12 =	vsub.f32 v12, v15;
	v24 =	vand.u32 $0x3FF, v39;
	v27 =	vand.u32 $0x3FF, v45  }
0x170: {  	vm13 =	vlt.s32 v28, $0x43;
	v18 =	vcvt.s32.f32 v36;
	v24 =	vadd.s32 $0x599C, v24  }
0x171: {  	v27 =	vadd.s32 $0x599C, v27;
	v28 =	vnsel vm13, $0x43, v28;
	v17 =	vmul.f32 v63, v11  }
0x172: {  	v14 =	vmul.f32 v56, v4;
	v4 =	vmul.f32 v8, v4;
	v49 =	vxor.u32 v28, v47  }
0x173: {  	v50 =	vadd.s32 $0x1, v28;
	v11 =	vmul.f32 v12, v11;
	v8 =	vcvt.s32.f32 v61  }
0x174: {  	[tilespmem:$0x1FF10] =	vst v51;
	v51 =	vxor.u32 v28, v48;
	v61 =	vtrunc.f32 v57;
	v1 =	vmul.f32 v1, v2  }
0x175: {  	v30 =	vand.u32 $0x3FF, v49;
	v32 =	vand.u32 $0x3FF, v51;
	v23 =	vxor.u32 v50, v47  }
0x176: {  	v29 =	vxor.u32 v50, v48;
	v14 =	vadd.f32 v14, v16;
	v30 =	vadd.s32 $0x5D9C, v30  }
0x177: {  	v16 =	vxor.u32 v22, v62;
	v32 =	vadd.s32 $0x5D9C, v32;
	v23 =	vand.u32 $0x3FF, v23  }
0x178: {  	v22 =	vxor.u32 v22, v38;
	v16 =	vand.u32 $0x3FF, v16;
	v52 =	vadd.s32 $0x5D9C, v23  }
0x179: {  	v5 =	vadd.f32 v17, v43;
	v22 =	vand.u32 $0x3FF, v22;
	v16 =	vadd.s32 $0x599C, v16;
	v24 =	vld.idx.msk [tilespmem:v24+s11+$0x0], $0xffff  }
0x17a: {  	v4 =	vadd.f32 v4, v9;
	v53 =	vand.u32 $0x3FF, v29;
	v22 =	vadd.s32 $0x599C, v22;
	v27 =	vld.idx.msk [tilespmem:v27+s11+$0x0], $0xffff  }
0x17b: {  	v49 =	vsub.f32 v21, v18;
	v11 =	vadd.f32 v11, v15;
	v55 =	vadd.s32 $0x5D9C, v53;
	v56 =	vld.idx.msk [tilespmem:v30+s11+$0x0], $0xffff  }
0x17c: {  	v47 =	vcvt.s32.f32 v28;
	v8 =	vsub.f32 v41, v8;
	v4 =	vsub.f32 v4, v14;
	v59 =	vld.idx.msk [tilespmem:v32+s11+$0x0], $0xffff  }
0x17d: {  	v62 =	vtrunc.f32 v60;
	v1 =	vadd.f32 v1, v10;
	v11 =	vsub.f32 v11, v5;
	v9 =	vld.idx.msk [tilespmem:v52+s11+$0x0], $0xffff  }
0x17e: {  	[tilespmem:$0x1FF20] =	vst v54;
	v33 =	vcvt.f32.s32 v62;
	v50 =	vsub.f32 v40, v47;
	v3 =	vmul.f32 v4, v3;
	v54 =	vld.idx.msk [tilespmem:v16+s11+$0x0], $0xffff  }
0x17f: {  	v0 =	vmul.f32 v11, v0;
	v22 =	vld.idx.msk [tilespmem:v22+s11+$0x0], $0xffff;
	v58 =	vsub.f32 v27, v24;
	v27 =	vcvt.f32.s32 v61  }
0x180: {  	vm15 =	vlt.s32 v33, $0x46;
	v52 =	vadd.f32 v3, v14;
	v16 =	vld.idx.msk [tilespmem:v55+s11+$0x0], $0xffff;
	v55 =	vmul.f32 $7.500000000e+01, v7  }
0x181: {  	v0 =	vadd.f32 v0, v5;
	v13 =	vmul.f32 v58, v8;
	vm14 =	vlt.s32 v27, $0x46  }
0x182: {  	v40 =	vtrunc.f32 v55;
	v34 =	vnsel vm14, $0x46, v27;
	v23 =	vsub.f32 v59, v56  }
0x183: {  	v59 =	vtrunc.f32 v20;
	v63 =	vadd.f32 v13, v24;
	v35 =	vmul.u32 $0x9E3779B1, v34  }
0x184: {  	v13 =	vnsel vm15, $0x46, v33;
	v37 =	vcvt.s32.f32 v34;
	v24 =	vcvt.f32.s32 v59  }
0x185: {  	v22 =	vsub.f32 v22, v54;
	v41 =	vsub.f32 v16, v9;
	v42 =	vmul.f32 v23, v19  }
0x186: {  	v36 =	vcvt.s32.f32 v13;
	v39 =	vadd.s32 $0x1, v13;
	v16 =	vmul.f32 $7.800000000e+01, v6  }
0x187: {  	v23 =	vmul.f32 $8.200000000e+01, v6;
	v43 =	vadd.s32 $0x9E3779B1, v35;
	v44 =	vxor.u32 v13, v35  }
0x188: {  	v3 =	vsub.f32 v57, v37;
	vm8 =	vlt.s32 v24, $0x51;
	v8 =	vmul.f32 v22, v8  }
0x189: {  	v12 =	vmul.f32 v41, v19;
	v45 =	vand.u32 $0x3FF, v44;
	v46 =	vxor.u32 v13, v43  }
0x18a: {  	[tilespmem:$0x1FF80] =	vst v0;
	v15 =	vadd.f32 v42, v56;
	v0 =	vsub.f32 v60, v36;
	v41 =	vxor.u32 v39, v35  }
0x18b: {  	v5 =	vxor.u32 v39, v43;
	v36 =	vtrunc.f32 v16;
	v62 =	vtrunc.f32 v23  }
0x18c: {  	v24 =	vnsel vm8, $0x51, v24;
	v19 =	vadd.s32 $0x619C, v45;
	v26 =	vand.u32 $0x3FF, v46  }
0x18d: {  	v5 =	vand.u32 $0x3FF, v5;
	v46 =	vmul.f32 $7.800000000e+01, v7;
	v27 =	vcvt.f32.s32 v62  }
0x18e: {  	v8 =	vadd.f32 v8, v54;
	v9 =	vadd.f32 v12, v9;
	[tilespmem:$0x1FC70] =	vst v0;
	v0 =	vand.u32 $0x3FF, v41  }
0x18f: {  	v48 =	vadd.s32 $0x619C, v26;
	v5 =	vadd.s32 $0x619C, v5;
	v0 =	vadd.s32 $0x619C, v0  }
0x190: {  	v35 =	vtrunc.f32 v46;
	v8 =	vsub.f32 v8, v63;
	v9 =	vsub.f32 v9, v15  }
0x191: {  	[tilespmem:$0x1FC60] =	vst v63;
	vm9 =	vlt.s32 v27, $0x51;
	v18 =	vcvt.f32.s32 v35;
	v63 =	vmul.u32 $0x9E3779B1, v24  }
0x192: {  	v27 =	vnsel vm9, $0x51, v27;
	v51 =	vmul.f32 v8, v49;
	v53 =	vmul.f32 v9, v50  }
0x193: {  	v54 =	vld.idx.msk [tilespmem:v19+s11+$0x0], $0xffff;
	v8 =	vmul.f32 $7.500000000e+01, v6;
	v9 =	vcvt.f32.s32 v40;
	vm6 =	vlt.s32 v18, $0x4D  }
0x194: {  	v19 =	vcvt.f32.s32 v36;
	v32 =	vxor.u32 v27, v63;
	v38 =	vld.idx.msk [tilespmem:v48+s11+$0x0], $0xffff;
	v37 =	vnsel vm6, $0x4D, v18  }
0x195: {  	v28 =	vand.u32 $0x3FF, v32;
	v42 =	vtrunc.f32 v8;
	vm4 =	vlt.s32 v9, $0x4A  }
0x196: {  	v5 =	vld.idx.msk [tilespmem:v5+s11+$0x0], $0xffff;
	v56 =	vmul.u32 $0x9E3779B1, v37;
	v10 =	vcvt.f32.s32 v42;
	v9 =	vnsel vm4, $0x4A, v9  }
0x197: {  	vm7 =	vlt.s32 v19, $0x4D;
	v0 =	vld.idx.msk [tilespmem:v0+s11+$0x0], $0xffff;
	v28 =	vadd.s32 $0x6D9C, v28;
	v43 =	vmul.u32 $0x9E3779B1, v9  }
0x198: {  	v49 =	vcvt.s32.f32 v37;
	v60 =	vadd.s32 $0x9E3779B1, v56;
	vm5 =	vlt.s32 v10, $0x4A  }
0x199: {  	v4 =	vsub.f32 v38, v54;
	v10 =	vnsel vm5, $0x4A, v10;
	v33 =	vadd.s32 $0x9E3779B1, v43  }
0x19a: {  	v38 =	vnsel vm7, $0x4D, v19;
	v44 =	vadd.s32 $0x1, v10;
	v45 =	vxor.u32 v10, v43  }
0x19b: {  	v34 =	vxor.u32 v10, v33;
	v57 =	vadd.s32 $0x1, v38;
	v58 =	vxor.u32 v38, v56  }
0x19c: {  	v61 =	vxor.u32 v38, v60;
	v5 =	vsub.f32 v5, v0;
	v13 =	vand.u32 $0x3FF, v45  }
0x19d: {  	v17 =	vand.u32 $0x3FF, v34;
	v11 =	vxor.u32 v44, v43;
	v13 =	vadd.s32 $0x659C, v13  }
0x19e: {  	v12 =	vxor.u32 v44, v33;
	v22 =	vand.u32 $0x3FF, v58;
	v17 =	vadd.s32 $0x659C, v17  }
0x19f: {  	v26 =	vand.u32 $0x3FF, v61;
	v19 =	vxor.u32 v57, v56;
	v22 =	vadd.s32 $0x699C, v22  }
0x1a0: {  	v21 =	vxor.u32 v57, v60;
	v11 =	vand.u32 $0x3FF, v11;
	v26 =	vadd.s32 $0x699C, v26  }
0x1a1: {  	[tilespmem:$0x1FF70] =	vst v52;
	v52 =	vld.idx.msk [tilespmem:v28+s11+$0x0], $0xffff;
	v33 =	vadd.s32 $0x1, v27;
	v12 =	vand.u32 $0x3FF, v12;
	v11 =	vadd.s32 $0x659C, v11  }
0x1a2: {  	v34 =	vadd.s32 $0x9E3779B1, v63;
	v19 =	vand.u32 $0x3FF, v19;
	v12 =	vadd.s32 $0x659C, v12;
	v13 =	vld.idx.msk [tilespmem:v13+s11+$0x0], $0xffff  }
0x1a3: {  	v21 =	vand.u32 $0x3FF, v21;
	v30 =	vxor.u32 v27, v34;
	v19 =	vadd.s32 $0x699C, v19;
	v17 =	vld.idx.msk [tilespmem:v17+s11+$0x0], $0xffff  }
0x1a4: {  	v25 =	vxor.u32 v33, v63;
	v21 =	vadd.s32 $0x699C, v21;
	v30 =	vand.u32 $0x3FF, v30;
	v22 =	vld.idx.msk [tilespmem:v22+s11+$0x0], $0xffff  }
0x1a5: {  	v29 =	vxor.u32 v33, v34;
	v25 =	vand.u32 $0x3FF, v25;
	v30 =	vadd.s32 $0x6D9C, v30;
	v26 =	vld.idx.msk [tilespmem:v26+s11+$0x0], $0xffff  }
0x1a6: {  	v50 =	vcvt.s32.f32 v10;
	v40 =	vand.u32 $0x3FF, v29;
	v39 =	vadd.s32 $0x6D9C, v25;
	v11 =	vld.idx.msk [tilespmem:v11+s11+$0x0], $0xffff  }
0x1a7: {  	v4 =	vmul.f32 v4, v3;
	v3 =	vmul.f32 v5, v3;
	v43 =	vadd.s32 $0x6D9C, v40;
	v12 =	vld.idx.msk [tilespmem:v12+s11+$0x0], $0xffff  }
0x1a8: {  	v37 =	vmul.f32 $9.100000000e+01, v7;
	v9 =	vcvt.s32.f32 v9;
	v35 =	vld.idx.msk [tilespmem:v19+s11+$0x0], $0xffff  }
0x1a9: {  	[tilespmem:$0x1FCA0] =	vst v53;
	v61 =	vcvt.s32.f32 v38;
	v53 =	vadd.f32 v3, v0;
	v0 =	vsub.f32 v8, v50;
	v42 =	vld.idx.msk [tilespmem:v21+s11+$0x0], $0xffff  }
0x1aa: {  	v2 =	vsub.f32 v55, v9;
	v44 =	vmul.f32 $9.500000000e+01, v7;
	v21 =	vmul.f32 $8.600000000e+01, v7;
	v60 =	vld.idx.msk [tilespmem:v30+s11+$0x0], $0xffff  }
0x1ab: {  	v48 =	vadd.f32 v4, v54;
	[tilespmem:$0x1FC80] =	vst v0;
	v0 =	vsub.f32 v16, v61;
	v19 =	vcvt.s32.f32 v24;
	v62 =	vld.idx.msk [tilespmem:v39+s11+$0x0], $0xffff  }
0x1ac: {  	v54 =	vsub.f32 v46, v49;
	v25 =	vmul.f32 $8.600000000e+01, v6;
	v18 =	vld.idx.msk [tilespmem:v43+s11+$0x0], $0xffff;
	v32 =	vtrunc.f32 v21  }
0x1ad: {  	[tilespmem:$0x1FCB0] =	vst v0;
	v0 =	vsub.f32 v20, v19;
	v4 =	vcvt.f32.s32 v32;
	v41 =	vsub.f32 v17, v13  }
0x1ae: {  	v55 =	vsub.f32 v26, v22;
	v26 =	vcvt.s32.f32 v27;
	v47 =	vsub.f32 v12, v11  }
0x1af: {  	v17 =	vsub.f32 v42, v35;
	vm10 =	vlt.s32 v4, $0x55;
	v42 =	vtrunc.f32 v37  }
0x1b0: {  	[tilespmem:$0x1FC50] =	vst v51;
	v51 =	vmul.f32 v41, v2;
	v63 =	vmul.f32 v55, v54;
	v10 =	vsub.f32 v60, v52  }
0x1b1: {  	v33 =	vsub.f32 v18, v62;
	v41 =	vmul.f32 $9.100000000e+01, v6;
	v3 =	vcvt.f32.s32 v42  }
0x1b2: {  	[tilespmem:$0x1FF40] =	vst v1;
	v36 =	vnsel vm10, $0x55, v4;
	v1 =	vmul.f32 v47, v2;
	v24 =	vmul.f32 v17, v54  }
0x1b3: {  	v2 =	vsub.f32 v23, v26;
	v47 =	vmul.f32 $9.500000000e+01, v6;
	v17 =	vmul.f32 $1.280000000e+02, v6  }
0x1b4: {  	v45 =	vadd.f32 v51, v13;
	v38 =	vadd.f32 v63, v22;
	v8 =	vtrunc.f32 v41  }
0x1b5: {  	vm12 =	vlt.s32 v3, $0x5A;
	v63 =	vmul.f32 $1.000000000e+02, v6;
	v58 =	vadd.f32 v1, v11  }
0x1b6: {  	v11 =	vtrunc.f32 v25;
	v29 =	vadd.f32 v24, v35;
	v35 =	vmul.f32 v10, v0  }
0x1b7: {  	v0 =	vmul.f32 v33, v0;
	v1 =	vmul.u32 $0x9E3779B1, v36;
	v8 =	vcvt.f32.s32 v8  }
0x1b8: {  	v26 =	vnsel vm12, $0x5A, v3;
	v24 =	vmul.f32 $1.050000000e+02, v6;
	v33 =	vmul.f32 $1.050000000e+02, v7  }
0x1b9: {  	[tilespmem:$0x1FCD0] =	vst v36;
	v36 =	vmul.f32 $1.100000000e+02, v6;
	v34 =	vcvt.f32.s32 v11;
	v3 =	vmul.u32 $0x9E3779B1, v26  }
0x1ba: {  	v20 =	vtrunc.f32 v63;
	v30 =	vadd.f32 v35, v52;
	v0 =	vadd.f32 v0, v62  }
0x1bb: {  	v43 =	vadd.s32 $0x9E3779B1, v1;
	vm13 =	vlt.s32 v8, $0x5A;
	v52 =	vtrunc.f32 v47  }
0x1bc: {  	v35 =	vtrunc.f32 v33;
	vm11 =	vlt.s32 v34, $0x55;
	v27 =	vnsel vm13, $0x5A, v8  }
0x1bd: {  	v8 =	vtrunc.f32 v44;
	v51 =	vadd.s32 $0x9E3779B1, v3;
	v10 =	vcvt.f32.s32 v52  }
0x1be: {  	[tilespmem:$0x1FCF0] =	vst v37;
	v37 =	vcvt.f32.s32 v35;
	v52 =	vmul.f32 $1.210000000e+02, v6;
	v57 =	vnsel vm11, $0x55, v34  }
0x1bf: {  	v46 =	vxor.u32 v27, v3;
	v49 =	vcvt.f32.s32 v8;
	v50 =	vadd.s32 $0x1, v27  }
0x1c0: {  	v55 =	vxor.u32 v27, v51;
	v34 =	vtrunc.f32 v24;
	v39 =	vadd.s32 $0x1, v57  }
0x1c1: {  	v40 =	vxor.u32 v57, v1;
	v5 =	vxor.u32 v57, v43;
	v4 =	vand.u32 $0x3FF, v46  }
0x1c2: {  	v3 =	vxor.u32 v50, v3;
	v54 =	vxor.u32 v50, v51;
	v59 =	vand.u32 $0x3FF, v55  }
0x1c3: {  	vm15 =	vlt.s32 v10, $0x5E;
	v16 =	vcvt.f32.s32 v34;
	vm7 =	vlt.s32 v37, $0x68  }
0x1c4: {  	[tilespmem:$0x1FCC0] =	vst v2;
	v46 =	vmul.f32 $1.160000000e+02, v7;
	v55 =	vmul.f32 $1.210000000e+02, v7;
	v2 =	vand.u32 $0x3FF, v40  }
0x1c5: {  	[tilespmem:$0x1FC40] =	vst v0;
	v5 =	vand.u32 $0x3FF, v5;
	v1 =	vxor.u32 v39, v1;
	v0 =	vxor.u32 v39, v43  }
0x1c6: {  	v13 =	vadd.s32 $0x759C, v4;
	vm14 =	vlt.s32 v49, $0x5E;
	v14 =	vadd.s32 $0x759C, v59  }
0x1c7: {  	[tilespmem:$0x1FD20] =	vst v25;
	v61 =	vand.u32 $0x3FF, v3;
	v25 =	vnsel vm15, $0x5E, v10;
	v59 =	vmul.f32 $1.000000000e+02, v7  }
0x1c8: {  	v62 =	vand.u32 $0x3FF, v54;
	v39 =	vmul.f32 $1.100000000e+02, v7;
	v40 =	vtrunc.f32 v36  }
0x1c9: {  	v43 =	vmul.f32 $1.160000000e+02, v6;
	v2 =	vadd.s32 $0x719C, v2;
	v9 =	vadd.s32 $0x719C, v5  }
0x1ca: {  	[tilespmem:$0x1FC90] =	vst v15;
	v1 =	vand.u32 $0x3FF, v1;
	v0 =	vand.u32 $0x3FF, v0;
	v56 =	vnsel vm14, $0x5E, v49  }
0x1cb: {  	[tilespmem:$0x1FCE0] =	vst v21;
	v15 =	vadd.s32 $0x759C, v61;
	v3 =	vadd.s32 $0x759C, v62;
	v21 =	vadd.s32 $0x1, v25  }
0x1cc: {  	[tilespmem:$0x1FD50] =	vst v41;
	vm6 =	vlt.s32 v16, $0x68;
	v41 =	vcvt.f32.s32 v40;
	v50 =	vtrunc.f32 v46  }
0x1cd: {  	v1 =	vadd.s32 $0x719C, v1;
	v11 =	vadd.s32 $0x719C, v0;
	v0 =	vcvt.f32.s32 v20  }
0x1ce: {  	[tilespmem:$0x1FD90] =	vst v44;
	v60 =	vmul.u32 $0x9E3779B1, v56;
	v23 =	vtrunc.f32 v59;
	v42 =	vtrunc.f32 v39  }
0x1cf: {  	[tilespmem:$0x1FDE0] =	vst v47;
	v34 =	vnsel vm6, $0x68, v16;
	v47 =	vtrunc.f32 v43;
	v54 =	vcvt.f32.s32 v50  }
0x1d0: {  	[tilespmem:$0x1FD70] =	vst v56;
	v56 =	vnsel vm7, $0x68, v37;
	v32 =	vcvt.f32.s32 v23;
	v44 =	vcvt.f32.s32 v42  }
0x1d1: {  	vm8 =	vlt.s32 v41, $0x6D;
	v49 =	vcvt.f32.s32 v47;
	v23 =	vtrunc.f32 v17  }
0x1d2: {  	[tilespmem:$0x1FF00] =	vst v46;
	v46 =	vadd.s32 $0x1, v34;
	v10 =	vxor.u32 v25, v60;
	v22 =	vadd.s32 $0x9E3779B1, v60  }
0x1d3: {  	v8 =	vxor.u32 v21, v60;
	vm4 =	vlt.s32 v0, $0x63;
	v61 =	vnsel vm8, $0x6D, v41  }
0x1d4: {  	vm11 =	vlt.s32 v54, $0x73;
	v19 =	vand.u32 $0x3FF, v10;
	v28 =	vxor.u32 v21, v22  }
0x1d5: {  	[tilespmem:$0x1FEE0] =	vst v24;
	v31 =	vxor.u32 v25, v22;
	v24 =	vnsel vm4, $0x63, v0;
	vm5 =	vlt.s32 v32, $0x63  }
0x1d6: {  	v8 =	vand.u32 $0x3FF, v8;
	vm9 =	vlt.s32 v44, $0x6D;
	vm10 =	vlt.s32 v49, $0x73  }
0x1d7: {  	v62 =	vnsel vm11, $0x73, v54;
	v22 =	vtrunc.f32 v55;
	v18 =	vadd.s32 $0x799C, v19  }
0x1d8: {  	v10 =	vand.u32 $0x3FF, v31;
	v51 =	vnsel vm5, $0x63, v32;
	v8 =	vadd.s32 $0x799C, v8  }
0x1d9: {  	v21 =	vand.u32 $0x3FF, v28;
	v60 =	vnsel vm9, $0x6D, v44;
	v19 =	vmul.f32 $1.280000000e+02, v7  }
0x1da: {  	v50 =	vnsel vm10, $0x73, v49;
	v6 =	vcvt.f32.s32 v22;
	v7 =	vcvt.f32.s32 v23  }
0x1db: {  	v35 =	vadd.s32 $0x1, v24;
	v44 =	vmul.u32 $0x9E3779B1, v56;
	v31 =	vadd.s32 $0x1, v61  }
0x1dc: {  	v20 =	vadd.s32 $0x799C, v10;
	v10 =	vtrunc.f32 v52;
	v28 =	vmul.u32 $0x9E3779B1, v51  }
0x1dd: {  	[tilespmem:$0x1FFC0] =	vst v52;
	v23 =	vmul.u32 $0x9E3779B1, v60;
	v16 =	vcvt.f32.s32 v10;
	v32 =	vtrunc.f32 v19  }
0x1de: {  	[tilespmem:$0x1FF90] =	vst v55;
	vm13 =	vlt.s32 v6, $0x78;
	vm14 =	vlt.s32 v7, $0x7F;
	v49 =	vadd.s32 $0x9E3779B1, v44  }
0x1df: {  	[tilespmem:$0x1FFA0] =	vst v19;
	v52 =	vxor.u32 v34, v44;
	v55 =	vxor.u32 v46, v44;
	v19 =	vcvt.f32.s32 v32  }
0x1e0: {  	[tilespmem:$0x1FE40] =	vst v33;
	v0 =	vnsel vm13, $0x78, v6;
	v33 =	vxor.u32 v24, v28;
	v54 =	vnsel vm14, $0x7F, v7  }
0x1e1: {  	[tilespmem:$0x1FF50] =	vst v36;
	v41 =	vld.idx.msk [tilespmem:v14+s11+$0x0], $0xffff;
	v36 =	vadd.s32 $0x9E3779B1, v28;
	v37 =	vxor.u32 v35, v28;
	vm12 =	vlt.s32 v16, $0x78  }
0x1e2: {  	v32 =	vld.idx.msk [tilespmem:v2+s11+$0x0], $0xffff;
	v6 =	vand.u32 $0x3FF, v33;
	v2 =	vxor.u32 v35, v36;
	v7 =	vxor.u32 v24, v36  }
0x1e3: {  	[tilespmem:$0x1FFB0] =	vst v43;
	v47 =	vld.idx.msk [tilespmem:v9+s11+$0x0], $0xffff;
	v43 =	vand.u32 $0x3FF, v37;
	v36 =	vxor.u32 v34, v49;
	v37 =	vand.u32 $0x3FF, v52  }
0x1e4: {  	v42 =	vld.idx.msk [tilespmem:v11+s11+$0x0], $0xffff;
	v52 =	vxor.u32 v61, v23;
	v33 =	vadd.s32 $0x9E3779B1, v23;
	v40 =	vnsel vm12, $0x78, v16  }
0x1e5: {  	[tilespmem:$0x1FEB0] =	vst v39;
	v10 =	vld.idx.msk [tilespmem:v15+s11+$0x0], $0xffff;
	vm15 =	vlt.s32 v19, $0x7F;
	v39 =	vand.u32 $0x3FF, v7;
	v2 =	vand.u32 $0x3FF, v2  }
0x1e6: {  	[tilespmem:$0x1FFD0] =	vst v17;
	v7 =	vadd.s32 $0x7D9C, v43;
	v14 =	vand.u32 $0x3FF, v36;
	v17 =	vld.idx.msk [tilespmem:v18+s11+$0x0], $0xffff;
	v18 =	vadd.s32 $0x819C, v37  }
0x1e7: {  	[tilespmem:$0x1FE00] =	vst v63;
	v43 =	vxor.u32 v31, v23;
	v63 =	vnsel vm15, $0x7F, v19;
	v19 =	vld.idx.msk [tilespmem:v1+s11+$0x0], $0xffff;
	v1 =	vadd.s32 $0x799C, v21  }
0x1e8: {  	v16 =	vld.idx.msk [tilespmem:v13+s11+$0x0], $0xffff;
	v21 =	vadd.s32 $0x7D9C, v6;
	v13 =	vadd.s32 $0x7D9C, v39;
	v22 =	vadd.s32 $0x7D9C, v2  }
0x1e9: {  	v35 =	vld.idx.msk [tilespmem:v3+s11+$0x0], $0xffff;
	v6 =	vxor.u32 v46, v49;
	v28 =	vadd.s32 $0x819C, v14;
	v39 =	vand.u32 $0x3FF, v55  }
0x1ea: {  	v44 =	vld.idx.msk [tilespmem:v20+s11+$0x0], $0xffff;
	v55 =	vand.u32 $0x3FF, v52;
	v46 =	vxor.u32 v31, v33;
	v20 =	vxor.u32 v61, v33  }
0x1eb: {  	v12 =	vld.idx.msk [tilespmem:v8+s11+$0x0], $0xffff;
	v52 =	vand.u32 $0x3FF, v43;
	v8 =	vadd.s32 $0x859C, v55;
	v55 =	vmul.u32 $0x9E3779B1, v62  }
0x1ec: {  	v15 =	vadd.s32 $0x819C, v39;
	v49 =	vand.u32 $0x3FF, v6;
	v23 =	vand.u32 $0x3FF, v46;
	v9 =	vld.idx.msk [tilespmem:v7+s11+$0x0], $0xffff  }
0x1ed: {  	v23 =	vadd.s32 $0x859C, v23;
	v2 =	vadd.s32 $0x9E3779B1, v55;
	v3 =	vxor.u32 v50, v55;
	v37 =	vld.idx.msk [tilespmem:v1+s11+$0x0], $0xffff  }
0x1ee: {  	v46 =	vxor.u32 v50, v2;
	v11 =	vld.idx.msk [tilespmem:v21+s11+$0x0], $0xffff;
	v21 =	vadd.s32 $0x819C, v49;
	v49 =	vand.u32 $0x3FF, v20  }
0x1ef: {  	v36 =	vld.idx.msk [tilespmem:v13+s11+$0x0], $0xffff;
	v13 =	vadd.s32 $0x859C, v52;
	v1 =	vadd.s32 $0x1, v50;
	v52 =	vand.u32 $0x3FF, v3  }
0x1f0: {  	v14 =	vld.idx.msk [tilespmem:v18+s11+$0x0], $0xffff;
	v33 =	vadd.s32 $0x859C, v49;
	v43 =	vxor.u32 v1, v2;
	v2 =	vmul.u32 $0x9E3779B1, v0  }
0x1f1: {  	v18 =	vxor.u32 v1, v55;
	v55 =	vand.u32 $0x3FF, v46;
	v7 =	vld.idx.msk [tilespmem:v15+s11+$0x0], $0xffff;
	v15 =	vadd.s32 $0x899C, v52  }
0x1f2: {  	v20 =	vld.idx.msk [tilespmem:v22+s11+$0x0], $0xffff;
	v52 =	vmul.u32 $0x9E3779B1, v63;
	v22 =	vadd.s32 $0x899C, v55;
	v46 =	vadd.s32 $0x9E3779B1, v2  }
0x1f3: {  	v31 =	vand.u32 $0x3FF, v43;
	v43 =	vadd.s32 $0x1, v40;
	v1 =	vxor.u32 v40, v46  }
0x1f4: {  	v6 =	vxor.u32 v40, v2;
	v2 =	vxor.u32 v43, v2;
	v1 =	vand.u32 $0x3FF, v1  }
0x1f5: {  	v39 =	vand.u32 $0x3FF, v6;
	v2 =	vand.u32 $0x3FF, v2;
	v3 =	vadd.s32 $0x8D9C, v1  }
0x1f6: {  	[tilespmem:$0x1FF60] =	vst v0;
	v0 =	vxor.u32 v43, v46;
	v55 =	vld.idx.msk [tilespmem:v33+s11+$0x0], $0xffff;
	v33 =	vadd.s32 $0x899C, v31;
	v31 =	vadd.s32 $0x8D9C, v2  }
0x1f7: {  	v5 =	vadd.s32 $0x9E3779B1, v52;
	v43 =	vld.idx.msk [tilespmem:v23+s11+$0x0], $0xffff;
	v4 =	vadd.s32 $0x8D9C, v39;
	v0 =	vand.u32 $0x3FF, v0  }
0x1f8: {  	v39 =	vxor.u32 v54, v52;
	v6 =	vadd.s32 $0x8D9C, v0;
	v46 =	vld.idx.msk [tilespmem:v22+s11+$0x0], $0xffff;
	v22 =	vadd.s32 $0x1, v54  }
0x1f9: {  	v1 =	vand.u32 $0x3FF, v39;
	v39 =	vld [tilespmem:$0x1FC60];
	v23 =	vxor.u32 v22, v52;
	v52 =	vxor.u32 v54, v5  }
0x1fa: {  	v0 =	vxor.u32 v22, v5;
	v5 =	vadd.s32 $0x919C, v1;
	v1 =	vand.u32 $0x3FF, v52;
	v52 =	vld.idx.msk [tilespmem:v3+s11+$0x0], $0xffff  }
0x1fb: {  	v3 =	vld.idx.msk [tilespmem:v31+s11+$0x0], $0xffff  }
0x1fc: {  	v31 =	vld [tilespmem:$0x1FC50];
	_ =	sdelay $0x1  }
0x1fd: {  	v18 =	vand.u32 $0x3FF, v18  }
0x1fe: {  	v49 =	vld.idx.msk [tilespmem:v28+s11+$0x0], $0xffff;
	v28 =	vadd.s32 $0x899C, v18;
	_ =	sdelay $0x1  }
0x1ff: {  	v39 =	vadd.f32 v31, v39;
	v31 =	vld [tilespmem:$0x1FC70];
	_ =	sdelay $0x1  }
0x200: {  	v18 =	vld.idx.msk [tilespmem:v8+s11+$0x0], $0xffff  }
0x201: {  	v8 =	vld.idx.msk [tilespmem:v28+s11+$0x0], $0xffff;
	v28 =	vsub.f32 v53, v48;
	_ =	sdelay $0x1  }
0x202: {  	v28 =	vmul.f32 v28, v31;
	v31 =	vld [tilespmem:$0x1FC80];
	_ =	sdelay $0x2  }
0x203: {  	v58 =	vsub.f32 v58, v45;
	v21 =	vld.idx.msk [tilespmem:v21+s11+$0x0], $0xffff  }
0x204: {  	v13 =	vld.idx.msk [tilespmem:v13+s11+$0x0], $0xffff;
	v2 =	vand.u32 $0x3FF, v23;
	v0 =	vand.u32 $0x3FF, v0  }
0x205: {  	v23 =	vadd.s32 $0x919C, v2;
	v2 =	vadd.s32 $0x919C, v0;
	v0 =	vmul.f32 v58, v31;
	v31 =	vld.idx.msk [tilespmem:v6+s11+$0x0], $0xffff  }
0x206: {  	v6 =	vld [tilespmem:$0x1FCB0]  }
0x207: {  	v22 =	vsub.f32 v29, v38;
	v29 =	vld [tilespmem:$0x1FC40]  }
0x208: {  	v53 =	vld.idx.msk [tilespmem:v4+s11+$0x0], $0xffff  }
0x209: {  	v4 =	vadd.s32 $0x919C, v1;
	v1 =	vld [tilespmem:$0x1FC90]  }
0x20a: {  	v58 =	vld [tilespmem:$0x1FCA0]  }
0x20b: {  	v22 =	vmul.f32 v22, v6;
	v6 =	vld [tilespmem:$0x1FCC0]  }
0x20c: {  	v15 =	vld.idx.msk [tilespmem:v15+s11+$0x0], $0xffff  }
0x20d: {  	v33 =	vld.idx.msk [tilespmem:v33+s11+$0x0], $0xffff;
	v29 =	vsub.f32 v29, v30;
	v45 =	vadd.f32 v0, v45  }
0x20e: {  	v0 =	vadd.f32 v22, v38;
	v38 =	vsub.f32 v47, v32;
	v47 =	vld [tilespmem:$0x1FCF0]  }
0x20f: {  	v4 =	vld.idx.msk [tilespmem:v4+s11+$0x0], $0xffff  }
0x210: {  	v58 =	vadd.f32 v58, v1;
	v1 =	vmul.f32 v29, v6;
	v6 =	vld [tilespmem:$0x1FCD0]  }
0x211: {  	v29 =	vld.idx.msk [tilespmem:v5+s11+$0x0], $0xffff;
	v5 =	vadd.f32 v28, v48;
	v48 =	vcvt.s32.f32 v26  }
0x212: {  	v1 =	vadd.f32 v1, v30;
	v30 =	vld [tilespmem:$0x1FCE0]  }
0x213: {  	v22 =	vsub.f32 v47, v48;
	v48 =	vld [tilespmem:$0x1FD00]  }
0x214: {  	v2 =	vld.idx.msk [tilespmem:v2+s11+$0x0], $0xffff  }
0x215: {  	v47 =	vld [tilespmem:$0x1FD30];
	v28 =	vcvt.s32.f32 v6  }
0x216: {  	v35 =	vsub.f32 v35, v10;
	v41 =	vsub.f32 v41, v16;
	v26 =	vld.idx.msk [tilespmem:v23+s11+$0x0], $0xffff  }
0x217: {  	v6 =	vsub.f32 v30, v28;
	v30 =	vld [tilespmem:$0x1FD10]  }
0x218: {  	[tilespmem:s21+$0xB4A0] =	vst v48;
	v48 =	vmul.f32 v41, v22;
	v22 =	vmul.f32 v35, v22;
	v35 =	vld [tilespmem:$0x1FD60]  }
0x219: {  	v41 =	vld [tilespmem:$0x1FD80]  }
0x21a: {  	v42 =	vsub.f32 v42, v19;
	[tilespmem:s21+$0xBC60] =	vst v47;
	v47 =	vld [tilespmem:$0x1FD90]  }
0x21b: {  	v23 =	vmul.f32 v38, v6;
	v38 =	vld [tilespmem:$0x1FD20]  }
0x21c: {  	v6 =	vmul.f32 v42, v6;
	v16 =	vadd.f32 v48, v16;
	v42 =	vcvt.s32.f32 v51;
	v48 =	vld [tilespmem:$0x1FDA0]  }
0x21d: {  	v51 =	vsub.f32 v44, v17;
	v44 =	vld [tilespmem:$0x1FDF0]  }
0x21e: {  	v10 =	vadd.f32 v22, v10;
	v22 =	vsub.f32 v59, v42;
	v42 =	vld [tilespmem:$0x1FDE0]  }
0x21f: {  	v59 =	vsub.f32 v37, v12;
	v37 =	vld [tilespmem:$0x1FE80]  }
0x220: {  	[tilespmem:s21+$0xB880] =	vst v30;
	v30 =	vld [tilespmem:$0x1FD50]  }
0x221: {  	v57 =	vcvt.s32.f32 v57;
	[tilespmem:s21+$0xC800] =	vst v41;
	v41 =	vld [tilespmem:$0x1FDD0]  }
0x222: {  	v23 =	vadd.f32 v23, v32;
	[tilespmem:s21+$0xC420] =	vst v35;
	v35 =	vsub.f32 v49, v14;
	v49 =	vld [tilespmem:$0x1FEB0]  }
0x223: {  	v6 =	vadd.f32 v6, v19;
	v28 =	vsub.f32 v38, v57;
	v57 =	vld [tilespmem:$0x1FD40]  }
0x224: {  	v38 =	vld [tilespmem:$0x1FD70]  }
0x225: {  	v6 =	vsub.f32 v6, v23;
	[tilespmem:s21+$0xCBE0] =	vst v48;
	v48 =	vld [tilespmem:$0x1FE00]  }
0x226: {  	v25 =	vcvt.s32.f32 v25;
	[tilespmem:s21+$0xDB60] =	vst v44;
	v44 =	vcvt.s32.f32 v60;
	v60 =	vsub.f32 v43, v13;
	v43 =	vld [tilespmem:$0x1FF60]  }
0x227: {  	v27 =	vcvt.s32.f32 v27;
	v6 =	vmul.f32 v6, v28;
	v28 =	vld [tilespmem:$0x1FE40]  }
0x228: {  	[tilespmem:s21+$0x12500] =	vst v39;
	v25 =	vsub.f32 v42, v25;
	v42 =	vld [tilespmem:$0x1FE90]  }
0x229: {  	v24 =	vcvt.s32.f32 v24;
	[tilespmem:s21+$0x128E0] =	vst v58;
	v19 =	vsub.f32 v30, v27;
	v30 =	vld [tilespmem:$0x1FDC0]  }
0x22a: {  	v36 =	vsub.f32 v36, v11;
	[tilespmem:s21+$0xC040] =	vst v57;
	v27 =	vcvt.s32.f32 v38;
	v57 =	vld [tilespmem:$0x1FDB0]  }
0x22b: {  	v20 =	vsub.f32 v20, v9;
	[tilespmem:s21+$0x130A0] =	vst v45;
	v24 =	vsub.f32 v48, v24;
	v48 =	vld [tilespmem:$0x1FEA0]  }
0x22c: {  	[tilespmem:s21+$0x13480] =	vst v0;
	v27 =	vsub.f32 v47, v27;
	v47 =	vmul.f32 v36, v22;
	v36 =	vld [tilespmem:$0x1FE70]  }
0x22d: {  	v21 =	vsub.f32 v21, v7;
	v33 =	vsub.f32 v33, v8;
	v20 =	vmul.f32 v20, v22;
	[tilespmem:s21+$0xFA60] =	vst v42;
	v42 =	vld [tilespmem:$0x1FF50]  }
0x22e: {  	v4 =	vsub.f32 v4, v29;
	v10 =	vsub.f32 v10, v16;
	[tilespmem:s21+$0xD3A0] =	vst v30;
	v30 =	vld [tilespmem:$0x1FE50]  }
0x22f: {  	[tilespmem:s21+$0x12CC0] =	vst v5;
	v9 =	vadd.f32 v20, v9;
	v32 =	vmul.f32 v51, v27;
	v27 =	vmul.f32 v59, v27;
	v51 =	vld [tilespmem:$0x1FE10]  }
0x230: {  	[tilespmem:s21+$0x13860] =	vst v1;
	v11 =	vadd.f32 v47, v11;
	v59 =	vcvt.s32.f32 v56;
	v56 =	vcvt.s32.f32 v34;
	v34 =	vld [tilespmem:$0x1FF20]  }
0x231: {  	v2 =	vsub.f32 v2, v26;
	v6 =	vadd.f32 v6, v23;
	[tilespmem:s21+$0xCFC0] =	vst v57;
	v57 =	vld [tilespmem:$0x1FE20]  }
0x232: {  	v10 =	vmul.f32 v10, v19;
	[tilespmem:s21+$0xFE40] =	vst v48;
	v48 =	vld [tilespmem:$0x1FF90];
	v20 =	vsub.f32 v28, v59;
	v9 =	vsub.f32 v9, v11  }
0x233: {  	[tilespmem:s21+$0xF680] =	vst v37;
	v17 =	vadd.f32 v32, v17;
	v12 =	vadd.f32 v27, v12;
	v32 =	vld [tilespmem:$0x1FE60]  }
0x234: {  	[tilespmem:s21+$0xD780] =	vst v41;
	v10 =	vadd.f32 v10, v16;
	v28 =	vld [tilespmem:$0x1FF00];
	v9 =	vmul.f32 v9, v24;
	v38 =	vmul.f32 v35, v20  }
0x235: {  	[tilespmem:s21+$0x13C40] =	vst v6;
	v27 =	vld [tilespmem:$0x1FE30];
	v59 =	vsub.f32 v55, v18;
	v12 =	vsub.f32 v12, v17;
	v41 =	vmul.f32 v21, v20  }
0x236: {  	[tilespmem:s21+$0x14020] =	vst v10;
	v55 =	vld [tilespmem:$0x1FFA0];
	v24 =	vcvt.s32.f32 v62;
	v9 =	vadd.f32 v9, v11;
	v47 =	vadd.f32 v38, v14  }
0x237: {  	[tilespmem:s21+$0xF2A0] =	vst v36;
	v35 =	vcvt.s32.f32 v61;
	v62 =	vld [tilespmem:$0x1FFD0];
	v7 =	vadd.f32 v41, v7;
	v14 =	vsub.f32 v49, v44  }
0x238: {  	[tilespmem:s21+$0xDF40] =	vst v51;
	v51 =	vld [tilespmem:$0x1FEC0];
	v12 =	vmul.f32 v12, v25;
	v49 =	vsub.f32 v52, v53;
	v52 =	vsub.f32 v31, v3  }
0x239: {  	v25 =	vld [tilespmem:$0x1FEE0];
	[tilespmem:s21+$0xEEC0] =	vst v32;
	v19 =	vsub.f32 v28, v24;
	v32 =	vsub.f32 v46, v15;
	v46 =	vcvt.s32.f32 v63  }
0x23a: {  	v36 =	vld [tilespmem:$0x1FF30];
	[tilespmem:s21+$0xEAE0] =	vst v30;
	v12 =	vadd.f32 v12, v17;
	v17 =	vmul.f32 v59, v14;
	v14 =	vmul.f32 v60, v14  }
0x23b: {  	v30 =	vld [tilespmem:$0x1FF10];
	[tilespmem:s21+$0x111A0] =	vst v34;
	v7 =	vsub.f32 v7, v47;
	v59 =	vcvt.s32.f32 v54;
	v37 =	vmul.f32 v32, v19  }
0x23c: {  	v61 =	vld [tilespmem:$0x1FFC0];
	[tilespmem:s21+$0xE320] =	vst v57;
	v38 =	vmul.f32 v33, v19;
	v17 =	vadd.f32 v17, v18;
	v13 =	vadd.f32 v14, v13  }
0x23d: {  	v57 =	vld [tilespmem:$0x1FED0];
	[tilespmem:s21+$0xE700] =	vst v27;
	v18 =	vcvt.s32.f32 v43;
	v14 =	vsub.f32 v55, v46;
	v1 =	vsub.f32 v62, v59  }
0x23e: {  	[tilespmem:s21+$0x10220] =	vst v51;
	v51 =	vcvt.s32.f32 v50;
	v16 =	vsub.f32 v25, v56;
	v11 =	vadd.f32 v37, v15;
	v56 =	vld [tilespmem:$0x1FFB0]  }
0x23f: {  	v41 =	vld [tilespmem:$0x1FF40];
	[tilespmem:s21+$0x11580] =	vst v36;
	v8 =	vadd.f32 v38, v8;
	v15 =	vsub.f32 v48, v18;
	v4 =	vmul.f32 v4, v14  }
0x240: {  	v44 =	vld [tilespmem:$0x1FF70];
	[tilespmem:s21+$0x147E0] =	vst v9;
	v13 =	vsub.f32 v13, v17;
	v2 =	vmul.f32 v2, v14;
	v7 =	vmul.f32 v7, v16  }
0x241: {  	v27 =	vld [tilespmem:$0x1FEF0];
	[tilespmem:s21+$0x10DC0] =	vst v30;
	v16 =	vsub.f32 v42, v35;
	v8 =	vsub.f32 v8, v11;
	v18 =	vmul.f32 v49, v15  }
0x242: {  	[tilespmem:s21+$0x14400] =	vst v12;
	v15 =	vmul.f32 v52, v15;
	v4 =	vadd.f32 v4, v29;
	v2 =	vadd.f32 v2, v26  }
0x243: {  	[tilespmem:s21+$0x10600] =	vst v57;
	v57 =	vcvt.s32.f32 v40;
	v7 =	vadd.f32 v7, v47;
	v5 =	vsub.f32 v56, v51  }
0x244: {  	[tilespmem:s21+$0x11960] =	vst v41;
	v47 =	vld [tilespmem:$0x1FF80];
	v60 =	vmul.f32 v13, v16;
	v58 =	vadd.f32 v18, v53;
	v3 =	vadd.f32 v15, v3  }
0x245: {  	[tilespmem:s21+$0x11D40] =	vst v44;
	v0 =	vsub.f32 v61, v57;
	v2 =	vsub.f32 v2, v4  }
0x246: {  	[tilespmem:s21+$0x109E0] =	vst v27;
	v6 =	vadd.f32 v60, v17;
	v3 =	vsub.f32 v3, v58;
	v5 =	vmul.f32 v8, v5  }
0x247: {  	p0 =	sne.s32 s20, $0xF40;
	[tilespmem:s21+$0x14BC0] =	vst v7;
	v1 =	vmul.f32 v2, v1  }
.Ltmp1:
0x248: {  	[tilespmem:s21+$0x14FA0] =	vst v6;
	v0 =	vmul.f32 v3, v0;
	v63 =	vadd.f32 v5, v11;
	(pc) =	sbr.rel @p0 .LBB2_5-.Ltmp1, $4  }
0x249: {  	[tilespmem:s21+$0x12120] =	vst v47;
	v1 =	vadd.f32 v1, v4  }
0x24a: {  	v0 =	vadd.f32 v0, v58;
	[tilespmem:s21+$0x15380] =	vst v63  }
0x24b: {  	[tilespmem:s21+$0x15B40] =	vst v1  }
0x24c: {  	s20 =	sadd.s32 $0x40, s20;
	[tilespmem:s21+$0x15760] =	vst v0  }
0x24d: {  	s19 =	sadd.s32 s19, s7;
	s18 =	sadd.s32 $0x1, s18  }
0x24e: {  	s19 =	sshrl.u32 s19, $0x3;
	p0 =	sne.s32 s18, $0x4  }
.Ltmp2:
0x24f: {  	s19 =	sadd.s32 s3, s19;
	(pc) =	sbr.rel @p0 .LBB2_4-.Ltmp2, $4  }
0x250: {  	[hbm4b:s19+s12] =	stream.strided.scatter [tilespmem:s14], [sflag:$0x1], $0xBA00, s13, s12, $0x38;
	[tilespmem:$0x16EA0] =	vst v63  }
0x251: {  	_ =	swait.ge [sflag:s9], $0xBA00  }
0x252: {  	[sflag:s9] =	ssyncset.done $0x0  }
0x253: {  	s17 =	sadd.s32 $0x3E0, s17;
	s16 =	sadd.s32 $0x3E0, s16;
	[sflag:s9] =	ssyncadd.s32 $0xFFFF4600  }
0x254: {  	s15 =	sadd.s32 $0x1, s15  }
0x255: {  	p0 =	sne.s32 s15, s8  }
.Ltmp3:
0x256: {  	_ = 	snop;
	(pc) =	sbr.rel @p0 .LBB2_1-.Ltmp3, $2  }
0x257: {  	_ =	sdelay $0x2  }
0x258: {  	v0 =	vimm.f32 $0.0e+00  }
0x259: {  	_ =	sfence.sel $0x180000  }
0x25a: {  	[bflag:$0x0] =	sbarrier.arrive $0xFFFF  }
0x25b: {  	p0 =	sne.s32 s0, $0x0;
	_ =	strace $0x90000047  }
0x25c: {  	s0 =	sadd.s32 @!p0 $0x100000, s1;
	[bflag:$0x2] =	sbarrier.arrive $0xFFFF  }
0x25d: {  	[sflag:s0] =	ssyncadd.tile.s32 @!p0 $0x1;
	_ =	shalt  }
.Lfunc_end2:
_tile_overlayer_lowered:
.L_overlay_start_2:
0x25e: {  	(tag) =	ssettag $0x2  }
0x25f: {  	s0 =	rddreg [dreg:$0x0];
	s2 =	stileid.u32  }
0x260: {  	s1 =	rddreg [dreg:$0x1];
	p0 =	sne.s32 s2, $0x0  }
0x261: {  	s3 =	rddreg [dreg:$0x2];
	[bflag:$0x3] =	sbarrier.arrive $0xFFFF;
	s2 =	simm.s32 @!p0 $0x1C01  }
0x262: {  	[timem:s3], [sflag:s2] =	dma.local @!p0 [hbm:s0], s1  }
0x263: {  	s0 =	simm.s32 @!p0 $0x1  }
0x264: {  	_ =	swait.ge @!p0 [sflag:s0], s1  }
0x265: {  	s1 =	ssub.s32 @!p0 $0x0, s1;
	[sflag:s0] =	ssyncset.done @!p0 $0x0  }
0x266: {  	[sflag:s0] =	ssyncadd.s32 @!p0 s1  }
0x267: {  	[bflag:$0x3] =	sbarrier.arrive $0xFFFF  }
0x268: {  	_ =	shalt  }

</sc_bundles>
